<compile_context>
chip_gen: v7x
topology: tpu7x:2x2x1
jax: 0.10.2.dev20260603
libtpu: 0.0.44.dev20260713+nightly
codegen_flags: <defaults>
</compile_context>

<pallas_src>
import functools

import jax
import jax.numpy as jnp
import numpy as np
from jax import lax
from jax.experimental import pallas as pl
from jax.experimental.pallas import tpu as pltpu
from jax.experimental.pallas import tpu_sc as plsc

N = 10000
H = 16
NC = 2
NS = 16
NW = NC * NS
C = 128
NPAD = 10240
RPS = NPAD // NS
DUMP = N
NP8 = N // 8
NPAD8 = NPAD // 8

_mesh = plsc.VectorSubcoreMesh(core_axis_name="c", subcore_axis_name="s")
_sc_params = pltpu.CompilerParams(use_tc_tiling_on_sc=False)


def _np_f32(a):
    return jnp.asarray(np.asarray(a, dtype=np.float32))


_EYE8 = np.eye(8, dtype=np.float32)
_SX = np.zeros((128, 16), dtype=np.float32)
for _g in range(8):
    for _c in range(2):
        _SX[16 * _g + _c, 2 * _g + _c] = 1.0
_PSWAP = np.kron(_EYE8, np.array([[0, 1], [1, 0]], dtype=np.float32))
_PPAIR = np.kron(_EYE8, np.ones((2, 2), dtype=np.float32))


def _sc_hist(dst3, nchunks):

    nsem = 8
    assert nchunks % nsem == 0

    @functools.partial(
        pl.kernel,
        out_type=jax.ShapeDtypeStruct((NC, NPAD, H), jnp.float32),
        mesh=_mesh,
        compiler_params=_sc_params,
        scratch_types=[
            pltpu.VMEM((nchunks, C), jnp.int32),
            pltpu.VMEM((C, H), jnp.float32),
            pltpu.VMEM_SHARED((NPAD, H), jnp.float32),
        ] + [pltpu.SemaphoreType.DMA] * (nsem + 1),
    )
    def k(dst_hbm, zer_hbm, out_hbm, dst_v, ones_v, acc, *sems):
        psem = sems[nsem]
        c = lax.axis_index("c")
        s = lax.axis_index("s")
        wid = c * NS + s

        @pl.loop(0, C)
        def _(i):
            ones_v[i, :] = jnp.ones((H,), jnp.float32)

        z = pltpu.async_copy(
            zer_hbm.at[pl.ds(s * RPS, RPS)], acc.at[pl.ds(s * RPS, RPS)], psem)
        i1 = pltpu.async_copy(dst_hbm.at[wid], dst_v, psem)
        z.wait()
        i1.wait()
        plsc.subcore_barrier()

        def scatter(j, b):
            pltpu.async_copy(ones_v, acc.at[dst_v.at[j]], sems[b], add=True)

        def wait_scatter(j, b):
            pltpu.make_async_copy(ones_v, acc.at[dst_v.at[j]], sems[b]).wait()

        for b in range(nsem):
            scatter(b, b)

        @pl.loop(1, nchunks // nsem)
        def _(t):
            j0 = (t - 1) * nsem
            for b in range(nsem):
                wait_scatter(j0 + b, b)
                scatter(t * nsem + b, b)

        for b in range(nsem):
            wait_scatter(nchunks - nsem + b, b)

        plsc.subcore_barrier()
        pltpu.sync_copy(acc.at[pl.ds(s * RPS, RPS)],
                        out_hbm.at[c, pl.ds(s * RPS, RPS)])

    return k(dst3, jnp.zeros((NPAD, H), jnp.float32))


def _sc_agg(table, src3, dst3, nchunks):

    nbuf = 8
    assert nchunks % nbuf == 0

    @functools.partial(
        pl.kernel,
        out_type=jax.ShapeDtypeStruct((NC, NPAD, H), jnp.float32),
        mesh=_mesh,
        compiler_params=_sc_params,
        scratch_types=[
            pltpu.VMEM((nchunks, C), jnp.int32),
            pltpu.VMEM((nchunks, C), jnp.int32),
            pltpu.VMEM((nbuf, C, H), jnp.float32),
            pltpu.VMEM_SHARED((NPAD, H), jnp.float32),
            pltpu.VMEM_SHARED((NPAD, H), jnp.float32),
        ] + [pltpu.SemaphoreType.DMA] * (2 * nbuf + 1),
    )
    def k(table_hbm, zer_hbm, src_hbm, dst_hbm, out_hbm, src_v, dst_v, rows_v,
          acc, tab_s, *sems):
        gsem = sems[:nbuf]
        ssem = sems[nbuf:2 * nbuf]
        psem = sems[2 * nbuf]
        c = lax.axis_index("c")
        s = lax.axis_index("s")
        wid = c * NS + s

        z = pltpu.async_copy(
            zer_hbm.at[pl.ds(s * RPS, RPS)], acc.at[pl.ds(s * RPS, RPS)], psem)
        t0 = pltpu.async_copy(
            table_hbm.at[pl.ds(s * RPS, RPS)], tab_s.at[pl.ds(s * RPS, RPS)],
            psem)
        i0 = pltpu.async_copy(src_hbm.at[wid], src_v, psem)
        i1 = pltpu.async_copy(dst_hbm.at[wid], dst_v, psem)
        z.wait()
        t0.wait()
        i0.wait()
        i1.wait()
        plsc.subcore_barrier()

        def gather(j, b):
            pltpu.async_copy(tab_s.at[src_v.at[j]], rows_v.at[b], gsem[b])

        def wait_gather(j, b):
            pltpu.make_async_copy(
                tab_s.at[src_v.at[j]], rows_v.at[b], gsem[b]).wait()

        def scatter(j, b):
            pltpu.async_copy(
                rows_v.at[b], acc.at[dst_v.at[j]], ssem[b], add=True)

        def wait_scatter(j, b):
            pltpu.make_async_copy(
                rows_v.at[b], acc.at[dst_v.at[j]], ssem[b]).wait()

        for b in range(nbuf):
            gather(b, b)

        @pl.loop(1, nchunks // nbuf)
        def _(t):
            j0 = (t - 1) * nbuf
            for b in range(nbuf):
                wait_gather(j0 + b, b)
                scatter(j0 + b, b)
            for b in range(nbuf):
                wait_scatter(j0 + b, b)
                gather(t * nbuf + b, b)

        j0 = nchunks - nbuf
        for b in range(nbuf):
            wait_gather(j0 + b, b)
            scatter(j0 + b, b)
        for b in range(nbuf):
            wait_scatter(j0 + b, b)

        plsc.subcore_barrier()
        pltpu.sync_copy(acc.at[pl.ds(s * RPS, RPS)],
                        out_hbm.at[c, pl.ds(s * RPS, RPS)])

    return k(table, jnp.zeros((NPAD, H), jnp.float32), src3, dst3)


def _tc_matmul1(x8, w1k):

    def body(x_ref, w_ref, o_ref):
        d = jnp.dot(x_ref[...], w_ref[...], preferred_element_type=jnp.float32)
        o_ref[...] = jnp.concatenate(
            [d, jnp.zeros((NPAD8 - NP8, 128), jnp.float32)], axis=0)

    return pl.pallas_call(
        body,
        out_shape=jax.ShapeDtypeStruct((NPAD8, 128), jnp.float32),
    )(x8, w1k)


def _tc_prep(h1p, histp):

    def body(h_ref, p_ref, hs_ref, dinv_ref):
        deg = p_ref[0] + p_ref[1] + 1.0
        dinv = lax.rsqrt(deg)
        dinv_ref[...] = dinv
        hs_ref[...] = h_ref[...] * dinv

    return pl.pallas_call(
        body,
        out_shape=(jax.ShapeDtypeStruct((NPAD8, 128), jnp.float32),
                   jax.ShapeDtypeStruct((NPAD8, 128), jnp.float32)),
    )(h1p, histp)


def _tc_mid(pp, hsp, dinvp, bt, wk):

    def body(p_ref, hs_ref, dinv_ref, b_ref, w_ref, o_ref):
        psum = p_ref[0] + p_ref[1]
        z = jax.nn.relu(dinv_ref[...] * (psum + hs_ref[...]) + b_ref[...])
        o_ref[...] = jnp.dot(z, w_ref[...],
                             preferred_element_type=jnp.float32) * dinv_ref[...]

    return pl.pallas_call(
        body,
        out_shape=jax.ShapeDtypeStruct((NPAD8, 128), jnp.float32),
    )(pp, hsp, dinvp, bt.reshape(1, 128), wk)


def _tc_final(pp, hs3p, dinvp, b2t, sx, pswap, ppair):

    def body(p_ref, hs_ref, dinv_ref, b_ref, sx_ref, sw_ref, pr_ref, o_ref):
        zp = dinv_ref[:NP8] * (p_ref[0, :NP8] + p_ref[1, :NP8]
                               + hs_ref[:NP8])
        z2 = jnp.dot(zp, sx_ref[...],
                     preferred_element_type=jnp.float32) + b_ref[...]
        zsw = jnp.dot(z2, sw_ref[...], preferred_element_type=jnp.float32)
        m = jnp.maximum(z2, zsw)
        sh = z2 - m
        es = jnp.dot(jnp.exp(sh), pr_ref[...],
                     preferred_element_type=jnp.float32)
        o_ref[...] = sh - jnp.log(es)

    return pl.pallas_call(
        body,
        out_shape=jax.ShapeDtypeStruct((NP8, 16), jnp.float32),
    )(pp, hs3p, dinvp, b2t.reshape(1, 16), sx, pswap, ppair)


def kernel(x, edge_index, W1, b1, Wm, bm, W2, b2):
    e = edge_index.shape[1]
    nchunks = -(-e // (NW * C))
    nchunks = -(-nchunks // 16) * 16
    epad = NW * C * nchunks
    ei = jnp.pad(edge_index.astype(jnp.int32), ((0, 0), (0, epad - e)),
                 constant_values=DUMP).reshape(2, NW, nchunks, C)
    src3 = ei[0]
    dst3 = ei[1]

    x8 = x.reshape(NP8, 8 * x.shape[1])
    w1k = jnp.kron(_np_f32(_EYE8), W1)
    wmk = jnp.kron(_np_f32(_EYE8), Wm)
    w2pad = jnp.zeros((H, H), jnp.float32).at[:, :2].set(W2)
    w2k = jnp.kron(_np_f32(_EYE8), w2pad)
    b1t = jnp.tile(b1, 8)
    bmt = jnp.tile(bm, 8)
    b2t = jnp.tile(b2, 8)
    sx = _np_f32(_SX)
    pswap = _np_f32(_PSWAP)
    ppair = _np_f32(_PPAIR)

    hist = _sc_hist(dst3, nchunks)
    histp = hist.reshape(NC, NPAD8, 128)
    h1p = _tc_matmul1(x8, w1k)
    hs1p, dinvp = _tc_prep(h1p, histp)
    p1 = _sc_agg(hs1p.reshape(NPAD, H), src3, dst3, nchunks)
    hs2p = _tc_mid(p1.reshape(NC, NPAD8, 128), hs1p, dinvp, b1t, wmk)
    p2 = _sc_agg(hs2p.reshape(NPAD, H), src3, dst3, nchunks)
    hs3p = _tc_mid(p2.reshape(NC, NPAD8, 128), hs2p, dinvp, bmt, w2k)
    p3 = _sc_agg(hs3p.reshape(NPAD, H), src3, dst3, nchunks)
    out2 = _tc_final(p3.reshape(NC, NPAD8, 128), hs3p, dinvp, b2t,
                     sx, pswap, ppair)
    return out2.reshape(N, 2)

# --- scband reference (transcript-rebuilt; emitter-appended) ---
"""Pipeline reference for scband-gnn-8942121910575 (READ-ONLY COPY).

The authoritative reference and input builder live on the scoring server;
editing this copy changes nothing except your own understanding.
"""

import jax, jax.numpy as jnp
import numpy as np

N_NODES = 10000


def gcn_conv(x, W, b, src, dst, n):
    # PyG GCNConv with add_self_loops=True and symmetric normalization:
    # out_i = sum_{j in N(i) U {i}} (1/sqrt(d_i d_j)) * (x_j @ W) + b, d = deg(A+I)
    h = x @ W
    deg = jnp.zeros((n,), dtype=x.dtype).at[dst].add(1.0) + 1.0  # +1 for self-loop
    dinv = jax.lax.rsqrt(deg)
    norm = dinv[src] * dinv[dst]
    msgs = h[src] * norm[:, None]
    out = jax.ops.segment_sum(msgs, dst, num_segments=n)
    out = out + h * (dinv * dinv)[:, None]  # self-loop messages
    return out + b


def setup_inputs(seed: int = 0) -> dict:
    key = jax.random.key(seed)
    k_x, k_e, k1, k2, k3 = jax.random.split(key, 5)
    x = jax.random.normal(k_x, (N_NODES, 128), dtype=jnp.float32)
    edge_index = jax.random.randint(k_e, (2, 320000), 0, N_NODES, dtype=jnp.int64)
    # Glorot-style params for the 3 GCNConv layers: 128->16, 16->16, 16->2
    W1 = jax.random.normal(k1, (128, 16), dtype=jnp.float32) * (1.0 / np.sqrt(128))
    b1 = jnp.zeros((16,), dtype=jnp.float32)
    Wm = jax.random.normal(k2, (16, 16), dtype=jnp.float32) * (1.0 / np.sqrt(16))
    bm = jnp.zeros((16,), dtype=jnp.float32)
    W2 = jax.random.normal(k3, (16, 2), dtype=jnp.float32) * (1.0 / np.sqrt(16))
    b2 = jnp.zeros((2,), dtype=jnp.float32)
    return {"x": x, "edge_index": edge_index, "W1": W1, "b1": b1,
            "Wm": Wm, "bm": bm, "W2": W2, "b2": b2}


def reference(x, edge_index, W1, b1, Wm, bm, W2, b2):
    n = x.shape[0]
    src = edge_index[0]
    dst = edge_index[1]
    # conv1 + relu (dropout is identity in eval mode)
    h = jax.nn.relu(gcn_conv(x, W1, b1, src, dst, n))
    # middle conv (layers=2 -> one extra hidden conv) + relu
    h = jax.nn.relu(gcn_conv(h, Wm, bm, src, dst, n))
    # output conv -> 2 classes
    h = gcn_conv(h, W2, b2, src, dst, n)
    return jax.nn.log_softmax(h, axis=1)

if __name__ == "__main__":
    import jax
    _d = setup_inputs()
    print(jax.jit(kernel)(*tuple(_d.values())))

</pallas_src>

<mosaic_0001>
#map = affine_map<(d0, d1) -> (0, 0)>
#map1 = affine_map<(d0, d1) -> (0, 0, 0)>
module attributes {stable_mosaic.version = 14 : i64} {
  func.func @k(%arg0: i32, %arg1: i32, %arg2: memref<10240x16xf32, #tpu.memory_space<hbm>>, %arg3: memref<10240x16xf32, #tpu.memory_space<hbm>>, %arg4: memref<32x80x128xi32, #tpu.memory_space<hbm>>, %arg5: memref<32x80x128xi32, #tpu.memory_space<hbm>>, %arg6: memref<2x10240x16xf32, #tpu.memory_space<hbm>>, %arg7: memref<80x128xi32, #tpu.memory_space<vmem>>, %arg8: memref<80x128xi32, #tpu.memory_space<vmem>>, %arg9: memref<8x128x16xf32, #tpu.memory_space<vmem>>, %arg10: memref<10240x16xf32, #tpu.memory_space<vmem_shared>>, %arg11: memref<10240x16xf32, #tpu.memory_space<vmem_shared>>, %arg12: memref<!tpu.dma_semaphore, #tpu.memory_space<semaphore_mem>>, %arg13: memref<!tpu.dma_semaphore, #tpu.memory_space<semaphore_mem>>, %arg14: memref<!tpu.dma_semaphore, #tpu.memory_space<semaphore_mem>>, %arg15: memref<!tpu.dma_semaphore, #tpu.memory_space<semaphore_mem>>, %arg16: memref<!tpu.dma_semaphore, #tpu.memory_space<semaphore_mem>>, %arg17: memref<!tpu.dma_semaphore, #tpu.memory_space<semaphore_mem>>, %arg18: memref<!tpu.dma_semaphore, #tpu.memory_space<semaphore_mem>>, %arg19: memref<!tpu.dma_semaphore, #tpu.memory_space<semaphore_mem>>, %arg20: memref<!tpu.dma_semaphore, #tpu.memory_space<semaphore_mem>>, %arg21: memref<!tpu.dma_semaphore, #tpu.memory_space<semaphore_mem>>, %arg22: memref<!tpu.dma_semaphore, #tpu.memory_space<semaphore_mem>>, %arg23: memref<!tpu.dma_semaphore, #tpu.memory_space<semaphore_mem>>, %arg24: memref<!tpu.dma_semaphore, #tpu.memory_space<semaphore_mem>>, %arg25: memref<!tpu.dma_semaphore, #tpu.memory_space<semaphore_mem>>, %arg26: memref<!tpu.dma_semaphore, #tpu.memory_space<semaphore_mem>>, %arg27: memref<!tpu.dma_semaphore, #tpu.memory_space<semaphore_mem>>, %arg28: memref<!tpu.dma_semaphore, #tpu.memory_space<semaphore_mem>>) attributes {dimension_semantics = [#tpu.dimension_semantics<core_parallel>, #tpu.dimension_semantics<subcore_parallel>], iteration_bounds = array<i64: 2, 16>, scalar_prefetch = 0 : i64, scratch_operands = 22 : i64, tpu.core_type = #tpu.core_type<sc_vector_subcore>, window_params = [{transform_indices = #map}, {transform_indices = #map}, {transform_indices = #map1}, {transform_indices = #map1}, {transform_indices = #map1}]} {
    %mul3A = arith.constant 16 : i32
    %mul3A_0 = arith.muli %arg0, %mul3A : i32
    %add3A = arith.addi %mul3A_0, %arg1 : i32
    %mul3A_1 = arith.constant 640 : i32
    %mul3A_2 = arith.muli %arg1, %mul3A_1 : i32
    %mul3A_3 = arith.constant 640 : i32
    %mul3A_4 = arith.muli %arg1, %mul3A_3 : i32
    %dma_start3A = arith.constant 0 : i32
    %dma_start3A_5 = tpu.memref_slice %arg10[%mul3A_4, %dma_start3A] : memref<10240x16xf32, #tpu.memory_space<vmem_shared>> -> memref<640x16xf32, #tpu.memory_space<vmem_shared>>
    %dma_start3A_6 = arith.constant 0 : i32
    %dma_start3A_7 = tpu.memref_slice %arg3[%mul3A_2, %dma_start3A_6] : memref<10240x16xf32, #tpu.memory_space<hbm>> -> memref<640x16xf32, #tpu.memory_space<hbm>>
    tpu.enqueue_dma source(%dma_start3A_7 : memref<640x16xf32, #tpu.memory_space<hbm>>) target(%dma_start3A_5 : memref<640x16xf32, #tpu.memory_space<vmem_shared>>) target_semaphore(%arg28 : memref<!tpu.dma_semaphore, #tpu.memory_space<semaphore_mem>>)
    %mul3A_8 = arith.constant 640 : i32
    %mul3A_9 = arith.muli %arg1, %mul3A_8 : i32
    %mul3A_10 = arith.constant 640 : i32
    %mul3A_11 = arith.muli %arg1, %mul3A_10 : i32
    %dma_start3A_12 = arith.constant 0 : i32
    %dma_start3A_13 = tpu.memref_slice %arg11[%mul3A_11, %dma_start3A_12] : memref<10240x16xf32, #tpu.memory_space<vmem_shared>> -> memref<640x16xf32, #tpu.memory_space<vmem_shared>>
    %dma_start3A_14 = arith.constant 0 : i32
    %dma_start3A_15 = tpu.memref_slice %arg2[%mul3A_9, %dma_start3A_14] : memref<10240x16xf32, #tpu.memory_space<hbm>> -> memref<640x16xf32, #tpu.memory_space<hbm>>
    tpu.enqueue_dma source(%dma_start3A_15 : memref<640x16xf32, #tpu.memory_space<hbm>>) target(%dma_start3A_13 : memref<640x16xf32, #tpu.memory_space<vmem_shared>>) target_semaphore(%arg28 : memref<!tpu.dma_semaphore, #tpu.memory_space<semaphore_mem>>)
    %dma_start3A_16 = arith.constant 0 : i32
    %dma_start3A_17 = arith.constant 0 : i32
    %dma_start3A_18 = tpu.memref_slice %arg4[%add3A, %dma_start3A_16, %dma_start3A_17] : memref<32x80x128xi32, #tpu.memory_space<hbm>> -> memref<1x80x128xi32, #tpu.memory_space<hbm>>
    %dma_start3A_19 = tpu.memref_squeeze %dma_start3A_18 : memref<1x80x128xi32, #tpu.memory_space<hbm>> -> memref<80x128xi32, #tpu.memory_space<hbm>>
    %dma_start3A_20 = arith.constant 0 : i32
    %dma_start3A_21 = arith.constant 0 : i32
    %dma_start3A_22 = tpu.memref_slice %arg4[%add3A, %dma_start3A_20, %dma_start3A_21] : memref<32x80x128xi32, #tpu.memory_space<hbm>> -> memref<1x80x128xi32, #tpu.memory_space<hbm>>
    %dma_start3A_23 = tpu.memref_squeeze %dma_start3A_22 : memref<1x80x128xi32, #tpu.memory_space<hbm>> -> memref<80x128xi32, #tpu.memory_space<hbm>>
    tpu.enqueue_dma source(%dma_start3A_23 : memref<80x128xi32, #tpu.memory_space<hbm>>) target(%arg7 : memref<80x128xi32, #tpu.memory_space<vmem>>) target_semaphore(%arg28 : memref<!tpu.dma_semaphore, #tpu.memory_space<semaphore_mem>>)
    %dma_start3A_24 = arith.constant 0 : i32
    %dma_start3A_25 = arith.constant 0 : i32
    %dma_start3A_26 = tpu.memref_slice %arg5[%add3A, %dma_start3A_24, %dma_start3A_25] : memref<32x80x128xi32, #tpu.memory_space<hbm>> -> memref<1x80x128xi32, #tpu.memory_space<hbm>>
    %dma_start3A_27 = tpu.memref_squeeze %dma_start3A_26 : memref<1x80x128xi32, #tpu.memory_space<hbm>> -> memref<80x128xi32, #tpu.memory_space<hbm>>
    %dma_start3A_28 = arith.constant 0 : i32
    %dma_start3A_29 = arith.constant 0 : i32
    %dma_start3A_30 = tpu.memref_slice %arg5[%add3A, %dma_start3A_28, %dma_start3A_29] : memref<32x80x128xi32, #tpu.memory_space<hbm>> -> memref<1x80x128xi32, #tpu.memory_space<hbm>>
    %dma_start3A_31 = tpu.memref_squeeze %dma_start3A_30 : memref<1x80x128xi32, #tpu.memory_space<hbm>> -> memref<80x128xi32, #tpu.memory_space<hbm>>
    tpu.enqueue_dma source(%dma_start3A_31 : memref<80x128xi32, #tpu.memory_space<hbm>>) target(%arg8 : memref<80x128xi32, #tpu.memory_space<vmem>>) target_semaphore(%arg28 : memref<!tpu.dma_semaphore, #tpu.memory_space<semaphore_mem>>)
    %dma_wait3A = arith.constant 0 : i32
    %dma_wait3A_32 = tpu.memref_slice %arg10[%mul3A_4, %dma_wait3A] : memref<10240x16xf32, #tpu.memory_space<vmem_shared>> -> memref<640x16xf32, #tpu.memory_space<vmem_shared>>
    %dma_wait3A_33 = arith.constant 0 : i32
    %dma_wait3A_34 = tpu.memref_slice %arg3[%mul3A_2, %dma_wait3A_33] : memref<10240x16xf32, #tpu.memory_space<hbm>> -> memref<640x16xf32, #tpu.memory_space<hbm>>
    tpu.wait_dma2 semaphore(%arg28 : memref<!tpu.dma_semaphore, #tpu.memory_space<semaphore_mem>>) src(%dma_wait3A_34 : memref<640x16xf32, #tpu.memory_space<hbm>>) dst(%dma_wait3A_32 : memref<640x16xf32, #tpu.memory_space<vmem_shared>>)
    %dma_wait3A_35 = arith.constant 0 : i32
    %dma_wait3A_36 = tpu.memref_slice %arg11[%mul3A_11, %dma_wait3A_35] : memref<10240x16xf32, #tpu.memory_space<vmem_shared>> -> memref<640x16xf32, #tpu.memory_space<vmem_shared>>
    %dma_wait3A_37 = arith.constant 0 : i32
    %dma_wait3A_38 = tpu.memref_slice %arg2[%mul3A_9, %dma_wait3A_37] : memref<10240x16xf32, #tpu.memory_space<hbm>> -> memref<640x16xf32, #tpu.memory_space<hbm>>
    tpu.wait_dma2 semaphore(%arg28 : memref<!tpu.dma_semaphore, #tpu.memory_space<semaphore_mem>>) src(%dma_wait3A_38 : memref<640x16xf32, #tpu.memory_space<hbm>>) dst(%dma_wait3A_36 : memref<640x16xf32, #tpu.memory_space<vmem_shared>>)
    %dma_wait3A_39 = arith.constant 0 : i32
    %dma_wait3A_40 = arith.constant 0 : i32
    %dma_wait3A_41 = tpu.memref_slice %arg4[%add3A, %dma_wait3A_39, %dma_wait3A_40] : memref<32x80x128xi32, #tpu.memory_space<hbm>> -> memref<1x80x128xi32, #tpu.memory_space<hbm>>
    %dma_wait3A_42 = tpu.memref_squeeze %dma_wait3A_41 : memref<1x80x128xi32, #tpu.memory_space<hbm>> -> memref<80x128xi32, #tpu.memory_space<hbm>>
    %dma_wait3A_43 = arith.constant 0 : i32
    %dma_wait3A_44 = arith.constant 0 : i32
    %dma_wait3A_45 = tpu.memref_slice %arg4[%add3A, %dma_wait3A_43, %dma_wait3A_44] : memref<32x80x128xi32, #tpu.memory_space<hbm>> -> memref<1x80x128xi32, #tpu.memory_space<hbm>>
    %dma_wait3A_46 = tpu.memref_squeeze %dma_wait3A_45 : memref<1x80x128xi32, #tpu.memory_space<hbm>> -> memref<80x128xi32, #tpu.memory_space<hbm>>
    tpu.wait_dma2 semaphore(%arg28 : memref<!tpu.dma_semaphore, #tpu.memory_space<semaphore_mem>>) src(%dma_wait3A_46 : memref<80x128xi32, #tpu.memory_space<hbm>>) dst(%arg7 : memref<80x128xi32, #tpu.memory_space<vmem>>)
    %dma_wait3A_47 = arith.constant 0 : i32
    %dma_wait3A_48 = arith.constant 0 : i32
    %dma_wait3A_49 = tpu.memref_slice %arg5[%add3A, %dma_wait3A_47, %dma_wait3A_48] : memref<32x80x128xi32, #tpu.memory_space<hbm>> -> memref<1x80x128xi32, #tpu.memory_space<hbm>>
    %dma_wait3A_50 = tpu.memref_squeeze %dma_wait3A_49 : memref<1x80x128xi32, #tpu.memory_space<hbm>> -> memref<80x128xi32, #tpu.memory_space<hbm>>
    %dma_wait3A_51 = arith.constant 0 : i32
    %dma_wait3A_52 = arith.constant 0 : i32
    %dma_wait3A_53 = tpu.memref_slice %arg5[%add3A, %dma_wait3A_51, %dma_wait3A_52] : memref<32x80x128xi32, #tpu.memory_space<hbm>> -> memref<1x80x128xi32, #tpu.memory_space<hbm>>
    %dma_wait3A_54 = tpu.memref_squeeze %dma_wait3A_53 : memref<1x80x128xi32, #tpu.memory_space<hbm>> -> memref<80x128xi32, #tpu.memory_space<hbm>>
    tpu.wait_dma2 semaphore(%arg28 : memref<!tpu.dma_semaphore, #tpu.memory_space<semaphore_mem>>) src(%dma_wait3A_54 : memref<80x128xi32, #tpu.memory_space<hbm>>) dst(%arg8 : memref<80x128xi32, #tpu.memory_space<vmem>>)
    %barrier3A = arith.constant 0 : index
    tpu.barrier barrier_id(%barrier3A)
    %dma_start3A_55 = arith.constant 0 : i32
    %dma_start3A_56 = arith.constant 0 : i32
    %dma_start3A_57 = arith.constant 0 : i32
    %dma_start3A_58 = arith.constant 0 : i32
    %dma_start3A_59 = tpu.memref_slice %arg9[%dma_start3A_56, %dma_start3A_57, %dma_start3A_58] : memref<8x128x16xf32, #tpu.memory_space<vmem>> -> memref<1x128x16xf32, #tpu.memory_space<vmem>>
    %dma_start3A_60 = tpu.memref_squeeze %dma_start3A_59 : memref<1x128x16xf32, #tpu.memory_space<vmem>> -> memref<128x16xf32, #tpu.memory_space<vmem>>
    %dma_start3A_61 = arith.constant 0 : i32
    %dma_start3A_62 = tpu.memref_slice %arg7[%dma_start3A_55, %dma_start3A_61] : memref<80x128xi32, #tpu.memory_space<vmem>> -> memref<1x128xi32, #tpu.memory_space<vmem>>
    %dma_start3A_63 = tpu.memref_squeeze %dma_start3A_62 : memref<1x128xi32, #tpu.memory_space<vmem>> -> memref<128xi32, #tpu.memory_space<vmem>>
    %dma_start3A_64 = arith.constant 0 : i32
    %dma_start3A_65 = arith.constant 0 : i32
    %dma_start3A_66 = tpu.memref_slice %arg11[%dma_start3A_64, %dma_start3A_65] : memref<10240x16xf32, #tpu.memory_space<vmem_shared>> -> memref<10240x16xf32, #tpu.memory_space<vmem_shared>>
    tpu.enqueue_indirect_dma source(%dma_start3A_66 : memref<10240x16xf32, #tpu.memory_space<vmem_shared>>) target(%dma_start3A_60 : memref<128x16xf32, #tpu.memory_space<vmem>>) offsets(%dma_start3A_63 : memref<128xi32, #tpu.memory_space<vmem>>) semaphore(%arg12 : memref<!tpu.dma_semaphore, #tpu.memory_space<semaphore_mem>>)
    %dma_start3A_67 = arith.constant 1 : i32
    %dma_start3A_68 = arith.constant 1 : i32
    %dma_start3A_69 = arith.constant 0 : i32
    %dma_start3A_70 = arith.constant 0 : i32
    %dma_start3A_71 = tpu.memref_slice %arg9[%dma_start3A_68, %dma_start3A_69, %dma_start3A_70] : memref<8x128x16xf32, #tpu.memory_space<vmem>> -> memref<1x128x16xf32, #tpu.memory_space<vmem>>
    %dma_start3A_72 = tpu.memref_squeeze %dma_start3A_71 : memref<1x128x16xf32, #tpu.memory_space<vmem>> -> memref<128x16xf32, #tpu.memory_space<vmem>>
    %dma_start3A_73 = arith.constant 0 : i32
    %dma_start3A_74 = tpu.memref_slice %arg7[%dma_start3A_67, %dma_start3A_73] : memref<80x128xi32, #tpu.memory_space<vmem>> -> memref<1x128xi32, #tpu.memory_space<vmem>>
    %dma_start3A_75 = tpu.memref_squeeze %dma_start3A_74 : memref<1x128xi32, #tpu.memory_space<vmem>> -> memref<128xi32, #tpu.memory_space<vmem>>
    %dma_start3A_76 = arith.constant 0 : i32
    %dma_start3A_77 = arith.constant 0 : i32
    %dma_start3A_78 = tpu.memref_slice %arg11[%dma_start3A_76, %dma_start3A_77] : memref<10240x16xf32, #tpu.memory_space<vmem_shared>> -> memref<10240x16xf32, #tpu.memory_space<vmem_shared>>
    tpu.enqueue_indirect_dma source(%dma_start3A_78 : memref<10240x16xf32, #tpu.memory_space<vmem_shared>>) target(%dma_start3A_72 : memref<128x16xf32, #tpu.memory_space<vmem>>) offsets(%dma_start3A_75 : memref<128xi32, #tpu.memory_space<vmem>>) semaphore(%arg13 : memref<!tpu.dma_semaphore, #tpu.memory_space<semaphore_mem>>)
    %dma_start3A_79 = arith.constant 2 : i32
    %dma_start3A_80 = arith.constant 2 : i32
    %dma_start3A_81 = arith.constant 0 : i32
    %dma_start3A_82 = arith.constant 0 : i32
    %dma_start3A_83 = tpu.memref_slice %arg9[%dma_start3A_80, %dma_start3A_81, %dma_start3A_82] : memref<8x128x16xf32, #tpu.memory_space<vmem>> -> memref<1x128x16xf32, #tpu.memory_space<vmem>>
    %dma_start3A_84 = tpu.memref_squeeze %dma_start3A_83 : memref<1x128x16xf32, #tpu.memory_space<vmem>> -> memref<128x16xf32, #tpu.memory_space<vmem>>
    %dma_start3A_85 = arith.constant 0 : i32
    %dma_start3A_86 = tpu.memref_slice %arg7[%dma_start3A_79, %dma_start3A_85] : memref<80x128xi32, #tpu.memory_space<vmem>> -> memref<1x128xi32, #tpu.memory_space<vmem>>
    %dma_start3A_87 = tpu.memref_squeeze %dma_start3A_86 : memref<1x128xi32, #tpu.memory_space<vmem>> -> memref<128xi32, #tpu.memory_space<vmem>>
    %dma_start3A_88 = arith.constant 0 : i32
    %dma_start3A_89 = arith.constant 0 : i32
    %dma_start3A_90 = tpu.memref_slice %arg11[%dma_start3A_88, %dma_start3A_89] : memref<10240x16xf32, #tpu.memory_space<vmem_shared>> -> memref<10240x16xf32, #tpu.memory_space<vmem_shared>>
    tpu.enqueue_indirect_dma source(%dma_start3A_90 : memref<10240x16xf32, #tpu.memory_space<vmem_shared>>) target(%dma_start3A_84 : memref<128x16xf32, #tpu.memory_space<vmem>>) offsets(%dma_start3A_87 : memref<128xi32, #tpu.memory_space<vmem>>) semaphore(%arg14 : memref<!tpu.dma_semaphore, #tpu.memory_space<semaphore_mem>>)
    %dma_start3A_91 = arith.constant 3 : i32
    %dma_start3A_92 = arith.constant 3 : i32
    %dma_start3A_93 = arith.constant 0 : i32
    %dma_start3A_94 = arith.constant 0 : i32
    %dma_start3A_95 = tpu.memref_slice %arg9[%dma_start3A_92, %dma_start3A_93, %dma_start3A_94] : memref<8x128x16xf32, #tpu.memory_space<vmem>> -> memref<1x128x16xf32, #tpu.memory_space<vmem>>
    %dma_start3A_96 = tpu.memref_squeeze %dma_start3A_95 : memref<1x128x16xf32, #tpu.memory_space<vmem>> -> memref<128x16xf32, #tpu.memory_space<vmem>>
    %dma_start3A_97 = arith.constant 0 : i32
    %dma_start3A_98 = tpu.memref_slice %arg7[%dma_start3A_91, %dma_start3A_97] : memref<80x128xi32, #tpu.memory_space<vmem>> -> memref<1x128xi32, #tpu.memory_space<vmem>>
    %dma_start3A_99 = tpu.memref_squeeze %dma_start3A_98 : memref<1x128xi32, #tpu.memory_space<vmem>> -> memref<128xi32, #tpu.memory_space<vmem>>
    %dma_start3A_100 = arith.constant 0 : i32
    %dma_start3A_101 = arith.constant 0 : i32
    %dma_start3A_102 = tpu.memref_slice %arg11[%dma_start3A_100, %dma_start3A_101] : memref<10240x16xf32, #tpu.memory_space<vmem_shared>> -> memref<10240x16xf32, #tpu.memory_space<vmem_shared>>
    tpu.enqueue_indirect_dma source(%dma_start3A_102 : memref<10240x16xf32, #tpu.memory_space<vmem_shared>>) target(%dma_start3A_96 : memref<128x16xf32, #tpu.memory_space<vmem>>) offsets(%dma_start3A_99 : memref<128xi32, #tpu.memory_space<vmem>>) semaphore(%arg15 : memref<!tpu.dma_semaphore, #tpu.memory_space<semaphore_mem>>)
    %dma_start3A_103 = arith.constant 4 : i32
    %dma_start3A_104 = arith.constant 4 : i32
    %dma_start3A_105 = arith.constant 0 : i32
    %dma_start3A_106 = arith.constant 0 : i32
    %dma_start3A_107 = tpu.memref_slice %arg9[%dma_start3A_104, %dma_start3A_105, %dma_start3A_106] : memref<8x128x16xf32, #tpu.memory_space<vmem>> -> memref<1x128x16xf32, #tpu.memory_space<vmem>>
    %dma_start3A_108 = tpu.memref_squeeze %dma_start3A_107 : memref<1x128x16xf32, #tpu.memory_space<vmem>> -> memref<128x16xf32, #tpu.memory_space<vmem>>
    %dma_start3A_109 = arith.constant 0 : i32
    %dma_start3A_110 = tpu.memref_slice %arg7[%dma_start3A_103, %dma_start3A_109] : memref<80x128xi32, #tpu.memory_space<vmem>> -> memref<1x128xi32, #tpu.memory_space<vmem>>
    %dma_start3A_111 = tpu.memref_squeeze %dma_start3A_110 : memref<1x128xi32, #tpu.memory_space<vmem>> -> memref<128xi32, #tpu.memory_space<vmem>>
    %dma_start3A_112 = arith.constant 0 : i32
    %dma_start3A_113 = arith.constant 0 : i32
    %dma_start3A_114 = tpu.memref_slice %arg11[%dma_start3A_112, %dma_start3A_113] : memref<10240x16xf32, #tpu.memory_space<vmem_shared>> -> memref<10240x16xf32, #tpu.memory_space<vmem_shared>>
    tpu.enqueue_indirect_dma source(%dma_start3A_114 : memref<10240x16xf32, #tpu.memory_space<vmem_shared>>) target(%dma_start3A_108 : memref<128x16xf32, #tpu.memory_space<vmem>>) offsets(%dma_start3A_111 : memref<128xi32, #tpu.memory_space<vmem>>) semaphore(%arg16 : memref<!tpu.dma_semaphore, #tpu.memory_space<semaphore_mem>>)
    %dma_start3A_115 = arith.constant 5 : i32
    %dma_start3A_116 = arith.constant 5 : i32
    %dma_start3A_117 = arith.constant 0 : i32
    %dma_start3A_118 = arith.constant 0 : i32
    %dma_start3A_119 = tpu.memref_slice %arg9[%dma_start3A_116, %dma_start3A_117, %dma_start3A_118] : memref<8x128x16xf32, #tpu.memory_space<vmem>> -> memref<1x128x16xf32, #tpu.memory_space<vmem>>
    %dma_start3A_120 = tpu.memref_squeeze %dma_start3A_119 : memref<1x128x16xf32, #tpu.memory_space<vmem>> -> memref<128x16xf32, #tpu.memory_space<vmem>>
    %dma_start3A_121 = arith.constant 0 : i32
    %dma_start3A_122 = tpu.memref_slice %arg7[%dma_start3A_115, %dma_start3A_121] : memref<80x128xi32, #tpu.memory_space<vmem>> -> memref<1x128xi32, #tpu.memory_space<vmem>>
    %dma_start3A_123 = tpu.memref_squeeze %dma_start3A_122 : memref<1x128xi32, #tpu.memory_space<vmem>> -> memref<128xi32, #tpu.memory_space<vmem>>
    %dma_start3A_124 = arith.constant 0 : i32
    %dma_start3A_125 = arith.constant 0 : i32
    %dma_start3A_126 = tpu.memref_slice %arg11[%dma_start3A_124, %dma_start3A_125] : memref<10240x16xf32, #tpu.memory_space<vmem_shared>> -> memref<10240x16xf32, #tpu.memory_space<vmem_shared>>
    tpu.enqueue_indirect_dma source(%dma_start3A_126 : memref<10240x16xf32, #tpu.memory_space<vmem_shared>>) target(%dma_start3A_120 : memref<128x16xf32, #tpu.memory_space<vmem>>) offsets(%dma_start3A_123 : memref<128xi32, #tpu.memory_space<vmem>>) semaphore(%arg17 : memref<!tpu.dma_semaphore, #tpu.memory_space<semaphore_mem>>)
    %dma_start3A_127 = arith.constant 6 : i32
    %dma_start3A_128 = arith.constant 6 : i32
    %dma_start3A_129 = arith.constant 0 : i32
    %dma_start3A_130 = arith.constant 0 : i32
    %dma_start3A_131 = tpu.memref_slice %arg9[%dma_start3A_128, %dma_start3A_129, %dma_start3A_130] : memref<8x128x16xf32, #tpu.memory_space<vmem>> -> memref<1x128x16xf32, #tpu.memory_space<vmem>>
    %dma_start3A_132 = tpu.memref_squeeze %dma_start3A_131 : memref<1x128x16xf32, #tpu.memory_space<vmem>> -> memref<128x16xf32, #tpu.memory_space<vmem>>
    %dma_start3A_133 = arith.constant 0 : i32
    %dma_start3A_134 = tpu.memref_slice %arg7[%dma_start3A_127, %dma_start3A_133] : memref<80x128xi32, #tpu.memory_space<vmem>> -> memref<1x128xi32, #tpu.memory_space<vmem>>
    %dma_start3A_135 = tpu.memref_squeeze %dma_start3A_134 : memref<1x128xi32, #tpu.memory_space<vmem>> -> memref<128xi32, #tpu.memory_space<vmem>>
    %dma_start3A_136 = arith.constant 0 : i32
    %dma_start3A_137 = arith.constant 0 : i32
    %dma_start3A_138 = tpu.memref_slice %arg11[%dma_start3A_136, %dma_start3A_137] : memref<10240x16xf32, #tpu.memory_space<vmem_shared>> -> memref<10240x16xf32, #tpu.memory_space<vmem_shared>>
    tpu.enqueue_indirect_dma source(%dma_start3A_138 : memref<10240x16xf32, #tpu.memory_space<vmem_shared>>) target(%dma_start3A_132 : memref<128x16xf32, #tpu.memory_space<vmem>>) offsets(%dma_start3A_135 : memref<128xi32, #tpu.memory_space<vmem>>) semaphore(%arg18 : memref<!tpu.dma_semaphore, #tpu.memory_space<semaphore_mem>>)
    %dma_start3A_139 = arith.constant 7 : i32
    %dma_start3A_140 = arith.constant 7 : i32
    %dma_start3A_141 = arith.constant 0 : i32
    %dma_start3A_142 = arith.constant 0 : i32
    %dma_start3A_143 = tpu.memref_slice %arg9[%dma_start3A_140, %dma_start3A_141, %dma_start3A_142] : memref<8x128x16xf32, #tpu.memory_space<vmem>> -> memref<1x128x16xf32, #tpu.memory_space<vmem>>
    %dma_start3A_144 = tpu.memref_squeeze %dma_start3A_143 : memref<1x128x16xf32, #tpu.memory_space<vmem>> -> memref<128x16xf32, #tpu.memory_space<vmem>>
    %dma_start3A_145 = arith.constant 0 : i32
    %dma_start3A_146 = tpu.memref_slice %arg7[%dma_start3A_139, %dma_start3A_145] : memref<80x128xi32, #tpu.memory_space<vmem>> -> memref<1x128xi32, #tpu.memory_space<vmem>>
    %dma_start3A_147 = tpu.memref_squeeze %dma_start3A_146 : memref<1x128xi32, #tpu.memory_space<vmem>> -> memref<128xi32, #tpu.memory_space<vmem>>
    %dma_start3A_148 = arith.constant 0 : i32
    %dma_start3A_149 = arith.constant 0 : i32
    %dma_start3A_150 = tpu.memref_slice %arg11[%dma_start3A_148, %dma_start3A_149] : memref<10240x16xf32, #tpu.memory_space<vmem_shared>> -> memref<10240x16xf32, #tpu.memory_space<vmem_shared>>
    tpu.enqueue_indirect_dma source(%dma_start3A_150 : memref<10240x16xf32, #tpu.memory_space<vmem_shared>>) target(%dma_start3A_144 : memref<128x16xf32, #tpu.memory_space<vmem>>) offsets(%dma_start3A_147 : memref<128xi32, #tpu.memory_space<vmem>>) semaphore(%arg19 : memref<!tpu.dma_semaphore, #tpu.memory_space<semaphore_mem>>)
    %scan3A = arith.constant 0 : i32
    %scan3A_151 = arith.constant 9 : i32
    %scan3A_152 = arith.addi %scan3A, %scan3A_151 : i32
    %scan3A_153 = arith.constant 1 : i32
    scf.for %scan3A_448 = %scan3A to %scan3A_152 step %scan3A_153  : i32 {
      %mul3A_449 = arith.constant 1 : i32
      %mul3A_450 = arith.muli %scan3A_448, %mul3A_449 : i32
      %add3A_451 = arith.constant 1 : i32
      %add3A_452 = arith.addi %add3A_451, %mul3A_450 : i32
      %sub3A = arith.constant 1 : i32
      %sub3A_453 = arith.subi %add3A_452, %sub3A : i32
      %mul3A_454 = arith.constant 8 : i32
      %mul3A_455 = arith.muli %sub3A_453, %mul3A_454 : i32
      %add3A_456 = arith.constant 0 : i32
      %add3A_457 = arith.addi %mul3A_455, %add3A_456 : i32
      %dma_wait3A_458 = arith.constant 0 : i32
      %dma_wait3A_459 = arith.constant 0 : i32
      %dma_wait3A_460 = arith.constant 0 : i32
      %dma_wait3A_461 = tpu.memref_slice %arg9[%dma_wait3A_458, %dma_wait3A_459, %dma_wait3A_460] : memref<8x128x16xf32, #tpu.memory_space<vmem>> -> memref<1x128x16xf32, #tpu.memory_space<vmem>>
      %dma_wait3A_462 = tpu.memref_squeeze %dma_wait3A_461 : memref<1x128x16xf32, #tpu.memory_space<vmem>> -> memref<128x16xf32, #tpu.memory_space<vmem>>
      %dma_wait3A_463 = arith.constant 0 : i32
      %dma_wait3A_464 = tpu.memref_slice %arg7[%add3A_457, %dma_wait3A_463] : memref<80x128xi32, #tpu.memory_space<vmem>> -> memref<1x128xi32, #tpu.memory_space<vmem>>
      %dma_wait3A_465 = tpu.memref_squeeze %dma_wait3A_464 : memref<1x128xi32, #tpu.memory_space<vmem>> -> memref<128xi32, #tpu.memory_space<vmem>>
      %dma_wait3A_466 = arith.constant 0 : i32
      %dma_wait3A_467 = arith.constant 0 : i32
      %dma_wait3A_468 = tpu.memref_slice %arg11[%dma_wait3A_466, %dma_wait3A_467] : memref<10240x16xf32, #tpu.memory_space<vmem_shared>> -> memref<10240x16xf32, #tpu.memory_space<vmem_shared>>
      tpu.wait_indirect_dma semaphore(%arg12 : memref<!tpu.dma_semaphore, #tpu.memory_space<semaphore_mem>>) src(%dma_wait3A_468 : memref<10240x16xf32, #tpu.memory_space<vmem_shared>>) dst(%dma_wait3A_462 : memref<128x16xf32, #tpu.memory_space<vmem>>)
      %add3A_469 = arith.constant 0 : i32
      %add3A_470 = arith.addi %mul3A_455, %add3A_469 : i32
      %dma_start3A_471 = arith.constant 0 : i32
      %dma_start3A_472 = arith.constant 0 : i32
      %dma_start3A_473 = arith.constant 0 : i32
      %dma_start3A_474 = tpu.memref_slice %arg9[%dma_start3A_471, %dma_start3A_472, %dma_start3A_473] : memref<8x128x16xf32, #tpu.memory_space<vmem>> -> memref<1x128x16xf32, #tpu.memory_space<vmem>>
      %dma_start3A_475 = tpu.memref_squeeze %dma_start3A_474 : memref<1x128x16xf32, #tpu.memory_space<vmem>> -> memref<128x16xf32, #tpu.memory_space<vmem>>
      %dma_start3A_476 = arith.constant 0 : i32
      %dma_start3A_477 = tpu.memref_slice %arg8[%add3A_470, %dma_start3A_476] : memref<80x128xi32, #tpu.memory_space<vmem>> -> memref<1x128xi32, #tpu.memory_space<vmem>>
      %dma_start3A_478 = tpu.memref_squeeze %dma_start3A_477 : memref<1x128xi32, #tpu.memory_space<vmem>> -> memref<128xi32, #tpu.memory_space<vmem>>
      %dma_start3A_479 = arith.constant 0 : i32
      %dma_start3A_480 = arith.constant 0 : i32
      %dma_start3A_481 = tpu.memref_slice %arg10[%dma_start3A_479, %dma_start3A_480] : memref<10240x16xf32, #tpu.memory_space<vmem_shared>> -> memref<10240x16xf32, #tpu.memory_space<vmem_shared>>
      tpu.enqueue_indirect_dma source(%dma_start3A_475 : memref<128x16xf32, #tpu.memory_space<vmem>>) target(%dma_start3A_481 : memref<10240x16xf32, #tpu.memory_space<vmem_shared>>) offsets(%dma_start3A_478 : memref<128xi32, #tpu.memory_space<vmem>>) semaphore(%arg20 : memref<!tpu.dma_semaphore, #tpu.memory_space<semaphore_mem>>) {add = true}
      %add3A_482 = arith.constant 1 : i32
      %add3A_483 = arith.addi %mul3A_455, %add3A_482 : i32
      %dma_wait3A_484 = arith.constant 1 : i32
      %dma_wait3A_485 = arith.constant 0 : i32
      %dma_wait3A_486 = arith.constant 0 : i32
      %dma_wait3A_487 = tpu.memref_slice %arg9[%dma_wait3A_484, %dma_wait3A_485, %dma_wait3A_486] : memref<8x128x16xf32, #tpu.memory_space<vmem>> -> memref<1x128x16xf32, #tpu.memory_space<vmem>>
      %dma_wait3A_488 = tpu.memref_squeeze %dma_wait3A_487 : memref<1x128x16xf32, #tpu.memory_space<vmem>> -> memref<128x16xf32, #tpu.memory_space<vmem>>
      %dma_wait3A_489 = arith.constant 0 : i32
      %dma_wait3A_490 = tpu.memref_slice %arg7[%add3A_483, %dma_wait3A_489] : memref<80x128xi32, #tpu.memory_space<vmem>> -> memref<1x128xi32, #tpu.memory_space<vmem>>
      %dma_wait3A_491 = tpu.memref_squeeze %dma_wait3A_490 : memref<1x128xi32, #tpu.memory_space<vmem>> -> memref<128xi32, #tpu.memory_space<vmem>>
      %dma_wait3A_492 = arith.constant 0 : i32
      %dma_wait3A_493 = arith.constant 0 : i32
      %dma_wait3A_494 = tpu.memref_slice %arg11[%dma_wait3A_492, %dma_wait3A_493] : memref<10240x16xf32, #tpu.memory_space<vmem_shared>> -> memref<10240x16xf32, #tpu.memory_space<vmem_shared>>
      tpu.wait_indirect_dma semaphore(%arg13 : memref<!tpu.dma_semaphore, #tpu.memory_space<semaphore_mem>>) src(%dma_wait3A_494 : memref<10240x16xf32, #tpu.memory_space<vmem_shared>>) dst(%dma_wait3A_488 : memref<128x16xf32, #tpu.memory_space<vmem>>)
      %add3A_495 = arith.constant 1 : i32
      %add3A_496 = arith.addi %mul3A_455, %add3A_495 : i32
      %dma_start3A_497 = arith.constant 1 : i32
      %dma_start3A_498 = arith.constant 0 : i32
      %dma_start3A_499 = arith.constant 0 : i32
      %dma_start3A_500 = tpu.memref_slice %arg9[%dma_start3A_497, %dma_start3A_498, %dma_start3A_499] : memref<8x128x16xf32, #tpu.memory_space<vmem>> -> memref<1x128x16xf32, #tpu.memory_space<vmem>>
      %dma_start3A_501 = tpu.memref_squeeze %dma_start3A_500 : memref<1x128x16xf32, #tpu.memory_space<vmem>> -> memref<128x16xf32, #tpu.memory_space<vmem>>
      %dma_start3A_502 = arith.constant 0 : i32
      %dma_start3A_503 = tpu.memref_slice %arg8[%add3A_496, %dma_start3A_502] : memref<80x128xi32, #tpu.memory_space<vmem>> -> memref<1x128xi32, #tpu.memory_space<vmem>>
      %dma_start3A_504 = tpu.memref_squeeze %dma_start3A_503 : memref<1x128xi32, #tpu.memory_space<vmem>> -> memref<128xi32, #tpu.memory_space<vmem>>
      %dma_start3A_505 = arith.constant 0 : i32
      %dma_start3A_506 = arith.constant 0 : i32
      %dma_start3A_507 = tpu.memref_slice %arg10[%dma_start3A_505, %dma_start3A_506] : memref<10240x16xf32, #tpu.memory_space<vmem_shared>> -> memref<10240x16xf32, #tpu.memory_space<vmem_shared>>
      tpu.enqueue_indirect_dma source(%dma_start3A_501 : memref<128x16xf32, #tpu.memory_space<vmem>>) target(%dma_start3A_507 : memref<10240x16xf32, #tpu.memory_space<vmem_shared>>) offsets(%dma_start3A_504 : memref<128xi32, #tpu.memory_space<vmem>>) semaphore(%arg21 : memref<!tpu.dma_semaphore, #tpu.memory_space<semaphore_mem>>) {add = true}
      %add3A_508 = arith.constant 2 : i32
      %add3A_509 = arith.addi %mul3A_455, %add3A_508 : i32
      %dma_wait3A_510 = arith.constant 2 : i32
      %dma_wait3A_511 = arith.constant 0 : i32
      %dma_wait3A_512 = arith.constant 0 : i32
      %dma_wait3A_513 = tpu.memref_slice %arg9[%dma_wait3A_510, %dma_wait3A_511, %dma_wait3A_512] : memref<8x128x16xf32, #tpu.memory_space<vmem>> -> memref<1x128x16xf32, #tpu.memory_space<vmem>>
      %dma_wait3A_514 = tpu.memref_squeeze %dma_wait3A_513 : memref<1x128x16xf32, #tpu.memory_space<vmem>> -> memref<128x16xf32, #tpu.memory_space<vmem>>
      %dma_wait3A_515 = arith.constant 0 : i32
      %dma_wait3A_516 = tpu.memref_slice %arg7[%add3A_509, %dma_wait3A_515] : memref<80x128xi32, #tpu.memory_space<vmem>> -> memref<1x128xi32, #tpu.memory_space<vmem>>
      %dma_wait3A_517 = tpu.memref_squeeze %dma_wait3A_516 : memref<1x128xi32, #tpu.memory_space<vmem>> -> memref<128xi32, #tpu.memory_space<vmem>>
      %dma_wait3A_518 = arith.constant 0 : i32
      %dma_wait3A_519 = arith.constant 0 : i32
      %dma_wait3A_520 = tpu.memref_slice %arg11[%dma_wait3A_518, %dma_wait3A_519] : memref<10240x16xf32, #tpu.memory_space<vmem_shared>> -> memref<10240x16xf32, #tpu.memory_space<vmem_shared>>
      tpu.wait_indirect_dma semaphore(%arg14 : memref<!tpu.dma_semaphore, #tpu.memory_space<semaphore_mem>>) src(%dma_wait3A_520 : memref<10240x16xf32, #tpu.memory_space<vmem_shared>>) dst(%dma_wait3A_514 : memref<128x16xf32, #tpu.memory_space<vmem>>)
      %add3A_521 = arith.constant 2 : i32
      %add3A_522 = arith.addi %mul3A_455, %add3A_521 : i32
      %dma_start3A_523 = arith.constant 2 : i32
      %dma_start3A_524 = arith.constant 0 : i32
      %dma_start3A_525 = arith.constant 0 : i32
      %dma_start3A_526 = tpu.memref_slice %arg9[%dma_start3A_523, %dma_start3A_524, %dma_start3A_525] : memref<8x128x16xf32, #tpu.memory_space<vmem>> -> memref<1x128x16xf32, #tpu.memory_space<vmem>>
      %dma_start3A_527 = tpu.memref_squeeze %dma_start3A_526 : memref<1x128x16xf32, #tpu.memory_space<vmem>> -> memref<128x16xf32, #tpu.memory_space<vmem>>
      %dma_start3A_528 = arith.constant 0 : i32
      %dma_start3A_529 = tpu.memref_slice %arg8[%add3A_522, %dma_start3A_528] : memref<80x128xi32, #tpu.memory_space<vmem>> -> memref<1x128xi32, #tpu.memory_space<vmem>>
      %dma_start3A_530 = tpu.memref_squeeze %dma_start3A_529 : memref<1x128xi32, #tpu.memory_space<vmem>> -> memref<128xi32, #tpu.memory_space<vmem>>
      %dma_start3A_531 = arith.constant 0 : i32
      %dma_start3A_532 = arith.constant 0 : i32
      %dma_start3A_533 = tpu.memref_slice %arg10[%dma_start3A_531, %dma_start3A_532] : memref<10240x16xf32, #tpu.memory_space<vmem_shared>> -> memref<10240x16xf32, #tpu.memory_space<vmem_shared>>
      tpu.enqueue_indirect_dma source(%dma_start3A_527 : memref<128x16xf32, #tpu.memory_space<vmem>>) target(%dma_start3A_533 : memref<10240x16xf32, #tpu.memory_space<vmem_shared>>) offsets(%dma_start3A_530 : memref<128xi32, #tpu.memory_space<vmem>>) semaphore(%arg22 : memref<!tpu.dma_semaphore, #tpu.memory_space<semaphore_mem>>) {add = true}
      %add3A_534 = arith.constant 3 : i32
      %add3A_535 = arith.addi %mul3A_455, %add3A_534 : i32
      %dma_wait3A_536 = arith.constant 3 : i32
      %dma_wait3A_537 = arith.constant 0 : i32
      %dma_wait3A_538 = arith.constant 0 : i32
      %dma_wait3A_539 = tpu.memref_slice %arg9[%dma_wait3A_536, %dma_wait3A_537, %dma_wait3A_538] : memref<8x128x16xf32, #tpu.memory_space<vmem>> -> memref<1x128x16xf32, #tpu.memory_space<vmem>>
      %dma_wait3A_540 = tpu.memref_squeeze %dma_wait3A_539 : memref<1x128x16xf32, #tpu.memory_space<vmem>> -> memref<128x16xf32, #tpu.memory_space<vmem>>
      %dma_wait3A_541 = arith.constant 0 : i32
      %dma_wait3A_542 = tpu.memref_slice %arg7[%add3A_535, %dma_wait3A_541] : memref<80x128xi32, #tpu.memory_space<vmem>> -> memref<1x128xi32, #tpu.memory_space<vmem>>
      %dma_wait3A_543 = tpu.memref_squeeze %dma_wait3A_542 : memref<1x128xi32, #tpu.memory_space<vmem>> -> memref<128xi32, #tpu.memory_space<vmem>>
      %dma_wait3A_544 = arith.constant 0 : i32
      %dma_wait3A_545 = arith.constant 0 : i32
      %dma_wait3A_546 = tpu.memref_slice %arg11[%dma_wait3A_544, %dma_wait3A_545] : memref<10240x16xf32, #tpu.memory_space<vmem_shared>> -> memref<10240x16xf32, #tpu.memory_space<vmem_shared>>
      tpu.wait_indirect_dma semaphore(%arg15 : memref<!tpu.dma_semaphore, #tpu.memory_space<semaphore_mem>>) src(%dma_wait3A_546 : memref<10240x16xf32, #tpu.memory_space<vmem_shared>>) dst(%dma_wait3A_540 : memref<128x16xf32, #tpu.memory_space<vmem>>)
      %add3A_547 = arith.constant 3 : i32
      %add3A_548 = arith.addi %mul3A_455, %add3A_547 : i32
      %dma_start3A_549 = arith.constant 3 : i32
      %dma_start3A_550 = arith.constant 0 : i32
      %dma_start3A_551 = arith.constant 0 : i32
      %dma_start3A_552 = tpu.memref_slice %arg9[%dma_start3A_549, %dma_start3A_550, %dma_start3A_551] : memref<8x128x16xf32, #tpu.memory_space<vmem>> -> memref<1x128x16xf32, #tpu.memory_space<vmem>>
      %dma_start3A_553 = tpu.memref_squeeze %dma_start3A_552 : memref<1x128x16xf32, #tpu.memory_space<vmem>> -> memref<128x16xf32, #tpu.memory_space<vmem>>
      %dma_start3A_554 = arith.constant 0 : i32
      %dma_start3A_555 = tpu.memref_slice %arg8[%add3A_548, %dma_start3A_554] : memref<80x128xi32, #tpu.memory_space<vmem>> -> memref<1x128xi32, #tpu.memory_space<vmem>>
      %dma_start3A_556 = tpu.memref_squeeze %dma_start3A_555 : memref<1x128xi32, #tpu.memory_space<vmem>> -> memref<128xi32, #tpu.memory_space<vmem>>
      %dma_start3A_557 = arith.constant 0 : i32
      %dma_start3A_558 = arith.constant 0 : i32
      %dma_start3A_559 = tpu.memref_slice %arg10[%dma_start3A_557, %dma_start3A_558] : memref<10240x16xf32, #tpu.memory_space<vmem_shared>> -> memref<10240x16xf32, #tpu.memory_space<vmem_shared>>
      tpu.enqueue_indirect_dma source(%dma_start3A_553 : memref<128x16xf32, #tpu.memory_space<vmem>>) target(%dma_start3A_559 : memref<10240x16xf32, #tpu.memory_space<vmem_shared>>) offsets(%dma_start3A_556 : memref<128xi32, #tpu.memory_space<vmem>>) semaphore(%arg23 : memref<!tpu.dma_semaphore, #tpu.memory_space<semaphore_mem>>) {add = true}
      %add3A_560 = arith.constant 4 : i32
      %add3A_561 = arith.addi %mul3A_455, %add3A_560 : i32
      %dma_wait3A_562 = arith.constant 4 : i32
      %dma_wait3A_563 = arith.constant 0 : i32
      %dma_wait3A_564 = arith.constant 0 : i32
      %dma_wait3A_565 = tpu.memref_slice %arg9[%dma_wait3A_562, %dma_wait3A_563, %dma_wait3A_564] : memref<8x128x16xf32, #tpu.memory_space<vmem>> -> memref<1x128x16xf32, #tpu.memory_space<vmem>>
      %dma_wait3A_566 = tpu.memref_squeeze %dma_wait3A_565 : memref<1x128x16xf32, #tpu.memory_space<vmem>> -> memref<128x16xf32, #tpu.memory_space<vmem>>
      %dma_wait3A_567 = arith.constant 0 : i32
      %dma_wait3A_568 = tpu.memref_slice %arg7[%add3A_561, %dma_wait3A_567] : memref<80x128xi32, #tpu.memory_space<vmem>> -> memref<1x128xi32, #tpu.memory_space<vmem>>
      %dma_wait3A_569 = tpu.memref_squeeze %dma_wait3A_568 : memref<1x128xi32, #tpu.memory_space<vmem>> -> memref<128xi32, #tpu.memory_space<vmem>>
      %dma_wait3A_570 = arith.constant 0 : i32
      %dma_wait3A_571 = arith.constant 0 : i32
      %dma_wait3A_572 = tpu.memref_slice %arg11[%dma_wait3A_570, %dma_wait3A_571] : memref<10240x16xf32, #tpu.memory_space<vmem_shared>> -> memref<10240x16xf32, #tpu.memory_space<vmem_shared>>
      tpu.wait_indirect_dma semaphore(%arg16 : memref<!tpu.dma_semaphore, #tpu.memory_space<semaphore_mem>>) src(%dma_wait3A_572 : memref<10240x16xf32, #tpu.memory_space<vmem_shared>>) dst(%dma_wait3A_566 : memref<128x16xf32, #tpu.memory_space<vmem>>)
      %add3A_573 = arith.constant 4 : i32
      %add3A_574 = arith.addi %mul3A_455, %add3A_573 : i32
      %dma_start3A_575 = arith.constant 4 : i32
      %dma_start3A_576 = arith.constant 0 : i32
      %dma_start3A_577 = arith.constant 0 : i32
      %dma_start3A_578 = tpu.memref_slice %arg9[%dma_start3A_575, %dma_start3A_576, %dma_start3A_577] : memref<8x128x16xf32, #tpu.memory_space<vmem>> -> memref<1x128x16xf32, #tpu.memory_space<vmem>>
      %dma_start3A_579 = tpu.memref_squeeze %dma_start3A_578 : memref<1x128x16xf32, #tpu.memory_space<vmem>> -> memref<128x16xf32, #tpu.memory_space<vmem>>
      %dma_start3A_580 = arith.constant 0 : i32
      %dma_start3A_581 = tpu.memref_slice %arg8[%add3A_574, %dma_start3A_580] : memref<80x128xi32, #tpu.memory_space<vmem>> -> memref<1x128xi32, #tpu.memory_space<vmem>>
      %dma_start3A_582 = tpu.memref_squeeze %dma_start3A_581 : memref<1x128xi32, #tpu.memory_space<vmem>> -> memref<128xi32, #tpu.memory_space<vmem>>
      %dma_start3A_583 = arith.constant 0 : i32
      %dma_start3A_584 = arith.constant 0 : i32
      %dma_start3A_585 = tpu.memref_slice %arg10[%dma_start3A_583, %dma_start3A_584] : memref<10240x16xf32, #tpu.memory_space<vmem_shared>> -> memref<10240x16xf32, #tpu.memory_space<vmem_shared>>
      tpu.enqueue_indirect_dma source(%dma_start3A_579 : memref<128x16xf32, #tpu.memory_space<vmem>>) target(%dma_start3A_585 : memref<10240x16xf32, #tpu.memory_space<vmem_shared>>) offsets(%dma_start3A_582 : memref<128xi32, #tpu.memory_space<vmem>>) semaphore(%arg24 : memref<!tpu.dma_semaphore, #tpu.memory_space<semaphore_mem>>) {add = true}
      %add3A_586 = arith.constant 5 : i32
      %add3A_587 = arith.addi %mul3A_455, %add3A_586 : i32
      %dma_wait3A_588 = arith.constant 5 : i32
      %dma_wait3A_589 = arith.constant 0 : i32
      %dma_wait3A_590 = arith.constant 0 : i32
      %dma_wait3A_591 = tpu.memref_slice %arg9[%dma_wait3A_588, %dma_wait3A_589, %dma_wait3A_590] : memref<8x128x16xf32, #tpu.memory_space<vmem>> -> memref<1x128x16xf32, #tpu.memory_space<vmem>>
      %dma_wait3A_592 = tpu.memref_squeeze %dma_wait3A_591 : memref<1x128x16xf32, #tpu.memory_space<vmem>> -> memref<128x16xf32, #tpu.memory_space<vmem>>
      %dma_wait3A_593 = arith.constant 0 : i32
      %dma_wait3A_594 = tpu.memref_slice %arg7[%add3A_587, %dma_wait3A_593] : memref<80x128xi32, #tpu.memory_space<vmem>> -> memref<1x128xi32, #tpu.memory_space<vmem>>
      %dma_wait3A_595 = tpu.memref_squeeze %dma_wait3A_594 : memref<1x128xi32, #tpu.memory_space<vmem>> -> memref<128xi32, #tpu.memory_space<vmem>>
      %dma_wait3A_596 = arith.constant 0 : i32
      %dma_wait3A_597 = arith.constant 0 : i32
      %dma_wait3A_598 = tpu.memref_slice %arg11[%dma_wait3A_596, %dma_wait3A_597] : memref<10240x16xf32, #tpu.memory_space<vmem_shared>> -> memref<10240x16xf32, #tpu.memory_space<vmem_shared>>
      tpu.wait_indirect_dma semaphore(%arg17 : memref<!tpu.dma_semaphore, #tpu.memory_space<semaphore_mem>>) src(%dma_wait3A_598 : memref<10240x16xf32, #tpu.memory_space<vmem_shared>>) dst(%dma_wait3A_592 : memref<128x16xf32, #tpu.memory_space<vmem>>)
      %add3A_599 = arith.constant 5 : i32
      %add3A_600 = arith.addi %mul3A_455, %add3A_599 : i32
      %dma_start3A_601 = arith.constant 5 : i32
      %dma_start3A_602 = arith.constant 0 : i32
      %dma_start3A_603 = arith.constant 0 : i32
      %dma_start3A_604 = tpu.memref_slice %arg9[%dma_start3A_601, %dma_start3A_602, %dma_start3A_603] : memref<8x128x16xf32, #tpu.memory_space<vmem>> -> memref<1x128x16xf32, #tpu.memory_space<vmem>>
      %dma_start3A_605 = tpu.memref_squeeze %dma_start3A_604 : memref<1x128x16xf32, #tpu.memory_space<vmem>> -> memref<128x16xf32, #tpu.memory_space<vmem>>
      %dma_start3A_606 = arith.constant 0 : i32
      %dma_start3A_607 = tpu.memref_slice %arg8[%add3A_600, %dma_start3A_606] : memref<80x128xi32, #tpu.memory_space<vmem>> -> memref<1x128xi32, #tpu.memory_space<vmem>>
      %dma_start3A_608 = tpu.memref_squeeze %dma_start3A_607 : memref<1x128xi32, #tpu.memory_space<vmem>> -> memref<128xi32, #tpu.memory_space<vmem>>
      %dma_start3A_609 = arith.constant 0 : i32
      %dma_start3A_610 = arith.constant 0 : i32
      %dma_start3A_611 = tpu.memref_slice %arg10[%dma_start3A_609, %dma_start3A_610] : memref<10240x16xf32, #tpu.memory_space<vmem_shared>> -> memref<10240x16xf32, #tpu.memory_space<vmem_shared>>
      tpu.enqueue_indirect_dma source(%dma_start3A_605 : memref<128x16xf32, #tpu.memory_space<vmem>>) target(%dma_start3A_611 : memref<10240x16xf32, #tpu.memory_space<vmem_shared>>) offsets(%dma_start3A_608 : memref<128xi32, #tpu.memory_space<vmem>>) semaphore(%arg25 : memref<!tpu.dma_semaphore, #tpu.memory_space<semaphore_mem>>) {add = true}
      %add3A_612 = arith.constant 6 : i32
      %add3A_613 = arith.addi %mul3A_455, %add3A_612 : i32
      %dma_wait3A_614 = arith.constant 6 : i32
      %dma_wait3A_615 = arith.constant 0 : i32
      %dma_wait3A_616 = arith.constant 0 : i32
      %dma_wait3A_617 = tpu.memref_slice %arg9[%dma_wait3A_614, %dma_wait3A_615, %dma_wait3A_616] : memref<8x128x16xf32, #tpu.memory_space<vmem>> -> memref<1x128x16xf32, #tpu.memory_space<vmem>>
      %dma_wait3A_618 = tpu.memref_squeeze %dma_wait3A_617 : memref<1x128x16xf32, #tpu.memory_space<vmem>> -> memref<128x16xf32, #tpu.memory_space<vmem>>
      %dma_wait3A_619 = arith.constant 0 : i32
      %dma_wait3A_620 = tpu.memref_slice %arg7[%add3A_613, %dma_wait3A_619] : memref<80x128xi32, #tpu.memory_space<vmem>> -> memref<1x128xi32, #tpu.memory_space<vmem>>
      %dma_wait3A_621 = tpu.memref_squeeze %dma_wait3A_620 : memref<1x128xi32, #tpu.memory_space<vmem>> -> memref<128xi32, #tpu.memory_space<vmem>>
      %dma_wait3A_622 = arith.constant 0 : i32
      %dma_wait3A_623 = arith.constant 0 : i32
      %dma_wait3A_624 = tpu.memref_slice %arg11[%dma_wait3A_622, %dma_wait3A_623] : memref<10240x16xf32, #tpu.memory_space<vmem_shared>> -> memref<10240x16xf32, #tpu.memory_space<vmem_shared>>
      tpu.wait_indirect_dma semaphore(%arg18 : memref<!tpu.dma_semaphore, #tpu.memory_space<semaphore_mem>>) src(%dma_wait3A_624 : memref<10240x16xf32, #tpu.memory_space<vmem_shared>>) dst(%dma_wait3A_618 : memref<128x16xf32, #tpu.memory_space<vmem>>)
      %add3A_625 = arith.constant 6 : i32
      %add3A_626 = arith.addi %mul3A_455, %add3A_625 : i32
      %dma_start3A_627 = arith.constant 6 : i32
      %dma_start3A_628 = arith.constant 0 : i32
      %dma_start3A_629 = arith.constant 0 : i32
      %dma_start3A_630 = tpu.memref_slice %arg9[%dma_start3A_627, %dma_start3A_628, %dma_start3A_629] : memref<8x128x16xf32, #tpu.memory_space<vmem>> -> memref<1x128x16xf32, #tpu.memory_space<vmem>>
      %dma_start3A_631 = tpu.memref_squeeze %dma_start3A_630 : memref<1x128x16xf32, #tpu.memory_space<vmem>> -> memref<128x16xf32, #tpu.memory_space<vmem>>
      %dma_start3A_632 = arith.constant 0 : i32
      %dma_start3A_633 = tpu.memref_slice %arg8[%add3A_626, %dma_start3A_632] : memref<80x128xi32, #tpu.memory_space<vmem>> -> memref<1x128xi32, #tpu.memory_space<vmem>>
      %dma_start3A_634 = tpu.memref_squeeze %dma_start3A_633 : memref<1x128xi32, #tpu.memory_space<vmem>> -> memref<128xi32, #tpu.memory_space<vmem>>
      %dma_start3A_635 = arith.constant 0 : i32
      %dma_start3A_636 = arith.constant 0 : i32
      %dma_start3A_637 = tpu.memref_slice %arg10[%dma_start3A_635, %dma_start3A_636] : memref<10240x16xf32, #tpu.memory_space<vmem_shared>> -> memref<10240x16xf32, #tpu.memory_space<vmem_shared>>
      tpu.enqueue_indirect_dma source(%dma_start3A_631 : memref<128x16xf32, #tpu.memory_space<vmem>>) target(%dma_start3A_637 : memref<10240x16xf32, #tpu.memory_space<vmem_shared>>) offsets(%dma_start3A_634 : memref<128xi32, #tpu.memory_space<vmem>>) semaphore(%arg26 : memref<!tpu.dma_semaphore, #tpu.memory_space<semaphore_mem>>) {add = true}
      %add3A_638 = arith.constant 7 : i32
      %add3A_639 = arith.addi %mul3A_455, %add3A_638 : i32
      %dma_wait3A_640 = arith.constant 7 : i32
      %dma_wait3A_641 = arith.constant 0 : i32
      %dma_wait3A_642 = arith.constant 0 : i32
      %dma_wait3A_643 = tpu.memref_slice %arg9[%dma_wait3A_640, %dma_wait3A_641, %dma_wait3A_642] : memref<8x128x16xf32, #tpu.memory_space<vmem>> -> memref<1x128x16xf32, #tpu.memory_space<vmem>>
      %dma_wait3A_644 = tpu.memref_squeeze %dma_wait3A_643 : memref<1x128x16xf32, #tpu.memory_space<vmem>> -> memref<128x16xf32, #tpu.memory_space<vmem>>
      %dma_wait3A_645 = arith.constant 0 : i32
      %dma_wait3A_646 = tpu.memref_slice %arg7[%add3A_639, %dma_wait3A_645] : memref<80x128xi32, #tpu.memory_space<vmem>> -> memref<1x128xi32, #tpu.memory_space<vmem>>
      %dma_wait3A_647 = tpu.memref_squeeze %dma_wait3A_646 : memref<1x128xi32, #tpu.memory_space<vmem>> -> memref<128xi32, #tpu.memory_space<vmem>>
      %dma_wait3A_648 = arith.constant 0 : i32
      %dma_wait3A_649 = arith.constant 0 : i32
      %dma_wait3A_650 = tpu.memref_slice %arg11[%dma_wait3A_648, %dma_wait3A_649] : memref<10240x16xf32, #tpu.memory_space<vmem_shared>> -> memref<10240x16xf32, #tpu.memory_space<vmem_shared>>
      tpu.wait_indirect_dma semaphore(%arg19 : memref<!tpu.dma_semaphore, #tpu.memory_space<semaphore_mem>>) src(%dma_wait3A_650 : memref<10240x16xf32, #tpu.memory_space<vmem_shared>>) dst(%dma_wait3A_644 : memref<128x16xf32, #tpu.memory_space<vmem>>)
      %add3A_651 = arith.constant 7 : i32
      %add3A_652 = arith.addi %mul3A_455, %add3A_651 : i32
      %dma_start3A_653 = arith.constant 7 : i32
      %dma_start3A_654 = arith.constant 0 : i32
      %dma_start3A_655 = arith.constant 0 : i32
      %dma_start3A_656 = tpu.memref_slice %arg9[%dma_start3A_653, %dma_start3A_654, %dma_start3A_655] : memref<8x128x16xf32, #tpu.memory_space<vmem>> -> memref<1x128x16xf32, #tpu.memory_space<vmem>>
      %dma_start3A_657 = tpu.memref_squeeze %dma_start3A_656 : memref<1x128x16xf32, #tpu.memory_space<vmem>> -> memref<128x16xf32, #tpu.memory_space<vmem>>
      %dma_start3A_658 = arith.constant 0 : i32
      %dma_start3A_659 = tpu.memref_slice %arg8[%add3A_652, %dma_start3A_658] : memref<80x128xi32, #tpu.memory_space<vmem>> -> memref<1x128xi32, #tpu.memory_space<vmem>>
      %dma_start3A_660 = tpu.memref_squeeze %dma_start3A_659 : memref<1x128xi32, #tpu.memory_space<vmem>> -> memref<128xi32, #tpu.memory_space<vmem>>
      %dma_start3A_661 = arith.constant 0 : i32
      %dma_start3A_662 = arith.constant 0 : i32
      %dma_start3A_663 = tpu.memref_slice %arg10[%dma_start3A_661, %dma_start3A_662] : memref<10240x16xf32, #tpu.memory_space<vmem_shared>> -> memref<10240x16xf32, #tpu.memory_space<vmem_shared>>
      tpu.enqueue_indirect_dma source(%dma_start3A_657 : memref<128x16xf32, #tpu.memory_space<vmem>>) target(%dma_start3A_663 : memref<10240x16xf32, #tpu.memory_space<vmem_shared>>) offsets(%dma_start3A_660 : memref<128xi32, #tpu.memory_space<vmem>>) semaphore(%arg27 : memref<!tpu.dma_semaphore, #tpu.memory_space<semaphore_mem>>) {add = true}
      %add3A_664 = arith.constant 0 : i32
      %add3A_665 = arith.addi %mul3A_455, %add3A_664 : i32
      %dma_wait3A_666 = arith.constant 0 : i32
      %dma_wait3A_667 = arith.constant 0 : i32
      %dma_wait3A_668 = arith.constant 0 : i32
      %dma_wait3A_669 = tpu.memref_slice %arg9[%dma_wait3A_666, %dma_wait3A_667, %dma_wait3A_668] : memref<8x128x16xf32, #tpu.memory_space<vmem>> -> memref<1x128x16xf32, #tpu.memory_space<vmem>>
      %dma_wait3A_670 = tpu.memref_squeeze %dma_wait3A_669 : memref<1x128x16xf32, #tpu.memory_space<vmem>> -> memref<128x16xf32, #tpu.memory_space<vmem>>
      %dma_wait3A_671 = arith.constant 0 : i32
      %dma_wait3A_672 = tpu.memref_slice %arg8[%add3A_665, %dma_wait3A_671] : memref<80x128xi32, #tpu.memory_space<vmem>> -> memref<1x128xi32, #tpu.memory_space<vmem>>
      %dma_wait3A_673 = tpu.memref_squeeze %dma_wait3A_672 : memref<1x128xi32, #tpu.memory_space<vmem>> -> memref<128xi32, #tpu.memory_space<vmem>>
      %dma_wait3A_674 = arith.constant 0 : i32
      %dma_wait3A_675 = arith.constant 0 : i32
      %dma_wait3A_676 = tpu.memref_slice %arg10[%dma_wait3A_674, %dma_wait3A_675] : memref<10240x16xf32, #tpu.memory_space<vmem_shared>> -> memref<10240x16xf32, #tpu.memory_space<vmem_shared>>
      tpu.wait_indirect_dma semaphore(%arg20 : memref<!tpu.dma_semaphore, #tpu.memory_space<semaphore_mem>>) src(%dma_wait3A_670 : memref<128x16xf32, #tpu.memory_space<vmem>>) dst(%dma_wait3A_676 : memref<10240x16xf32, #tpu.memory_space<vmem_shared>>)
      %mul3A_677 = arith.constant 8 : i32
      %mul3A_678 = arith.muli %add3A_452, %mul3A_677 : i32
      %add3A_679 = arith.constant 0 : i32
      %add3A_680 = arith.addi %mul3A_678, %add3A_679 : i32
      %dma_start3A_681 = arith.constant 0 : i32
      %dma_start3A_682 = arith.constant 0 : i32
      %dma_start3A_683 = arith.constant 0 : i32
      %dma_start3A_684 = tpu.memref_slice %arg9[%dma_start3A_681, %dma_start3A_682, %dma_start3A_683] : memref<8x128x16xf32, #tpu.memory_space<vmem>> -> memref<1x128x16xf32, #tpu.memory_space<vmem>>
      %dma_start3A_685 = tpu.memref_squeeze %dma_start3A_684 : memref<1x128x16xf32, #tpu.memory_space<vmem>> -> memref<128x16xf32, #tpu.memory_space<vmem>>
      %dma_start3A_686 = arith.constant 0 : i32
      %dma_start3A_687 = tpu.memref_slice %arg7[%add3A_680, %dma_start3A_686] : memref<80x128xi32, #tpu.memory_space<vmem>> -> memref<1x128xi32, #tpu.memory_space<vmem>>
      %dma_start3A_688 = tpu.memref_squeeze %dma_start3A_687 : memref<1x128xi32, #tpu.memory_space<vmem>> -> memref<128xi32, #tpu.memory_space<vmem>>
      %dma_start3A_689 = arith.constant 0 : i32
      %dma_start3A_690 = arith.constant 0 : i32
      %dma_start3A_691 = tpu.memref_slice %arg11[%dma_start3A_689, %dma_start3A_690] : memref<10240x16xf32, #tpu.memory_space<vmem_shared>> -> memref<10240x16xf32, #tpu.memory_space<vmem_shared>>
      tpu.enqueue_indirect_dma source(%dma_start3A_691 : memref<10240x16xf32, #tpu.memory_space<vmem_shared>>) target(%dma_start3A_685 : memref<128x16xf32, #tpu.memory_space<vmem>>) offsets(%dma_start3A_688 : memref<128xi32, #tpu.memory_space<vmem>>) semaphore(%arg12 : memref<!tpu.dma_semaphore, #tpu.memory_space<semaphore_mem>>)
      %add3A_692 = arith.constant 1 : i32
      %add3A_693 = arith.addi %mul3A_455, %add3A_692 : i32
      %dma_wait3A_694 = arith.constant 1 : i32
      %dma_wait3A_695 = arith.constant 0 : i32
      %dma_wait3A_696 = arith.constant 0 : i32
      %dma_wait3A_697 = tpu.memref_slice %arg9[%dma_wait3A_694, %dma_wait3A_695, %dma_wait3A_696] : memref<8x128x16xf32, #tpu.memory_space<vmem>> -> memref<1x128x16xf32, #tpu.memory_space<vmem>>
      %dma_wait3A_698 = tpu.memref_squeeze %dma_wait3A_697 : memref<1x128x16xf32, #tpu.memory_space<vmem>> -> memref<128x16xf32, #tpu.memory_space<vmem>>
      %dma_wait3A_699 = arith.constant 0 : i32
      %dma_wait3A_700 = tpu.memref_slice %arg8[%add3A_693, %dma_wait3A_699] : memref<80x128xi32, #tpu.memory_space<vmem>> -> memref<1x128xi32, #tpu.memory_space<vmem>>
      %dma_wait3A_701 = tpu.memref_squeeze %dma_wait3A_700 : memref<1x128xi32, #tpu.memory_space<vmem>> -> memref<128xi32, #tpu.memory_space<vmem>>
      %dma_wait3A_702 = arith.constant 0 : i32
      %dma_wait3A_703 = arith.constant 0 : i32
      %dma_wait3A_704 = tpu.memref_slice %arg10[%dma_wait3A_702, %dma_wait3A_703] : memref<10240x16xf32, #tpu.memory_space<vmem_shared>> -> memref<10240x16xf32, #tpu.memory_space<vmem_shared>>
      tpu.wait_indirect_dma semaphore(%arg21 : memref<!tpu.dma_semaphore, #tpu.memory_space<semaphore_mem>>) src(%dma_wait3A_698 : memref<128x16xf32, #tpu.memory_space<vmem>>) dst(%dma_wait3A_704 : memref<10240x16xf32, #tpu.memory_space<vmem_shared>>)
      %mul3A_705 = arith.constant 8 : i32
      %mul3A_706 = arith.muli %add3A_452, %mul3A_705 : i32
      %add3A_707 = arith.constant 1 : i32
      %add3A_708 = arith.addi %mul3A_706, %add3A_707 : i32
      %dma_start3A_709 = arith.constant 1 : i32
      %dma_start3A_710 = arith.constant 0 : i32
      %dma_start3A_711 = arith.constant 0 : i32
      %dma_start3A_712 = tpu.memref_slice %arg9[%dma_start3A_709, %dma_start3A_710, %dma_start3A_711] : memref<8x128x16xf32, #tpu.memory_space<vmem>> -> memref<1x128x16xf32, #tpu.memory_space<vmem>>
      %dma_start3A_713 = tpu.memref_squeeze %dma_start3A_712 : memref<1x128x16xf32, #tpu.memory_space<vmem>> -> memref<128x16xf32, #tpu.memory_space<vmem>>
      %dma_start3A_714 = arith.constant 0 : i32
      %dma_start3A_715 = tpu.memref_slice %arg7[%add3A_708, %dma_start3A_714] : memref<80x128xi32, #tpu.memory_space<vmem>> -> memref<1x128xi32, #tpu.memory_space<vmem>>
      %dma_start3A_716 = tpu.memref_squeeze %dma_start3A_715 : memref<1x128xi32, #tpu.memory_space<vmem>> -> memref<128xi32, #tpu.memory_space<vmem>>
      %dma_start3A_717 = arith.constant 0 : i32
      %dma_start3A_718 = arith.constant 0 : i32
      %dma_start3A_719 = tpu.memref_slice %arg11[%dma_start3A_717, %dma_start3A_718] : memref<10240x16xf32, #tpu.memory_space<vmem_shared>> -> memref<10240x16xf32, #tpu.memory_space<vmem_shared>>
      tpu.enqueue_indirect_dma source(%dma_start3A_719 : memref<10240x16xf32, #tpu.memory_space<vmem_shared>>) target(%dma_start3A_713 : memref<128x16xf32, #tpu.memory_space<vmem>>) offsets(%dma_start3A_716 : memref<128xi32, #tpu.memory_space<vmem>>) semaphore(%arg13 : memref<!tpu.dma_semaphore, #tpu.memory_space<semaphore_mem>>)
      %add3A_720 = arith.constant 2 : i32
      %add3A_721 = arith.addi %mul3A_455, %add3A_720 : i32
      %dma_wait3A_722 = arith.constant 2 : i32
      %dma_wait3A_723 = arith.constant 0 : i32
      %dma_wait3A_724 = arith.constant 0 : i32
      %dma_wait3A_725 = tpu.memref_slice %arg9[%dma_wait3A_722, %dma_wait3A_723, %dma_wait3A_724] : memref<8x128x16xf32, #tpu.memory_space<vmem>> -> memref<1x128x16xf32, #tpu.memory_space<vmem>>
      %dma_wait3A_726 = tpu.memref_squeeze %dma_wait3A_725 : memref<1x128x16xf32, #tpu.memory_space<vmem>> -> memref<128x16xf32, #tpu.memory_space<vmem>>
      %dma_wait3A_727 = arith.constant 0 : i32
      %dma_wait3A_728 = tpu.memref_slice %arg8[%add3A_721, %dma_wait3A_727] : memref<80x128xi32, #tpu.memory_space<vmem>> -> memref<1x128xi32, #tpu.memory_space<vmem>>
      %dma_wait3A_729 = tpu.memref_squeeze %dma_wait3A_728 : memref<1x128xi32, #tpu.memory_space<vmem>> -> memref<128xi32, #tpu.memory_space<vmem>>
      %dma_wait3A_730 = arith.constant 0 : i32
      %dma_wait3A_731 = arith.constant 0 : i32
      %dma_wait3A_732 = tpu.memref_slice %arg10[%dma_wait3A_730, %dma_wait3A_731] : memref<10240x16xf32, #tpu.memory_space<vmem_shared>> -> memref<10240x16xf32, #tpu.memory_space<vmem_shared>>
      tpu.wait_indirect_dma semaphore(%arg22 : memref<!tpu.dma_semaphore, #tpu.memory_space<semaphore_mem>>) src(%dma_wait3A_726 : memref<128x16xf32, #tpu.memory_space<vmem>>) dst(%dma_wait3A_732 : memref<10240x16xf32, #tpu.memory_space<vmem_shared>>)
      %mul3A_733 = arith.constant 8 : i32
      %mul3A_734 = arith.muli %add3A_452, %mul3A_733 : i32
      %add3A_735 = arith.constant 2 : i32
      %add3A_736 = arith.addi %mul3A_734, %add3A_735 : i32
      %dma_start3A_737 = arith.constant 2 : i32
      %dma_start3A_738 = arith.constant 0 : i32
      %dma_start3A_739 = arith.constant 0 : i32
      %dma_start3A_740 = tpu.memref_slice %arg9[%dma_start3A_737, %dma_start3A_738, %dma_start3A_739] : memref<8x128x16xf32, #tpu.memory_space<vmem>> -> memref<1x128x16xf32, #tpu.memory_space<vmem>>
      %dma_start3A_741 = tpu.memref_squeeze %dma_start3A_740 : memref<1x128x16xf32, #tpu.memory_space<vmem>> -> memref<128x16xf32, #tpu.memory_space<vmem>>
      %dma_start3A_742 = arith.constant 0 : i32
      %dma_start3A_743 = tpu.memref_slice %arg7[%add3A_736, %dma_start3A_742] : memref<80x128xi32, #tpu.memory_space<vmem>> -> memref<1x128xi32, #tpu.memory_space<vmem>>
      %dma_start3A_744 = tpu.memref_squeeze %dma_start3A_743 : memref<1x128xi32, #tpu.memory_space<vmem>> -> memref<128xi32, #tpu.memory_space<vmem>>
      %dma_start3A_745 = arith.constant 0 : i32
      %dma_start3A_746 = arith.constant 0 : i32
      %dma_start3A_747 = tpu.memref_slice %arg11[%dma_start3A_745, %dma_start3A_746] : memref<10240x16xf32, #tpu.memory_space<vmem_shared>> -> memref<10240x16xf32, #tpu.memory_space<vmem_shared>>
      tpu.enqueue_indirect_dma source(%dma_start3A_747 : memref<10240x16xf32, #tpu.memory_space<vmem_shared>>) target(%dma_start3A_741 : memref<128x16xf32, #tpu.memory_space<vmem>>) offsets(%dma_start3A_744 : memref<128xi32, #tpu.memory_space<vmem>>) semaphore(%arg14 : memref<!tpu.dma_semaphore, #tpu.memory_space<semaphore_mem>>)
      %add3A_748 = arith.constant 3 : i32
      %add3A_749 = arith.addi %mul3A_455, %add3A_748 : i32
      %dma_wait3A_750 = arith.constant 3 : i32
      %dma_wait3A_751 = arith.constant 0 : i32
      %dma_wait3A_752 = arith.constant 0 : i32
      %dma_wait3A_753 = tpu.memref_slice %arg9[%dma_wait3A_750, %dma_wait3A_751, %dma_wait3A_752] : memref<8x128x16xf32, #tpu.memory_space<vmem>> -> memref<1x128x16xf32, #tpu.memory_space<vmem>>
      %dma_wait3A_754 = tpu.memref_squeeze %dma_wait3A_753 : memref<1x128x16xf32, #tpu.memory_space<vmem>> -> memref<128x16xf32, #tpu.memory_space<vmem>>
      %dma_wait3A_755 = arith.constant 0 : i32
      %dma_wait3A_756 = tpu.memref_slice %arg8[%add3A_749, %dma_wait3A_755] : memref<80x128xi32, #tpu.memory_space<vmem>> -> memref<1x128xi32, #tpu.memory_space<vmem>>
      %dma_wait3A_757 = tpu.memref_squeeze %dma_wait3A_756 : memref<1x128xi32, #tpu.memory_space<vmem>> -> memref<128xi32, #tpu.memory_space<vmem>>
      %dma_wait3A_758 = arith.constant 0 : i32
      %dma_wait3A_759 = arith.constant 0 : i32
      %dma_wait3A_760 = tpu.memref_slice %arg10[%dma_wait3A_758, %dma_wait3A_759] : memref<10240x16xf32, #tpu.memory_space<vmem_shared>> -> memref<10240x16xf32, #tpu.memory_space<vmem_shared>>
      tpu.wait_indirect_dma semaphore(%arg23 : memref<!tpu.dma_semaphore, #tpu.memory_space<semaphore_mem>>) src(%dma_wait3A_754 : memref<128x16xf32, #tpu.memory_space<vmem>>) dst(%dma_wait3A_760 : memref<10240x16xf32, #tpu.memory_space<vmem_shared>>)
      %mul3A_761 = arith.constant 8 : i32
      %mul3A_762 = arith.muli %add3A_452, %mul3A_761 : i32
      %add3A_763 = arith.constant 3 : i32
      %add3A_764 = arith.addi %mul3A_762, %add3A_763 : i32
      %dma_start3A_765 = arith.constant 3 : i32
      %dma_start3A_766 = arith.constant 0 : i32
      %dma_start3A_767 = arith.constant 0 : i32
      %dma_start3A_768 = tpu.memref_slice %arg9[%dma_start3A_765, %dma_start3A_766, %dma_start3A_767] : memref<8x128x16xf32, #tpu.memory_space<vmem>> -> memref<1x128x16xf32, #tpu.memory_space<vmem>>
      %dma_start3A_769 = tpu.memref_squeeze %dma_start3A_768 : memref<1x128x16xf32, #tpu.memory_space<vmem>> -> memref<128x16xf32, #tpu.memory_space<vmem>>
      %dma_start3A_770 = arith.constant 0 : i32
      %dma_start3A_771 = tpu.memref_slice %arg7[%add3A_764, %dma_start3A_770] : memref<80x128xi32, #tpu.memory_space<vmem>> -> memref<1x128xi32, #tpu.memory_space<vmem>>
      %dma_start3A_772 = tpu.memref_squeeze %dma_start3A_771 : memref<1x128xi32, #tpu.memory_space<vmem>> -> memref<128xi32, #tpu.memory_space<vmem>>
      %dma_start3A_773 = arith.constant 0 : i32
      %dma_start3A_774 = arith.constant 0 : i32
      %dma_start3A_775 = tpu.memref_slice %arg11[%dma_start3A_773, %dma_start3A_774] : memref<10240x16xf32, #tpu.memory_space<vmem_shared>> -> memref<10240x16xf32, #tpu.memory_space<vmem_shared>>
      tpu.enqueue_indirect_dma source(%dma_start3A_775 : memref<10240x16xf32, #tpu.memory_space<vmem_shared>>) target(%dma_start3A_769 : memref<128x16xf32, #tpu.memory_space<vmem>>) offsets(%dma_start3A_772 : memref<128xi32, #tpu.memory_space<vmem>>) semaphore(%arg15 : memref<!tpu.dma_semaphore, #tpu.memory_space<semaphore_mem>>)
      %add3A_776 = arith.constant 4 : i32
      %add3A_777 = arith.addi %mul3A_455, %add3A_776 : i32
      %dma_wait3A_778 = arith.constant 4 : i32
      %dma_wait3A_779 = arith.constant 0 : i32
      %dma_wait3A_780 = arith.constant 0 : i32
      %dma_wait3A_781 = tpu.memref_slice %arg9[%dma_wait3A_778, %dma_wait3A_779, %dma_wait3A_780] : memref<8x128x16xf32, #tpu.memory_space<vmem>> -> memref<1x128x16xf32, #tpu.memory_space<vmem>>
      %dma_wait3A_782 = tpu.memref_squeeze %dma_wait3A_781 : memref<1x128x16xf32, #tpu.memory_space<vmem>> -> memref<128x16xf32, #tpu.memory_space<vmem>>
      %dma_wait3A_783 = arith.constant 0 : i32
      %dma_wait3A_784 = tpu.memref_slice %arg8[%add3A_777, %dma_wait3A_783] : memref<80x128xi32, #tpu.memory_space<vmem>> -> memref<1x128xi32, #tpu.memory_space<vmem>>
      %dma_wait3A_785 = tpu.memref_squeeze %dma_wait3A_784 : memref<1x128xi32, #tpu.memory_space<vmem>> -> memref<128xi32, #tpu.memory_space<vmem>>
      %dma_wait3A_786 = arith.constant 0 : i32
      %dma_wait3A_787 = arith.constant 0 : i32
      %dma_wait3A_788 = tpu.memref_slice %arg10[%dma_wait3A_786, %dma_wait3A_787] : memref<10240x16xf32, #tpu.memory_space<vmem_shared>> -> memref<10240x16xf32, #tpu.memory_space<vmem_shared>>
      tpu.wait_indirect_dma semaphore(%arg24 : memref<!tpu.dma_semaphore, #tpu.memory_space<semaphore_mem>>) src(%dma_wait3A_782 : memref<128x16xf32, #tpu.memory_space<vmem>>) dst(%dma_wait3A_788 : memref<10240x16xf32, #tpu.memory_space<vmem_shared>>)
      %mul3A_789 = arith.constant 8 : i32
      %mul3A_790 = arith.muli %add3A_452, %mul3A_789 : i32
      %add3A_791 = arith.constant 4 : i32
      %add3A_792 = arith.addi %mul3A_790, %add3A_791 : i32
      %dma_start3A_793 = arith.constant 4 : i32
      %dma_start3A_794 = arith.constant 0 : i32
      %dma_start3A_795 = arith.constant 0 : i32
      %dma_start3A_796 = tpu.memref_slice %arg9[%dma_start3A_793, %dma_start3A_794, %dma_start3A_795] : memref<8x128x16xf32, #tpu.memory_space<vmem>> -> memref<1x128x16xf32, #tpu.memory_space<vmem>>
      %dma_start3A_797 = tpu.memref_squeeze %dma_start3A_796 : memref<1x128x16xf32, #tpu.memory_space<vmem>> -> memref<128x16xf32, #tpu.memory_space<vmem>>
      %dma_start3A_798 = arith.constant 0 : i32
      %dma_start3A_799 = tpu.memref_slice %arg7[%add3A_792, %dma_start3A_798] : memref<80x128xi32, #tpu.memory_space<vmem>> -> memref<1x128xi32, #tpu.memory_space<vmem>>
      %dma_start3A_800 = tpu.memref_squeeze %dma_start3A_799 : memref<1x128xi32, #tpu.memory_space<vmem>> -> memref<128xi32, #tpu.memory_space<vmem>>
      %dma_start3A_801 = arith.constant 0 : i32
      %dma_start3A_802 = arith.constant 0 : i32
      %dma_start3A_803 = tpu.memref_slice %arg11[%dma_start3A_801, %dma_start3A_802] : memref<10240x16xf32, #tpu.memory_space<vmem_shared>> -> memref<10240x16xf32, #tpu.memory_space<vmem_shared>>
      tpu.enqueue_indirect_dma source(%dma_start3A_803 : memref<10240x16xf32, #tpu.memory_space<vmem_shared>>) target(%dma_start3A_797 : memref<128x16xf32, #tpu.memory_space<vmem>>) offsets(%dma_start3A_800 : memref<128xi32, #tpu.memory_space<vmem>>) semaphore(%arg16 : memref<!tpu.dma_semaphore, #tpu.memory_space<semaphore_mem>>)
      %add3A_804 = arith.constant 5 : i32
      %add3A_805 = arith.addi %mul3A_455, %add3A_804 : i32
      %dma_wait3A_806 = arith.constant 5 : i32
      %dma_wait3A_807 = arith.constant 0 : i32
      %dma_wait3A_808 = arith.constant 0 : i32
      %dma_wait3A_809 = tpu.memref_slice %arg9[%dma_wait3A_806, %dma_wait3A_807, %dma_wait3A_808] : memref<8x128x16xf32, #tpu.memory_space<vmem>> -> memref<1x128x16xf32, #tpu.memory_space<vmem>>
      %dma_wait3A_810 = tpu.memref_squeeze %dma_wait3A_809 : memref<1x128x16xf32, #tpu.memory_space<vmem>> -> memref<128x16xf32, #tpu.memory_space<vmem>>
      %dma_wait3A_811 = arith.constant 0 : i32
      %dma_wait3A_812 = tpu.memref_slice %arg8[%add3A_805, %dma_wait3A_811] : memref<80x128xi32, #tpu.memory_space<vmem>> -> memref<1x128xi32, #tpu.memory_space<vmem>>
      %dma_wait3A_813 = tpu.memref_squeeze %dma_wait3A_812 : memref<1x128xi32, #tpu.memory_space<vmem>> -> memref<128xi32, #tpu.memory_space<vmem>>
      %dma_wait3A_814 = arith.constant 0 : i32
      %dma_wait3A_815 = arith.constant 0 : i32
      %dma_wait3A_816 = tpu.memref_slice %arg10[%dma_wait3A_814, %dma_wait3A_815] : memref<10240x16xf32, #tpu.memory_space<vmem_shared>> -> memref<10240x16xf32, #tpu.memory_space<vmem_shared>>
      tpu.wait_indirect_dma semaphore(%arg25 : memref<!tpu.dma_semaphore, #tpu.memory_space<semaphore_mem>>) src(%dma_wait3A_810 : memref<128x16xf32, #tpu.memory_space<vmem>>) dst(%dma_wait3A_816 : memref<10240x16xf32, #tpu.memory_space<vmem_shared>>)
      %mul3A_817 = arith.constant 8 : i32
      %mul3A_818 = arith.muli %add3A_452, %mul3A_817 : i32
      %add3A_819 = arith.constant 5 : i32
      %add3A_820 = arith.addi %mul3A_818, %add3A_819 : i32
      %dma_start3A_821 = arith.constant 5 : i32
      %dma_start3A_822 = arith.constant 0 : i32
      %dma_start3A_823 = arith.constant 0 : i32
      %dma_start3A_824 = tpu.memref_slice %arg9[%dma_start3A_821, %dma_start3A_822, %dma_start3A_823] : memref<8x128x16xf32, #tpu.memory_space<vmem>> -> memref<1x128x16xf32, #tpu.memory_space<vmem>>
      %dma_start3A_825 = tpu.memref_squeeze %dma_start3A_824 : memref<1x128x16xf32, #tpu.memory_space<vmem>> -> memref<128x16xf32, #tpu.memory_space<vmem>>
      %dma_start3A_826 = arith.constant 0 : i32
      %dma_start3A_827 = tpu.memref_slice %arg7[%add3A_820, %dma_start3A_826] : memref<80x128xi32, #tpu.memory_space<vmem>> -> memref<1x128xi32, #tpu.memory_space<vmem>>
      %dma_start3A_828 = tpu.memref_squeeze %dma_start3A_827 : memref<1x128xi32, #tpu.memory_space<vmem>> -> memref<128xi32, #tpu.memory_space<vmem>>
      %dma_start3A_829 = arith.constant 0 : i32
      %dma_start3A_830 = arith.constant 0 : i32
      %dma_start3A_831 = tpu.memref_slice %arg11[%dma_start3A_829, %dma_start3A_830] : memref<10240x16xf32, #tpu.memory_space<vmem_shared>> -> memref<10240x16xf32, #tpu.memory_space<vmem_shared>>
      tpu.enqueue_indirect_dma source(%dma_start3A_831 : memref<10240x16xf32, #tpu.memory_space<vmem_shared>>) target(%dma_start3A_825 : memref<128x16xf32, #tpu.memory_space<vmem>>) offsets(%dma_start3A_828 : memref<128xi32, #tpu.memory_space<vmem>>) semaphore(%arg17 : memref<!tpu.dma_semaphore, #tpu.memory_space<semaphore_mem>>)
      %add3A_832 = arith.constant 6 : i32
      %add3A_833 = arith.addi %mul3A_455, %add3A_832 : i32
      %dma_wait3A_834 = arith.constant 6 : i32
      %dma_wait3A_835 = arith.constant 0 : i32
      %dma_wait3A_836 = arith.constant 0 : i32
      %dma_wait3A_837 = tpu.memref_slice %arg9[%dma_wait3A_834, %dma_wait3A_835, %dma_wait3A_836] : memref<8x128x16xf32, #tpu.memory_space<vmem>> -> memref<1x128x16xf32, #tpu.memory_space<vmem>>
      %dma_wait3A_838 = tpu.memref_squeeze %dma_wait3A_837 : memref<1x128x16xf32, #tpu.memory_space<vmem>> -> memref<128x16xf32, #tpu.memory_space<vmem>>
      %dma_wait3A_839 = arith.constant 0 : i32
      %dma_wait3A_840 = tpu.memref_slice %arg8[%add3A_833, %dma_wait3A_839] : memref<80x128xi32, #tpu.memory_space<vmem>> -> memref<1x128xi32, #tpu.memory_space<vmem>>
      %dma_wait3A_841 = tpu.memref_squeeze %dma_wait3A_840 : memref<1x128xi32, #tpu.memory_space<vmem>> -> memref<128xi32, #tpu.memory_space<vmem>>
      %dma_wait3A_842 = arith.constant 0 : i32
      %dma_wait3A_843 = arith.constant 0 : i32
      %dma_wait3A_844 = tpu.memref_slice %arg10[%dma_wait3A_842, %dma_wait3A_843] : memref<10240x16xf32, #tpu.memory_space<vmem_shared>> -> memref<10240x16xf32, #tpu.memory_space<vmem_shared>>
      tpu.wait_indirect_dma semaphore(%arg26 : memref<!tpu.dma_semaphore, #tpu.memory_space<semaphore_mem>>) src(%dma_wait3A_838 : memref<128x16xf32, #tpu.memory_space<vmem>>) dst(%dma_wait3A_844 : memref<10240x16xf32, #tpu.memory_space<vmem_shared>>)
      %mul3A_845 = arith.constant 8 : i32
      %mul3A_846 = arith.muli %add3A_452, %mul3A_845 : i32
      %add3A_847 = arith.constant 6 : i32
      %add3A_848 = arith.addi %mul3A_846, %add3A_847 : i32
      %dma_start3A_849 = arith.constant 6 : i32
      %dma_start3A_850 = arith.constant 0 : i32
      %dma_start3A_851 = arith.constant 0 : i32
      %dma_start3A_852 = tpu.memref_slice %arg9[%dma_start3A_849, %dma_start3A_850, %dma_start3A_851] : memref<8x128x16xf32, #tpu.memory_space<vmem>> -> memref<1x128x16xf32, #tpu.memory_space<vmem>>
      %dma_start3A_853 = tpu.memref_squeeze %dma_start3A_852 : memref<1x128x16xf32, #tpu.memory_space<vmem>> -> memref<128x16xf32, #tpu.memory_space<vmem>>
      %dma_start3A_854 = arith.constant 0 : i32
      %dma_start3A_855 = tpu.memref_slice %arg7[%add3A_848, %dma_start3A_854] : memref<80x128xi32, #tpu.memory_space<vmem>> -> memref<1x128xi32, #tpu.memory_space<vmem>>
      %dma_start3A_856 = tpu.memref_squeeze %dma_start3A_855 : memref<1x128xi32, #tpu.memory_space<vmem>> -> memref<128xi32, #tpu.memory_space<vmem>>
      %dma_start3A_857 = arith.constant 0 : i32
      %dma_start3A_858 = arith.constant 0 : i32
      %dma_start3A_859 = tpu.memref_slice %arg11[%dma_start3A_857, %dma_start3A_858] : memref<10240x16xf32, #tpu.memory_space<vmem_shared>> -> memref<10240x16xf32, #tpu.memory_space<vmem_shared>>
      tpu.enqueue_indirect_dma source(%dma_start3A_859 : memref<10240x16xf32, #tpu.memory_space<vmem_shared>>) target(%dma_start3A_853 : memref<128x16xf32, #tpu.memory_space<vmem>>) offsets(%dma_start3A_856 : memref<128xi32, #tpu.memory_space<vmem>>) semaphore(%arg18 : memref<!tpu.dma_semaphore, #tpu.memory_space<semaphore_mem>>)
      %add3A_860 = arith.constant 7 : i32
      %add3A_861 = arith.addi %mul3A_455, %add3A_860 : i32
      %dma_wait3A_862 = arith.constant 7 : i32
      %dma_wait3A_863 = arith.constant 0 : i32
      %dma_wait3A_864 = arith.constant 0 : i32
      %dma_wait3A_865 = tpu.memref_slice %arg9[%dma_wait3A_862, %dma_wait3A_863, %dma_wait3A_864] : memref<8x128x16xf32, #tpu.memory_space<vmem>> -> memref<1x128x16xf32, #tpu.memory_space<vmem>>
      %dma_wait3A_866 = tpu.memref_squeeze %dma_wait3A_865 : memref<1x128x16xf32, #tpu.memory_space<vmem>> -> memref<128x16xf32, #tpu.memory_space<vmem>>
      %dma_wait3A_867 = arith.constant 0 : i32
      %dma_wait3A_868 = tpu.memref_slice %arg8[%add3A_861, %dma_wait3A_867] : memref<80x128xi32, #tpu.memory_space<vmem>> -> memref<1x128xi32, #tpu.memory_space<vmem>>
      %dma_wait3A_869 = tpu.memref_squeeze %dma_wait3A_868 : memref<1x128xi32, #tpu.memory_space<vmem>> -> memref<128xi32, #tpu.memory_space<vmem>>
      %dma_wait3A_870 = arith.constant 0 : i32
      %dma_wait3A_871 = arith.constant 0 : i32
      %dma_wait3A_872 = tpu.memref_slice %arg10[%dma_wait3A_870, %dma_wait3A_871] : memref<10240x16xf32, #tpu.memory_space<vmem_shared>> -> memref<10240x16xf32, #tpu.memory_space<vmem_shared>>
      tpu.wait_indirect_dma semaphore(%arg27 : memref<!tpu.dma_semaphore, #tpu.memory_space<semaphore_mem>>) src(%dma_wait3A_866 : memref<128x16xf32, #tpu.memory_space<vmem>>) dst(%dma_wait3A_872 : memref<10240x16xf32, #tpu.memory_space<vmem_shared>>)
      %mul3A_873 = arith.constant 8 : i32
      %mul3A_874 = arith.muli %add3A_452, %mul3A_873 : i32
      %add3A_875 = arith.constant 7 : i32
      %add3A_876 = arith.addi %mul3A_874, %add3A_875 : i32
      %dma_start3A_877 = arith.constant 7 : i32
      %dma_start3A_878 = arith.constant 0 : i32
      %dma_start3A_879 = arith.constant 0 : i32
      %dma_start3A_880 = tpu.memref_slice %arg9[%dma_start3A_877, %dma_start3A_878, %dma_start3A_879] : memref<8x128x16xf32, #tpu.memory_space<vmem>> -> memref<1x128x16xf32, #tpu.memory_space<vmem>>
      %dma_start3A_881 = tpu.memref_squeeze %dma_start3A_880 : memref<1x128x16xf32, #tpu.memory_space<vmem>> -> memref<128x16xf32, #tpu.memory_space<vmem>>
      %dma_start3A_882 = arith.constant 0 : i32
      %dma_start3A_883 = tpu.memref_slice %arg7[%add3A_876, %dma_start3A_882] : memref<80x128xi32, #tpu.memory_space<vmem>> -> memref<1x128xi32, #tpu.memory_space<vmem>>
      %dma_start3A_884 = tpu.memref_squeeze %dma_start3A_883 : memref<1x128xi32, #tpu.memory_space<vmem>> -> memref<128xi32, #tpu.memory_space<vmem>>
      %dma_start3A_885 = arith.constant 0 : i32
      %dma_start3A_886 = arith.constant 0 : i32
      %dma_start3A_887 = tpu.memref_slice %arg11[%dma_start3A_885, %dma_start3A_886] : memref<10240x16xf32, #tpu.memory_space<vmem_shared>> -> memref<10240x16xf32, #tpu.memory_space<vmem_shared>>
      tpu.enqueue_indirect_dma source(%dma_start3A_887 : memref<10240x16xf32, #tpu.memory_space<vmem_shared>>) target(%dma_start3A_881 : memref<128x16xf32, #tpu.memory_space<vmem>>) offsets(%dma_start3A_884 : memref<128xi32, #tpu.memory_space<vmem>>) semaphore(%arg19 : memref<!tpu.dma_semaphore, #tpu.memory_space<semaphore_mem>>)
    }
    %scan3A_154 = arith.constant 9 : i32
    %dma_wait3A_155 = arith.constant 72 : i32
    %dma_wait3A_156 = arith.constant 0 : i32
    %dma_wait3A_157 = arith.constant 0 : i32
    %dma_wait3A_158 = arith.constant 0 : i32
    %dma_wait3A_159 = tpu.memref_slice %arg9[%dma_wait3A_156, %dma_wait3A_157, %dma_wait3A_158] : memref<8x128x16xf32, #tpu.memory_space<vmem>> -> memref<1x128x16xf32, #tpu.memory_space<vmem>>
    %dma_wait3A_160 = tpu.memref_squeeze %dma_wait3A_159 : memref<1x128x16xf32, #tpu.memory_space<vmem>> -> memref<128x16xf32, #tpu.memory_space<vmem>>
    %dma_wait3A_161 = arith.constant 0 : i32
    %dma_wait3A_162 = tpu.memref_slice %arg7[%dma_wait3A_155, %dma_wait3A_161] : memref<80x128xi32, #tpu.memory_space<vmem>> -> memref<1x128xi32, #tpu.memory_space<vmem>>
    %dma_wait3A_163 = tpu.memref_squeeze %dma_wait3A_162 : memref<1x128xi32, #tpu.memory_space<vmem>> -> memref<128xi32, #tpu.memory_space<vmem>>
    %dma_wait3A_164 = arith.constant 0 : i32
    %dma_wait3A_165 = arith.constant 0 : i32
    %dma_wait3A_166 = tpu.memref_slice %arg11[%dma_wait3A_164, %dma_wait3A_165] : memref<10240x16xf32, #tpu.memory_space<vmem_shared>> -> memref<10240x16xf32, #tpu.memory_space<vmem_shared>>
    tpu.wait_indirect_dma semaphore(%arg12 : memref<!tpu.dma_semaphore, #tpu.memory_space<semaphore_mem>>) src(%dma_wait3A_166 : memref<10240x16xf32, #tpu.memory_space<vmem_shared>>) dst(%dma_wait3A_160 : memref<128x16xf32, #tpu.memory_space<vmem>>)
    %dma_start3A_167 = arith.constant 0 : i32
    %dma_start3A_168 = arith.constant 72 : i32
    %dma_start3A_169 = arith.constant 0 : i32
    %dma_start3A_170 = arith.constant 0 : i32
    %dma_start3A_171 = tpu.memref_slice %arg9[%dma_start3A_167, %dma_start3A_169, %dma_start3A_170] : memref<8x128x16xf32, #tpu.memory_space<vmem>> -> memref<1x128x16xf32, #tpu.memory_space<vmem>>
    %dma_start3A_172 = tpu.memref_squeeze %dma_start3A_171 : memref<1x128x16xf32, #tpu.memory_space<vmem>> -> memref<128x16xf32, #tpu.memory_space<vmem>>
    %dma_start3A_173 = arith.constant 0 : i32
    %dma_start3A_174 = tpu.memref_slice %arg8[%dma_start3A_168, %dma_start3A_173] : memref<80x128xi32, #tpu.memory_space<vmem>> -> memref<1x128xi32, #tpu.memory_space<vmem>>
    %dma_start3A_175 = tpu.memref_squeeze %dma_start3A_174 : memref<1x128xi32, #tpu.memory_space<vmem>> -> memref<128xi32, #tpu.memory_space<vmem>>
    %dma_start3A_176 = arith.constant 0 : i32
    %dma_start3A_177 = arith.constant 0 : i32
    %dma_start3A_178 = tpu.memref_slice %arg10[%dma_start3A_176, %dma_start3A_177] : memref<10240x16xf32, #tpu.memory_space<vmem_shared>> -> memref<10240x16xf32, #tpu.memory_space<vmem_shared>>
    tpu.enqueue_indirect_dma source(%dma_start3A_172 : memref<128x16xf32, #tpu.memory_space<vmem>>) target(%dma_start3A_178 : memref<10240x16xf32, #tpu.memory_space<vmem_shared>>) offsets(%dma_start3A_175 : memref<128xi32, #tpu.memory_space<vmem>>) semaphore(%arg20 : memref<!tpu.dma_semaphore, #tpu.memory_space<semaphore_mem>>) {add = true}
    %dma_wait3A_179 = arith.constant 73 : i32
    %dma_wait3A_180 = arith.constant 1 : i32
    %dma_wait3A_181 = arith.constant 0 : i32
    %dma_wait3A_182 = arith.constant 0 : i32
    %dma_wait3A_183 = tpu.memref_slice %arg9[%dma_wait3A_180, %dma_wait3A_181, %dma_wait3A_182] : memref<8x128x16xf32, #tpu.memory_space<vmem>> -> memref<1x128x16xf32, #tpu.memory_space<vmem>>
    %dma_wait3A_184 = tpu.memref_squeeze %dma_wait3A_183 : memref<1x128x16xf32, #tpu.memory_space<vmem>> -> memref<128x16xf32, #tpu.memory_space<vmem>>
    %dma_wait3A_185 = arith.constant 0 : i32
    %dma_wait3A_186 = tpu.memref_slice %arg7[%dma_wait3A_179, %dma_wait3A_185] : memref<80x128xi32, #tpu.memory_space<vmem>> -> memref<1x128xi32, #tpu.memory_space<vmem>>
    %dma_wait3A_187 = tpu.memref_squeeze %dma_wait3A_186 : memref<1x128xi32, #tpu.memory_space<vmem>> -> memref<128xi32, #tpu.memory_space<vmem>>
    %dma_wait3A_188 = arith.constant 0 : i32
    %dma_wait3A_189 = arith.constant 0 : i32
    %dma_wait3A_190 = tpu.memref_slice %arg11[%dma_wait3A_188, %dma_wait3A_189] : memref<10240x16xf32, #tpu.memory_space<vmem_shared>> -> memref<10240x16xf32, #tpu.memory_space<vmem_shared>>
    tpu.wait_indirect_dma semaphore(%arg13 : memref<!tpu.dma_semaphore, #tpu.memory_space<semaphore_mem>>) src(%dma_wait3A_190 : memref<10240x16xf32, #tpu.memory_space<vmem_shared>>) dst(%dma_wait3A_184 : memref<128x16xf32, #tpu.memory_space<vmem>>)
    %dma_start3A_191 = arith.constant 1 : i32
    %dma_start3A_192 = arith.constant 73 : i32
    %dma_start3A_193 = arith.constant 0 : i32
    %dma_start3A_194 = arith.constant 0 : i32
    %dma_start3A_195 = tpu.memref_slice %arg9[%dma_start3A_191, %dma_start3A_193, %dma_start3A_194] : memref<8x128x16xf32, #tpu.memory_space<vmem>> -> memref<1x128x16xf32, #tpu.memory_space<vmem>>
    %dma_start3A_196 = tpu.memref_squeeze %dma_start3A_195 : memref<1x128x16xf32, #tpu.memory_space<vmem>> -> memref<128x16xf32, #tpu.memory_space<vmem>>
    %dma_start3A_197 = arith.constant 0 : i32
    %dma_start3A_198 = tpu.memref_slice %arg8[%dma_start3A_192, %dma_start3A_197] : memref<80x128xi32, #tpu.memory_space<vmem>> -> memref<1x128xi32, #tpu.memory_space<vmem>>
    %dma_start3A_199 = tpu.memref_squeeze %dma_start3A_198 : memref<1x128xi32, #tpu.memory_space<vmem>> -> memref<128xi32, #tpu.memory_space<vmem>>
    %dma_start3A_200 = arith.constant 0 : i32
    %dma_start3A_201 = arith.constant 0 : i32
    %dma_start3A_202 = tpu.memref_slice %arg10[%dma_start3A_200, %dma_start3A_201] : memref<10240x16xf32, #tpu.memory_space<vmem_shared>> -> memref<10240x16xf32, #tpu.memory_space<vmem_shared>>
    tpu.enqueue_indirect_dma source(%dma_start3A_196 : memref<128x16xf32, #tpu.memory_space<vmem>>) target(%dma_start3A_202 : memref<10240x16xf32, #tpu.memory_space<vmem_shared>>) offsets(%dma_start3A_199 : memref<128xi32, #tpu.memory_space<vmem>>) semaphore(%arg21 : memref<!tpu.dma_semaphore, #tpu.memory_space<semaphore_mem>>) {add = true}
    %dma_wait3A_203 = arith.constant 74 : i32
    %dma_wait3A_204 = arith.constant 2 : i32
    %dma_wait3A_205 = arith.constant 0 : i32
    %dma_wait3A_206 = arith.constant 0 : i32
    %dma_wait3A_207 = tpu.memref_slice %arg9[%dma_wait3A_204, %dma_wait3A_205, %dma_wait3A_206] : memref<8x128x16xf32, #tpu.memory_space<vmem>> -> memref<1x128x16xf32, #tpu.memory_space<vmem>>
    %dma_wait3A_208 = tpu.memref_squeeze %dma_wait3A_207 : memref<1x128x16xf32, #tpu.memory_space<vmem>> -> memref<128x16xf32, #tpu.memory_space<vmem>>
    %dma_wait3A_209 = arith.constant 0 : i32
    %dma_wait3A_210 = tpu.memref_slice %arg7[%dma_wait3A_203, %dma_wait3A_209] : memref<80x128xi32, #tpu.memory_space<vmem>> -> memref<1x128xi32, #tpu.memory_space<vmem>>
    %dma_wait3A_211 = tpu.memref_squeeze %dma_wait3A_210 : memref<1x128xi32, #tpu.memory_space<vmem>> -> memref<128xi32, #tpu.memory_space<vmem>>
    %dma_wait3A_212 = arith.constant 0 : i32
    %dma_wait3A_213 = arith.constant 0 : i32
    %dma_wait3A_214 = tpu.memref_slice %arg11[%dma_wait3A_212, %dma_wait3A_213] : memref<10240x16xf32, #tpu.memory_space<vmem_shared>> -> memref<10240x16xf32, #tpu.memory_space<vmem_shared>>
    tpu.wait_indirect_dma semaphore(%arg14 : memref<!tpu.dma_semaphore, #tpu.memory_space<semaphore_mem>>) src(%dma_wait3A_214 : memref<10240x16xf32, #tpu.memory_space<vmem_shared>>) dst(%dma_wait3A_208 : memref<128x16xf32, #tpu.memory_space<vmem>>)
    %dma_start3A_215 = arith.constant 2 : i32
    %dma_start3A_216 = arith.constant 74 : i32
    %dma_start3A_217 = arith.constant 0 : i32
    %dma_start3A_218 = arith.constant 0 : i32
    %dma_start3A_219 = tpu.memref_slice %arg9[%dma_start3A_215, %dma_start3A_217, %dma_start3A_218] : memref<8x128x16xf32, #tpu.memory_space<vmem>> -> memref<1x128x16xf32, #tpu.memory_space<vmem>>
    %dma_start3A_220 = tpu.memref_squeeze %dma_start3A_219 : memref<1x128x16xf32, #tpu.memory_space<vmem>> -> memref<128x16xf32, #tpu.memory_space<vmem>>
    %dma_start3A_221 = arith.constant 0 : i32
    %dma_start3A_222 = tpu.memref_slice %arg8[%dma_start3A_216, %dma_start3A_221] : memref<80x128xi32, #tpu.memory_space<vmem>> -> memref<1x128xi32, #tpu.memory_space<vmem>>
    %dma_start3A_223 = tpu.memref_squeeze %dma_start3A_222 : memref<1x128xi32, #tpu.memory_space<vmem>> -> memref<128xi32, #tpu.memory_space<vmem>>
    %dma_start3A_224 = arith.constant 0 : i32
    %dma_start3A_225 = arith.constant 0 : i32
    %dma_start3A_226 = tpu.memref_slice %arg10[%dma_start3A_224, %dma_start3A_225] : memref<10240x16xf32, #tpu.memory_space<vmem_shared>> -> memref<10240x16xf32, #tpu.memory_space<vmem_shared>>
    tpu.enqueue_indirect_dma source(%dma_start3A_220 : memref<128x16xf32, #tpu.memory_space<vmem>>) target(%dma_start3A_226 : memref<10240x16xf32, #tpu.memory_space<vmem_shared>>) offsets(%dma_start3A_223 : memref<128xi32, #tpu.memory_space<vmem>>) semaphore(%arg22 : memref<!tpu.dma_semaphore, #tpu.memory_space<semaphore_mem>>) {add = true}
    %dma_wait3A_227 = arith.constant 75 : i32
    %dma_wait3A_228 = arith.constant 3 : i32
    %dma_wait3A_229 = arith.constant 0 : i32
    %dma_wait3A_230 = arith.constant 0 : i32
    %dma_wait3A_231 = tpu.memref_slice %arg9[%dma_wait3A_228, %dma_wait3A_229, %dma_wait3A_230] : memref<8x128x16xf32, #tpu.memory_space<vmem>> -> memref<1x128x16xf32, #tpu.memory_space<vmem>>
    %dma_wait3A_232 = tpu.memref_squeeze %dma_wait3A_231 : memref<1x128x16xf32, #tpu.memory_space<vmem>> -> memref<128x16xf32, #tpu.memory_space<vmem>>
    %dma_wait3A_233 = arith.constant 0 : i32
    %dma_wait3A_234 = tpu.memref_slice %arg7[%dma_wait3A_227, %dma_wait3A_233] : memref<80x128xi32, #tpu.memory_space<vmem>> -> memref<1x128xi32, #tpu.memory_space<vmem>>
    %dma_wait3A_235 = tpu.memref_squeeze %dma_wait3A_234 : memref<1x128xi32, #tpu.memory_space<vmem>> -> memref<128xi32, #tpu.memory_space<vmem>>
    %dma_wait3A_236 = arith.constant 0 : i32
    %dma_wait3A_237 = arith.constant 0 : i32
    %dma_wait3A_238 = tpu.memref_slice %arg11[%dma_wait3A_236, %dma_wait3A_237] : memref<10240x16xf32, #tpu.memory_space<vmem_shared>> -> memref<10240x16xf32, #tpu.memory_space<vmem_shared>>
    tpu.wait_indirect_dma semaphore(%arg15 : memref<!tpu.dma_semaphore, #tpu.memory_space<semaphore_mem>>) src(%dma_wait3A_238 : memref<10240x16xf32, #tpu.memory_space<vmem_shared>>) dst(%dma_wait3A_232 : memref<128x16xf32, #tpu.memory_space<vmem>>)
    %dma_start3A_239 = arith.constant 3 : i32
    %dma_start3A_240 = arith.constant 75 : i32
    %dma_start3A_241 = arith.constant 0 : i32
    %dma_start3A_242 = arith.constant 0 : i32
    %dma_start3A_243 = tpu.memref_slice %arg9[%dma_start3A_239, %dma_start3A_241, %dma_start3A_242] : memref<8x128x16xf32, #tpu.memory_space<vmem>> -> memref<1x128x16xf32, #tpu.memory_space<vmem>>
    %dma_start3A_244 = tpu.memref_squeeze %dma_start3A_243 : memref<1x128x16xf32, #tpu.memory_space<vmem>> -> memref<128x16xf32, #tpu.memory_space<vmem>>
    %dma_start3A_245 = arith.constant 0 : i32
    %dma_start3A_246 = tpu.memref_slice %arg8[%dma_start3A_240, %dma_start3A_245] : memref<80x128xi32, #tpu.memory_space<vmem>> -> memref<1x128xi32, #tpu.memory_space<vmem>>
    %dma_start3A_247 = tpu.memref_squeeze %dma_start3A_246 : memref<1x128xi32, #tpu.memory_space<vmem>> -> memref<128xi32, #tpu.memory_space<vmem>>
    %dma_start3A_248 = arith.constant 0 : i32
    %dma_start3A_249 = arith.constant 0 : i32
    %dma_start3A_250 = tpu.memref_slice %arg10[%dma_start3A_248, %dma_start3A_249] : memref<10240x16xf32, #tpu.memory_space<vmem_shared>> -> memref<10240x16xf32, #tpu.memory_space<vmem_shared>>
    tpu.enqueue_indirect_dma source(%dma_start3A_244 : memref<128x16xf32, #tpu.memory_space<vmem>>) target(%dma_start3A_250 : memref<10240x16xf32, #tpu.memory_space<vmem_shared>>) offsets(%dma_start3A_247 : memref<128xi32, #tpu.memory_space<vmem>>) semaphore(%arg23 : memref<!tpu.dma_semaphore, #tpu.memory_space<semaphore_mem>>) {add = true}
    %dma_wait3A_251 = arith.constant 76 : i32
    %dma_wait3A_252 = arith.constant 4 : i32
    %dma_wait3A_253 = arith.constant 0 : i32
    %dma_wait3A_254 = arith.constant 0 : i32
    %dma_wait3A_255 = tpu.memref_slice %arg9[%dma_wait3A_252, %dma_wait3A_253, %dma_wait3A_254] : memref<8x128x16xf32, #tpu.memory_space<vmem>> -> memref<1x128x16xf32, #tpu.memory_space<vmem>>
    %dma_wait3A_256 = tpu.memref_squeeze %dma_wait3A_255 : memref<1x128x16xf32, #tpu.memory_space<vmem>> -> memref<128x16xf32, #tpu.memory_space<vmem>>
    %dma_wait3A_257 = arith.constant 0 : i32
    %dma_wait3A_258 = tpu.memref_slice %arg7[%dma_wait3A_251, %dma_wait3A_257] : memref<80x128xi32, #tpu.memory_space<vmem>> -> memref<1x128xi32, #tpu.memory_space<vmem>>
    %dma_wait3A_259 = tpu.memref_squeeze %dma_wait3A_258 : memref<1x128xi32, #tpu.memory_space<vmem>> -> memref<128xi32, #tpu.memory_space<vmem>>
    %dma_wait3A_260 = arith.constant 0 : i32
    %dma_wait3A_261 = arith.constant 0 : i32
    %dma_wait3A_262 = tpu.memref_slice %arg11[%dma_wait3A_260, %dma_wait3A_261] : memref<10240x16xf32, #tpu.memory_space<vmem_shared>> -> memref<10240x16xf32, #tpu.memory_space<vmem_shared>>
    tpu.wait_indirect_dma semaphore(%arg16 : memref<!tpu.dma_semaphore, #tpu.memory_space<semaphore_mem>>) src(%dma_wait3A_262 : memref<10240x16xf32, #tpu.memory_space<vmem_shared>>) dst(%dma_wait3A_256 : memref<128x16xf32, #tpu.memory_space<vmem>>)
    %dma_start3A_263 = arith.constant 4 : i32
    %dma_start3A_264 = arith.constant 76 : i32
    %dma_start3A_265 = arith.constant 0 : i32
    %dma_start3A_266 = arith.constant 0 : i32
    %dma_start3A_267 = tpu.memref_slice %arg9[%dma_start3A_263, %dma_start3A_265, %dma_start3A_266] : memref<8x128x16xf32, #tpu.memory_space<vmem>> -> memref<1x128x16xf32, #tpu.memory_space<vmem>>
    %dma_start3A_268 = tpu.memref_squeeze %dma_start3A_267 : memref<1x128x16xf32, #tpu.memory_space<vmem>> -> memref<128x16xf32, #tpu.memory_space<vmem>>
    %dma_start3A_269 = arith.constant 0 : i32
    %dma_start3A_270 = tpu.memref_slice %arg8[%dma_start3A_264, %dma_start3A_269] : memref<80x128xi32, #tpu.memory_space<vmem>> -> memref<1x128xi32, #tpu.memory_space<vmem>>
    %dma_start3A_271 = tpu.memref_squeeze %dma_start3A_270 : memref<1x128xi32, #tpu.memory_space<vmem>> -> memref<128xi32, #tpu.memory_space<vmem>>
    %dma_start3A_272 = arith.constant 0 : i32
    %dma_start3A_273 = arith.constant 0 : i32
    %dma_start3A_274 = tpu.memref_slice %arg10[%dma_start3A_272, %dma_start3A_273] : memref<10240x16xf32, #tpu.memory_space<vmem_shared>> -> memref<10240x16xf32, #tpu.memory_space<vmem_shared>>
    tpu.enqueue_indirect_dma source(%dma_start3A_268 : memref<128x16xf32, #tpu.memory_space<vmem>>) target(%dma_start3A_274 : memref<10240x16xf32, #tpu.memory_space<vmem_shared>>) offsets(%dma_start3A_271 : memref<128xi32, #tpu.memory_space<vmem>>) semaphore(%arg24 : memref<!tpu.dma_semaphore, #tpu.memory_space<semaphore_mem>>) {add = true}
    %dma_wait3A_275 = arith.constant 77 : i32
    %dma_wait3A_276 = arith.constant 5 : i32
    %dma_wait3A_277 = arith.constant 0 : i32
    %dma_wait3A_278 = arith.constant 0 : i32
    %dma_wait3A_279 = tpu.memref_slice %arg9[%dma_wait3A_276, %dma_wait3A_277, %dma_wait3A_278] : memref<8x128x16xf32, #tpu.memory_space<vmem>> -> memref<1x128x16xf32, #tpu.memory_space<vmem>>
    %dma_wait3A_280 = tpu.memref_squeeze %dma_wait3A_279 : memref<1x128x16xf32, #tpu.memory_space<vmem>> -> memref<128x16xf32, #tpu.memory_space<vmem>>
    %dma_wait3A_281 = arith.constant 0 : i32
    %dma_wait3A_282 = tpu.memref_slice %arg7[%dma_wait3A_275, %dma_wait3A_281] : memref<80x128xi32, #tpu.memory_space<vmem>> -> memref<1x128xi32, #tpu.memory_space<vmem>>
    %dma_wait3A_283 = tpu.memref_squeeze %dma_wait3A_282 : memref<1x128xi32, #tpu.memory_space<vmem>> -> memref<128xi32, #tpu.memory_space<vmem>>
    %dma_wait3A_284 = arith.constant 0 : i32
    %dma_wait3A_285 = arith.constant 0 : i32
    %dma_wait3A_286 = tpu.memref_slice %arg11[%dma_wait3A_284, %dma_wait3A_285] : memref<10240x16xf32, #tpu.memory_space<vmem_shared>> -> memref<10240x16xf32, #tpu.memory_space<vmem_shared>>
    tpu.wait_indirect_dma semaphore(%arg17 : memref<!tpu.dma_semaphore, #tpu.memory_space<semaphore_mem>>) src(%dma_wait3A_286 : memref<10240x16xf32, #tpu.memory_space<vmem_shared>>) dst(%dma_wait3A_280 : memref<128x16xf32, #tpu.memory_space<vmem>>)
    %dma_start3A_287 = arith.constant 5 : i32
    %dma_start3A_288 = arith.constant 77 : i32
    %dma_start3A_289 = arith.constant 0 : i32
    %dma_start3A_290 = arith.constant 0 : i32
    %dma_start3A_291 = tpu.memref_slice %arg9[%dma_start3A_287, %dma_start3A_289, %dma_start3A_290] : memref<8x128x16xf32, #tpu.memory_space<vmem>> -> memref<1x128x16xf32, #tpu.memory_space<vmem>>
    %dma_start3A_292 = tpu.memref_squeeze %dma_start3A_291 : memref<1x128x16xf32, #tpu.memory_space<vmem>> -> memref<128x16xf32, #tpu.memory_space<vmem>>
    %dma_start3A_293 = arith.constant 0 : i32
    %dma_start3A_294 = tpu.memref_slice %arg8[%dma_start3A_288, %dma_start3A_293] : memref<80x128xi32, #tpu.memory_space<vmem>> -> memref<1x128xi32, #tpu.memory_space<vmem>>
    %dma_start3A_295 = tpu.memref_squeeze %dma_start3A_294 : memref<1x128xi32, #tpu.memory_space<vmem>> -> memref<128xi32, #tpu.memory_space<vmem>>
    %dma_start3A_296 = arith.constant 0 : i32
    %dma_start3A_297 = arith.constant 0 : i32
    %dma_start3A_298 = tpu.memref_slice %arg10[%dma_start3A_296, %dma_start3A_297] : memref<10240x16xf32, #tpu.memory_space<vmem_shared>> -> memref<10240x16xf32, #tpu.memory_space<vmem_shared>>
    tpu.enqueue_indirect_dma source(%dma_start3A_292 : memref<128x16xf32, #tpu.memory_space<vmem>>) target(%dma_start3A_298 : memref<10240x16xf32, #tpu.memory_space<vmem_shared>>) offsets(%dma_start3A_295 : memref<128xi32, #tpu.memory_space<vmem>>) semaphore(%arg25 : memref<!tpu.dma_semaphore, #tpu.memory_space<semaphore_mem>>) {add = true}
    %dma_wait3A_299 = arith.constant 78 : i32
    %dma_wait3A_300 = arith.constant 6 : i32
    %dma_wait3A_301 = arith.constant 0 : i32
    %dma_wait3A_302 = arith.constant 0 : i32
    %dma_wait3A_303 = tpu.memref_slice %arg9[%dma_wait3A_300, %dma_wait3A_301, %dma_wait3A_302] : memref<8x128x16xf32, #tpu.memory_space<vmem>> -> memref<1x128x16xf32, #tpu.memory_space<vmem>>
    %dma_wait3A_304 = tpu.memref_squeeze %dma_wait3A_303 : memref<1x128x16xf32, #tpu.memory_space<vmem>> -> memref<128x16xf32, #tpu.memory_space<vmem>>
    %dma_wait3A_305 = arith.constant 0 : i32
    %dma_wait3A_306 = tpu.memref_slice %arg7[%dma_wait3A_299, %dma_wait3A_305] : memref<80x128xi32, #tpu.memory_space<vmem>> -> memref<1x128xi32, #tpu.memory_space<vmem>>
    %dma_wait3A_307 = tpu.memref_squeeze %dma_wait3A_306 : memref<1x128xi32, #tpu.memory_space<vmem>> -> memref<128xi32, #tpu.memory_space<vmem>>
    %dma_wait3A_308 = arith.constant 0 : i32
    %dma_wait3A_309 = arith.constant 0 : i32
    %dma_wait3A_310 = tpu.memref_slice %arg11[%dma_wait3A_308, %dma_wait3A_309] : memref<10240x16xf32, #tpu.memory_space<vmem_shared>> -> memref<10240x16xf32, #tpu.memory_space<vmem_shared>>
    tpu.wait_indirect_dma semaphore(%arg18 : memref<!tpu.dma_semaphore, #tpu.memory_space<semaphore_mem>>) src(%dma_wait3A_310 : memref<10240x16xf32, #tpu.memory_space<vmem_shared>>) dst(%dma_wait3A_304 : memref<128x16xf32, #tpu.memory_space<vmem>>)
    %dma_start3A_311 = arith.constant 6 : i32
    %dma_start3A_312 = arith.constant 78 : i32
    %dma_start3A_313 = arith.constant 0 : i32
    %dma_start3A_314 = arith.constant 0 : i32
    %dma_start3A_315 = tpu.memref_slice %arg9[%dma_start3A_311, %dma_start3A_313, %dma_start3A_314] : memref<8x128x16xf32, #tpu.memory_space<vmem>> -> memref<1x128x16xf32, #tpu.memory_space<vmem>>
    %dma_start3A_316 = tpu.memref_squeeze %dma_start3A_315 : memref<1x128x16xf32, #tpu.memory_space<vmem>> -> memref<128x16xf32, #tpu.memory_space<vmem>>
    %dma_start3A_317 = arith.constant 0 : i32
    %dma_start3A_318 = tpu.memref_slice %arg8[%dma_start3A_312, %dma_start3A_317] : memref<80x128xi32, #tpu.memory_space<vmem>> -> memref<1x128xi32, #tpu.memory_space<vmem>>
    %dma_start3A_319 = tpu.memref_squeeze %dma_start3A_318 : memref<1x128xi32, #tpu.memory_space<vmem>> -> memref<128xi32, #tpu.memory_space<vmem>>
    %dma_start3A_320 = arith.constant 0 : i32
    %dma_start3A_321 = arith.constant 0 : i32
    %dma_start3A_322 = tpu.memref_slice %arg10[%dma_start3A_320, %dma_start3A_321] : memref<10240x16xf32, #tpu.memory_space<vmem_shared>> -> memref<10240x16xf32, #tpu.memory_space<vmem_shared>>
    tpu.enqueue_indirect_dma source(%dma_start3A_316 : memref<128x16xf32, #tpu.memory_space<vmem>>) target(%dma_start3A_322 : memref<10240x16xf32, #tpu.memory_space<vmem_shared>>) offsets(%dma_start3A_319 : memref<128xi32, #tpu.memory_space<vmem>>) semaphore(%arg26 : memref<!tpu.dma_semaphore, #tpu.memory_space<semaphore_mem>>) {add = true}
    %dma_wait3A_323 = arith.constant 79 : i32
    %dma_wait3A_324 = arith.constant 7 : i32
    %dma_wait3A_325 = arith.constant 0 : i32
    %dma_wait3A_326 = arith.constant 0 : i32
    %dma_wait3A_327 = tpu.memref_slice %arg9[%dma_wait3A_324, %dma_wait3A_325, %dma_wait3A_326] : memref<8x128x16xf32, #tpu.memory_space<vmem>> -> memref<1x128x16xf32, #tpu.memory_space<vmem>>
    %dma_wait3A_328 = tpu.memref_squeeze %dma_wait3A_327 : memref<1x128x16xf32, #tpu.memory_space<vmem>> -> memref<128x16xf32, #tpu.memory_space<vmem>>
    %dma_wait3A_329 = arith.constant 0 : i32
    %dma_wait3A_330 = tpu.memref_slice %arg7[%dma_wait3A_323, %dma_wait3A_329] : memref<80x128xi32, #tpu.memory_space<vmem>> -> memref<1x128xi32, #tpu.memory_space<vmem>>
    %dma_wait3A_331 = tpu.memref_squeeze %dma_wait3A_330 : memref<1x128xi32, #tpu.memory_space<vmem>> -> memref<128xi32, #tpu.memory_space<vmem>>
    %dma_wait3A_332 = arith.constant 0 : i32
    %dma_wait3A_333 = arith.constant 0 : i32
    %dma_wait3A_334 = tpu.memref_slice %arg11[%dma_wait3A_332, %dma_wait3A_333] : memref<10240x16xf32, #tpu.memory_space<vmem_shared>> -> memref<10240x16xf32, #tpu.memory_space<vmem_shared>>
    tpu.wait_indirect_dma semaphore(%arg19 : memref<!tpu.dma_semaphore, #tpu.memory_space<semaphore_mem>>) src(%dma_wait3A_334 : memref<10240x16xf32, #tpu.memory_space<vmem_shared>>) dst(%dma_wait3A_328 : memref<128x16xf32, #tpu.memory_space<vmem>>)
    %dma_start3A_335 = arith.constant 7 : i32
    %dma_start3A_336 = arith.constant 79 : i32
    %dma_start3A_337 = arith.constant 0 : i32
    %dma_start3A_338 = arith.constant 0 : i32
    %dma_start3A_339 = tpu.memref_slice %arg9[%dma_start3A_335, %dma_start3A_337, %dma_start3A_338] : memref<8x128x16xf32, #tpu.memory_space<vmem>> -> memref<1x128x16xf32, #tpu.memory_space<vmem>>
    %dma_start3A_340 = tpu.memref_squeeze %dma_start3A_339 : memref<1x128x16xf32, #tpu.memory_space<vmem>> -> memref<128x16xf32, #tpu.memory_space<vmem>>
    %dma_start3A_341 = arith.constant 0 : i32
    %dma_start3A_342 = tpu.memref_slice %arg8[%dma_start3A_336, %dma_start3A_341] : memref<80x128xi32, #tpu.memory_space<vmem>> -> memref<1x128xi32, #tpu.memory_space<vmem>>
    %dma_start3A_343 = tpu.memref_squeeze %dma_start3A_342 : memref<1x128xi32, #tpu.memory_space<vmem>> -> memref<128xi32, #tpu.memory_space<vmem>>
    %dma_start3A_344 = arith.constant 0 : i32
    %dma_start3A_345 = arith.constant 0 : i32
    %dma_start3A_346 = tpu.memref_slice %arg10[%dma_start3A_344, %dma_start3A_345] : memref<10240x16xf32, #tpu.memory_space<vmem_shared>> -> memref<10240x16xf32, #tpu.memory_space<vmem_shared>>
    tpu.enqueue_indirect_dma source(%dma_start3A_340 : memref<128x16xf32, #tpu.memory_space<vmem>>) target(%dma_start3A_346 : memref<10240x16xf32, #tpu.memory_space<vmem_shared>>) offsets(%dma_start3A_343 : memref<128xi32, #tpu.memory_space<vmem>>) semaphore(%arg27 : memref<!tpu.dma_semaphore, #tpu.memory_space<semaphore_mem>>) {add = true}
    %dma_wait3A_347 = arith.constant 0 : i32
    %dma_wait3A_348 = arith.constant 72 : i32
    %dma_wait3A_349 = arith.constant 0 : i32
    %dma_wait3A_350 = arith.constant 0 : i32
    %dma_wait3A_351 = tpu.memref_slice %arg9[%dma_wait3A_347, %dma_wait3A_349, %dma_wait3A_350] : memref<8x128x16xf32, #tpu.memory_space<vmem>> -> memref<1x128x16xf32, #tpu.memory_space<vmem>>
    %dma_wait3A_352 = tpu.memref_squeeze %dma_wait3A_351 : memref<1x128x16xf32, #tpu.memory_space<vmem>> -> memref<128x16xf32, #tpu.memory_space<vmem>>
    %dma_wait3A_353 = arith.constant 0 : i32
    %dma_wait3A_354 = tpu.memref_slice %arg8[%dma_wait3A_348, %dma_wait3A_353] : memref<80x128xi32, #tpu.memory_space<vmem>> -> memref<1x128xi32, #tpu.memory_space<vmem>>
    %dma_wait3A_355 = tpu.memref_squeeze %dma_wait3A_354 : memref<1x128xi32, #tpu.memory_space<vmem>> -> memref<128xi32, #tpu.memory_space<vmem>>
    %dma_wait3A_356 = arith.constant 0 : i32
    %dma_wait3A_357 = arith.constant 0 : i32
    %dma_wait3A_358 = tpu.memref_slice %arg10[%dma_wait3A_356, %dma_wait3A_357] : memref<10240x16xf32, #tpu.memory_space<vmem_shared>> -> memref<10240x16xf32, #tpu.memory_space<vmem_shared>>
    tpu.wait_indirect_dma semaphore(%arg20 : memref<!tpu.dma_semaphore, #tpu.memory_space<semaphore_mem>>) src(%dma_wait3A_352 : memref<128x16xf32, #tpu.memory_space<vmem>>) dst(%dma_wait3A_358 : memref<10240x16xf32, #tpu.memory_space<vmem_shared>>)
    %dma_wait3A_359 = arith.constant 1 : i32
    %dma_wait3A_360 = arith.constant 73 : i32
    %dma_wait3A_361 = arith.constant 0 : i32
    %dma_wait3A_362 = arith.constant 0 : i32
    %dma_wait3A_363 = tpu.memref_slice %arg9[%dma_wait3A_359, %dma_wait3A_361, %dma_wait3A_362] : memref<8x128x16xf32, #tpu.memory_space<vmem>> -> memref<1x128x16xf32, #tpu.memory_space<vmem>>
    %dma_wait3A_364 = tpu.memref_squeeze %dma_wait3A_363 : memref<1x128x16xf32, #tpu.memory_space<vmem>> -> memref<128x16xf32, #tpu.memory_space<vmem>>
    %dma_wait3A_365 = arith.constant 0 : i32
    %dma_wait3A_366 = tpu.memref_slice %arg8[%dma_wait3A_360, %dma_wait3A_365] : memref<80x128xi32, #tpu.memory_space<vmem>> -> memref<1x128xi32, #tpu.memory_space<vmem>>
    %dma_wait3A_367 = tpu.memref_squeeze %dma_wait3A_366 : memref<1x128xi32, #tpu.memory_space<vmem>> -> memref<128xi32, #tpu.memory_space<vmem>>
    %dma_wait3A_368 = arith.constant 0 : i32
    %dma_wait3A_369 = arith.constant 0 : i32
    %dma_wait3A_370 = tpu.memref_slice %arg10[%dma_wait3A_368, %dma_wait3A_369] : memref<10240x16xf32, #tpu.memory_space<vmem_shared>> -> memref<10240x16xf32, #tpu.memory_space<vmem_shared>>
    tpu.wait_indirect_dma semaphore(%arg21 : memref<!tpu.dma_semaphore, #tpu.memory_space<semaphore_mem>>) src(%dma_wait3A_364 : memref<128x16xf32, #tpu.memory_space<vmem>>) dst(%dma_wait3A_370 : memref<10240x16xf32, #tpu.memory_space<vmem_shared>>)
    %dma_wait3A_371 = arith.constant 2 : i32
    %dma_wait3A_372 = arith.constant 74 : i32
    %dma_wait3A_373 = arith.constant 0 : i32
    %dma_wait3A_374 = arith.constant 0 : i32
    %dma_wait3A_375 = tpu.memref_slice %arg9[%dma_wait3A_371, %dma_wait3A_373, %dma_wait3A_374] : memref<8x128x16xf32, #tpu.memory_space<vmem>> -> memref<1x128x16xf32, #tpu.memory_space<vmem>>
    %dma_wait3A_376 = tpu.memref_squeeze %dma_wait3A_375 : memref<1x128x16xf32, #tpu.memory_space<vmem>> -> memref<128x16xf32, #tpu.memory_space<vmem>>
    %dma_wait3A_377 = arith.constant 0 : i32
    %dma_wait3A_378 = tpu.memref_slice %arg8[%dma_wait3A_372, %dma_wait3A_377] : memref<80x128xi32, #tpu.memory_space<vmem>> -> memref<1x128xi32, #tpu.memory_space<vmem>>
    %dma_wait3A_379 = tpu.memref_squeeze %dma_wait3A_378 : memref<1x128xi32, #tpu.memory_space<vmem>> -> memref<128xi32, #tpu.memory_space<vmem>>
    %dma_wait3A_380 = arith.constant 0 : i32
    %dma_wait3A_381 = arith.constant 0 : i32
    %dma_wait3A_382 = tpu.memref_slice %arg10[%dma_wait3A_380, %dma_wait3A_381] : memref<10240x16xf32, #tpu.memory_space<vmem_shared>> -> memref<10240x16xf32, #tpu.memory_space<vmem_shared>>
    tpu.wait_indirect_dma semaphore(%arg22 : memref<!tpu.dma_semaphore, #tpu.memory_space<semaphore_mem>>) src(%dma_wait3A_376 : memref<128x16xf32, #tpu.memory_space<vmem>>) dst(%dma_wait3A_382 : memref<10240x16xf32, #tpu.memory_space<vmem_shared>>)
    %dma_wait3A_383 = arith.constant 3 : i32
    %dma_wait3A_384 = arith.constant 75 : i32
    %dma_wait3A_385 = arith.constant 0 : i32
    %dma_wait3A_386 = arith.constant 0 : i32
    %dma_wait3A_387 = tpu.memref_slice %arg9[%dma_wait3A_383, %dma_wait3A_385, %dma_wait3A_386] : memref<8x128x16xf32, #tpu.memory_space<vmem>> -> memref<1x128x16xf32, #tpu.memory_space<vmem>>
    %dma_wait3A_388 = tpu.memref_squeeze %dma_wait3A_387 : memref<1x128x16xf32, #tpu.memory_space<vmem>> -> memref<128x16xf32, #tpu.memory_space<vmem>>
    %dma_wait3A_389 = arith.constant 0 : i32
    %dma_wait3A_390 = tpu.memref_slice %arg8[%dma_wait3A_384, %dma_wait3A_389] : memref<80x128xi32, #tpu.memory_space<vmem>> -> memref<1x128xi32, #tpu.memory_space<vmem>>
    %dma_wait3A_391 = tpu.memref_squeeze %dma_wait3A_390 : memref<1x128xi32, #tpu.memory_space<vmem>> -> memref<128xi32, #tpu.memory_space<vmem>>
    %dma_wait3A_392 = arith.constant 0 : i32
    %dma_wait3A_393 = arith.constant 0 : i32
    %dma_wait3A_394 = tpu.memref_slice %arg10[%dma_wait3A_392, %dma_wait3A_393] : memref<10240x16xf32, #tpu.memory_space<vmem_shared>> -> memref<10240x16xf32, #tpu.memory_space<vmem_shared>>
    tpu.wait_indirect_dma semaphore(%arg23 : memref<!tpu.dma_semaphore, #tpu.memory_space<semaphore_mem>>) src(%dma_wait3A_388 : memref<128x16xf32, #tpu.memory_space<vmem>>) dst(%dma_wait3A_394 : memref<10240x16xf32, #tpu.memory_space<vmem_shared>>)
    %dma_wait3A_395 = arith.constant 4 : i32
    %dma_wait3A_396 = arith.constant 76 : i32
    %dma_wait3A_397 = arith.constant 0 : i32
    %dma_wait3A_398 = arith.constant 0 : i32
    %dma_wait3A_399 = tpu.memref_slice %arg9[%dma_wait3A_395, %dma_wait3A_397, %dma_wait3A_398] : memref<8x128x16xf32, #tpu.memory_space<vmem>> -> memref<1x128x16xf32, #tpu.memory_space<vmem>>
    %dma_wait3A_400 = tpu.memref_squeeze %dma_wait3A_399 : memref<1x128x16xf32, #tpu.memory_space<vmem>> -> memref<128x16xf32, #tpu.memory_space<vmem>>
    %dma_wait3A_401 = arith.constant 0 : i32
    %dma_wait3A_402 = tpu.memref_slice %arg8[%dma_wait3A_396, %dma_wait3A_401] : memref<80x128xi32, #tpu.memory_space<vmem>> -> memref<1x128xi32, #tpu.memory_space<vmem>>
    %dma_wait3A_403 = tpu.memref_squeeze %dma_wait3A_402 : memref<1x128xi32, #tpu.memory_space<vmem>> -> memref<128xi32, #tpu.memory_space<vmem>>
    %dma_wait3A_404 = arith.constant 0 : i32
    %dma_wait3A_405 = arith.constant 0 : i32
    %dma_wait3A_406 = tpu.memref_slice %arg10[%dma_wait3A_404, %dma_wait3A_405] : memref<10240x16xf32, #tpu.memory_space<vmem_shared>> -> memref<10240x16xf32, #tpu.memory_space<vmem_shared>>
    tpu.wait_indirect_dma semaphore(%arg24 : memref<!tpu.dma_semaphore, #tpu.memory_space<semaphore_mem>>) src(%dma_wait3A_400 : memref<128x16xf32, #tpu.memory_space<vmem>>) dst(%dma_wait3A_406 : memref<10240x16xf32, #tpu.memory_space<vmem_shared>>)
    %dma_wait3A_407 = arith.constant 5 : i32
    %dma_wait3A_408 = arith.constant 77 : i32
    %dma_wait3A_409 = arith.constant 0 : i32
    %dma_wait3A_410 = arith.constant 0 : i32
    %dma_wait3A_411 = tpu.memref_slice %arg9[%dma_wait3A_407, %dma_wait3A_409, %dma_wait3A_410] : memref<8x128x16xf32, #tpu.memory_space<vmem>> -> memref<1x128x16xf32, #tpu.memory_space<vmem>>
    %dma_wait3A_412 = tpu.memref_squeeze %dma_wait3A_411 : memref<1x128x16xf32, #tpu.memory_space<vmem>> -> memref<128x16xf32, #tpu.memory_space<vmem>>
    %dma_wait3A_413 = arith.constant 0 : i32
    %dma_wait3A_414 = tpu.memref_slice %arg8[%dma_wait3A_408, %dma_wait3A_413] : memref<80x128xi32, #tpu.memory_space<vmem>> -> memref<1x128xi32, #tpu.memory_space<vmem>>
    %dma_wait3A_415 = tpu.memref_squeeze %dma_wait3A_414 : memref<1x128xi32, #tpu.memory_space<vmem>> -> memref<128xi32, #tpu.memory_space<vmem>>
    %dma_wait3A_416 = arith.constant 0 : i32
    %dma_wait3A_417 = arith.constant 0 : i32
    %dma_wait3A_418 = tpu.memref_slice %arg10[%dma_wait3A_416, %dma_wait3A_417] : memref<10240x16xf32, #tpu.memory_space<vmem_shared>> -> memref<10240x16xf32, #tpu.memory_space<vmem_shared>>
    tpu.wait_indirect_dma semaphore(%arg25 : memref<!tpu.dma_semaphore, #tpu.memory_space<semaphore_mem>>) src(%dma_wait3A_412 : memref<128x16xf32, #tpu.memory_space<vmem>>) dst(%dma_wait3A_418 : memref<10240x16xf32, #tpu.memory_space<vmem_shared>>)
    %dma_wait3A_419 = arith.constant 6 : i32
    %dma_wait3A_420 = arith.constant 78 : i32
    %dma_wait3A_421 = arith.constant 0 : i32
    %dma_wait3A_422 = arith.constant 0 : i32
    %dma_wait3A_423 = tpu.memref_slice %arg9[%dma_wait3A_419, %dma_wait3A_421, %dma_wait3A_422] : memref<8x128x16xf32, #tpu.memory_space<vmem>> -> memref<1x128x16xf32, #tpu.memory_space<vmem>>
    %dma_wait3A_424 = tpu.memref_squeeze %dma_wait3A_423 : memref<1x128x16xf32, #tpu.memory_space<vmem>> -> memref<128x16xf32, #tpu.memory_space<vmem>>
    %dma_wait3A_425 = arith.constant 0 : i32
    %dma_wait3A_426 = tpu.memref_slice %arg8[%dma_wait3A_420, %dma_wait3A_425] : memref<80x128xi32, #tpu.memory_space<vmem>> -> memref<1x128xi32, #tpu.memory_space<vmem>>
    %dma_wait3A_427 = tpu.memref_squeeze %dma_wait3A_426 : memref<1x128xi32, #tpu.memory_space<vmem>> -> memref<128xi32, #tpu.memory_space<vmem>>
    %dma_wait3A_428 = arith.constant 0 : i32
    %dma_wait3A_429 = arith.constant 0 : i32
    %dma_wait3A_430 = tpu.memref_slice %arg10[%dma_wait3A_428, %dma_wait3A_429] : memref<10240x16xf32, #tpu.memory_space<vmem_shared>> -> memref<10240x16xf32, #tpu.memory_space<vmem_shared>>
    tpu.wait_indirect_dma semaphore(%arg26 : memref<!tpu.dma_semaphore, #tpu.memory_space<semaphore_mem>>) src(%dma_wait3A_424 : memref<128x16xf32, #tpu.memory_space<vmem>>) dst(%dma_wait3A_430 : memref<10240x16xf32, #tpu.memory_space<vmem_shared>>)
    %dma_wait3A_431 = arith.constant 7 : i32
    %dma_wait3A_432 = arith.constant 79 : i32
    %dma_wait3A_433 = arith.constant 0 : i32
    %dma_wait3A_434 = arith.constant 0 : i32
    %dma_wait3A_435 = tpu.memref_slice %arg9[%dma_wait3A_431, %dma_wait3A_433, %dma_wait3A_434] : memref<8x128x16xf32, #tpu.memory_space<vmem>> -> memref<1x128x16xf32, #tpu.memory_space<vmem>>
    %dma_wait3A_436 = tpu.memref_squeeze %dma_wait3A_435 : memref<1x128x16xf32, #tpu.memory_space<vmem>> -> memref<128x16xf32, #tpu.memory_space<vmem>>
    %dma_wait3A_437 = arith.constant 0 : i32
    %dma_wait3A_438 = tpu.memref_slice %arg8[%dma_wait3A_432, %dma_wait3A_437] : memref<80x128xi32, #tpu.memory_space<vmem>> -> memref<1x128xi32, #tpu.memory_space<vmem>>
    %dma_wait3A_439 = tpu.memref_squeeze %dma_wait3A_438 : memref<1x128xi32, #tpu.memory_space<vmem>> -> memref<128xi32, #tpu.memory_space<vmem>>
    %dma_wait3A_440 = arith.constant 0 : i32
    %dma_wait3A_441 = arith.constant 0 : i32
    %dma_wait3A_442 = tpu.memref_slice %arg10[%dma_wait3A_440, %dma_wait3A_441] : memref<10240x16xf32, #tpu.memory_space<vmem_shared>> -> memref<10240x16xf32, #tpu.memory_space<vmem_shared>>
    tpu.wait_indirect_dma semaphore(%arg27 : memref<!tpu.dma_semaphore, #tpu.memory_space<semaphore_mem>>) src(%dma_wait3A_436 : memref<128x16xf32, #tpu.memory_space<vmem>>) dst(%dma_wait3A_442 : memref<10240x16xf32, #tpu.memory_space<vmem_shared>>)
    %barrier3A_443 = arith.constant 0 : index
    tpu.barrier barrier_id(%barrier3A_443)
    %mul3A_444 = arith.constant 640 : i32
    %mul3A_445 = arith.muli %arg1, %mul3A_444 : i32
    %mul3A_446 = arith.constant 640 : i32
    %mul3A_447 = arith.muli %arg1, %mul3A_446 : i32
    "tpu.region"() ({
      %run_scoped3A = tpu.sem_alloc : memref<!tpu.dma_semaphore, #tpu.memory_space<semaphore_mem>>
      %dma_start3A_448 = arith.constant 0 : i32
      %dma_start3A_449 = tpu.memref_slice %arg6[%arg0, %mul3A_447, %dma_start3A_448] : memref<2x10240x16xf32, #tpu.memory_space<hbm>> -> memref<1x640x16xf32, #tpu.memory_space<hbm>>
      %dma_start3A_450 = tpu.memref_squeeze %dma_start3A_449 : memref<1x640x16xf32, #tpu.memory_space<hbm>> -> memref<640x16xf32, #tpu.memory_space<hbm>>
      %dma_start3A_451 = arith.constant 0 : i32
      %dma_start3A_452 = tpu.memref_slice %arg10[%mul3A_445, %dma_start3A_451] : memref<10240x16xf32, #tpu.memory_space<vmem_shared>> -> memref<640x16xf32, #tpu.memory_space<vmem_shared>>
      tpu.enqueue_dma source(%dma_start3A_452 : memref<640x16xf32, #tpu.memory_space<vmem_shared>>) target(%dma_start3A_450 : memref<640x16xf32, #tpu.memory_space<hbm>>) target_semaphore(%run_scoped3A : memref<!tpu.dma_semaphore, #tpu.memory_space<semaphore_mem>>)
      %dma_wait3A_453 = arith.constant 0 : i32
      %dma_wait3A_454 = tpu.memref_slice %arg6[%arg0, %mul3A_447, %dma_wait3A_453] : memref<2x10240x16xf32, #tpu.memory_space<hbm>> -> memref<1x640x16xf32, #tpu.memory_space<hbm>>
      %dma_wait3A_455 = tpu.memref_squeeze %dma_wait3A_454 : memref<1x640x16xf32, #tpu.memory_space<hbm>> -> memref<640x16xf32, #tpu.memory_space<hbm>>
      %dma_wait3A_456 = arith.constant 0 : i32
      %dma_wait3A_457 = tpu.memref_slice %arg10[%mul3A_445, %dma_wait3A_456] : memref<10240x16xf32, #tpu.memory_space<vmem_shared>> -> memref<640x16xf32, #tpu.memory_space<vmem_shared>>
      tpu.wait_dma2 semaphore(%run_scoped3A : memref<!tpu.dma_semaphore, #tpu.memory_space<semaphore_mem>>) src(%dma_wait3A_457 : memref<640x16xf32, #tpu.memory_space<vmem_shared>>) dst(%dma_wait3A_455 : memref<640x16xf32, #tpu.memory_space<hbm>>)
      tpu.yield
    }) : () -> ()
    return
  }
}

#map = affine_map<(d0, d1) -> (0, 0, 0)>
#map1 = affine_map<(d0, d1) -> (0, 0)>
module attributes {stable_mosaic.version = 14 : i64} {
  func.func @k(%arg0: i32, %arg1: i32, %arg2: memref<32x80x128xi32, #tpu.memory_space<hbm>>, %arg3: memref<10240x16xf32, #tpu.memory_space<hbm>>, %arg4: memref<2x10240x16xf32, #tpu.memory_space<hbm>>, %arg5: memref<80x128xi32, #tpu.memory_space<vmem>>, %arg6: memref<128x16xf32, #tpu.memory_space<vmem>>, %arg7: memref<10240x16xf32, #tpu.memory_space<vmem_shared>>, %arg8: memref<!tpu.dma_semaphore, #tpu.memory_space<semaphore_mem>>, %arg9: memref<!tpu.dma_semaphore, #tpu.memory_space<semaphore_mem>>, %arg10: memref<!tpu.dma_semaphore, #tpu.memory_space<semaphore_mem>>, %arg11: memref<!tpu.dma_semaphore, #tpu.memory_space<semaphore_mem>>, %arg12: memref<!tpu.dma_semaphore, #tpu.memory_space<semaphore_mem>>, %arg13: memref<!tpu.dma_semaphore, #tpu.memory_space<semaphore_mem>>, %arg14: memref<!tpu.dma_semaphore, #tpu.memory_space<semaphore_mem>>, %arg15: memref<!tpu.dma_semaphore, #tpu.memory_space<semaphore_mem>>, %arg16: memref<!tpu.dma_semaphore, #tpu.memory_space<semaphore_mem>>) attributes {dimension_semantics = [#tpu.dimension_semantics<core_parallel>, #tpu.dimension_semantics<subcore_parallel>], iteration_bounds = array<i64: 2, 16>, scalar_prefetch = 0 : i64, scratch_operands = 12 : i64, tpu.core_type = #tpu.core_type<sc_vector_subcore>, window_params = [{transform_indices = #map}, {transform_indices = #map1}, {transform_indices = #map}]} {
    %mul3A = arith.constant 16 : i32
    %mul3A_0 = arith.muli %arg0, %mul3A : i32
    %add3A = arith.addi %mul3A_0, %arg1 : i32
    %scan3A = arith.constant 0 : i32
    %scan3A_1 = arith.constant 128 : i32
    %scan3A_2 = arith.addi %scan3A, %scan3A_1 : i32
    %scan3A_3 = arith.constant 1 : i32
    scf.for %scan3A_153 = %scan3A to %scan3A_2 step %scan3A_3  : i32 {
      %mul3A_154 = arith.constant 1 : i32
      %mul3A_155 = arith.muli %scan3A_153, %mul3A_154 : i32
      %add3A_156 = arith.constant 0 : i32
      %add3A_157 = arith.addi %add3A_156, %mul3A_155 : i32
      %broadcast_in_dim3A = arith.constant 1.000000e+00 : f32
      %broadcast_in_dim3A_158 = vector.broadcast %broadcast_in_dim3A : f32 to vector<16xf32>
      %swap3A = arith.index_cast %add3A_157 : i32 to index
      %swap3A_159 = arith.constant 0 : index
      %swap3A_160 = tpu.vector_load %arg6[%swap3A, %swap3A_159] {strides = array<i32>} : memref<128x16xf32, #tpu.memory_space<vmem>>, vector<1x16xf32>,
      %swap3A_161 = vector.shape_cast %swap3A_160 : vector<1x16xf32> to vector<16xf32>
      %swap3A_162 = vector.shape_cast %broadcast_in_dim3A_158 : vector<16xf32> to vector<1x16xf32>
      tpu.vector_store %arg6[%swap3A, %swap3A_159], %swap3A_162 {strides = array<i32>} : memref<128x16xf32, #tpu.memory_space<vmem>>, vector<1x16xf32>,
    }
    %scan3A_4 = arith.constant 128 : i32
    %mul3A_5 = arith.constant 640 : i32
    %mul3A_6 = arith.muli %arg1, %mul3A_5 : i32
    %mul3A_7 = arith.constant 640 : i32
    %mul3A_8 = arith.muli %arg1, %mul3A_7 : i32
    %dma_start3A = arith.constant 0 : i32
    %dma_start3A_9 = tpu.memref_slice %arg7[%mul3A_8, %dma_start3A] : memref<10240x16xf32, #tpu.memory_space<vmem_shared>> -> memref<640x16xf32, #tpu.memory_space<vmem_shared>>
    %dma_start3A_10 = arith.constant 0 : i32
    %dma_start3A_11 = tpu.memref_slice %arg3[%mul3A_6, %dma_start3A_10] : memref<10240x16xf32, #tpu.memory_space<hbm>> -> memref<640x16xf32, #tpu.memory_space<hbm>>
    tpu.enqueue_dma source(%dma_start3A_11 : memref<640x16xf32, #tpu.memory_space<hbm>>) target(%dma_start3A_9 : memref<640x16xf32, #tpu.memory_space<vmem_shared>>) target_semaphore(%arg16 : memref<!tpu.dma_semaphore, #tpu.memory_space<semaphore_mem>>)
    %dma_start3A_12 = arith.constant 0 : i32
    %dma_start3A_13 = arith.constant 0 : i32
    %dma_start3A_14 = tpu.memref_slice %arg2[%add3A, %dma_start3A_12, %dma_start3A_13] : memref<32x80x128xi32, #tpu.memory_space<hbm>> -> memref<1x80x128xi32, #tpu.memory_space<hbm>>
    %dma_start3A_15 = tpu.memref_squeeze %dma_start3A_14 : memref<1x80x128xi32, #tpu.memory_space<hbm>> -> memref<80x128xi32, #tpu.memory_space<hbm>>
    %dma_start3A_16 = arith.constant 0 : i32
    %dma_start3A_17 = arith.constant 0 : i32
    %dma_start3A_18 = tpu.memref_slice %arg2[%add3A, %dma_start3A_16, %dma_start3A_17] : memref<32x80x128xi32, #tpu.memory_space<hbm>> -> memref<1x80x128xi32, #tpu.memory_space<hbm>>
    %dma_start3A_19 = tpu.memref_squeeze %dma_start3A_18 : memref<1x80x128xi32, #tpu.memory_space<hbm>> -> memref<80x128xi32, #tpu.memory_space<hbm>>
    tpu.enqueue_dma source(%dma_start3A_19 : memref<80x128xi32, #tpu.memory_space<hbm>>) target(%arg5 : memref<80x128xi32, #tpu.memory_space<vmem>>) target_semaphore(%arg16 : memref<!tpu.dma_semaphore, #tpu.memory_space<semaphore_mem>>)
    %dma_wait3A = arith.constant 0 : i32
    %dma_wait3A_20 = tpu.memref_slice %arg7[%mul3A_8, %dma_wait3A] : memref<10240x16xf32, #tpu.memory_space<vmem_shared>> -> memref<640x16xf32, #tpu.memory_space<vmem_shared>>
    %dma_wait3A_21 = arith.constant 0 : i32
    %dma_wait3A_22 = tpu.memref_slice %arg3[%mul3A_6, %dma_wait3A_21] : memref<10240x16xf32, #tpu.memory_space<hbm>> -> memref<640x16xf32, #tpu.memory_space<hbm>>
    tpu.wait_dma2 semaphore(%arg16 : memref<!tpu.dma_semaphore, #tpu.memory_space<semaphore_mem>>) src(%dma_wait3A_22 : memref<640x16xf32, #tpu.memory_space<hbm>>) dst(%dma_wait3A_20 : memref<640x16xf32, #tpu.memory_space<vmem_shared>>)
    %dma_wait3A_23 = arith.constant 0 : i32
    %dma_wait3A_24 = arith.constant 0 : i32
    %dma_wait3A_25 = tpu.memref_slice %arg2[%add3A, %dma_wait3A_23, %dma_wait3A_24] : memref<32x80x128xi32, #tpu.memory_space<hbm>> -> memref<1x80x128xi32, #tpu.memory_space<hbm>>
    %dma_wait3A_26 = tpu.memref_squeeze %dma_wait3A_25 : memref<1x80x128xi32, #tpu.memory_space<hbm>> -> memref<80x128xi32, #tpu.memory_space<hbm>>
    %dma_wait3A_27 = arith.constant 0 : i32
    %dma_wait3A_28 = arith.constant 0 : i32
    %dma_wait3A_29 = tpu.memref_slice %arg2[%add3A, %dma_wait3A_27, %dma_wait3A_28] : memref<32x80x128xi32, #tpu.memory_space<hbm>> -> memref<1x80x128xi32, #tpu.memory_space<hbm>>
    %dma_wait3A_30 = tpu.memref_squeeze %dma_wait3A_29 : memref<1x80x128xi32, #tpu.memory_space<hbm>> -> memref<80x128xi32, #tpu.memory_space<hbm>>
    tpu.wait_dma2 semaphore(%arg16 : memref<!tpu.dma_semaphore, #tpu.memory_space<semaphore_mem>>) src(%dma_wait3A_30 : memref<80x128xi32, #tpu.memory_space<hbm>>) dst(%arg5 : memref<80x128xi32, #tpu.memory_space<vmem>>)
    %barrier3A = arith.constant 0 : index
    tpu.barrier barrier_id(%barrier3A)
    %dma_start3A_31 = arith.constant 0 : i32
    %dma_start3A_32 = arith.constant 0 : i32
    %dma_start3A_33 = tpu.memref_slice %arg5[%dma_start3A_31, %dma_start3A_32] : memref<80x128xi32, #tpu.memory_space<vmem>> -> memref<1x128xi32, #tpu.memory_space<vmem>>
    %dma_start3A_34 = tpu.memref_squeeze %dma_start3A_33 : memref<1x128xi32, #tpu.memory_space<vmem>> -> memref<128xi32, #tpu.memory_space<vmem>>
    %dma_start3A_35 = arith.constant 0 : i32
    %dma_start3A_36 = arith.constant 0 : i32
    %dma_start3A_37 = tpu.memref_slice %arg7[%dma_start3A_35, %dma_start3A_36] : memref<10240x16xf32, #tpu.memory_space<vmem_shared>> -> memref<10240x16xf32, #tpu.memory_space<vmem_shared>>
    tpu.enqueue_indirect_dma source(%arg6 : memref<128x16xf32, #tpu.memory_space<vmem>>) target(%dma_start3A_37 : memref<10240x16xf32, #tpu.memory_space<vmem_shared>>) offsets(%dma_start3A_34 : memref<128xi32, #tpu.memory_space<vmem>>) semaphore(%arg8 : memref<!tpu.dma_semaphore, #tpu.memory_space<semaphore_mem>>) {add = true}
    %dma_start3A_38 = arith.constant 1 : i32
    %dma_start3A_39 = arith.constant 0 : i32
    %dma_start3A_40 = tpu.memref_slice %arg5[%dma_start3A_38, %dma_start3A_39] : memref<80x128xi32, #tpu.memory_space<vmem>> -> memref<1x128xi32, #tpu.memory_space<vmem>>
    %dma_start3A_41 = tpu.memref_squeeze %dma_start3A_40 : memref<1x128xi32, #tpu.memory_space<vmem>> -> memref<128xi32, #tpu.memory_space<vmem>>
    %dma_start3A_42 = arith.constant 0 : i32
    %dma_start3A_43 = arith.constant 0 : i32
    %dma_start3A_44 = tpu.memref_slice %arg7[%dma_start3A_42, %dma_start3A_43] : memref<10240x16xf32, #tpu.memory_space<vmem_shared>> -> memref<10240x16xf32, #tpu.memory_space<vmem_shared>>
    tpu.enqueue_indirect_dma source(%arg6 : memref<128x16xf32, #tpu.memory_space<vmem>>) target(%dma_start3A_44 : memref<10240x16xf32, #tpu.memory_space<vmem_shared>>) offsets(%dma_start3A_41 : memref<128xi32, #tpu.memory_space<vmem>>) semaphore(%arg9 : memref<!tpu.dma_semaphore, #tpu.memory_space<semaphore_mem>>) {add = true}
    %dma_start3A_45 = arith.constant 2 : i32
    %dma_start3A_46 = arith.constant 0 : i32
    %dma_start3A_47 = tpu.memref_slice %arg5[%dma_start3A_45, %dma_start3A_46] : memref<80x128xi32, #tpu.memory_space<vmem>> -> memref<1x128xi32, #tpu.memory_space<vmem>>
    %dma_start3A_48 = tpu.memref_squeeze %dma_start3A_47 : memref<1x128xi32, #tpu.memory_space<vmem>> -> memref<128xi32, #tpu.memory_space<vmem>>
    %dma_start3A_49 = arith.constant 0 : i32
    %dma_start3A_50 = arith.constant 0 : i32
    %dma_start3A_51 = tpu.memref_slice %arg7[%dma_start3A_49, %dma_start3A_50] : memref<10240x16xf32, #tpu.memory_space<vmem_shared>> -> memref<10240x16xf32, #tpu.memory_space<vmem_shared>>
    tpu.enqueue_indirect_dma source(%arg6 : memref<128x16xf32, #tpu.memory_space<vmem>>) target(%dma_start3A_51 : memref<10240x16xf32, #tpu.memory_space<vmem_shared>>) offsets(%dma_start3A_48 : memref<128xi32, #tpu.memory_space<vmem>>) semaphore(%arg10 : memref<!tpu.dma_semaphore, #tpu.memory_space<semaphore_mem>>) {add = true}
    %dma_start3A_52 = arith.constant 3 : i32
    %dma_start3A_53 = arith.constant 0 : i32
    %dma_start3A_54 = tpu.memref_slice %arg5[%dma_start3A_52, %dma_start3A_53] : memref<80x128xi32, #tpu.memory_space<vmem>> -> memref<1x128xi32, #tpu.memory_space<vmem>>
    %dma_start3A_55 = tpu.memref_squeeze %dma_start3A_54 : memref<1x128xi32, #tpu.memory_space<vmem>> -> memref<128xi32, #tpu.memory_space<vmem>>
    %dma_start3A_56 = arith.constant 0 : i32
    %dma_start3A_57 = arith.constant 0 : i32
    %dma_start3A_58 = tpu.memref_slice %arg7[%dma_start3A_56, %dma_start3A_57] : memref<10240x16xf32, #tpu.memory_space<vmem_shared>> -> memref<10240x16xf32, #tpu.memory_space<vmem_shared>>
    tpu.enqueue_indirect_dma source(%arg6 : memref<128x16xf32, #tpu.memory_space<vmem>>) target(%dma_start3A_58 : memref<10240x16xf32, #tpu.memory_space<vmem_shared>>) offsets(%dma_start3A_55 : memref<128xi32, #tpu.memory_space<vmem>>) semaphore(%arg11 : memref<!tpu.dma_semaphore, #tpu.memory_space<semaphore_mem>>) {add = true}
    %dma_start3A_59 = arith.constant 4 : i32
    %dma_start3A_60 = arith.constant 0 : i32
    %dma_start3A_61 = tpu.memref_slice %arg5[%dma_start3A_59, %dma_start3A_60] : memref<80x128xi32, #tpu.memory_space<vmem>> -> memref<1x128xi32, #tpu.memory_space<vmem>>
    %dma_start3A_62 = tpu.memref_squeeze %dma_start3A_61 : memref<1x128xi32, #tpu.memory_space<vmem>> -> memref<128xi32, #tpu.memory_space<vmem>>
    %dma_start3A_63 = arith.constant 0 : i32
    %dma_start3A_64 = arith.constant 0 : i32
    %dma_start3A_65 = tpu.memref_slice %arg7[%dma_start3A_63, %dma_start3A_64] : memref<10240x16xf32, #tpu.memory_space<vmem_shared>> -> memref<10240x16xf32, #tpu.memory_space<vmem_shared>>
    tpu.enqueue_indirect_dma source(%arg6 : memref<128x16xf32, #tpu.memory_space<vmem>>) target(%dma_start3A_65 : memref<10240x16xf32, #tpu.memory_space<vmem_shared>>) offsets(%dma_start3A_62 : memref<128xi32, #tpu.memory_space<vmem>>) semaphore(%arg12 : memref<!tpu.dma_semaphore, #tpu.memory_space<semaphore_mem>>) {add = true}
    %dma_start3A_66 = arith.constant 5 : i32
    %dma_start3A_67 = arith.constant 0 : i32
    %dma_start3A_68 = tpu.memref_slice %arg5[%dma_start3A_66, %dma_start3A_67] : memref<80x128xi32, #tpu.memory_space<vmem>> -> memref<1x128xi32, #tpu.memory_space<vmem>>
    %dma_start3A_69 = tpu.memref_squeeze %dma_start3A_68 : memref<1x128xi32, #tpu.memory_space<vmem>> -> memref<128xi32, #tpu.memory_space<vmem>>
    %dma_start3A_70 = arith.constant 0 : i32
    %dma_start3A_71 = arith.constant 0 : i32
    %dma_start3A_72 = tpu.memref_slice %arg7[%dma_start3A_70, %dma_start3A_71] : memref<10240x16xf32, #tpu.memory_space<vmem_shared>> -> memref<10240x16xf32, #tpu.memory_space<vmem_shared>>
    tpu.enqueue_indirect_dma source(%arg6 : memref<128x16xf32, #tpu.memory_space<vmem>>) target(%dma_start3A_72 : memref<10240x16xf32, #tpu.memory_space<vmem_shared>>) offsets(%dma_start3A_69 : memref<128xi32, #tpu.memory_space<vmem>>) semaphore(%arg13 : memref<!tpu.dma_semaphore, #tpu.memory_space<semaphore_mem>>) {add = true}
    %dma_start3A_73 = arith.constant 6 : i32
    %dma_start3A_74 = arith.constant 0 : i32
    %dma_start3A_75 = tpu.memref_slice %arg5[%dma_start3A_73, %dma_start3A_74] : memref<80x128xi32, #tpu.memory_space<vmem>> -> memref<1x128xi32, #tpu.memory_space<vmem>>
    %dma_start3A_76 = tpu.memref_squeeze %dma_start3A_75 : memref<1x128xi32, #tpu.memory_space<vmem>> -> memref<128xi32, #tpu.memory_space<vmem>>
    %dma_start3A_77 = arith.constant 0 : i32
    %dma_start3A_78 = arith.constant 0 : i32
    %dma_start3A_79 = tpu.memref_slice %arg7[%dma_start3A_77, %dma_start3A_78] : memref<10240x16xf32, #tpu.memory_space<vmem_shared>> -> memref<10240x16xf32, #tpu.memory_space<vmem_shared>>
    tpu.enqueue_indirect_dma source(%arg6 : memref<128x16xf32, #tpu.memory_space<vmem>>) target(%dma_start3A_79 : memref<10240x16xf32, #tpu.memory_space<vmem_shared>>) offsets(%dma_start3A_76 : memref<128xi32, #tpu.memory_space<vmem>>) semaphore(%arg14 : memref<!tpu.dma_semaphore, #tpu.memory_space<semaphore_mem>>) {add = true}
    %dma_start3A_80 = arith.constant 7 : i32
    %dma_start3A_81 = arith.constant 0 : i32
    %dma_start3A_82 = tpu.memref_slice %arg5[%dma_start3A_80, %dma_start3A_81] : memref<80x128xi32, #tpu.memory_space<vmem>> -> memref<1x128xi32, #tpu.memory_space<vmem>>
    %dma_start3A_83 = tpu.memref_squeeze %dma_start3A_82 : memref<1x128xi32, #tpu.memory_space<vmem>> -> memref<128xi32, #tpu.memory_space<vmem>>
    %dma_start3A_84 = arith.constant 0 : i32
    %dma_start3A_85 = arith.constant 0 : i32
    %dma_start3A_86 = tpu.memref_slice %arg7[%dma_start3A_84, %dma_start3A_85] : memref<10240x16xf32, #tpu.memory_space<vmem_shared>> -> memref<10240x16xf32, #tpu.memory_space<vmem_shared>>
    tpu.enqueue_indirect_dma source(%arg6 : memref<128x16xf32, #tpu.memory_space<vmem>>) target(%dma_start3A_86 : memref<10240x16xf32, #tpu.memory_space<vmem_shared>>) offsets(%dma_start3A_83 : memref<128xi32, #tpu.memory_space<vmem>>) semaphore(%arg15 : memref<!tpu.dma_semaphore, #tpu.memory_space<semaphore_mem>>) {add = true}
    %scan3A_87 = arith.constant 0 : i32
    %scan3A_88 = arith.constant 9 : i32
    %scan3A_89 = arith.addi %scan3A_87, %scan3A_88 : i32
    %scan3A_90 = arith.constant 1 : i32
    scf.for %scan3A_153 = %scan3A_87 to %scan3A_89 step %scan3A_90  : i32 {
      %mul3A_154 = arith.constant 1 : i32
      %mul3A_155 = arith.muli %scan3A_153, %mul3A_154 : i32
      %add3A_156 = arith.constant 1 : i32
      %add3A_157 = arith.addi %add3A_156, %mul3A_155 : i32
      %sub3A = arith.constant 1 : i32
      %sub3A_158 = arith.subi %add3A_157, %sub3A : i32
      %mul3A_159 = arith.constant 8 : i32
      %mul3A_160 = arith.muli %sub3A_158, %mul3A_159 : i32
      %add3A_161 = arith.constant 0 : i32
      %add3A_162 = arith.addi %mul3A_160, %add3A_161 : i32
      %dma_wait3A_163 = arith.constant 0 : i32
      %dma_wait3A_164 = tpu.memref_slice %arg5[%add3A_162, %dma_wait3A_163] : memref<80x128xi32, #tpu.memory_space<vmem>> -> memref<1x128xi32, #tpu.memory_space<vmem>>
      %dma_wait3A_165 = tpu.memref_squeeze %dma_wait3A_164 : memref<1x128xi32, #tpu.memory_space<vmem>> -> memref<128xi32, #tpu.memory_space<vmem>>
      %dma_wait3A_166 = arith.constant 0 : i32
      %dma_wait3A_167 = arith.constant 0 : i32
      %dma_wait3A_168 = tpu.memref_slice %arg7[%dma_wait3A_166, %dma_wait3A_167] : memref<10240x16xf32, #tpu.memory_space<vmem_shared>> -> memref<10240x16xf32, #tpu.memory_space<vmem_shared>>
      tpu.wait_indirect_dma semaphore(%arg8 : memref<!tpu.dma_semaphore, #tpu.memory_space<semaphore_mem>>) src(%arg6 : memref<128x16xf32, #tpu.memory_space<vmem>>) dst(%dma_wait3A_168 : memref<10240x16xf32, #tpu.memory_space<vmem_shared>>)
      %mul3A_169 = arith.constant 8 : i32
      %mul3A_170 = arith.muli %add3A_157, %mul3A_169 : i32
      %add3A_171 = arith.constant 0 : i32
      %add3A_172 = arith.addi %mul3A_170, %add3A_171 : i32
      %dma_start3A_173 = arith.constant 0 : i32
      %dma_start3A_174 = tpu.memref_slice %arg5[%add3A_172, %dma_start3A_173] : memref<80x128xi32, #tpu.memory_space<vmem>> -> memref<1x128xi32, #tpu.memory_space<vmem>>
      %dma_start3A_175 = tpu.memref_squeeze %dma_start3A_174 : memref<1x128xi32, #tpu.memory_space<vmem>> -> memref<128xi32, #tpu.memory_space<vmem>>
      %dma_start3A_176 = arith.constant 0 : i32
      %dma_start3A_177 = arith.constant 0 : i32
      %dma_start3A_178 = tpu.memref_slice %arg7[%dma_start3A_176, %dma_start3A_177] : memref<10240x16xf32, #tpu.memory_space<vmem_shared>> -> memref<10240x16xf32, #tpu.memory_space<vmem_shared>>
      tpu.enqueue_indirect_dma source(%arg6 : memref<128x16xf32, #tpu.memory_space<vmem>>) target(%dma_start3A_178 : memref<10240x16xf32, #tpu.memory_space<vmem_shared>>) offsets(%dma_start3A_175 : memref<128xi32, #tpu.memory_space<vmem>>) semaphore(%arg8 : memref<!tpu.dma_semaphore, #tpu.memory_space<semaphore_mem>>) {add = true}
      %add3A_179 = arith.constant 1 : i32
      %add3A_180 = arith.addi %mul3A_160, %add3A_179 : i32
      %dma_wait3A_181 = arith.constant 0 : i32
      %dma_wait3A_182 = tpu.memref_slice %arg5[%add3A_180, %dma_wait3A_181] : memref<80x128xi32, #tpu.memory_space<vmem>> -> memref<1x128xi32, #tpu.memory_space<vmem>>
      %dma_wait3A_183 = tpu.memref_squeeze %dma_wait3A_182 : memref<1x128xi32, #tpu.memory_space<vmem>> -> memref<128xi32, #tpu.memory_space<vmem>>
      %dma_wait3A_184 = arith.constant 0 : i32
      %dma_wait3A_185 = arith.constant 0 : i32
      %dma_wait3A_186 = tpu.memref_slice %arg7[%dma_wait3A_184, %dma_wait3A_185] : memref<10240x16xf32, #tpu.memory_space<vmem_shared>> -> memref<10240x16xf32, #tpu.memory_space<vmem_shared>>
      tpu.wait_indirect_dma semaphore(%arg9 : memref<!tpu.dma_semaphore, #tpu.memory_space<semaphore_mem>>) src(%arg6 : memref<128x16xf32, #tpu.memory_space<vmem>>) dst(%dma_wait3A_186 : memref<10240x16xf32, #tpu.memory_space<vmem_shared>>)
      %mul3A_187 = arith.constant 8 : i32
      %mul3A_188 = arith.muli %add3A_157, %mul3A_187 : i32
      %add3A_189 = arith.constant 1 : i32
      %add3A_190 = arith.addi %mul3A_188, %add3A_189 : i32
      %dma_start3A_191 = arith.constant 0 : i32
      %dma_start3A_192 = tpu.memref_slice %arg5[%add3A_190, %dma_start3A_191] : memref<80x128xi32, #tpu.memory_space<vmem>> -> memref<1x128xi32, #tpu.memory_space<vmem>>
      %dma_start3A_193 = tpu.memref_squeeze %dma_start3A_192 : memref<1x128xi32, #tpu.memory_space<vmem>> -> memref<128xi32, #tpu.memory_space<vmem>>
      %dma_start3A_194 = arith.constant 0 : i32
      %dma_start3A_195 = arith.constant 0 : i32
      %dma_start3A_196 = tpu.memref_slice %arg7[%dma_start3A_194, %dma_start3A_195] : memref<10240x16xf32, #tpu.memory_space<vmem_shared>> -> memref<10240x16xf32, #tpu.memory_space<vmem_shared>>
      tpu.enqueue_indirect_dma source(%arg6 : memref<128x16xf32, #tpu.memory_space<vmem>>) target(%dma_start3A_196 : memref<10240x16xf32, #tpu.memory_space<vmem_shared>>) offsets(%dma_start3A_193 : memref<128xi32, #tpu.memory_space<vmem>>) semaphore(%arg9 : memref<!tpu.dma_semaphore, #tpu.memory_space<semaphore_mem>>) {add = true}
      %add3A_197 = arith.constant 2 : i32
      %add3A_198 = arith.addi %mul3A_160, %add3A_197 : i32
      %dma_wait3A_199 = arith.constant 0 : i32
      %dma_wait3A_200 = tpu.memref_slice %arg5[%add3A_198, %dma_wait3A_199] : memref<80x128xi32, #tpu.memory_space<vmem>> -> memref<1x128xi32, #tpu.memory_space<vmem>>
      %dma_wait3A_201 = tpu.memref_squeeze %dma_wait3A_200 : memref<1x128xi32, #tpu.memory_space<vmem>> -> memref<128xi32, #tpu.memory_space<vmem>>
      %dma_wait3A_202 = arith.constant 0 : i32
      %dma_wait3A_203 = arith.constant 0 : i32
      %dma_wait3A_204 = tpu.memref_slice %arg7[%dma_wait3A_202, %dma_wait3A_203] : memref<10240x16xf32, #tpu.memory_space<vmem_shared>> -> memref<10240x16xf32, #tpu.memory_space<vmem_shared>>
      tpu.wait_indirect_dma semaphore(%arg10 : memref<!tpu.dma_semaphore, #tpu.memory_space<semaphore_mem>>) src(%arg6 : memref<128x16xf32, #tpu.memory_space<vmem>>) dst(%dma_wait3A_204 : memref<10240x16xf32, #tpu.memory_space<vmem_shared>>)
      %mul3A_205 = arith.constant 8 : i32
      %mul3A_206 = arith.muli %add3A_157, %mul3A_205 : i32
      %add3A_207 = arith.constant 2 : i32
      %add3A_208 = arith.addi %mul3A_206, %add3A_207 : i32
      %dma_start3A_209 = arith.constant 0 : i32
      %dma_start3A_210 = tpu.memref_slice %arg5[%add3A_208, %dma_start3A_209] : memref<80x128xi32, #tpu.memory_space<vmem>> -> memref<1x128xi32, #tpu.memory_space<vmem>>
      %dma_start3A_211 = tpu.memref_squeeze %dma_start3A_210 : memref<1x128xi32, #tpu.memory_space<vmem>> -> memref<128xi32, #tpu.memory_space<vmem>>
      %dma_start3A_212 = arith.constant 0 : i32
      %dma_start3A_213 = arith.constant 0 : i32
      %dma_start3A_214 = tpu.memref_slice %arg7[%dma_start3A_212, %dma_start3A_213] : memref<10240x16xf32, #tpu.memory_space<vmem_shared>> -> memref<10240x16xf32, #tpu.memory_space<vmem_shared>>
      tpu.enqueue_indirect_dma source(%arg6 : memref<128x16xf32, #tpu.memory_space<vmem>>) target(%dma_start3A_214 : memref<10240x16xf32, #tpu.memory_space<vmem_shared>>) offsets(%dma_start3A_211 : memref<128xi32, #tpu.memory_space<vmem>>) semaphore(%arg10 : memref<!tpu.dma_semaphore, #tpu.memory_space<semaphore_mem>>) {add = true}
      %add3A_215 = arith.constant 3 : i32
      %add3A_216 = arith.addi %mul3A_160, %add3A_215 : i32
      %dma_wait3A_217 = arith.constant 0 : i32
      %dma_wait3A_218 = tpu.memref_slice %arg5[%add3A_216, %dma_wait3A_217] : memref<80x128xi32, #tpu.memory_space<vmem>> -> memref<1x128xi32, #tpu.memory_space<vmem>>
      %dma_wait3A_219 = tpu.memref_squeeze %dma_wait3A_218 : memref<1x128xi32, #tpu.memory_space<vmem>> -> memref<128xi32, #tpu.memory_space<vmem>>
      %dma_wait3A_220 = arith.constant 0 : i32
      %dma_wait3A_221 = arith.constant 0 : i32
      %dma_wait3A_222 = tpu.memref_slice %arg7[%dma_wait3A_220, %dma_wait3A_221] : memref<10240x16xf32, #tpu.memory_space<vmem_shared>> -> memref<10240x16xf32, #tpu.memory_space<vmem_shared>>
      tpu.wait_indirect_dma semaphore(%arg11 : memref<!tpu.dma_semaphore, #tpu.memory_space<semaphore_mem>>) src(%arg6 : memref<128x16xf32, #tpu.memory_space<vmem>>) dst(%dma_wait3A_222 : memref<10240x16xf32, #tpu.memory_space<vmem_shared>>)
      %mul3A_223 = arith.constant 8 : i32
      %mul3A_224 = arith.muli %add3A_157, %mul3A_223 : i32
      %add3A_225 = arith.constant 3 : i32
      %add3A_226 = arith.addi %mul3A_224, %add3A_225 : i32
      %dma_start3A_227 = arith.constant 0 : i32
      %dma_start3A_228 = tpu.memref_slice %arg5[%add3A_226, %dma_start3A_227] : memref<80x128xi32, #tpu.memory_space<vmem>> -> memref<1x128xi32, #tpu.memory_space<vmem>>
      %dma_start3A_229 = tpu.memref_squeeze %dma_start3A_228 : memref<1x128xi32, #tpu.memory_space<vmem>> -> memref<128xi32, #tpu.memory_space<vmem>>
      %dma_start3A_230 = arith.constant 0 : i32
      %dma_start3A_231 = arith.constant 0 : i32
      %dma_start3A_232 = tpu.memref_slice %arg7[%dma_start3A_230, %dma_start3A_231] : memref<10240x16xf32, #tpu.memory_space<vmem_shared>> -> memref<10240x16xf32, #tpu.memory_space<vmem_shared>>
      tpu.enqueue_indirect_dma source(%arg6 : memref<128x16xf32, #tpu.memory_space<vmem>>) target(%dma_start3A_232 : memref<10240x16xf32, #tpu.memory_space<vmem_shared>>) offsets(%dma_start3A_229 : memref<128xi32, #tpu.memory_space<vmem>>) semaphore(%arg11 : memref<!tpu.dma_semaphore, #tpu.memory_space<semaphore_mem>>) {add = true}
      %add3A_233 = arith.constant 4 : i32
      %add3A_234 = arith.addi %mul3A_160, %add3A_233 : i32
      %dma_wait3A_235 = arith.constant 0 : i32
      %dma_wait3A_236 = tpu.memref_slice %arg5[%add3A_234, %dma_wait3A_235] : memref<80x128xi32, #tpu.memory_space<vmem>> -> memref<1x128xi32, #tpu.memory_space<vmem>>
      %dma_wait3A_237 = tpu.memref_squeeze %dma_wait3A_236 : memref<1x128xi32, #tpu.memory_space<vmem>> -> memref<128xi32, #tpu.memory_space<vmem>>
      %dma_wait3A_238 = arith.constant 0 : i32
      %dma_wait3A_239 = arith.constant 0 : i32
      %dma_wait3A_240 = tpu.memref_slice %arg7[%dma_wait3A_238, %dma_wait3A_239] : memref<10240x16xf32, #tpu.memory_space<vmem_shared>> -> memref<10240x16xf32, #tpu.memory_space<vmem_shared>>
      tpu.wait_indirect_dma semaphore(%arg12 : memref<!tpu.dma_semaphore, #tpu.memory_space<semaphore_mem>>) src(%arg6 : memref<128x16xf32, #tpu.memory_space<vmem>>) dst(%dma_wait3A_240 : memref<10240x16xf32, #tpu.memory_space<vmem_shared>>)
      %mul3A_241 = arith.constant 8 : i32
      %mul3A_242 = arith.muli %add3A_157, %mul3A_241 : i32
      %add3A_243 = arith.constant 4 : i32
      %add3A_244 = arith.addi %mul3A_242, %add3A_243 : i32
      %dma_start3A_245 = arith.constant 0 : i32
      %dma_start3A_246 = tpu.memref_slice %arg5[%add3A_244, %dma_start3A_245] : memref<80x128xi32, #tpu.memory_space<vmem>> -> memref<1x128xi32, #tpu.memory_space<vmem>>
      %dma_start3A_247 = tpu.memref_squeeze %dma_start3A_246 : memref<1x128xi32, #tpu.memory_space<vmem>> -> memref<128xi32, #tpu.memory_space<vmem>>
      %dma_start3A_248 = arith.constant 0 : i32
      %dma_start3A_249 = arith.constant 0 : i32
      %dma_start3A_250 = tpu.memref_slice %arg7[%dma_start3A_248, %dma_start3A_249] : memref<10240x16xf32, #tpu.memory_space<vmem_shared>> -> memref<10240x16xf32, #tpu.memory_space<vmem_shared>>
      tpu.enqueue_indirect_dma source(%arg6 : memref<128x16xf32, #tpu.memory_space<vmem>>) target(%dma_start3A_250 : memref<10240x16xf32, #tpu.memory_space<vmem_shared>>) offsets(%dma_start3A_247 : memref<128xi32, #tpu.memory_space<vmem>>) semaphore(%arg12 : memref<!tpu.dma_semaphore, #tpu.memory_space<semaphore_mem>>) {add = true}
      %add3A_251 = arith.constant 5 : i32
      %add3A_252 = arith.addi %mul3A_160, %add3A_251 : i32
      %dma_wait3A_253 = arith.constant 0 : i32
      %dma_wait3A_254 = tpu.memref_slice %arg5[%add3A_252, %dma_wait3A_253] : memref<80x128xi32, #tpu.memory_space<vmem>> -> memref<1x128xi32, #tpu.memory_space<vmem>>
      %dma_wait3A_255 = tpu.memref_squeeze %dma_wait3A_254 : memref<1x128xi32, #tpu.memory_space<vmem>> -> memref<128xi32, #tpu.memory_space<vmem>>
      %dma_wait3A_256 = arith.constant 0 : i32
      %dma_wait3A_257 = arith.constant 0 : i32
      %dma_wait3A_258 = tpu.memref_slice %arg7[%dma_wait3A_256, %dma_wait3A_257] : memref<10240x16xf32, #tpu.memory_space<vmem_shared>> -> memref<10240x16xf32, #tpu.memory_space<vmem_shared>>
      tpu.wait_indirect_dma semaphore(%arg13 : memref<!tpu.dma_semaphore, #tpu.memory_space<semaphore_mem>>) src(%arg6 : memref<128x16xf32, #tpu.memory_space<vmem>>) dst(%dma_wait3A_258 : memref<10240x16xf32, #tpu.memory_space<vmem_shared>>)
      %mul3A_259 = arith.constant 8 : i32
      %mul3A_260 = arith.muli %add3A_157, %mul3A_259 : i32
      %add3A_261 = arith.constant 5 : i32
      %add3A_262 = arith.addi %mul3A_260, %add3A_261 : i32
      %dma_start3A_263 = arith.constant 0 : i32
      %dma_start3A_264 = tpu.memref_slice %arg5[%add3A_262, %dma_start3A_263] : memref<80x128xi32, #tpu.memory_space<vmem>> -> memref<1x128xi32, #tpu.memory_space<vmem>>
      %dma_start3A_265 = tpu.memref_squeeze %dma_start3A_264 : memref<1x128xi32, #tpu.memory_space<vmem>> -> memref<128xi32, #tpu.memory_space<vmem>>
      %dma_start3A_266 = arith.constant 0 : i32
      %dma_start3A_267 = arith.constant 0 : i32
      %dma_start3A_268 = tpu.memref_slice %arg7[%dma_start3A_266, %dma_start3A_267] : memref<10240x16xf32, #tpu.memory_space<vmem_shared>> -> memref<10240x16xf32, #tpu.memory_space<vmem_shared>>
      tpu.enqueue_indirect_dma source(%arg6 : memref<128x16xf32, #tpu.memory_space<vmem>>) target(%dma_start3A_268 : memref<10240x16xf32, #tpu.memory_space<vmem_shared>>) offsets(%dma_start3A_265 : memref<128xi32, #tpu.memory_space<vmem>>) semaphore(%arg13 : memref<!tpu.dma_semaphore, #tpu.memory_space<semaphore_mem>>) {add = true}
      %add3A_269 = arith.constant 6 : i32
      %add3A_270 = arith.addi %mul3A_160, %add3A_269 : i32
      %dma_wait3A_271 = arith.constant 0 : i32
      %dma_wait3A_272 = tpu.memref_slice %arg5[%add3A_270, %dma_wait3A_271] : memref<80x128xi32, #tpu.memory_space<vmem>> -> memref<1x128xi32, #tpu.memory_space<vmem>>
      %dma_wait3A_273 = tpu.memref_squeeze %dma_wait3A_272 : memref<1x128xi32, #tpu.memory_space<vmem>> -> memref<128xi32, #tpu.memory_space<vmem>>
      %dma_wait3A_274 = arith.constant 0 : i32
      %dma_wait3A_275 = arith.constant 0 : i32
      %dma_wait3A_276 = tpu.memref_slice %arg7[%dma_wait3A_274, %dma_wait3A_275] : memref<10240x16xf32, #tpu.memory_space<vmem_shared>> -> memref<10240x16xf32, #tpu.memory_space<vmem_shared>>
      tpu.wait_indirect_dma semaphore(%arg14 : memref<!tpu.dma_semaphore, #tpu.memory_space<semaphore_mem>>) src(%arg6 : memref<128x16xf32, #tpu.memory_space<vmem>>) dst(%dma_wait3A_276 : memref<10240x16xf32, #tpu.memory_space<vmem_shared>>)
      %mul3A_277 = arith.constant 8 : i32
      %mul3A_278 = arith.muli %add3A_157, %mul3A_277 : i32
      %add3A_279 = arith.constant 6 : i32
      %add3A_280 = arith.addi %mul3A_278, %add3A_279 : i32
      %dma_start3A_281 = arith.constant 0 : i32
      %dma_start3A_282 = tpu.memref_slice %arg5[%add3A_280, %dma_start3A_281] : memref<80x128xi32, #tpu.memory_space<vmem>> -> memref<1x128xi32, #tpu.memory_space<vmem>>
      %dma_start3A_283 = tpu.memref_squeeze %dma_start3A_282 : memref<1x128xi32, #tpu.memory_space<vmem>> -> memref<128xi32, #tpu.memory_space<vmem>>
      %dma_start3A_284 = arith.constant 0 : i32
      %dma_start3A_285 = arith.constant 0 : i32
      %dma_start3A_286 = tpu.memref_slice %arg7[%dma_start3A_284, %dma_start3A_285] : memref<10240x16xf32, #tpu.memory_space<vmem_shared>> -> memref<10240x16xf32, #tpu.memory_space<vmem_shared>>
      tpu.enqueue_indirect_dma source(%arg6 : memref<128x16xf32, #tpu.memory_space<vmem>>) target(%dma_start3A_286 : memref<10240x16xf32, #tpu.memory_space<vmem_shared>>) offsets(%dma_start3A_283 : memref<128xi32, #tpu.memory_space<vmem>>) semaphore(%arg14 : memref<!tpu.dma_semaphore, #tpu.memory_space<semaphore_mem>>) {add = true}
      %add3A_287 = arith.constant 7 : i32
      %add3A_288 = arith.addi %mul3A_160, %add3A_287 : i32
      %dma_wait3A_289 = arith.constant 0 : i32
      %dma_wait3A_290 = tpu.memref_slice %arg5[%add3A_288, %dma_wait3A_289] : memref<80x128xi32, #tpu.memory_space<vmem>> -> memref<1x128xi32, #tpu.memory_space<vmem>>
      %dma_wait3A_291 = tpu.memref_squeeze %dma_wait3A_290 : memref<1x128xi32, #tpu.memory_space<vmem>> -> memref<128xi32, #tpu.memory_space<vmem>>
      %dma_wait3A_292 = arith.constant 0 : i32
      %dma_wait3A_293 = arith.constant 0 : i32
      %dma_wait3A_294 = tpu.memref_slice %arg7[%dma_wait3A_292, %dma_wait3A_293] : memref<10240x16xf32, #tpu.memory_space<vmem_shared>> -> memref<10240x16xf32, #tpu.memory_space<vmem_shared>>
      tpu.wait_indirect_dma semaphore(%arg15 : memref<!tpu.dma_semaphore, #tpu.memory_space<semaphore_mem>>) src(%arg6 : memref<128x16xf32, #tpu.memory_space<vmem>>) dst(%dma_wait3A_294 : memref<10240x16xf32, #tpu.memory_space<vmem_shared>>)
      %mul3A_295 = arith.constant 8 : i32
      %mul3A_296 = arith.muli %add3A_157, %mul3A_295 : i32
      %add3A_297 = arith.constant 7 : i32
      %add3A_298 = arith.addi %mul3A_296, %add3A_297 : i32
      %dma_start3A_299 = arith.constant 0 : i32
      %dma_start3A_300 = tpu.memref_slice %arg5[%add3A_298, %dma_start3A_299] : memref<80x128xi32, #tpu.memory_space<vmem>> -> memref<1x128xi32, #tpu.memory_space<vmem>>
      %dma_start3A_301 = tpu.memref_squeeze %dma_start3A_300 : memref<1x128xi32, #tpu.memory_space<vmem>> -> memref<128xi32, #tpu.memory_space<vmem>>
      %dma_start3A_302 = arith.constant 0 : i32
      %dma_start3A_303 = arith.constant 0 : i32
      %dma_start3A_304 = tpu.memref_slice %arg7[%dma_start3A_302, %dma_start3A_303] : memref<10240x16xf32, #tpu.memory_space<vmem_shared>> -> memref<10240x16xf32, #tpu.memory_space<vmem_shared>>
      tpu.enqueue_indirect_dma source(%arg6 : memref<128x16xf32, #tpu.memory_space<vmem>>) target(%dma_start3A_304 : memref<10240x16xf32, #tpu.memory_space<vmem_shared>>) offsets(%dma_start3A_301 : memref<128xi32, #tpu.memory_space<vmem>>) semaphore(%arg15 : memref<!tpu.dma_semaphore, #tpu.memory_space<semaphore_mem>>) {add = true}
    }
    %scan3A_91 = arith.constant 9 : i32
    %dma_wait3A_92 = arith.constant 72 : i32
    %dma_wait3A_93 = arith.constant 0 : i32
    %dma_wait3A_94 = tpu.memref_slice %arg5[%dma_wait3A_92, %dma_wait3A_93] : memref<80x128xi32, #tpu.memory_space<vmem>> -> memref<1x128xi32, #tpu.memory_space<vmem>>
    %dma_wait3A_95 = tpu.memref_squeeze %dma_wait3A_94 : memref<1x128xi32, #tpu.memory_space<vmem>> -> memref<128xi32, #tpu.memory_space<vmem>>
    %dma_wait3A_96 = arith.constant 0 : i32
    %dma_wait3A_97 = arith.constant 0 : i32
    %dma_wait3A_98 = tpu.memref_slice %arg7[%dma_wait3A_96, %dma_wait3A_97] : memref<10240x16xf32, #tpu.memory_space<vmem_shared>> -> memref<10240x16xf32, #tpu.memory_space<vmem_shared>>
    tpu.wait_indirect_dma semaphore(%arg8 : memref<!tpu.dma_semaphore, #tpu.memory_space<semaphore_mem>>) src(%arg6 : memref<128x16xf32, #tpu.memory_space<vmem>>) dst(%dma_wait3A_98 : memref<10240x16xf32, #tpu.memory_space<vmem_shared>>)
    %dma_wait3A_99 = arith.constant 73 : i32
    %dma_wait3A_100 = arith.constant 0 : i32
    %dma_wait3A_101 = tpu.memref_slice %arg5[%dma_wait3A_99, %dma_wait3A_100] : memref<80x128xi32, #tpu.memory_space<vmem>> -> memref<1x128xi32, #tpu.memory_space<vmem>>
    %dma_wait3A_102 = tpu.memref_squeeze %dma_wait3A_101 : memref<1x128xi32, #tpu.memory_space<vmem>> -> memref<128xi32, #tpu.memory_space<vmem>>
    %dma_wait3A_103 = arith.constant 0 : i32
    %dma_wait3A_104 = arith.constant 0 : i32
    %dma_wait3A_105 = tpu.memref_slice %arg7[%dma_wait3A_103, %dma_wait3A_104] : memref<10240x16xf32, #tpu.memory_space<vmem_shared>> -> memref<10240x16xf32, #tpu.memory_space<vmem_shared>>
    tpu.wait_indirect_dma semaphore(%arg9 : memref<!tpu.dma_semaphore, #tpu.memory_space<semaphore_mem>>) src(%arg6 : memref<128x16xf32, #tpu.memory_space<vmem>>) dst(%dma_wait3A_105 : memref<10240x16xf32, #tpu.memory_space<vmem_shared>>)
    %dma_wait3A_106 = arith.constant 74 : i32
    %dma_wait3A_107 = arith.constant 0 : i32
    %dma_wait3A_108 = tpu.memref_slice %arg5[%dma_wait3A_106, %dma_wait3A_107] : memref<80x128xi32, #tpu.memory_space<vmem>> -> memref<1x128xi32, #tpu.memory_space<vmem>>
    %dma_wait3A_109 = tpu.memref_squeeze %dma_wait3A_108 : memref<1x128xi32, #tpu.memory_space<vmem>> -> memref<128xi32, #tpu.memory_space<vmem>>
    %dma_wait3A_110 = arith.constant 0 : i32
    %dma_wait3A_111 = arith.constant 0 : i32
    %dma_wait3A_112 = tpu.memref_slice %arg7[%dma_wait3A_110, %dma_wait3A_111] : memref<10240x16xf32, #tpu.memory_space<vmem_shared>> -> memref<10240x16xf32, #tpu.memory_space<vmem_shared>>
    tpu.wait_indirect_dma semaphore(%arg10 : memref<!tpu.dma_semaphore, #tpu.memory_space<semaphore_mem>>) src(%arg6 : memref<128x16xf32, #tpu.memory_space<vmem>>) dst(%dma_wait3A_112 : memref<10240x16xf32, #tpu.memory_space<vmem_shared>>)
    %dma_wait3A_113 = arith.constant 75 : i32
    %dma_wait3A_114 = arith.constant 0 : i32
    %dma_wait3A_115 = tpu.memref_slice %arg5[%dma_wait3A_113, %dma_wait3A_114] : memref<80x128xi32, #tpu.memory_space<vmem>> -> memref<1x128xi32, #tpu.memory_space<vmem>>
    %dma_wait3A_116 = tpu.memref_squeeze %dma_wait3A_115 : memref<1x128xi32, #tpu.memory_space<vmem>> -> memref<128xi32, #tpu.memory_space<vmem>>
    %dma_wait3A_117 = arith.constant 0 : i32
    %dma_wait3A_118 = arith.constant 0 : i32
    %dma_wait3A_119 = tpu.memref_slice %arg7[%dma_wait3A_117, %dma_wait3A_118] : memref<10240x16xf32, #tpu.memory_space<vmem_shared>> -> memref<10240x16xf32, #tpu.memory_space<vmem_shared>>
    tpu.wait_indirect_dma semaphore(%arg11 : memref<!tpu.dma_semaphore, #tpu.memory_space<semaphore_mem>>) src(%arg6 : memref<128x16xf32, #tpu.memory_space<vmem>>) dst(%dma_wait3A_119 : memref<10240x16xf32, #tpu.memory_space<vmem_shared>>)
    %dma_wait3A_120 = arith.constant 76 : i32
    %dma_wait3A_121 = arith.constant 0 : i32
    %dma_wait3A_122 = tpu.memref_slice %arg5[%dma_wait3A_120, %dma_wait3A_121] : memref<80x128xi32, #tpu.memory_space<vmem>> -> memref<1x128xi32, #tpu.memory_space<vmem>>
    %dma_wait3A_123 = tpu.memref_squeeze %dma_wait3A_122 : memref<1x128xi32, #tpu.memory_space<vmem>> -> memref<128xi32, #tpu.memory_space<vmem>>
    %dma_wait3A_124 = arith.constant 0 : i32
    %dma_wait3A_125 = arith.constant 0 : i32
    %dma_wait3A_126 = tpu.memref_slice %arg7[%dma_wait3A_124, %dma_wait3A_125] : memref<10240x16xf32, #tpu.memory_space<vmem_shared>> -> memref<10240x16xf32, #tpu.memory_space<vmem_shared>>
    tpu.wait_indirect_dma semaphore(%arg12 : memref<!tpu.dma_semaphore, #tpu.memory_space<semaphore_mem>>) src(%arg6 : memref<128x16xf32, #tpu.memory_space<vmem>>) dst(%dma_wait3A_126 : memref<10240x16xf32, #tpu.memory_space<vmem_shared>>)
    %dma_wait3A_127 = arith.constant 77 : i32
    %dma_wait3A_128 = arith.constant 0 : i32
    %dma_wait3A_129 = tpu.memref_slice %arg5[%dma_wait3A_127, %dma_wait3A_128] : memref<80x128xi32, #tpu.memory_space<vmem>> -> memref<1x128xi32, #tpu.memory_space<vmem>>
    %dma_wait3A_130 = tpu.memref_squeeze %dma_wait3A_129 : memref<1x128xi32, #tpu.memory_space<vmem>> -> memref<128xi32, #tpu.memory_space<vmem>>
    %dma_wait3A_131 = arith.constant 0 : i32
    %dma_wait3A_132 = arith.constant 0 : i32
    %dma_wait3A_133 = tpu.memref_slice %arg7[%dma_wait3A_131, %dma_wait3A_132] : memref<10240x16xf32, #tpu.memory_space<vmem_shared>> -> memref<10240x16xf32, #tpu.memory_space<vmem_shared>>
    tpu.wait_indirect_dma semaphore(%arg13 : memref<!tpu.dma_semaphore, #tpu.memory_space<semaphore_mem>>) src(%arg6 : memref<128x16xf32, #tpu.memory_space<vmem>>) dst(%dma_wait3A_133 : memref<10240x16xf32, #tpu.memory_space<vmem_shared>>)
    %dma_wait3A_134 = arith.constant 78 : i32
    %dma_wait3A_135 = arith.constant 0 : i32
    %dma_wait3A_136 = tpu.memref_slice %arg5[%dma_wait3A_134, %dma_wait3A_135] : memref<80x128xi32, #tpu.memory_space<vmem>> -> memref<1x128xi32, #tpu.memory_space<vmem>>
    %dma_wait3A_137 = tpu.memref_squeeze %dma_wait3A_136 : memref<1x128xi32, #tpu.memory_space<vmem>> -> memref<128xi32, #tpu.memory_space<vmem>>
    %dma_wait3A_138 = arith.constant 0 : i32
    %dma_wait3A_139 = arith.constant 0 : i32
    %dma_wait3A_140 = tpu.memref_slice %arg7[%dma_wait3A_138, %dma_wait3A_139] : memref<10240x16xf32, #tpu.memory_space<vmem_shared>> -> memref<10240x16xf32, #tpu.memory_space<vmem_shared>>
    tpu.wait_indirect_dma semaphore(%arg14 : memref<!tpu.dma_semaphore, #tpu.memory_space<semaphore_mem>>) src(%arg6 : memref<128x16xf32, #tpu.memory_space<vmem>>) dst(%dma_wait3A_140 : memref<10240x16xf32, #tpu.memory_space<vmem_shared>>)
    %dma_wait3A_141 = arith.constant 79 : i32
    %dma_wait3A_142 = arith.constant 0 : i32
    %dma_wait3A_143 = tpu.memref_slice %arg5[%dma_wait3A_141, %dma_wait3A_142] : memref<80x128xi32, #tpu.memory_space<vmem>> -> memref<1x128xi32, #tpu.memory_space<vmem>>
    %dma_wait3A_144 = tpu.memref_squeeze %dma_wait3A_143 : memref<1x128xi32, #tpu.memory_space<vmem>> -> memref<128xi32, #tpu.memory_space<vmem>>
    %dma_wait3A_145 = arith.constant 0 : i32
    %dma_wait3A_146 = arith.constant 0 : i32
    %dma_wait3A_147 = tpu.memref_slice %arg7[%dma_wait3A_145, %dma_wait3A_146] : memref<10240x16xf32, #tpu.memory_space<vmem_shared>> -> memref<10240x16xf32, #tpu.memory_space<vmem_shared>>
    tpu.wait_indirect_dma semaphore(%arg15 : memref<!tpu.dma_semaphore, #tpu.memory_space<semaphore_mem>>) src(%arg6 : memref<128x16xf32, #tpu.memory_space<vmem>>) dst(%dma_wait3A_147 : memref<10240x16xf32, #tpu.memory_space<vmem_shared>>)
    %barrier3A_148 = arith.constant 0 : index
    tpu.barrier barrier_id(%barrier3A_148)
    %mul3A_149 = arith.constant 640 : i32
    %mul3A_150 = arith.muli %arg1, %mul3A_149 : i32
    %mul3A_151 = arith.constant 640 : i32
    %mul3A_152 = arith.muli %arg1, %mul3A_151 : i32
    "tpu.region"() ({
      %run_scoped3A = tpu.sem_alloc : memref<!tpu.dma_semaphore, #tpu.memory_space<semaphore_mem>>
      %dma_start3A_153 = arith.constant 0 : i32
      %dma_start3A_154 = tpu.memref_slice %arg4[%arg0, %mul3A_152, %dma_start3A_153] : memref<2x10240x16xf32, #tpu.memory_space<hbm>> -> memref<1x640x16xf32, #tpu.memory_space<hbm>>
      %dma_start3A_155 = tpu.memref_squeeze %dma_start3A_154 : memref<1x640x16xf32, #tpu.memory_space<hbm>> -> memref<640x16xf32, #tpu.memory_space<hbm>>
      %dma_start3A_156 = arith.constant 0 : i32
      %dma_start3A_157 = tpu.memref_slice %arg7[%mul3A_150, %dma_start3A_156] : memref<10240x16xf32, #tpu.memory_space<vmem_shared>> -> memref<640x16xf32, #tpu.memory_space<vmem_shared>>
      tpu.enqueue_dma source(%dma_start3A_157 : memref<640x16xf32, #tpu.memory_space<vmem_shared>>) target(%dma_start3A_155 : memref<640x16xf32, #tpu.memory_space<hbm>>) target_semaphore(%run_scoped3A : memref<!tpu.dma_semaphore, #tpu.memory_space<semaphore_mem>>)
      %dma_wait3A_158 = arith.constant 0 : i32
      %dma_wait3A_159 = tpu.memref_slice %arg4[%arg0, %mul3A_152, %dma_wait3A_158] : memref<2x10240x16xf32, #tpu.memory_space<hbm>> -> memref<1x640x16xf32, #tpu.memory_space<hbm>>
      %dma_wait3A_160 = tpu.memref_squeeze %dma_wait3A_159 : memref<1x640x16xf32, #tpu.memory_space<hbm>> -> memref<640x16xf32, #tpu.memory_space<hbm>>
      %dma_wait3A_161 = arith.constant 0 : i32
      %dma_wait3A_162 = tpu.memref_slice %arg7[%mul3A_150, %dma_wait3A_161] : memref<10240x16xf32, #tpu.memory_space<vmem_shared>> -> memref<640x16xf32, #tpu.memory_space<vmem_shared>>
      tpu.wait_dma2 semaphore(%run_scoped3A : memref<!tpu.dma_semaphore, #tpu.memory_space<semaphore_mem>>) src(%dma_wait3A_162 : memref<640x16xf32, #tpu.memory_space<vmem_shared>>) dst(%dma_wait3A_160 : memref<640x16xf32, #tpu.memory_space<hbm>>)
      tpu.yield
    }) : () -> ()
    return
  }
}

#map = affine_map<(d0, d1) -> (0, 0)>
#map1 = affine_map<(d0, d1) -> (0, 0, 0)>
module attributes {stable_mosaic.version = 14 : i64} {
  func.func @k(%arg0: i32, %arg1: i32, %arg2: memref<10240x16xf32, #tpu.memory_space<hbm>>, %arg3: memref<10240x16xf32, #tpu.memory_space<hbm>>, %arg4: memref<32x80x128xi32, #tpu.memory_space<hbm>>, %arg5: memref<32x80x128xi32, #tpu.memory_space<hbm>>, %arg6: memref<2x10240x16xf32, #tpu.memory_space<hbm>>, %arg7: memref<80x128xi32, #tpu.memory_space<vmem>>, %arg8: memref<80x128xi32, #tpu.memory_space<vmem>>, %arg9: memref<8x128x16xf32, #tpu.memory_space<vmem>>, %arg10: memref<10240x16xf32, #tpu.memory_space<vmem_shared>>, %arg11: memref<10240x16xf32, #tpu.memory_space<vmem_shared>>, %arg12: memref<!tpu.dma_semaphore, #tpu.memory_space<semaphore_mem>>, %arg13: memref<!tpu.dma_semaphore, #tpu.memory_space<semaphore_mem>>, %arg14: memref<!tpu.dma_semaphore, #tpu.memory_space<semaphore_mem>>, %arg15: memref<!tpu.dma_semaphore, #tpu.memory_space<semaphore_mem>>, %arg16: memref<!tpu.dma_semaphore, #tpu.memory_space<semaphore_mem>>, %arg17: memref<!tpu.dma_semaphore, #tpu.memory_space<semaphore_mem>>, %arg18: memref<!tpu.dma_semaphore, #tpu.memory_space<semaphore_mem>>, %arg19: memref<!tpu.dma_semaphore, #tpu.memory_space<semaphore_mem>>, %arg20: memref<!tpu.dma_semaphore, #tpu.memory_space<semaphore_mem>>, %arg21: memref<!tpu.dma_semaphore, #tpu.memory_space<semaphore_mem>>, %arg22: memref<!tpu.dma_semaphore, #tpu.memory_space<semaphore_mem>>, %arg23: memref<!tpu.dma_semaphore, #tpu.memory_space<semaphore_mem>>, %arg24: memref<!tpu.dma_semaphore, #tpu.memory_space<semaphore_mem>>, %arg25: memref<!tpu.dma_semaphore, #tpu.memory_space<semaphore_mem>>, %arg26: memref<!tpu.dma_semaphore, #tpu.memory_space<semaphore_mem>>, %arg27: memref<!tpu.dma_semaphore, #tpu.memory_space<semaphore_mem>>, %arg28: memref<!tpu.dma_semaphore, #tpu.memory_space<semaphore_mem>>) attributes {dimension_semantics = [#tpu.dimension_semantics<core_parallel>, #tpu.dimension_semantics<subcore_parallel>], iteration_bounds = array<i64: 2, 16>, scalar_prefetch = 0 : i64, scratch_operands = 22 : i64, tpu.core_type = #tpu.core_type<sc_vector_subcore>, window_params = [{transform_indices = #map}, {transform_indices = #map}, {transform_indices = #map1}, {transform_indices = #map1}, {transform_indices = #map1}]} {
    %mul3A = arith.constant 16 : i32
    %mul3A_0 = arith.muli %arg0, %mul3A : i32
    %add3A = arith.addi %mul3A_0, %arg1 : i32
    %mul3A_1 = arith.constant 640 : i32
    %mul3A_2 = arith.muli %arg1, %mul3A_1 : i32
    %mul3A_3 = arith.constant 640 : i32
    %mul3A_4 = arith.muli %arg1, %mul3A_3 : i32
    %dma_start3A = arith.constant 0 : i32
    %dma_start3A_5 = tpu.memref_slice %arg10[%mul3A_4, %dma_start3A] : memref<10240x16xf32, #tpu.memory_space<vmem_shared>> -> memref<640x16xf32, #tpu.memory_space<vmem_shared>>
    %dma_start3A_6 = arith.constant 0 : i32
    %dma_start3A_7 = tpu.memref_slice %arg3[%mul3A_2, %dma_start3A_6] : memref<10240x16xf32, #tpu.memory_space<hbm>> -> memref<640x16xf32, #tpu.memory_space<hbm>>
    tpu.enqueue_dma source(%dma_start3A_7 : memref<640x16xf32, #tpu.memory_space<hbm>>) target(%dma_start3A_5 : memref<640x16xf32, #tpu.memory_space<vmem_shared>>) target_semaphore(%arg28 : memref<!tpu.dma_semaphore, #tpu.memory_space<semaphore_mem>>)
    %mul3A_8 = arith.constant 640 : i32
    %mul3A_9 = arith.muli %arg1, %mul3A_8 : i32
    %mul3A_10 = arith.constant 640 : i32
    %mul3A_11 = arith.muli %arg1, %mul3A_10 : i32
    %dma_start3A_12 = arith.constant 0 : i32
    %dma_start3A_13 = tpu.memref_slice %arg11[%mul3A_11, %dma_start3A_12] : memref<10240x16xf32, #tpu.memory_space<vmem_shared>> -> memref<640x16xf32, #tpu.memory_space<vmem_shared>>
    %dma_start3A_14 = arith.constant 0 : i32
    %dma_start3A_15 = tpu.memref_slice %arg2[%mul3A_9, %dma_start3A_14] : memref<10240x16xf32, #tpu.memory_space<hbm>> -> memref<640x16xf32, #tpu.memory_space<hbm>>
    tpu.enqueue_dma source(%dma_start3A_15 : memref<640x16xf32, #tpu.memory_space<hbm>>) target(%dma_start3A_13 : memref<640x16xf32, #tpu.memory_space<vmem_shared>>) target_semaphore(%arg28 : memref<!tpu.dma_semaphore, #tpu.memory_space<semaphore_mem>>)
    %dma_start3A_16 = arith.constant 0 : i32
    %dma_start3A_17 = arith.constant 0 : i32
    %dma_start3A_18 = tpu.memref_slice %arg4[%add3A, %dma_start3A_16, %dma_start3A_17] : memref<32x80x128xi32, #tpu.memory_space<hbm>> -> memref<1x80x128xi32, #tpu.memory_space<hbm>>
    %dma_start3A_19 = tpu.memref_squeeze %dma_start3A_18 : memref<1x80x128xi32, #tpu.memory_space<hbm>> -> memref<80x128xi32, #tpu.memory_space<hbm>>
    %dma_start3A_20 = arith.constant 0 : i32
    %dma_start3A_21 = arith.constant 0 : i32
    %dma_start3A_22 = tpu.memref_slice %arg4[%add3A, %dma_start3A_20, %dma_start3A_21] : memref<32x80x128xi32, #tpu.memory_space<hbm>> -> memref<1x80x128xi32, #tpu.memory_space<hbm>>
    %dma_start3A_23 = tpu.memref_squeeze %dma_start3A_22 : memref<1x80x128xi32, #tpu.memory_space<hbm>> -> memref<80x128xi32, #tpu.memory_space<hbm>>
    tpu.enqueue_dma source(%dma_start3A_23 : memref<80x128xi32, #tpu.memory_space<hbm>>) target(%arg7 : memref<80x128xi32, #tpu.memory_space<vmem>>) target_semaphore(%arg28 : memref<!tpu.dma_semaphore, #tpu.memory_space<semaphore_mem>>)
    %dma_start3A_24 = arith.constant 0 : i32
    %dma_start3A_25 = arith.constant 0 : i32
    %dma_start3A_26 = tpu.memref_slice %arg5[%add3A, %dma_start3A_24, %dma_start3A_25] : memref<32x80x128xi32, #tpu.memory_space<hbm>> -> memref<1x80x128xi32, #tpu.memory_space<hbm>>
    %dma_start3A_27 = tpu.memref_squeeze %dma_start3A_26 : memref<1x80x128xi32, #tpu.memory_space<hbm>> -> memref<80x128xi32, #tpu.memory_space<hbm>>
    %dma_start3A_28 = arith.constant 0 : i32
    %dma_start3A_29 = arith.constant 0 : i32
    %dma_start3A_30 = tpu.memref_slice %arg5[%add3A, %dma_start3A_28, %dma_start3A_29] : memref<32x80x128xi32, #tpu.memory_space<hbm>> -> memref<1x80x128xi32, #tpu.memory_space<hbm>>
    %dma_start3A_31 = tpu.memref_squeeze %dma_start3A_30 : memref<1x80x128xi32, #tpu.memory_space<hbm>> -> memref<80x128xi32, #tpu.memory_space<hbm>>
    tpu.enqueue_dma source(%dma_start3A_31 : memref<80x128xi32, #tpu.memory_space<hbm>>) target(%arg8 : memref<80x128xi32, #tpu.memory_space<vmem>>) target_semaphore(%arg28 : memref<!tpu.dma_semaphore, #tpu.memory_space<semaphore_mem>>)
    %dma_wait3A = arith.constant 0 : i32
    %dma_wait3A_32 = tpu.memref_slice %arg10[%mul3A_4, %dma_wait3A] : memref<10240x16xf32, #tpu.memory_space<vmem_shared>> -> memref<640x16xf32, #tpu.memory_space<vmem_shared>>
    %dma_wait3A_33 = arith.constant 0 : i32
    %dma_wait3A_34 = tpu.memref_slice %arg3[%mul3A_2, %dma_wait3A_33] : memref<10240x16xf32, #tpu.memory_space<hbm>> -> memref<640x16xf32, #tpu.memory_space<hbm>>
    tpu.wait_dma2 semaphore(%arg28 : memref<!tpu.dma_semaphore, #tpu.memory_space<semaphore_mem>>) src(%dma_wait3A_34 : memref<640x16xf32, #tpu.memory_space<hbm>>) dst(%dma_wait3A_32 : memref<640x16xf32, #tpu.memory_space<vmem_shared>>)
    %dma_wait3A_35 = arith.constant 0 : i32
    %dma_wait3A_36 = tpu.memref_slice %arg11[%mul3A_11, %dma_wait3A_35] : memref<10240x16xf32, #tpu.memory_space<vmem_shared>> -> memref<640x16xf32, #tpu.memory_space<vmem_shared>>
    %dma_wait3A_37 = arith.constant 0 : i32
    %dma_wait3A_38 = tpu.memref_slice %arg2[%mul3A_9, %dma_wait3A_37] : memref<10240x16xf32, #tpu.memory_space<hbm>> -> memref<640x16xf32, #tpu.memory_space<hbm>>
    tpu.wait_dma2 semaphore(%arg28 : memref<!tpu.dma_semaphore, #tpu.memory_space<semaphore_mem>>) src(%dma_wait3A_38 : memref<640x16xf32, #tpu.memory_space<hbm>>) dst(%dma_wait3A_36 : memref<640x16xf32, #tpu.memory_space<vmem_shared>>)
    %dma_wait3A_39 = arith.constant 0 : i32
    %dma_wait3A_40 = arith.constant 0 : i32
    %dma_wait3A_41 = tpu.memref_slice %arg4[%add3A, %dma_wait3A_39, %dma_wait3A_40] : memref<32x80x128xi32, #tpu.memory_space<hbm>> -> memref<1x80x128xi32, #tpu.memory_space<hbm>>
    %dma_wait3A_42 = tpu.memref_squeeze %dma_wait3A_41 : memref<1x80x128xi32, #tpu.memory_space<hbm>> -> memref<80x128xi32, #tpu.memory_space<hbm>>
    %dma_wait3A_43 = arith.constant 0 : i32
    %dma_wait3A_44 = arith.constant 0 : i32
    %dma_wait3A_45 = tpu.memref_slice %arg4[%add3A, %dma_wait3A_43, %dma_wait3A_44] : memref<32x80x128xi32, #tpu.memory_space<hbm>> -> memref<1x80x128xi32, #tpu.memory_space<hbm>>
    %dma_wait3A_46 = tpu.memref_squeeze %dma_wait3A_45 : memref<1x80x128xi32, #tpu.memory_space<hbm>> -> memref<80x128xi32, #tpu.memory_space<hbm>>
    tpu.wait_dma2 semaphore(%arg28 : memref<!tpu.dma_semaphore, #tpu.memory_space<semaphore_mem>>) src(%dma_wait3A_46 : memref<80x128xi32, #tpu.memory_space<hbm>>) dst(%arg7 : memref<80x128xi32, #tpu.memory_space<vmem>>)
    %dma_wait3A_47 = arith.constant 0 : i32
    %dma_wait3A_48 = arith.constant 0 : i32
    %dma_wait3A_49 = tpu.memref_slice %arg5[%add3A, %dma_wait3A_47, %dma_wait3A_48] : memref<32x80x128xi32, #tpu.memory_space<hbm>> -> memref<1x80x128xi32, #tpu.memory_space<hbm>>
    %dma_wait3A_50 = tpu.memref_squeeze %dma_wait3A_49 : memref<1x80x128xi32, #tpu.memory_space<hbm>> -> memref<80x128xi32, #tpu.memory_space<hbm>>
    %dma_wait3A_51 = arith.constant 0 : i32
    %dma_wait3A_52 = arith.constant 0 : i32
    %dma_wait3A_53 = tpu.memref_slice %arg5[%add3A, %dma_wait3A_51, %dma_wait3A_52] : memref<32x80x128xi32, #tpu.memory_space<hbm>> -> memref<1x80x128xi32, #tpu.memory_space<hbm>>
    %dma_wait3A_54 = tpu.memref_squeeze %dma_wait3A_53 : memref<1x80x128xi32, #tpu.memory_space<hbm>> -> memref<80x128xi32, #tpu.memory_space<hbm>>
    tpu.wait_dma2 semaphore(%arg28 : memref<!tpu.dma_semaphore, #tpu.memory_space<semaphore_mem>>) src(%dma_wait3A_54 : memref<80x128xi32, #tpu.memory_space<hbm>>) dst(%arg8 : memref<80x128xi32, #tpu.memory_space<vmem>>)
    %barrier3A = arith.constant 0 : index
    tpu.barrier barrier_id(%barrier3A)
    %dma_start3A_55 = arith.constant 0 : i32
    %dma_start3A_56 = arith.constant 0 : i32
    %dma_start3A_57 = arith.constant 0 : i32
    %dma_start3A_58 = arith.constant 0 : i32
    %dma_start3A_59 = tpu.memref_slice %arg9[%dma_start3A_56, %dma_start3A_57, %dma_start3A_58] : memref<8x128x16xf32, #tpu.memory_space<vmem>> -> memref<1x128x16xf32, #tpu.memory_space<vmem>>
    %dma_start3A_60 = tpu.memref_squeeze %dma_start3A_59 : memref<1x128x16xf32, #tpu.memory_space<vmem>> -> memref<128x16xf32, #tpu.memory_space<vmem>>
    %dma_start3A_61 = arith.constant 0 : i32
    %dma_start3A_62 = tpu.memref_slice %arg7[%dma_start3A_55, %dma_start3A_61] : memref<80x128xi32, #tpu.memory_space<vmem>> -> memref<1x128xi32, #tpu.memory_space<vmem>>
    %dma_start3A_63 = tpu.memref_squeeze %dma_start3A_62 : memref<1x128xi32, #tpu.memory_space<vmem>> -> memref<128xi32, #tpu.memory_space<vmem>>
    %dma_start3A_64 = arith.constant 0 : i32
    %dma_start3A_65 = arith.constant 0 : i32
    %dma_start3A_66 = tpu.memref_slice %arg11[%dma_start3A_64, %dma_start3A_65] : memref<10240x16xf32, #tpu.memory_space<vmem_shared>> -> memref<10240x16xf32, #tpu.memory_space<vmem_shared>>
    tpu.enqueue_indirect_dma source(%dma_start3A_66 : memref<10240x16xf32, #tpu.memory_space<vmem_shared>>) target(%dma_start3A_60 : memref<128x16xf32, #tpu.memory_space<vmem>>) offsets(%dma_start3A_63 : memref<128xi32, #tpu.memory_space<vmem>>) semaphore(%arg12 : memref<!tpu.dma_semaphore, #tpu.memory_space<semaphore_mem>>)
    %dma_start3A_67 = arith.constant 1 : i32
    %dma_start3A_68 = arith.constant 1 : i32
    %dma_start3A_69 = arith.constant 0 : i32
    %dma_start3A_70 = arith.constant 0 : i32
    %dma_start3A_71 = tpu.memref_slice %arg9[%dma_start3A_68, %dma_start3A_69, %dma_start3A_70] : memref<8x128x16xf32, #tpu.memory_space<vmem>> -> memref<1x128x16xf32, #tpu.memory_space<vmem>>
    %dma_start3A_72 = tpu.memref_squeeze %dma_start3A_71 : memref<1x128x16xf32, #tpu.memory_space<vmem>> -> memref<128x16xf32, #tpu.memory_space<vmem>>
    %dma_start3A_73 = arith.constant 0 : i32
    %dma_start3A_74 = tpu.memref_slice %arg7[%dma_start3A_67, %dma_start3A_73] : memref<80x128xi32, #tpu.memory_space<vmem>> -> memref<1x128xi32, #tpu.memory_space<vmem>>
    %dma_start3A_75 = tpu.memref_squeeze %dma_start3A_74 : memref<1x128xi32, #tpu.memory_space<vmem>> -> memref<128xi32, #tpu.memory_space<vmem>>
    %dma_start3A_76 = arith.constant 0 : i32
    %dma_start3A_77 = arith.constant 0 : i32
    %dma_start3A_78 = tpu.memref_slice %arg11[%dma_start3A_76, %dma_start3A_77] : memref<10240x16xf32, #tpu.memory_space<vmem_shared>> -> memref<10240x16xf32, #tpu.memory_space<vmem_shared>>
    tpu.enqueue_indirect_dma source(%dma_start3A_78 : memref<10240x16xf32, #tpu.memory_space<vmem_shared>>) target(%dma_start3A_72 : memref<128x16xf32, #tpu.memory_space<vmem>>) offsets(%dma_start3A_75 : memref<128xi32, #tpu.memory_space<vmem>>) semaphore(%arg13 : memref<!tpu.dma_semaphore, #tpu.memory_space<semaphore_mem>>)
    %dma_start3A_79 = arith.constant 2 : i32
    %dma_start3A_80 = arith.constant 2 : i32
    %dma_start3A_81 = arith.constant 0 : i32
    %dma_start3A_82 = arith.constant 0 : i32
    %dma_start3A_83 = tpu.memref_slice %arg9[%dma_start3A_80, %dma_start3A_81, %dma_start3A_82] : memref<8x128x16xf32, #tpu.memory_space<vmem>> -> memref<1x128x16xf32, #tpu.memory_space<vmem>>
    %dma_start3A_84 = tpu.memref_squeeze %dma_start3A_83 : memref<1x128x16xf32, #tpu.memory_space<vmem>> -> memref<128x16xf32, #tpu.memory_space<vmem>>
    %dma_start3A_85 = arith.constant 0 : i32
    %dma_start3A_86 = tpu.memref_slice %arg7[%dma_start3A_79, %dma_start3A_85] : memref<80x128xi32, #tpu.memory_space<vmem>> -> memref<1x128xi32, #tpu.memory_space<vmem>>
    %dma_start3A_87 = tpu.memref_squeeze %dma_start3A_86 : memref<1x128xi32, #tpu.memory_space<vmem>> -> memref<128xi32, #tpu.memory_space<vmem>>
    %dma_start3A_88 = arith.constant 0 : i32
    %dma_start3A_89 = arith.constant 0 : i32
    %dma_start3A_90 = tpu.memref_slice %arg11[%dma_start3A_88, %dma_start3A_89] : memref<10240x16xf32, #tpu.memory_space<vmem_shared>> -> memref<10240x16xf32, #tpu.memory_space<vmem_shared>>
    tpu.enqueue_indirect_dma source(%dma_start3A_90 : memref<10240x16xf32, #tpu.memory_space<vmem_shared>>) target(%dma_start3A_84 : memref<128x16xf32, #tpu.memory_space<vmem>>) offsets(%dma_start3A_87 : memref<128xi32, #tpu.memory_space<vmem>>) semaphore(%arg14 : memref<!tpu.dma_semaphore, #tpu.memory_space<semaphore_mem>>)
    %dma_start3A_91 = arith.constant 3 : i32
    %dma_start3A_92 = arith.constant 3 : i32
    %dma_start3A_93 = arith.constant 0 : i32
    %dma_start3A_94 = arith.constant 0 : i32
    %dma_start3A_95 = tpu.memref_slice %arg9[%dma_start3A_92, %dma_start3A_93, %dma_start3A_94] : memref<8x128x16xf32, #tpu.memory_space<vmem>> -> memref<1x128x16xf32, #tpu.memory_space<vmem>>
    %dma_start3A_96 = tpu.memref_squeeze %dma_start3A_95 : memref<1x128x16xf32, #tpu.memory_space<vmem>> -> memref<128x16xf32, #tpu.memory_space<vmem>>
    %dma_start3A_97 = arith.constant 0 : i32
    %dma_start3A_98 = tpu.memref_slice %arg7[%dma_start3A_91, %dma_start3A_97] : memref<80x128xi32, #tpu.memory_space<vmem>> -> memref<1x128xi32, #tpu.memory_space<vmem>>
    %dma_start3A_99 = tpu.memref_squeeze %dma_start3A_98 : memref<1x128xi32, #tpu.memory_space<vmem>> -> memref<128xi32, #tpu.memory_space<vmem>>
    %dma_start3A_100 = arith.constant 0 : i32
    %dma_start3A_101 = arith.constant 0 : i32
    %dma_start3A_102 = tpu.memref_slice %arg11[%dma_start3A_100, %dma_start3A_101] : memref<10240x16xf32, #tpu.memory_space<vmem_shared>> -> memref<10240x16xf32, #tpu.memory_space<vmem_shared>>
    tpu.enqueue_indirect_dma source(%dma_start3A_102 : memref<10240x16xf32, #tpu.memory_space<vmem_shared>>) target(%dma_start3A_96 : memref<128x16xf32, #tpu.memory_space<vmem>>) offsets(%dma_start3A_99 : memref<128xi32, #tpu.memory_space<vmem>>) semaphore(%arg15 : memref<!tpu.dma_semaphore, #tpu.memory_space<semaphore_mem>>)
    %dma_start3A_103 = arith.constant 4 : i32
    %dma_start3A_104 = arith.constant 4 : i32
    %dma_start3A_105 = arith.constant 0 : i32
    %dma_start3A_106 = arith.constant 0 : i32
    %dma_start3A_107 = tpu.memref_slice %arg9[%dma_start3A_104, %dma_start3A_105, %dma_start3A_106] : memref<8x128x16xf32, #tpu.memory_space<vmem>> -> memref<1x128x16xf32, #tpu.memory_space<vmem>>
    %dma_start3A_108 = tpu.memref_squeeze %dma_start3A_107 : memref<1x128x16xf32, #tpu.memory_space<vmem>> -> memref<128x16xf32, #tpu.memory_space<vmem>>
    %dma_start3A_109 = arith.constant 0 : i32
    %dma_start3A_110 = tpu.memref_slice %arg7[%dma_start3A_103, %dma_start3A_109] : memref<80x128xi32, #tpu.memory_space<vmem>> -> memref<1x128xi32, #tpu.memory_space<vmem>>
    %dma_start3A_111 = tpu.memref_squeeze %dma_start3A_110 : memref<1x128xi32, #tpu.memory_space<vmem>> -> memref<128xi32, #tpu.memory_space<vmem>>
    %dma_start3A_112 = arith.constant 0 : i32
    %dma_start3A_113 = arith.constant 0 : i32
    %dma_start3A_114 = tpu.memref_slice %arg11[%dma_start3A_112, %dma_start3A_113] : memref<10240x16xf32, #tpu.memory_space<vmem_shared>> -> memref<10240x16xf32, #tpu.memory_space<vmem_shared>>
    tpu.enqueue_indirect_dma source(%dma_start3A_114 : memref<10240x16xf32, #tpu.memory_space<vmem_shared>>) target(%dma_start3A_108 : memref<128x16xf32, #tpu.memory_space<vmem>>) offsets(%dma_start3A_111 : memref<128xi32, #tpu.memory_space<vmem>>) semaphore(%arg16 : memref<!tpu.dma_semaphore, #tpu.memory_space<semaphore_mem>>)
    %dma_start3A_115 = arith.constant 5 : i32
    %dma_start3A_116 = arith.constant 5 : i32
    %dma_start3A_117 = arith.constant 0 : i32
    %dma_start3A_118 = arith.constant 0 : i32
    %dma_start3A_119 = tpu.memref_slice %arg9[%dma_start3A_116, %dma_start3A_117, %dma_start3A_118] : memref<8x128x16xf32, #tpu.memory_space<vmem>> -> memref<1x128x16xf32, #tpu.memory_space<vmem>>
    %dma_start3A_120 = tpu.memref_squeeze %dma_start3A_119 : memref<1x128x16xf32, #tpu.memory_space<vmem>> -> memref<128x16xf32, #tpu.memory_space<vmem>>
    %dma_start3A_121 = arith.constant 0 : i32
    %dma_start3A_122 = tpu.memref_slice %arg7[%dma_start3A_115, %dma_start3A_121] : memref<80x128xi32, #tpu.memory_space<vmem>> -> memref<1x128xi32, #tpu.memory_space<vmem>>
    %dma_start3A_123 = tpu.memref_squeeze %dma_start3A_122 : memref<1x128xi32, #tpu.memory_space<vmem>> -> memref<128xi32, #tpu.memory_space<vmem>>
    %dma_start3A_124 = arith.constant 0 : i32
    %dma_start3A_125 = arith.constant 0 : i32
    %dma_start3A_126 = tpu.memref_slice %arg11[%dma_start3A_124, %dma_start3A_125] : memref<10240x16xf32, #tpu.memory_space<vmem_shared>> -> memref<10240x16xf32, #tpu.memory_space<vmem_shared>>
    tpu.enqueue_indirect_dma source(%dma_start3A_126 : memref<10240x16xf32, #tpu.memory_space<vmem_shared>>) target(%dma_start3A_120 : memref<128x16xf32, #tpu.memory_space<vmem>>) offsets(%dma_start3A_123 : memref<128xi32, #tpu.memory_space<vmem>>) semaphore(%arg17 : memref<!tpu.dma_semaphore, #tpu.memory_space<semaphore_mem>>)
    %dma_start3A_127 = arith.constant 6 : i32
    %dma_start3A_128 = arith.constant 6 : i32
    %dma_start3A_129 = arith.constant 0 : i32
    %dma_start3A_130 = arith.constant 0 : i32
    %dma_start3A_131 = tpu.memref_slice %arg9[%dma_start3A_128, %dma_start3A_129, %dma_start3A_130] : memref<8x128x16xf32, #tpu.memory_space<vmem>> -> memref<1x128x16xf32, #tpu.memory_space<vmem>>
    %dma_start3A_132 = tpu.memref_squeeze %dma_start3A_131 : memref<1x128x16xf32, #tpu.memory_space<vmem>> -> memref<128x16xf32, #tpu.memory_space<vmem>>
    %dma_start3A_133 = arith.constant 0 : i32
    %dma_start3A_134 = tpu.memref_slice %arg7[%dma_start3A_127, %dma_start3A_133] : memref<80x128xi32, #tpu.memory_space<vmem>> -> memref<1x128xi32, #tpu.memory_space<vmem>>
    %dma_start3A_135 = tpu.memref_squeeze %dma_start3A_134 : memref<1x128xi32, #tpu.memory_space<vmem>> -> memref<128xi32, #tpu.memory_space<vmem>>
    %dma_start3A_136 = arith.constant 0 : i32
    %dma_start3A_137 = arith.constant 0 : i32
    %dma_start3A_138 = tpu.memref_slice %arg11[%dma_start3A_136, %dma_start3A_137] : memref<10240x16xf32, #tpu.memory_space<vmem_shared>> -> memref<10240x16xf32, #tpu.memory_space<vmem_shared>>
    tpu.enqueue_indirect_dma source(%dma_start3A_138 : memref<10240x16xf32, #tpu.memory_space<vmem_shared>>) target(%dma_start3A_132 : memref<128x16xf32, #tpu.memory_space<vmem>>) offsets(%dma_start3A_135 : memref<128xi32, #tpu.memory_space<vmem>>) semaphore(%arg18 : memref<!tpu.dma_semaphore, #tpu.memory_space<semaphore_mem>>)
    %dma_start3A_139 = arith.constant 7 : i32
    %dma_start3A_140 = arith.constant 7 : i32
    %dma_start3A_141 = arith.constant 0 : i32
    %dma_start3A_142 = arith.constant 0 : i32
    %dma_start3A_143 = tpu.memref_slice %arg9[%dma_start3A_140, %dma_start3A_141, %dma_start3A_142] : memref<8x128x16xf32, #tpu.memory_space<vmem>> -> memref<1x128x16xf32, #tpu.memory_space<vmem>>
    %dma_start3A_144 = tpu.memref_squeeze %dma_start3A_143 : memref<1x128x16xf32, #tpu.memory_space<vmem>> -> memref<128x16xf32, #tpu.memory_space<vmem>>
    %dma_start3A_145 = arith.constant 0 : i32
    %dma_start3A_146 = tpu.memref_slice %arg7[%dma_start3A_139, %dma_start3A_145] : memref<80x128xi32, #tpu.memory_space<vmem>> -> memref<1x128xi32, #tpu.memory_space<vmem>>
    %dma_start3A_147 = tpu.memref_squeeze %dma_start3A_146 : memref<1x128xi32, #tpu.memory_space<vmem>> -> memref<128xi32, #tpu.memory_space<vmem>>
    %dma_start3A_148 = arith.constant 0 : i32
    %dma_start3A_149 = arith.constant 0 : i32
    %dma_start3A_150 = tpu.memref_slice %arg11[%dma_start3A_148, %dma_start3A_149] : memref<10240x16xf32, #tpu.memory_space<vmem_shared>> -> memref<10240x16xf32, #tpu.memory_space<vmem_shared>>
    tpu.enqueue_indirect_dma source(%dma_start3A_150 : memref<10240x16xf32, #tpu.memory_space<vmem_shared>>) target(%dma_start3A_144 : memref<128x16xf32, #tpu.memory_space<vmem>>) offsets(%dma_start3A_147 : memref<128xi32, #tpu.memory_space<vmem>>) semaphore(%arg19 : memref<!tpu.dma_semaphore, #tpu.memory_space<semaphore_mem>>)
    %scan3A = arith.constant 0 : i32
    %scan3A_151 = arith.constant 9 : i32
    %scan3A_152 = arith.addi %scan3A, %scan3A_151 : i32
    %scan3A_153 = arith.constant 1 : i32
    scf.for %scan3A_448 = %scan3A to %scan3A_152 step %scan3A_153  : i32 {
      %mul3A_449 = arith.constant 1 : i32
      %mul3A_450 = arith.muli %scan3A_448, %mul3A_449 : i32
      %add3A_451 = arith.constant 1 : i32
      %add3A_452 = arith.addi %add3A_451, %mul3A_450 : i32
      %sub3A = arith.constant 1 : i32
      %sub3A_453 = arith.subi %add3A_452, %sub3A : i32
      %mul3A_454 = arith.constant 8 : i32
      %mul3A_455 = arith.muli %sub3A_453, %mul3A_454 : i32
      %add3A_456 = arith.constant 0 : i32
      %add3A_457 = arith.addi %mul3A_455, %add3A_456 : i32
      %dma_wait3A_458 = arith.constant 0 : i32
      %dma_wait3A_459 = arith.constant 0 : i32
      %dma_wait3A_460 = arith.constant 0 : i32
      %dma_wait3A_461 = tpu.memref_slice %arg9[%dma_wait3A_458, %dma_wait3A_459, %dma_wait3A_460] : memref<8x128x16xf32, #tpu.memory_space<vmem>> -> memref<1x128x16xf32, #tpu.memory_space<vmem>>
      %dma_wait3A_462 = tpu.memref_squeeze %dma_wait3A_461 : memref<1x128x16xf32, #tpu.memory_space<vmem>> -> memref<128x16xf32, #tpu.memory_space<vmem>>
      %dma_wait3A_463 = arith.constant 0 : i32
      %dma_wait3A_464 = tpu.memref_slice %arg7[%add3A_457, %dma_wait3A_463] : memref<80x128xi32, #tpu.memory_space<vmem>> -> memref<1x128xi32, #tpu.memory_space<vmem>>
      %dma_wait3A_465 = tpu.memref_squeeze %dma_wait3A_464 : memref<1x128xi32, #tpu.memory_space<vmem>> -> memref<128xi32, #tpu.memory_space<vmem>>
      %dma_wait3A_466 = arith.constant 0 : i32
      %dma_wait3A_467 = arith.constant 0 : i32
      %dma_wait3A_468 = tpu.memref_slice %arg11[%dma_wait3A_466, %dma_wait3A_467] : memref<10240x16xf32, #tpu.memory_space<vmem_shared>> -> memref<10240x16xf32, #tpu.memory_space<vmem_shared>>
      tpu.wait_indirect_dma semaphore(%arg12 : memref<!tpu.dma_semaphore, #tpu.memory_space<semaphore_mem>>) src(%dma_wait3A_468 : memref<10240x16xf32, #tpu.memory_space<vmem_shared>>) dst(%dma_wait3A_462 : memref<128x16xf32, #tpu.memory_space<vmem>>)
      %add3A_469 = arith.constant 0 : i32
      %add3A_470 = arith.addi %mul3A_455, %add3A_469 : i32
      %dma_start3A_471 = arith.constant 0 : i32
      %dma_start3A_472 = arith.constant 0 : i32
      %dma_start3A_473 = arith.constant 0 : i32
      %dma_start3A_474 = tpu.memref_slice %arg9[%dma_start3A_471, %dma_start3A_472, %dma_start3A_473] : memref<8x128x16xf32, #tpu.memory_space<vmem>> -> memref<1x128x16xf32, #tpu.memory_space<vmem>>
      %dma_start3A_475 = tpu.memref_squeeze %dma_start3A_474 : memref<1x128x16xf32, #tpu.memory_space<vmem>> -> memref<128x16xf32, #tpu.memory_space<vmem>>
      %dma_start3A_476 = arith.constant 0 : i32
      %dma_start3A_477 = tpu.memref_slice %arg8[%add3A_470, %dma_start3A_476] : memref<80x128xi32, #tpu.memory_space<vmem>> -> memref<1x128xi32, #tpu.memory_space<vmem>>
      %dma_start3A_478 = tpu.memref_squeeze %dma_start3A_477 : memref<1x128xi32, #tpu.memory_space<vmem>> -> memref<128xi32, #tpu.memory_space<vmem>>
      %dma_start3A_479 = arith.constant 0 : i32
      %dma_start3A_480 = arith.constant 0 : i32
      %dma_start3A_481 = tpu.memref_slice %arg10[%dma_start3A_479, %dma_start3A_480] : memref<10240x16xf32, #tpu.memory_space<vmem_shared>> -> memref<10240x16xf32, #tpu.memory_space<vmem_shared>>
      tpu.enqueue_indirect_dma source(%dma_start3A_475 : memref<128x16xf32, #tpu.memory_space<vmem>>) target(%dma_start3A_481 : memref<10240x16xf32, #tpu.memory_space<vmem_shared>>) offsets(%dma_start3A_478 : memref<128xi32, #tpu.memory_space<vmem>>) semaphore(%arg20 : memref<!tpu.dma_semaphore, #tpu.memory_space<semaphore_mem>>) {add = true}
      %add3A_482 = arith.constant 1 : i32
      %add3A_483 = arith.addi %mul3A_455, %add3A_482 : i32
      %dma_wait3A_484 = arith.constant 1 : i32
      %dma_wait3A_485 = arith.constant 0 : i32
      %dma_wait3A_486 = arith.constant 0 : i32
      %dma_wait3A_487 = tpu.memref_slice %arg9[%dma_wait3A_484, %dma_wait3A_485, %dma_wait3A_486] : memref<8x128x16xf32, #tpu.memory_space<vmem>> -> memref<1x128x16xf32, #tpu.memory_space<vmem>>
      %dma_wait3A_488 = tpu.memref_squeeze %dma_wait3A_487 : memref<1x128x16xf32, #tpu.memory_space<vmem>> -> memref<128x16xf32, #tpu.memory_space<vmem>>
      %dma_wait3A_489 = arith.constant 0 : i32
      %dma_wait3A_490 = tpu.memref_slice %arg7[%add3A_483, %dma_wait3A_489] : memref<80x128xi32, #tpu.memory_space<vmem>> -> memref<1x128xi32, #tpu.memory_space<vmem>>
      %dma_wait3A_491 = tpu.memref_squeeze %dma_wait3A_490 : memref<1x128xi32, #tpu.memory_space<vmem>> -> memref<128xi32, #tpu.memory_space<vmem>>
      %dma_wait3A_492 = arith.constant 0 : i32
      %dma_wait3A_493 = arith.constant 0 : i32
      %dma_wait3A_494 = tpu.memref_slice %arg11[%dma_wait3A_492, %dma_wait3A_493] : memref<10240x16xf32, #tpu.memory_space<vmem_shared>> -> memref<10240x16xf32, #tpu.memory_space<vmem_shared>>
      tpu.wait_indirect_dma semaphore(%arg13 : memref<!tpu.dma_semaphore, #tpu.memory_space<semaphore_mem>>) src(%dma_wait3A_494 : memref<10240x16xf32, #tpu.memory_space<vmem_shared>>) dst(%dma_wait3A_488 : memref<128x16xf32, #tpu.memory_space<vmem>>)
      %add3A_495 = arith.constant 1 : i32
      %add3A_496 = arith.addi %mul3A_455, %add3A_495 : i32
      %dma_start3A_497 = arith.constant 1 : i32
      %dma_start3A_498 = arith.constant 0 : i32
      %dma_start3A_499 = arith.constant 0 : i32
      %dma_start3A_500 = tpu.memref_slice %arg9[%dma_start3A_497, %dma_start3A_498, %dma_start3A_499] : memref<8x128x16xf32, #tpu.memory_space<vmem>> -> memref<1x128x16xf32, #tpu.memory_space<vmem>>
      %dma_start3A_501 = tpu.memref_squeeze %dma_start3A_500 : memref<1x128x16xf32, #tpu.memory_space<vmem>> -> memref<128x16xf32, #tpu.memory_space<vmem>>
      %dma_start3A_502 = arith.constant 0 : i32
      %dma_start3A_503 = tpu.memref_slice %arg8[%add3A_496, %dma_start3A_502] : memref<80x128xi32, #tpu.memory_space<vmem>> -> memref<1x128xi32, #tpu.memory_space<vmem>>
      %dma_start3A_504 = tpu.memref_squeeze %dma_start3A_503 : memref<1x128xi32, #tpu.memory_space<vmem>> -> memref<128xi32, #tpu.memory_space<vmem>>
      %dma_start3A_505 = arith.constant 0 : i32
      %dma_start3A_506 = arith.constant 0 : i32
      %dma_start3A_507 = tpu.memref_slice %arg10[%dma_start3A_505, %dma_start3A_506] : memref<10240x16xf32, #tpu.memory_space<vmem_shared>> -> memref<10240x16xf32, #tpu.memory_space<vmem_shared>>
      tpu.enqueue_indirect_dma source(%dma_start3A_501 : memref<128x16xf32, #tpu.memory_space<vmem>>) target(%dma_start3A_507 : memref<10240x16xf32, #tpu.memory_space<vmem_shared>>) offsets(%dma_start3A_504 : memref<128xi32, #tpu.memory_space<vmem>>) semaphore(%arg21 : memref<!tpu.dma_semaphore, #tpu.memory_space<semaphore_mem>>) {add = true}
      %add3A_508 = arith.constant 2 : i32
      %add3A_509 = arith.addi %mul3A_455, %add3A_508 : i32
      %dma_wait3A_510 = arith.constant 2 : i32
      %dma_wait3A_511 = arith.constant 0 : i32
      %dma_wait3A_512 = arith.constant 0 : i32
      %dma_wait3A_513 = tpu.memref_slice %arg9[%dma_wait3A_510, %dma_wait3A_511, %dma_wait3A_512] : memref<8x128x16xf32, #tpu.memory_space<vmem>> -> memref<1x128x16xf32, #tpu.memory_space<vmem>>
      %dma_wait3A_514 = tpu.memref_squeeze %dma_wait3A_513 : memref<1x128x16xf32, #tpu.memory_space<vmem>> -> memref<128x16xf32, #tpu.memory_space<vmem>>
      %dma_wait3A_515 = arith.constant 0 : i32
      %dma_wait3A_516 = tpu.memref_slice %arg7[%add3A_509, %dma_wait3A_515] : memref<80x128xi32, #tpu.memory_space<vmem>> -> memref<1x128xi32, #tpu.memory_space<vmem>>
      %dma_wait3A_517 = tpu.memref_squeeze %dma_wait3A_516 : memref<1x128xi32, #tpu.memory_space<vmem>> -> memref<128xi32, #tpu.memory_space<vmem>>
      %dma_wait3A_518 = arith.constant 0 : i32
      %dma_wait3A_519 = arith.constant 0 : i32
      %dma_wait3A_520 = tpu.memref_slice %arg11[%dma_wait3A_518, %dma_wait3A_519] : memref<10240x16xf32, #tpu.memory_space<vmem_shared>> -> memref<10240x16xf32, #tpu.memory_space<vmem_shared>>
      tpu.wait_indirect_dma semaphore(%arg14 : memref<!tpu.dma_semaphore, #tpu.memory_space<semaphore_mem>>) src(%dma_wait3A_520 : memref<10240x16xf32, #tpu.memory_space<vmem_shared>>) dst(%dma_wait3A_514 : memref<128x16xf32, #tpu.memory_space<vmem>>)
      %add3A_521 = arith.constant 2 : i32
      %add3A_522 = arith.addi %mul3A_455, %add3A_521 : i32
      %dma_start3A_523 = arith.constant 2 : i32
      %dma_start3A_524 = arith.constant 0 : i32
      %dma_start3A_525 = arith.constant 0 : i32
      %dma_start3A_526 = tpu.memref_slice %arg9[%dma_start3A_523, %dma_start3A_524, %dma_start3A_525] : memref<8x128x16xf32, #tpu.memory_space<vmem>> -> memref<1x128x16xf32, #tpu.memory_space<vmem>>
      %dma_start3A_527 = tpu.memref_squeeze %dma_start3A_526 : memref<1x128x16xf32, #tpu.memory_space<vmem>> -> memref<128x16xf32, #tpu.memory_space<vmem>>
      %dma_start3A_528 = arith.constant 0 : i32
      %dma_start3A_529 = tpu.memref_slice %arg8[%add3A_522, %dma_start3A_528] : memref<80x128xi32, #tpu.memory_space<vmem>> -> memref<1x128xi32, #tpu.memory_space<vmem>>
      %dma_start3A_530 = tpu.memref_squeeze %dma_start3A_529 : memref<1x128xi32, #tpu.memory_space<vmem>> -> memref<128xi32, #tpu.memory_space<vmem>>
      %dma_start3A_531 = arith.constant 0 : i32
      %dma_start3A_532 = arith.constant 0 : i32
      %dma_start3A_533 = tpu.memref_slice %arg10[%dma_start3A_531, %dma_start3A_532] : memref<10240x16xf32, #tpu.memory_space<vmem_shared>> -> memref<10240x16xf32, #tpu.memory_space<vmem_shared>>
      tpu.enqueue_indirect_dma source(%dma_start3A_527 : memref<128x16xf32, #tpu.memory_space<vmem>>) target(%dma_start3A_533 : memref<10240x16xf32, #tpu.memory_space<vmem_shared>>) offsets(%dma_start3A_530 : memref<128xi32, #tpu.memory_space<vmem>>) semaphore(%arg22 : memref<!tpu.dma_semaphore, #tpu.memory_space<semaphore_mem>>) {add = true}
      %add3A_534 = arith.constant 3 : i32
      %add3A_535 = arith.addi %mul3A_455, %add3A_534 : i32
      %dma_wait3A_536 = arith.constant 3 : i32
      %dma_wait3A_537 = arith.constant 0 : i32
      %dma_wait3A_538 = arith.constant 0 : i32
      %dma_wait3A_539 = tpu.memref_slice %arg9[%dma_wait3A_536, %dma_wait3A_537, %dma_wait3A_538] : memref<8x128x16xf32, #tpu.memory_space<vmem>> -> memref<1x128x16xf32, #tpu.memory_space<vmem>>
      %dma_wait3A_540 = tpu.memref_squeeze %dma_wait3A_539 : memref<1x128x16xf32, #tpu.memory_space<vmem>> -> memref<128x16xf32, #tpu.memory_space<vmem>>
      %dma_wait3A_541 = arith.constant 0 : i32
      %dma_wait3A_542 = tpu.memref_slice %arg7[%add3A_535, %dma_wait3A_541] : memref<80x128xi32, #tpu.memory_space<vmem>> -> memref<1x128xi32, #tpu.memory_space<vmem>>
      %dma_wait3A_543 = tpu.memref_squeeze %dma_wait3A_542 : memref<1x128xi32, #tpu.memory_space<vmem>> -> memref<128xi32, #tpu.memory_space<vmem>>
      %dma_wait3A_544 = arith.constant 0 : i32
      %dma_wait3A_545 = arith.constant 0 : i32
      %dma_wait3A_546 = tpu.memref_slice %arg11[%dma_wait3A_544, %dma_wait3A_545] : memref<10240x16xf32, #tpu.memory_space<vmem_shared>> -> memref<10240x16xf32, #tpu.memory_space<vmem_shared>>
      tpu.wait_indirect_dma semaphore(%arg15 : memref<!tpu.dma_semaphore, #tpu.memory_space<semaphore_mem>>) src(%dma_wait3A_546 : memref<10240x16xf32, #tpu.memory_space<vmem_shared>>) dst(%dma_wait3A_540 : memref<128x16xf32, #tpu.memory_space<vmem>>)
      %add3A_547 = arith.constant 3 : i32
      %add3A_548 = arith.addi %mul3A_455, %add3A_547 : i32
      %dma_start3A_549 = arith.constant 3 : i32
      %dma_start3A_550 = arith.constant 0 : i32
      %dma_start3A_551 = arith.constant 0 : i32
      %dma_start3A_552 = tpu.memref_slice %arg9[%dma_start3A_549, %dma_start3A_550, %dma_start3A_551] : memref<8x128x16xf32, #tpu.memory_space<vmem>> -> memref<1x128x16xf32, #tpu.memory_space<vmem>>
      %dma_start3A_553 = tpu.memref_squeeze %dma_start3A_552 : memref<1x128x16xf32, #tpu.memory_space<vmem>> -> memref<128x16xf32, #tpu.memory_space<vmem>>
      %dma_start3A_554 = arith.constant 0 : i32
      %dma_start3A_555 = tpu.memref_slice %arg8[%add3A_548, %dma_start3A_554] : memref<80x128xi32, #tpu.memory_space<vmem>> -> memref<1x128xi32, #tpu.memory_space<vmem>>
      %dma_start3A_556 = tpu.memref_squeeze %dma_start3A_555 : memref<1x128xi32, #tpu.memory_space<vmem>> -> memref<128xi32, #tpu.memory_space<vmem>>
      %dma_start3A_557 = arith.constant 0 : i32
      %dma_start3A_558 = arith.constant 0 : i32
      %dma_start3A_559 = tpu.memref_slice %arg10[%dma_start3A_557, %dma_start3A_558] : memref<10240x16xf32, #tpu.memory_space<vmem_shared>> -> memref<10240x16xf32, #tpu.memory_space<vmem_shared>>
      tpu.enqueue_indirect_dma source(%dma_start3A_553 : memref<128x16xf32, #tpu.memory_space<vmem>>) target(%dma_start3A_559 : memref<10240x16xf32, #tpu.memory_space<vmem_shared>>) offsets(%dma_start3A_556 : memref<128xi32, #tpu.memory_space<vmem>>) semaphore(%arg23 : memref<!tpu.dma_semaphore, #tpu.memory_space<semaphore_mem>>) {add = true}
      %add3A_560 = arith.constant 4 : i32
      %add3A_561 = arith.addi %mul3A_455, %add3A_560 : i32
      %dma_wait3A_562 = arith.constant 4 : i32
      %dma_wait3A_563 = arith.constant 0 : i32
      %dma_wait3A_564 = arith.constant 0 : i32
      %dma_wait3A_565 = tpu.memref_slice %arg9[%dma_wait3A_562, %dma_wait3A_563, %dma_wait3A_564] : memref<8x128x16xf32, #tpu.memory_space<vmem>> -> memref<1x128x16xf32, #tpu.memory_space<vmem>>
      %dma_wait3A_566 = tpu.memref_squeeze %dma_wait3A_565 : memref<1x128x16xf32, #tpu.memory_space<vmem>> -> memref<128x16xf32, #tpu.memory_space<vmem>>
      %dma_wait3A_567 = arith.constant 0 : i32
      %dma_wait3A_568 = tpu.memref_slice %arg7[%add3A_561, %dma_wait3A_567] : memref<80x128xi32, #tpu.memory_space<vmem>> -> memref<1x128xi32, #tpu.memory_space<vmem>>
      %dma_wait3A_569 = tpu.memref_squeeze %dma_wait3A_568 : memref<1x128xi32, #tpu.memory_space<vmem>> -> memref<128xi32, #tpu.memory_space<vmem>>
      %dma_wait3A_570 = arith.constant 0 : i32
      %dma_wait3A_571 = arith.constant 0 : i32
      %dma_wait3A_572 = tpu.memref_slice %arg11[%dma_wait3A_570, %dma_wait3A_571] : memref<10240x16xf32, #tpu.memory_space<vmem_shared>> -> memref<10240x16xf32, #tpu.memory_space<vmem_shared>>
      tpu.wait_indirect_dma semaphore(%arg16 : memref<!tpu.dma_semaphore, #tpu.memory_space<semaphore_mem>>) src(%dma_wait3A_572 : memref<10240x16xf32, #tpu.memory_space<vmem_shared>>) dst(%dma_wait3A_566 : memref<128x16xf32, #tpu.memory_space<vmem>>)
      %add3A_573 = arith.constant 4 : i32
      %add3A_574 = arith.addi %mul3A_455, %add3A_573 : i32
      %dma_start3A_575 = arith.constant 4 : i32
      %dma_start3A_576 = arith.constant 0 : i32
      %dma_start3A_577 = arith.constant 0 : i32
      %dma_start3A_578 = tpu.memref_slice %arg9[%dma_start3A_575, %dma_start3A_576, %dma_start3A_577] : memref<8x128x16xf32, #tpu.memory_space<vmem>> -> memref<1x128x16xf32, #tpu.memory_space<vmem>>
      %dma_start3A_579 = tpu.memref_squeeze %dma_start3A_578 : memref<1x128x16xf32, #tpu.memory_space<vmem>> -> memref<128x16xf32, #tpu.memory_space<vmem>>
      %dma_start3A_580 = arith.constant 0 : i32
      %dma_start3A_581 = tpu.memref_slice %arg8[%add3A_574, %dma_start3A_580] : memref<80x128xi32, #tpu.memory_space<vmem>> -> memref<1x128xi32, #tpu.memory_space<vmem>>
      %dma_start3A_582 = tpu.memref_squeeze %dma_start3A_581 : memref<1x128xi32, #tpu.memory_space<vmem>> -> memref<128xi32, #tpu.memory_space<vmem>>
      %dma_start3A_583 = arith.constant 0 : i32
      %dma_start3A_584 = arith.constant 0 : i32
      %dma_start3A_585 = tpu.memref_slice %arg10[%dma_start3A_583, %dma_start3A_584] : memref<10240x16xf32, #tpu.memory_space<vmem_shared>> -> memref<10240x16xf32, #tpu.memory_space<vmem_shared>>
      tpu.enqueue_indirect_dma source(%dma_start3A_579 : memref<128x16xf32, #tpu.memory_space<vmem>>) target(%dma_start3A_585 : memref<10240x16xf32, #tpu.memory_space<vmem_shared>>) offsets(%dma_start3A_582 : memref<128xi32, #tpu.memory_space<vmem>>) semaphore(%arg24 : memref<!tpu.dma_semaphore, #tpu.memory_space<semaphore_mem>>) {add = true}
      %add3A_586 = arith.constant 5 : i32
      %add3A_587 = arith.addi %mul3A_455, %add3A_586 : i32
      %dma_wait3A_588 = arith.constant 5 : i32
      %dma_wait3A_589 = arith.constant 0 : i32
      %dma_wait3A_590 = arith.constant 0 : i32
      %dma_wait3A_591 = tpu.memref_slice %arg9[%dma_wait3A_588, %dma_wait3A_589, %dma_wait3A_590] : memref<8x128x16xf32, #tpu.memory_space<vmem>> -> memref<1x128x16xf32, #tpu.memory_space<vmem>>
      %dma_wait3A_592 = tpu.memref_squeeze %dma_wait3A_591 : memref<1x128x16xf32, #tpu.memory_space<vmem>> -> memref<128x16xf32, #tpu.memory_space<vmem>>
      %dma_wait3A_593 = arith.constant 0 : i32
      %dma_wait3A_594 = tpu.memref_slice %arg7[%add3A_587, %dma_wait3A_593] : memref<80x128xi32, #tpu.memory_space<vmem>> -> memref<1x128xi32, #tpu.memory_space<vmem>>
      %dma_wait3A_595 = tpu.memref_squeeze %dma_wait3A_594 : memref<1x128xi32, #tpu.memory_space<vmem>> -> memref<128xi32, #tpu.memory_space<vmem>>
      %dma_wait3A_596 = arith.constant 0 : i32
      %dma_wait3A_597 = arith.constant 0 : i32
      %dma_wait3A_598 = tpu.memref_slice %arg11[%dma_wait3A_596, %dma_wait3A_597] : memref<10240x16xf32, #tpu.memory_space<vmem_shared>> -> memref<10240x16xf32, #tpu.memory_space<vmem_shared>>
      tpu.wait_indirect_dma semaphore(%arg17 : memref<!tpu.dma_semaphore, #tpu.memory_space<semaphore_mem>>) src(%dma_wait3A_598 : memref<10240x16xf32, #tpu.memory_space<vmem_shared>>) dst(%dma_wait3A_592 : memref<128x16xf32, #tpu.memory_space<vmem>>)
      %add3A_599 = arith.constant 5 : i32
      %add3A_600 = arith.addi %mul3A_455, %add3A_599 : i32
      %dma_start3A_601 = arith.constant 5 : i32
      %dma_start3A_602 = arith.constant 0 : i32
      %dma_start3A_603 = arith.constant 0 : i32
      %dma_start3A_604 = tpu.memref_slice %arg9[%dma_start3A_601, %dma_start3A_602, %dma_start3A_603] : memref<8x128x16xf32, #tpu.memory_space<vmem>> -> memref<1x128x16xf32, #tpu.memory_space<vmem>>
      %dma_start3A_605 = tpu.memref_squeeze %dma_start3A_604 : memref<1x128x16xf32, #tpu.memory_space<vmem>> -> memref<128x16xf32, #tpu.memory_space<vmem>>
      %dma_start3A_606 = arith.constant 0 : i32
      %dma_start3A_607 = tpu.memref_slice %arg8[%add3A_600, %dma_start3A_606] : memref<80x128xi32, #tpu.memory_space<vmem>> -> memref<1x128xi32, #tpu.memory_space<vmem>>
      %dma_start3A_608 = tpu.memref_squeeze %dma_start3A_607 : memref<1x128xi32, #tpu.memory_space<vmem>> -> memref<128xi32, #tpu.memory_space<vmem>>
      %dma_start3A_609 = arith.constant 0 : i32
      %dma_start3A_610 = arith.constant 0 : i32
      %dma_start3A_611 = tpu.memref_slice %arg10[%dma_start3A_609, %dma_start3A_610] : memref<10240x16xf32, #tpu.memory_space<vmem_shared>> -> memref<10240x16xf32, #tpu.memory_space<vmem_shared>>
      tpu.enqueue_indirect_dma source(%dma_start3A_605 : memref<128x16xf32, #tpu.memory_space<vmem>>) target(%dma_start3A_611 : memref<10240x16xf32, #tpu.memory_space<vmem_shared>>) offsets(%dma_start3A_608 : memref<128xi32, #tpu.memory_space<vmem>>) semaphore(%arg25 : memref<!tpu.dma_semaphore, #tpu.memory_space<semaphore_mem>>) {add = true}
      %add3A_612 = arith.constant 6 : i32
      %add3A_613 = arith.addi %mul3A_455, %add3A_612 : i32
      %dma_wait3A_614 = arith.constant 6 : i32
      %dma_wait3A_615 = arith.constant 0 : i32
      %dma_wait3A_616 = arith.constant 0 : i32
      %dma_wait3A_617 = tpu.memref_slice %arg9[%dma_wait3A_614, %dma_wait3A_615, %dma_wait3A_616] : memref<8x128x16xf32, #tpu.memory_space<vmem>> -> memref<1x128x16xf32, #tpu.memory_space<vmem>>
      %dma_wait3A_618 = tpu.memref_squeeze %dma_wait3A_617 : memref<1x128x16xf32, #tpu.memory_space<vmem>> -> memref<128x16xf32, #tpu.memory_space<vmem>>
      %dma_wait3A_619 = arith.constant 0 : i32
      %dma_wait3A_620 = tpu.memref_slice %arg7[%add3A_613, %dma_wait3A_619] : memref<80x128xi32, #tpu.memory_space<vmem>> -> memref<1x128xi32, #tpu.memory_space<vmem>>
      %dma_wait3A_621 = tpu.memref_squeeze %dma_wait3A_620 : memref<1x128xi32, #tpu.memory_space<vmem>> -> memref<128xi32, #tpu.memory_space<vmem>>
      %dma_wait3A_622 = arith.constant 0 : i32
      %dma_wait3A_623 = arith.constant 0 : i32
      %dma_wait3A_624 = tpu.memref_slice %arg11[%dma_wait3A_622, %dma_wait3A_623] : memref<10240x16xf32, #tpu.memory_space<vmem_shared>> -> memref<10240x16xf32, #tpu.memory_space<vmem_shared>>
      tpu.wait_indirect_dma semaphore(%arg18 : memref<!tpu.dma_semaphore, #tpu.memory_space<semaphore_mem>>) src(%dma_wait3A_624 : memref<10240x16xf32, #tpu.memory_space<vmem_shared>>) dst(%dma_wait3A_618 : memref<128x16xf32, #tpu.memory_space<vmem>>)
      %add3A_625 = arith.constant 6 : i32
      %add3A_626 = arith.addi %mul3A_455, %add3A_625 : i32
      %dma_start3A_627 = arith.constant 6 : i32
      %dma_start3A_628 = arith.constant 0 : i32
      %dma_start3A_629 = arith.constant 0 : i32
      %dma_start3A_630 = tpu.memref_slice %arg9[%dma_start3A_627, %dma_start3A_628, %dma_start3A_629] : memref<8x128x16xf32, #tpu.memory_space<vmem>> -> memref<1x128x16xf32, #tpu.memory_space<vmem>>
      %dma_start3A_631 = tpu.memref_squeeze %dma_start3A_630 : memref<1x128x16xf32, #tpu.memory_space<vmem>> -> memref<128x16xf32, #tpu.memory_space<vmem>>
      %dma_start3A_632 = arith.constant 0 : i32
      %dma_start3A_633 = tpu.memref_slice %arg8[%add3A_626, %dma_start3A_632] : memref<80x128xi32, #tpu.memory_space<vmem>> -> memref<1x128xi32, #tpu.memory_space<vmem>>
      %dma_start3A_634 = tpu.memref_squeeze %dma_start3A_633 : memref<1x128xi32, #tpu.memory_space<vmem>> -> memref<128xi32, #tpu.memory_space<vmem>>
      %dma_start3A_635 = arith.constant 0 : i32
      %dma_start3A_636 = arith.constant 0 : i32
      %dma_start3A_637 = tpu.memref_slice %arg10[%dma_start3A_635, %dma_start3A_636] : memref<10240x16xf32, #tpu.memory_space<vmem_shared>> -> memref<10240x16xf32, #tpu.memory_space<vmem_shared>>
      tpu.enqueue_indirect_dma source(%dma_start3A_631 : memref<128x16xf32, #tpu.memory_space<vmem>>) target(%dma_start3A_637 : memref<10240x16xf32, #tpu.memory_space<vmem_shared>>) offsets(%dma_start3A_634 : memref<128xi32, #tpu.memory_space<vmem>>) semaphore(%arg26 : memref<!tpu.dma_semaphore, #tpu.memory_space<semaphore_mem>>) {add = true}
      %add3A_638 = arith.constant 7 : i32
      %add3A_639 = arith.addi %mul3A_455, %add3A_638 : i32
      %dma_wait3A_640 = arith.constant 7 : i32
      %dma_wait3A_641 = arith.constant 0 : i32
      %dma_wait3A_642 = arith.constant 0 : i32
      %dma_wait3A_643 = tpu.memref_slice %arg9[%dma_wait3A_640, %dma_wait3A_641, %dma_wait3A_642] : memref<8x128x16xf32, #tpu.memory_space<vmem>> -> memref<1x128x16xf32, #tpu.memory_space<vmem>>
      %dma_wait3A_644 = tpu.memref_squeeze %dma_wait3A_643 : memref<1x128x16xf32, #tpu.memory_space<vmem>> -> memref<128x16xf32, #tpu.memory_space<vmem>>
      %dma_wait3A_645 = arith.constant 0 : i32
      %dma_wait3A_646 = tpu.memref_slice %arg7[%add3A_639, %dma_wait3A_645] : memref<80x128xi32, #tpu.memory_space<vmem>> -> memref<1x128xi32, #tpu.memory_space<vmem>>
      %dma_wait3A_647 = tpu.memref_squeeze %dma_wait3A_646 : memref<1x128xi32, #tpu.memory_space<vmem>> -> memref<128xi32, #tpu.memory_space<vmem>>
      %dma_wait3A_648 = arith.constant 0 : i32
      %dma_wait3A_649 = arith.constant 0 : i32
      %dma_wait3A_650 = tpu.memref_slice %arg11[%dma_wait3A_648, %dma_wait3A_649] : memref<10240x16xf32, #tpu.memory_space<vmem_shared>> -> memref<10240x16xf32, #tpu.memory_space<vmem_shared>>
      tpu.wait_indirect_dma semaphore(%arg19 : memref<!tpu.dma_semaphore, #tpu.memory_space<semaphore_mem>>) src(%dma_wait3A_650 : memref<10240x16xf32, #tpu.memory_space<vmem_shared>>) dst(%dma_wait3A_644 : memref<128x16xf32, #tpu.memory_space<vmem>>)
      %add3A_651 = arith.constant 7 : i32
      %add3A_652 = arith.addi %mul3A_455, %add3A_651 : i32
      %dma_start3A_653 = arith.constant 7 : i32
      %dma_start3A_654 = arith.constant 0 : i32
      %dma_start3A_655 = arith.constant 0 : i32
      %dma_start3A_656 = tpu.memref_slice %arg9[%dma_start3A_653, %dma_start3A_654, %dma_start3A_655] : memref<8x128x16xf32, #tpu.memory_space<vmem>> -> memref<1x128x16xf32, #tpu.memory_space<vmem>>
      %dma_start3A_657 = tpu.memref_squeeze %dma_start3A_656 : memref<1x128x16xf32, #tpu.memory_space<vmem>> -> memref<128x16xf32, #tpu.memory_space<vmem>>
      %dma_start3A_658 = arith.constant 0 : i32
      %dma_start3A_659 = tpu.memref_slice %arg8[%add3A_652, %dma_start3A_658] : memref<80x128xi32, #tpu.memory_space<vmem>> -> memref<1x128xi32, #tpu.memory_space<vmem>>
      %dma_start3A_660 = tpu.memref_squeeze %dma_start3A_659 : memref<1x128xi32, #tpu.memory_space<vmem>> -> memref<128xi32, #tpu.memory_space<vmem>>
      %dma_start3A_661 = arith.constant 0 : i32
      %dma_start3A_662 = arith.constant 0 : i32
      %dma_start3A_663 = tpu.memref_slice %arg10[%dma_start3A_661, %dma_start3A_662] : memref<10240x16xf32, #tpu.memory_space<vmem_shared>> -> memref<10240x16xf32, #tpu.memory_space<vmem_shared>>
      tpu.enqueue_indirect_dma source(%dma_start3A_657 : memref<128x16xf32, #tpu.memory_space<vmem>>) target(%dma_start3A_663 : memref<10240x16xf32, #tpu.memory_space<vmem_shared>>) offsets(%dma_start3A_660 : memref<128xi32, #tpu.memory_space<vmem>>) semaphore(%arg27 : memref<!tpu.dma_semaphore, #tpu.memory_space<semaphore_mem>>) {add = true}
      %add3A_664 = arith.constant 0 : i32
      %add3A_665 = arith.addi %mul3A_455, %add3A_664 : i32
      %dma_wait3A_666 = arith.constant 0 : i32
      %dma_wait3A_667 = arith.constant 0 : i32
      %dma_wait3A_668 = arith.constant 0 : i32
      %dma_wait3A_669 = tpu.memref_slice %arg9[%dma_wait3A_666, %dma_wait3A_667, %dma_wait3A_668] : memref<8x128x16xf32, #tpu.memory_space<vmem>> -> memref<1x128x16xf32, #tpu.memory_space<vmem>>
      %dma_wait3A_670 = tpu.memref_squeeze %dma_wait3A_669 : memref<1x128x16xf32, #tpu.memory_space<vmem>> -> memref<128x16xf32, #tpu.memory_space<vmem>>
      %dma_wait3A_671 = arith.constant 0 : i32
      %dma_wait3A_672 = tpu.memref_slice %arg8[%add3A_665, %dma_wait3A_671] : memref<80x128xi32, #tpu.memory_space<vmem>> -> memref<1x128xi32, #tpu.memory_space<vmem>>
      %dma_wait3A_673 = tpu.memref_squeeze %dma_wait3A_672 : memref<1x128xi32, #tpu.memory_space<vmem>> -> memref<128xi32, #tpu.memory_space<vmem>>
      %dma_wait3A_674 = arith.constant 0 : i32
      %dma_wait3A_675 = arith.constant 0 : i32
      %dma_wait3A_676 = tpu.memref_slice %arg10[%dma_wait3A_674, %dma_wait3A_675] : memref<10240x16xf32, #tpu.memory_space<vmem_shared>> -> memref<10240x16xf32, #tpu.memory_space<vmem_shared>>
      tpu.wait_indirect_dma semaphore(%arg20 : memref<!tpu.dma_semaphore, #tpu.memory_space<semaphore_mem>>) src(%dma_wait3A_670 : memref<128x16xf32, #tpu.memory_space<vmem>>) dst(%dma_wait3A_676 : memref<10240x16xf32, #tpu.memory_space<vmem_shared>>)
      %mul3A_677 = arith.constant 8 : i32
      %mul3A_678 = arith.muli %add3A_452, %mul3A_677 : i32
      %add3A_679 = arith.constant 0 : i32
      %add3A_680 = arith.addi %mul3A_678, %add3A_679 : i32
      %dma_start3A_681 = arith.constant 0 : i32
      %dma_start3A_682 = arith.constant 0 : i32
      %dma_start3A_683 = arith.constant 0 : i32
      %dma_start3A_684 = tpu.memref_slice %arg9[%dma_start3A_681, %dma_start3A_682, %dma_start3A_683] : memref<8x128x16xf32, #tpu.memory_space<vmem>> -> memref<1x128x16xf32, #tpu.memory_space<vmem>>
      %dma_start3A_685 = tpu.memref_squeeze %dma_start3A_684 : memref<1x128x16xf32, #tpu.memory_space<vmem>> -> memref<128x16xf32, #tpu.memory_space<vmem>>
      %dma_start3A_686 = arith.constant 0 : i32
      %dma_start3A_687 = tpu.memref_slice %arg7[%add3A_680, %dma_start3A_686] : memref<80x128xi32, #tpu.memory_space<vmem>> -> memref<1x128xi32, #tpu.memory_space<vmem>>
      %dma_start3A_688 = tpu.memref_squeeze %dma_start3A_687 : memref<1x128xi32, #tpu.memory_space<vmem>> -> memref<128xi32, #tpu.memory_space<vmem>>
      %dma_start3A_689 = arith.constant 0 : i32
      %dma_start3A_690 = arith.constant 0 : i32
      %dma_start3A_691 = tpu.memref_slice %arg11[%dma_start3A_689, %dma_start3A_690] : memref<10240x16xf32, #tpu.memory_space<vmem_shared>> -> memref<10240x16xf32, #tpu.memory_space<vmem_shared>>
      tpu.enqueue_indirect_dma source(%dma_start3A_691 : memref<10240x16xf32, #tpu.memory_space<vmem_shared>>) target(%dma_start3A_685 : memref<128x16xf32, #tpu.memory_space<vmem>>) offsets(%dma_start3A_688 : memref<128xi32, #tpu.memory_space<vmem>>) semaphore(%arg12 : memref<!tpu.dma_semaphore, #tpu.memory_space<semaphore_mem>>)
      %add3A_692 = arith.constant 1 : i32
      %add3A_693 = arith.addi %mul3A_455, %add3A_692 : i32
      %dma_wait3A_694 = arith.constant 1 : i32
      %dma_wait3A_695 = arith.constant 0 : i32
      %dma_wait3A_696 = arith.constant 0 : i32
      %dma_wait3A_697 = tpu.memref_slice %arg9[%dma_wait3A_694, %dma_wait3A_695, %dma_wait3A_696] : memref<8x128x16xf32, #tpu.memory_space<vmem>> -> memref<1x128x16xf32, #tpu.memory_space<vmem>>
      %dma_wait3A_698 = tpu.memref_squeeze %dma_wait3A_697 : memref<1x128x16xf32, #tpu.memory_space<vmem>> -> memref<128x16xf32, #tpu.memory_space<vmem>>
      %dma_wait3A_699 = arith.constant 0 : i32
      %dma_wait3A_700 = tpu.memref_slice %arg8[%add3A_693, %dma_wait3A_699] : memref<80x128xi32, #tpu.memory_space<vmem>> -> memref<1x128xi32, #tpu.memory_space<vmem>>
      %dma_wait3A_701 = tpu.memref_squeeze %dma_wait3A_700 : memref<1x128xi32, #tpu.memory_space<vmem>> -> memref<128xi32, #tpu.memory_space<vmem>>
      %dma_wait3A_702 = arith.constant 0 : i32
      %dma_wait3A_703 = arith.constant 0 : i32
      %dma_wait3A_704 = tpu.memref_slice %arg10[%dma_wait3A_702, %dma_wait3A_703] : memref<10240x16xf32, #tpu.memory_space<vmem_shared>> -> memref<10240x16xf32, #tpu.memory_space<vmem_shared>>
      tpu.wait_indirect_dma semaphore(%arg21 : memref<!tpu.dma_semaphore, #tpu.memory_space<semaphore_mem>>) src(%dma_wait3A_698 : memref<128x16xf32, #tpu.memory_space<vmem>>) dst(%dma_wait3A_704 : memref<10240x16xf32, #tpu.memory_space<vmem_shared>>)
      %mul3A_705 = arith.constant 8 : i32
      %mul3A_706 = arith.muli %add3A_452, %mul3A_705 : i32
      %add3A_707 = arith.constant 1 : i32
      %add3A_708 = arith.addi %mul3A_706, %add3A_707 : i32
      %dma_start3A_709 = arith.constant 1 : i32
      %dma_start3A_710 = arith.constant 0 : i32
      %dma_start3A_711 = arith.constant 0 : i32
      %dma_start3A_712 = tpu.memref_slice %arg9[%dma_start3A_709, %dma_start3A_710, %dma_start3A_711] : memref<8x128x16xf32, #tpu.memory_space<vmem>> -> memref<1x128x16xf32, #tpu.memory_space<vmem>>
      %dma_start3A_713 = tpu.memref_squeeze %dma_start3A_712 : memref<1x128x16xf32, #tpu.memory_space<vmem>> -> memref<128x16xf32, #tpu.memory_space<vmem>>
      %dma_start3A_714 = arith.constant 0 : i32
      %dma_start3A_715 = tpu.memref_slice %arg7[%add3A_708, %dma_start3A_714] : memref<80x128xi32, #tpu.memory_space<vmem>> -> memref<1x128xi32, #tpu.memory_space<vmem>>
      %dma_start3A_716 = tpu.memref_squeeze %dma_start3A_715 : memref<1x128xi32, #tpu.memory_space<vmem>> -> memref<128xi32, #tpu.memory_space<vmem>>
      %dma_start3A_717 = arith.constant 0 : i32
      %dma_start3A_718 = arith.constant 0 : i32
      %dma_start3A_719 = tpu.memref_slice %arg11[%dma_start3A_717, %dma_start3A_718] : memref<10240x16xf32, #tpu.memory_space<vmem_shared>> -> memref<10240x16xf32, #tpu.memory_space<vmem_shared>>
      tpu.enqueue_indirect_dma source(%dma_start3A_719 : memref<10240x16xf32, #tpu.memory_space<vmem_shared>>) target(%dma_start3A_713 : memref<128x16xf32, #tpu.memory_space<vmem>>) offsets(%dma_start3A_716 : memref<128xi32, #tpu.memory_space<vmem>>) semaphore(%arg13 : memref<!tpu.dma_semaphore, #tpu.memory_space<semaphore_mem>>)
      %add3A_720 = arith.constant 2 : i32
      %add3A_721 = arith.addi %mul3A_455, %add3A_720 : i32
      %dma_wait3A_722 = arith.constant 2 : i32
      %dma_wait3A_723 = arith.constant 0 : i32
      %dma_wait3A_724 = arith.constant 0 : i32
      %dma_wait3A_725 = tpu.memref_slice %arg9[%dma_wait3A_722, %dma_wait3A_723, %dma_wait3A_724] : memref<8x128x16xf32, #tpu.memory_space<vmem>> -> memref<1x128x16xf32, #tpu.memory_space<vmem>>
      %dma_wait3A_726 = tpu.memref_squeeze %dma_wait3A_725 : memref<1x128x16xf32, #tpu.memory_space<vmem>> -> memref<128x16xf32, #tpu.memory_space<vmem>>
      %dma_wait3A_727 = arith.constant 0 : i32
      %dma_wait3A_728 = tpu.memref_slice %arg8[%add3A_721, %dma_wait3A_727] : memref<80x128xi32, #tpu.memory_space<vmem>> -> memref<1x128xi32, #tpu.memory_space<vmem>>
      %dma_wait3A_729 = tpu.memref_squeeze %dma_wait3A_728 : memref<1x128xi32, #tpu.memory_space<vmem>> -> memref<128xi32, #tpu.memory_space<vmem>>
      %dma_wait3A_730 = arith.constant 0 : i32
      %dma_wait3A_731 = arith.constant 0 : i32
      %dma_wait3A_732 = tpu.memref_slice %arg10[%dma_wait3A_730, %dma_wait3A_731] : memref<10240x16xf32, #tpu.memory_space<vmem_shared>> -> memref<10240x16xf32, #tpu.memory_space<vmem_shared>>
      tpu.wait_indirect_dma semaphore(%arg22 : memref<!tpu.dma_semaphore, #tpu.memory_space<semaphore_mem>>) src(%dma_wait3A_726 : memref<128x16xf32, #tpu.memory_space<vmem>>) dst(%dma_wait3A_732 : memref<10240x16xf32, #tpu.memory_space<vmem_shared>>)
      %mul3A_733 = arith.constant 8 : i32
      %mul3A_734 = arith.muli %add3A_452, %mul3A_733 : i32
      %add3A_735 = arith.constant 2 : i32
      %add3A_736 = arith.addi %mul3A_734, %add3A_735 : i32
      %dma_start3A_737 = arith.constant 2 : i32
      %dma_start3A_738 = arith.constant 0 : i32
      %dma_start3A_739 = arith.constant 0 : i32
      %dma_start3A_740 = tpu.memref_slice %arg9[%dma_start3A_737, %dma_start3A_738, %dma_start3A_739] : memref<8x128x16xf32, #tpu.memory_space<vmem>> -> memref<1x128x16xf32, #tpu.memory_space<vmem>>
      %dma_start3A_741 = tpu.memref_squeeze %dma_start3A_740 : memref<1x128x16xf32, #tpu.memory_space<vmem>> -> memref<128x16xf32, #tpu.memory_space<vmem>>
      %dma_start3A_742 = arith.constant 0 : i32
      %dma_start3A_743 = tpu.memref_slice %arg7[%add3A_736, %dma_start3A_742] : memref<80x128xi32, #tpu.memory_space<vmem>> -> memref<1x128xi32, #tpu.memory_space<vmem>>
      %dma_start3A_744 = tpu.memref_squeeze %dma_start3A_743 : memref<1x128xi32, #tpu.memory_space<vmem>> -> memref<128xi32, #tpu.memory_space<vmem>>
      %dma_start3A_745 = arith.constant 0 : i32
      %dma_start3A_746 = arith.constant 0 : i32
      %dma_start3A_747 = tpu.memref_slice %arg11[%dma_start3A_745, %dma_start3A_746] : memref<10240x16xf32, #tpu.memory_space<vmem_shared>> -> memref<10240x16xf32, #tpu.memory_space<vmem_shared>>
      tpu.enqueue_indirect_dma source(%dma_start3A_747 : memref<10240x16xf32, #tpu.memory_space<vmem_shared>>) target(%dma_start3A_741 : memref<128x16xf32, #tpu.memory_space<vmem>>) offsets(%dma_start3A_744 : memref<128xi32, #tpu.memory_space<vmem>>) semaphore(%arg14 : memref<!tpu.dma_semaphore, #tpu.memory_space<semaphore_mem>>)
      %add3A_748 = arith.constant 3 : i32
      %add3A_749 = arith.addi %mul3A_455, %add3A_748 : i32
      %dma_wait3A_750 = arith.constant 3 : i32
      %dma_wait3A_751 = arith.constant 0 : i32
      %dma_wait3A_752 = arith.constant 0 : i32
      %dma_wait3A_753 = tpu.memref_slice %arg9[%dma_wait3A_750, %dma_wait3A_751, %dma_wait3A_752] : memref<8x128x16xf32, #tpu.memory_space<vmem>> -> memref<1x128x16xf32, #tpu.memory_space<vmem>>
      %dma_wait3A_754 = tpu.memref_squeeze %dma_wait3A_753 : memref<1x128x16xf32, #tpu.memory_space<vmem>> -> memref<128x16xf32, #tpu.memory_space<vmem>>
      %dma_wait3A_755 = arith.constant 0 : i32
      %dma_wait3A_756 = tpu.memref_slice %arg8[%add3A_749, %dma_wait3A_755] : memref<80x128xi32, #tpu.memory_space<vmem>> -> memref<1x128xi32, #tpu.memory_space<vmem>>
      %dma_wait3A_757 = tpu.memref_squeeze %dma_wait3A_756 : memref<1x128xi32, #tpu.memory_space<vmem>> -> memref<128xi32, #tpu.memory_space<vmem>>
      %dma_wait3A_758 = arith.constant 0 : i32
      %dma_wait3A_759 = arith.constant 0 : i32
      %dma_wait3A_760 = tpu.memref_slice %arg10[%dma_wait3A_758, %dma_wait3A_759] : memref<10240x16xf32, #tpu.memory_space<vmem_shared>> -> memref<10240x16xf32, #tpu.memory_space<vmem_shared>>
      tpu.wait_indirect_dma semaphore(%arg23 : memref<!tpu.dma_semaphore, #tpu.memory_space<semaphore_mem>>) src(%dma_wait3A_754 : memref<128x16xf32, #tpu.memory_space<vmem>>) dst(%dma_wait3A_760 : memref<10240x16xf32, #tpu.memory_space<vmem_shared>>)
      %mul3A_761 = arith.constant 8 : i32
      %mul3A_762 = arith.muli %add3A_452, %mul3A_761 : i32
      %add3A_763 = arith.constant 3 : i32
      %add3A_764 = arith.addi %mul3A_762, %add3A_763 : i32
      %dma_start3A_765 = arith.constant 3 : i32
      %dma_start3A_766 = arith.constant 0 : i32
      %dma_start3A_767 = arith.constant 0 : i32
      %dma_start3A_768 = tpu.memref_slice %arg9[%dma_start3A_765, %dma_start3A_766, %dma_start3A_767] : memref<8x128x16xf32, #tpu.memory_space<vmem>> -> memref<1x128x16xf32, #tpu.memory_space<vmem>>
      %dma_start3A_769 = tpu.memref_squeeze %dma_start3A_768 : memref<1x128x16xf32, #tpu.memory_space<vmem>> -> memref<128x16xf32, #tpu.memory_space<vmem>>
      %dma_start3A_770 = arith.constant 0 : i32
      %dma_start3A_771 = tpu.memref_slice %arg7[%add3A_764, %dma_start3A_770] : memref<80x128xi32, #tpu.memory_space<vmem>> -> memref<1x128xi32, #tpu.memory_space<vmem>>
      %dma_start3A_772 = tpu.memref_squeeze %dma_start3A_771 : memref<1x128xi32, #tpu.memory_space<vmem>> -> memref<128xi32, #tpu.memory_space<vmem>>
      %dma_start3A_773 = arith.constant 0 : i32
      %dma_start3A_774 = arith.constant 0 : i32
      %dma_start3A_775 = tpu.memref_slice %arg11[%dma_start3A_773, %dma_start3A_774] : memref<10240x16xf32, #tpu.memory_space<vmem_shared>> -> memref<10240x16xf32, #tpu.memory_space<vmem_shared>>
      tpu.enqueue_indirect_dma source(%dma_start3A_775 : memref<10240x16xf32, #tpu.memory_space<vmem_shared>>) target(%dma_start3A_769 : memref<128x16xf32, #tpu.memory_space<vmem>>) offsets(%dma_start3A_772 : memref<128xi32, #tpu.memory_space<vmem>>) semaphore(%arg15 : memref<!tpu.dma_semaphore, #tpu.memory_space<semaphore_mem>>)
      %add3A_776 = arith.constant 4 : i32
      %add3A_777 = arith.addi %mul3A_455, %add3A_776 : i32
      %dma_wait3A_778 = arith.constant 4 : i32
      %dma_wait3A_779 = arith.constant 0 : i32
      %dma_wait3A_780 = arith.constant 0 : i32
      %dma_wait3A_781 = tpu.memref_slice %arg9[%dma_wait3A_778, %dma_wait3A_779, %dma_wait3A_780] : memref<8x128x16xf32, #tpu.memory_space<vmem>> -> memref<1x128x16xf32, #tpu.memory_space<vmem>>
      %dma_wait3A_782 = tpu.memref_squeeze %dma_wait3A_781 : memref<1x128x16xf32, #tpu.memory_space<vmem>> -> memref<128x16xf32, #tpu.memory_space<vmem>>
      %dma_wait3A_783 = arith.constant 0 : i32
      %dma_wait3A_784 = tpu.memref_slice %arg8[%add3A_777, %dma_wait3A_783] : memref<80x128xi32, #tpu.memory_space<vmem>> -> memref<1x128xi32, #tpu.memory_space<vmem>>
      %dma_wait3A_785 = tpu.memref_squeeze %dma_wait3A_784 : memref<1x128xi32, #tpu.memory_space<vmem>> -> memref<128xi32, #tpu.memory_space<vmem>>
      %dma_wait3A_786 = arith.constant 0 : i32
      %dma_wait3A_787 = arith.constant 0 : i32
      %dma_wait3A_788 = tpu.memref_slice %arg10[%dma_wait3A_786, %dma_wait3A_787] : memref<10240x16xf32, #tpu.memory_space<vmem_shared>> -> memref<10240x16xf32, #tpu.memory_space<vmem_shared>>
      tpu.wait_indirect_dma semaphore(%arg24 : memref<!tpu.dma_semaphore, #tpu.memory_space<semaphore_mem>>) src(%dma_wait3A_782 : memref<128x16xf32, #tpu.memory_space<vmem>>) dst(%dma_wait3A_788 : memref<10240x16xf32, #tpu.memory_space<vmem_shared>>)
      %mul3A_789 = arith.constant 8 : i32
      %mul3A_790 = arith.muli %add3A_452, %mul3A_789 : i32
      %add3A_791 = arith.constant 4 : i32
      %add3A_792 = arith.addi %mul3A_790, %add3A_791 : i32
      %dma_start3A_793 = arith.constant 4 : i32
      %dma_start3A_794 = arith.constant 0 : i32
      %dma_start3A_795 = arith.constant 0 : i32
      %dma_start3A_796 = tpu.memref_slice %arg9[%dma_start3A_793, %dma_start3A_794, %dma_start3A_795] : memref<8x128x16xf32, #tpu.memory_space<vmem>> -> memref<1x128x16xf32, #tpu.memory_space<vmem>>
      %dma_start3A_797 = tpu.memref_squeeze %dma_start3A_796 : memref<1x128x16xf32, #tpu.memory_space<vmem>> -> memref<128x16xf32, #tpu.memory_space<vmem>>
      %dma_start3A_798 = arith.constant 0 : i32
      %dma_start3A_799 = tpu.memref_slice %arg7[%add3A_792, %dma_start3A_798] : memref<80x128xi32, #tpu.memory_space<vmem>> -> memref<1x128xi32, #tpu.memory_space<vmem>>
      %dma_start3A_800 = tpu.memref_squeeze %dma_start3A_799 : memref<1x128xi32, #tpu.memory_space<vmem>> -> memref<128xi32, #tpu.memory_space<vmem>>
      %dma_start3A_801 = arith.constant 0 : i32
      %dma_start3A_802 = arith.constant 0 : i32
      %dma_start3A_803 = tpu.memref_slice %arg11[%dma_start3A_801, %dma_start3A_802] : memref<10240x16xf32, #tpu.memory_space<vmem_shared>> -> memref<10240x16xf32, #tpu.memory_space<vmem_shared>>
      tpu.enqueue_indirect_dma source(%dma_start3A_803 : memref<10240x16xf32, #tpu.memory_space<vmem_shared>>) target(%dma_start3A_797 : memref<128x16xf32, #tpu.memory_space<vmem>>) offsets(%dma_start3A_800 : memref<128xi32, #tpu.memory_space<vmem>>) semaphore(%arg16 : memref<!tpu.dma_semaphore, #tpu.memory_space<semaphore_mem>>)
      %add3A_804 = arith.constant 5 : i32
      %add3A_805 = arith.addi %mul3A_455, %add3A_804 : i32
      %dma_wait3A_806 = arith.constant 5 : i32
      %dma_wait3A_807 = arith.constant 0 : i32
      %dma_wait3A_808 = arith.constant 0 : i32
      %dma_wait3A_809 = tpu.memref_slice %arg9[%dma_wait3A_806, %dma_wait3A_807, %dma_wait3A_808] : memref<8x128x16xf32, #tpu.memory_space<vmem>> -> memref<1x128x16xf32, #tpu.memory_space<vmem>>
      %dma_wait3A_810 = tpu.memref_squeeze %dma_wait3A_809 : memref<1x128x16xf32, #tpu.memory_space<vmem>> -> memref<128x16xf32, #tpu.memory_space<vmem>>
      %dma_wait3A_811 = arith.constant 0 : i32
      %dma_wait3A_812 = tpu.memref_slice %arg8[%add3A_805, %dma_wait3A_811] : memref<80x128xi32, #tpu.memory_space<vmem>> -> memref<1x128xi32, #tpu.memory_space<vmem>>
      %dma_wait3A_813 = tpu.memref_squeeze %dma_wait3A_812 : memref<1x128xi32, #tpu.memory_space<vmem>> -> memref<128xi32, #tpu.memory_space<vmem>>
      %dma_wait3A_814 = arith.constant 0 : i32
      %dma_wait3A_815 = arith.constant 0 : i32
      %dma_wait3A_816 = tpu.memref_slice %arg10[%dma_wait3A_814, %dma_wait3A_815] : memref<10240x16xf32, #tpu.memory_space<vmem_shared>> -> memref<10240x16xf32, #tpu.memory_space<vmem_shared>>
      tpu.wait_indirect_dma semaphore(%arg25 : memref<!tpu.dma_semaphore, #tpu.memory_space<semaphore_mem>>) src(%dma_wait3A_810 : memref<128x16xf32, #tpu.memory_space<vmem>>) dst(%dma_wait3A_816 : memref<10240x16xf32, #tpu.memory_space<vmem_shared>>)
      %mul3A_817 = arith.constant 8 : i32
      %mul3A_818 = arith.muli %add3A_452, %mul3A_817 : i32
      %add3A_819 = arith.constant 5 : i32
      %add3A_820 = arith.addi %mul3A_818, %add3A_819 : i32
      %dma_start3A_821 = arith.constant 5 : i32
      %dma_start3A_822 = arith.constant 0 : i32
      %dma_start3A_823 = arith.constant 0 : i32
      %dma_start3A_824 = tpu.memref_slice %arg9[%dma_start3A_821, %dma_start3A_822, %dma_start3A_823] : memref<8x128x16xf32, #tpu.memory_space<vmem>> -> memref<1x128x16xf32, #tpu.memory_space<vmem>>
      %dma_start3A_825 = tpu.memref_squeeze %dma_start3A_824 : memref<1x128x16xf32, #tpu.memory_space<vmem>> -> memref<128x16xf32, #tpu.memory_space<vmem>>
      %dma_start3A_826 = arith.constant 0 : i32
      %dma_start3A_827 = tpu.memref_slice %arg7[%add3A_820, %dma_start3A_826] : memref<80x128xi32, #tpu.memory_space<vmem>> -> memref<1x128xi32, #tpu.memory_space<vmem>>
      %dma_start3A_828 = tpu.memref_squeeze %dma_start3A_827 : memref<1x128xi32, #tpu.memory_space<vmem>> -> memref<128xi32, #tpu.memory_space<vmem>>
      %dma_start3A_829 = arith.constant 0 : i32
      %dma_start3A_830 = arith.constant 0 : i32
      %dma_start3A_831 = tpu.memref_slice %arg11[%dma_start3A_829, %dma_start3A_830] : memref<10240x16xf32, #tpu.memory_space<vmem_shared>> -> memref<10240x16xf32, #tpu.memory_space<vmem_shared>>
      tpu.enqueue_indirect_dma source(%dma_start3A_831 : memref<10240x16xf32, #tpu.memory_space<vmem_shared>>) target(%dma_start3A_825 : memref<128x16xf32, #tpu.memory_space<vmem>>) offsets(%dma_start3A_828 : memref<128xi32, #tpu.memory_space<vmem>>) semaphore(%arg17 : memref<!tpu.dma_semaphore, #tpu.memory_space<semaphore_mem>>)
      %add3A_832 = arith.constant 6 : i32
      %add3A_833 = arith.addi %mul3A_455, %add3A_832 : i32
      %dma_wait3A_834 = arith.constant 6 : i32
      %dma_wait3A_835 = arith.constant 0 : i32
      %dma_wait3A_836 = arith.constant 0 : i32
      %dma_wait3A_837 = tpu.memref_slice %arg9[%dma_wait3A_834, %dma_wait3A_835, %dma_wait3A_836] : memref<8x128x16xf32, #tpu.memory_space<vmem>> -> memref<1x128x16xf32, #tpu.memory_space<vmem>>
      %dma_wait3A_838 = tpu.memref_squeeze %dma_wait3A_837 : memref<1x128x16xf32, #tpu.memory_space<vmem>> -> memref<128x16xf32, #tpu.memory_space<vmem>>
      %dma_wait3A_839 = arith.constant 0 : i32
      %dma_wait3A_840 = tpu.memref_slice %arg8[%add3A_833, %dma_wait3A_839] : memref<80x128xi32, #tpu.memory_space<vmem>> -> memref<1x128xi32, #tpu.memory_space<vmem>>
      %dma_wait3A_841 = tpu.memref_squeeze %dma_wait3A_840 : memref<1x128xi32, #tpu.memory_space<vmem>> -> memref<128xi32, #tpu.memory_space<vmem>>
      %dma_wait3A_842 = arith.constant 0 : i32
      %dma_wait3A_843 = arith.constant 0 : i32
      %dma_wait3A_844 = tpu.memref_slice %arg10[%dma_wait3A_842, %dma_wait3A_843] : memref<10240x16xf32, #tpu.memory_space<vmem_shared>> -> memref<10240x16xf32, #tpu.memory_space<vmem_shared>>
      tpu.wait_indirect_dma semaphore(%arg26 : memref<!tpu.dma_semaphore, #tpu.memory_space<semaphore_mem>>) src(%dma_wait3A_838 : memref<128x16xf32, #tpu.memory_space<vmem>>) dst(%dma_wait3A_844 : memref<10240x16xf32, #tpu.memory_space<vmem_shared>>)
      %mul3A_845 = arith.constant 8 : i32
      %mul3A_846 = arith.muli %add3A_452, %mul3A_845 : i32
      %add3A_847 = arith.constant 6 : i32
      %add3A_848 = arith.addi %mul3A_846, %add3A_847 : i32
      %dma_start3A_849 = arith.constant 6 : i32
      %dma_start3A_850 = arith.constant 0 : i32
      %dma_start3A_851 = arith.constant 0 : i32
      %dma_start3A_852 = tpu.memref_slice %arg9[%dma_start3A_849, %dma_start3A_850, %dma_start3A_851] : memref<8x128x16xf32, #tpu.memory_space<vmem>> -> memref<1x128x16xf32, #tpu.memory_space<vmem>>
      %dma_start3A_853 = tpu.memref_squeeze %dma_start3A_852 : memref<1x128x16xf32, #tpu.memory_space<vmem>> -> memref<128x16xf32, #tpu.memory_space<vmem>>
      %dma_start3A_854 = arith.constant 0 : i32
      %dma_start3A_855 = tpu.memref_slice %arg7[%add3A_848, %dma_start3A_854] : memref<80x128xi32, #tpu.memory_space<vmem>> -> memref<1x128xi32, #tpu.memory_space<vmem>>
      %dma_start3A_856 = tpu.memref_squeeze %dma_start3A_855 : memref<1x128xi32, #tpu.memory_space<vmem>> -> memref<128xi32, #tpu.memory_space<vmem>>
      %dma_start3A_857 = arith.constant 0 : i32
      %dma_start3A_858 = arith.constant 0 : i32
      %dma_start3A_859 = tpu.memref_slice %arg11[%dma_start3A_857, %dma_start3A_858] : memref<10240x16xf32, #tpu.memory_space<vmem_shared>> -> memref<10240x16xf32, #tpu.memory_space<vmem_shared>>
      tpu.enqueue_indirect_dma source(%dma_start3A_859 : memref<10240x16xf32, #tpu.memory_space<vmem_shared>>) target(%dma_start3A_853 : memref<128x16xf32, #tpu.memory_space<vmem>>) offsets(%dma_start3A_856 : memref<128xi32, #tpu.memory_space<vmem>>) semaphore(%arg18 : memref<!tpu.dma_semaphore, #tpu.memory_space<semaphore_mem>>)
      %add3A_860 = arith.constant 7 : i32
      %add3A_861 = arith.addi %mul3A_455, %add3A_860 : i32
      %dma_wait3A_862 = arith.constant 7 : i32
      %dma_wait3A_863 = arith.constant 0 : i32
      %dma_wait3A_864 = arith.constant 0 : i32
      %dma_wait3A_865 = tpu.memref_slice %arg9[%dma_wait3A_862, %dma_wait3A_863, %dma_wait3A_864] : memref<8x128x16xf32, #tpu.memory_space<vmem>> -> memref<1x128x16xf32, #tpu.memory_space<vmem>>
      %dma_wait3A_866 = tpu.memref_squeeze %dma_wait3A_865 : memref<1x128x16xf32, #tpu.memory_space<vmem>> -> memref<128x16xf32, #tpu.memory_space<vmem>>
      %dma_wait3A_867 = arith.constant 0 : i32
      %dma_wait3A_868 = tpu.memref_slice %arg8[%add3A_861, %dma_wait3A_867] : memref<80x128xi32, #tpu.memory_space<vmem>> -> memref<1x128xi32, #tpu.memory_space<vmem>>
      %dma_wait3A_869 = tpu.memref_squeeze %dma_wait3A_868 : memref<1x128xi32, #tpu.memory_space<vmem>> -> memref<128xi32, #tpu.memory_space<vmem>>
      %dma_wait3A_870 = arith.constant 0 : i32
      %dma_wait3A_871 = arith.constant 0 : i32
      %dma_wait3A_872 = tpu.memref_slice %arg10[%dma_wait3A_870, %dma_wait3A_871] : memref<10240x16xf32, #tpu.memory_space<vmem_shared>> -> memref<10240x16xf32, #tpu.memory_space<vmem_shared>>
      tpu.wait_indirect_dma semaphore(%arg27 : memref<!tpu.dma_semaphore, #tpu.memory_space<semaphore_mem>>) src(%dma_wait3A_866 : memref<128x16xf32, #tpu.memory_space<vmem>>) dst(%dma_wait3A_872 : memref<10240x16xf32, #tpu.memory_space<vmem_shared>>)
      %mul3A_873 = arith.constant 8 : i32
      %mul3A_874 = arith.muli %add3A_452, %mul3A_873 : i32
      %add3A_875 = arith.constant 7 : i32
      %add3A_876 = arith.addi %mul3A_874, %add3A_875 : i32
      %dma_start3A_877 = arith.constant 7 : i32
      %dma_start3A_878 = arith.constant 0 : i32
      %dma_start3A_879 = arith.constant 0 : i32
      %dma_start3A_880 = tpu.memref_slice %arg9[%dma_start3A_877, %dma_start3A_878, %dma_start3A_879] : memref<8x128x16xf32, #tpu.memory_space<vmem>> -> memref<1x128x16xf32, #tpu.memory_space<vmem>>
      %dma_start3A_881 = tpu.memref_squeeze %dma_start3A_880 : memref<1x128x16xf32, #tpu.memory_space<vmem>> -> memref<128x16xf32, #tpu.memory_space<vmem>>
      %dma_start3A_882 = arith.constant 0 : i32
      %dma_start3A_883 = tpu.memref_slice %arg7[%add3A_876, %dma_start3A_882] : memref<80x128xi32, #tpu.memory_space<vmem>> -> memref<1x128xi32, #tpu.memory_space<vmem>>
      %dma_start3A_884 = tpu.memref_squeeze %dma_start3A_883 : memref<1x128xi32, #tpu.memory_space<vmem>> -> memref<128xi32, #tpu.memory_space<vmem>>
      %dma_start3A_885 = arith.constant 0 : i32
      %dma_start3A_886 = arith.constant 0 : i32
      %dma_start3A_887 = tpu.memref_slice %arg11[%dma_start3A_885, %dma_start3A_886] : memref<10240x16xf32, #tpu.memory_space<vmem_shared>> -> memref<10240x16xf32, #tpu.memory_space<vmem_shared>>
      tpu.enqueue_indirect_dma source(%dma_start3A_887 : memref<10240x16xf32, #tpu.memory_space<vmem_shared>>) target(%dma_start3A_881 : memref<128x16xf32, #tpu.memory_space<vmem>>) offsets(%dma_start3A_884 : memref<128xi32, #tpu.memory_space<vmem>>) semaphore(%arg19 : memref<!tpu.dma_semaphore, #tpu.memory_space<semaphore_mem>>)
    }
    %scan3A_154 = arith.constant 9 : i32
    %dma_wait3A_155 = arith.constant 72 : i32
    %dma_wait3A_156 = arith.constant 0 : i32
    %dma_wait3A_157 = arith.constant 0 : i32
    %dma_wait3A_158 = arith.constant 0 : i32
    %dma_wait3A_159 = tpu.memref_slice %arg9[%dma_wait3A_156, %dma_wait3A_157, %dma_wait3A_158] : memref<8x128x16xf32, #tpu.memory_space<vmem>> -> memref<1x128x16xf32, #tpu.memory_space<vmem>>
    %dma_wait3A_160 = tpu.memref_squeeze %dma_wait3A_159 : memref<1x128x16xf32, #tpu.memory_space<vmem>> -> memref<128x16xf32, #tpu.memory_space<vmem>>
    %dma_wait3A_161 = arith.constant 0 : i32
    %dma_wait3A_162 = tpu.memref_slice %arg7[%dma_wait3A_155, %dma_wait3A_161] : memref<80x128xi32, #tpu.memory_space<vmem>> -> memref<1x128xi32, #tpu.memory_space<vmem>>
    %dma_wait3A_163 = tpu.memref_squeeze %dma_wait3A_162 : memref<1x128xi32, #tpu.memory_space<vmem>> -> memref<128xi32, #tpu.memory_space<vmem>>
    %dma_wait3A_164 = arith.constant 0 : i32
    %dma_wait3A_165 = arith.constant 0 : i32
    %dma_wait3A_166 = tpu.memref_slice %arg11[%dma_wait3A_164, %dma_wait3A_165] : memref<10240x16xf32, #tpu.memory_space<vmem_shared>> -> memref<10240x16xf32, #tpu.memory_space<vmem_shared>>
    tpu.wait_indirect_dma semaphore(%arg12 : memref<!tpu.dma_semaphore, #tpu.memory_space<semaphore_mem>>) src(%dma_wait3A_166 : memref<10240x16xf32, #tpu.memory_space<vmem_shared>>) dst(%dma_wait3A_160 : memref<128x16xf32, #tpu.memory_space<vmem>>)
    %dma_start3A_167 = arith.constant 0 : i32
    %dma_start3A_168 = arith.constant 72 : i32
    %dma_start3A_169 = arith.constant 0 : i32
    %dma_start3A_170 = arith.constant 0 : i32
    %dma_start3A_171 = tpu.memref_slice %arg9[%dma_start3A_167, %dma_start3A_169, %dma_start3A_170] : memref<8x128x16xf32, #tpu.memory_space<vmem>> -> memref<1x128x16xf32, #tpu.memory_space<vmem>>
    %dma_start3A_172 = tpu.memref_squeeze %dma_start3A_171 : memref<1x128x16xf32, #tpu.memory_space<vmem>> -> memref<128x16xf32, #tpu.memory_space<vmem>>
    %dma_start3A_173 = arith.constant 0 : i32
    %dma_start3A_174 = tpu.memref_slice %arg8[%dma_start3A_168, %dma_start3A_173] : memref<80x128xi32, #tpu.memory_space<vmem>> -> memref<1x128xi32, #tpu.memory_space<vmem>>
    %dma_start3A_175 = tpu.memref_squeeze %dma_start3A_174 : memref<1x128xi32, #tpu.memory_space<vmem>> -> memref<128xi32, #tpu.memory_space<vmem>>
    %dma_start3A_176 = arith.constant 0 : i32
    %dma_start3A_177 = arith.constant 0 : i32
    %dma_start3A_178 = tpu.memref_slice %arg10[%dma_start3A_176, %dma_start3A_177] : memref<10240x16xf32, #tpu.memory_space<vmem_shared>> -> memref<10240x16xf32, #tpu.memory_space<vmem_shared>>
    tpu.enqueue_indirect_dma source(%dma_start3A_172 : memref<128x16xf32, #tpu.memory_space<vmem>>) target(%dma_start3A_178 : memref<10240x16xf32, #tpu.memory_space<vmem_shared>>) offsets(%dma_start3A_175 : memref<128xi32, #tpu.memory_space<vmem>>) semaphore(%arg20 : memref<!tpu.dma_semaphore, #tpu.memory_space<semaphore_mem>>) {add = true}
    %dma_wait3A_179 = arith.constant 73 : i32
    %dma_wait3A_180 = arith.constant 1 : i32
    %dma_wait3A_181 = arith.constant 0 : i32
    %dma_wait3A_182 = arith.constant 0 : i32
    %dma_wait3A_183 = tpu.memref_slice %arg9[%dma_wait3A_180, %dma_wait3A_181, %dma_wait3A_182] : memref<8x128x16xf32, #tpu.memory_space<vmem>> -> memref<1x128x16xf32, #tpu.memory_space<vmem>>
    %dma_wait3A_184 = tpu.memref_squeeze %dma_wait3A_183 : memref<1x128x16xf32, #tpu.memory_space<vmem>> -> memref<128x16xf32, #tpu.memory_space<vmem>>
    %dma_wait3A_185 = arith.constant 0 : i32
    %dma_wait3A_186 = tpu.memref_slice %arg7[%dma_wait3A_179, %dma_wait3A_185] : memref<80x128xi32, #tpu.memory_space<vmem>> -> memref<1x128xi32, #tpu.memory_space<vmem>>
    %dma_wait3A_187 = tpu.memref_squeeze %dma_wait3A_186 : memref<1x128xi32, #tpu.memory_space<vmem>> -> memref<128xi32, #tpu.memory_space<vmem>>
    %dma_wait3A_188 = arith.constant 0 : i32
    %dma_wait3A_189 = arith.constant 0 : i32
    %dma_wait3A_190 = tpu.memref_slice %arg11[%dma_wait3A_188, %dma_wait3A_189] : memref<10240x16xf32, #tpu.memory_space<vmem_shared>> -> memref<10240x16xf32, #tpu.memory_space<vmem_shared>>
    tpu.wait_indirect_dma semaphore(%arg13 : memref<!tpu.dma_semaphore, #tpu.memory_space<semaphore_mem>>) src(%dma_wait3A_190 : memref<10240x16xf32, #tpu.memory_space<vmem_shared>>) dst(%dma_wait3A_184 : memref<128x16xf32, #tpu.memory_space<vmem>>)
    %dma_start3A_191 = arith.constant 1 : i32
    %dma_start3A_192 = arith.constant 73 : i32
    %dma_start3A_193 = arith.constant 0 : i32
    %dma_start3A_194 = arith.constant 0 : i32
    %dma_start3A_195 = tpu.memref_slice %arg9[%dma_start3A_191, %dma_start3A_193, %dma_start3A_194] : memref<8x128x16xf32, #tpu.memory_space<vmem>> -> memref<1x128x16xf32, #tpu.memory_space<vmem>>
    %dma_start3A_196 = tpu.memref_squeeze %dma_start3A_195 : memref<1x128x16xf32, #tpu.memory_space<vmem>> -> memref<128x16xf32, #tpu.memory_space<vmem>>
    %dma_start3A_197 = arith.constant 0 : i32
    %dma_start3A_198 = tpu.memref_slice %arg8[%dma_start3A_192, %dma_start3A_197] : memref<80x128xi32, #tpu.memory_space<vmem>> -> memref<1x128xi32, #tpu.memory_space<vmem>>
    %dma_start3A_199 = tpu.memref_squeeze %dma_start3A_198 : memref<1x128xi32, #tpu.memory_space<vmem>> -> memref<128xi32, #tpu.memory_space<vmem>>
    %dma_start3A_200 = arith.constant 0 : i32
    %dma_start3A_201 = arith.constant 0 : i32
    %dma_start3A_202 = tpu.memref_slice %arg10[%dma_start3A_200, %dma_start3A_201] : memref<10240x16xf32, #tpu.memory_space<vmem_shared>> -> memref<10240x16xf32, #tpu.memory_space<vmem_shared>>
    tpu.enqueue_indirect_dma source(%dma_start3A_196 : memref<128x16xf32, #tpu.memory_space<vmem>>) target(%dma_start3A_202 : memref<10240x16xf32, #tpu.memory_space<vmem_shared>>) offsets(%dma_start3A_199 : memref<128xi32, #tpu.memory_space<vmem>>) semaphore(%arg21 : memref<!tpu.dma_semaphore, #tpu.memory_space<semaphore_mem>>) {add = true}
    %dma_wait3A_203 = arith.constant 74 : i32
    %dma_wait3A_204 = arith.constant 2 : i32
    %dma_wait3A_205 = arith.constant 0 : i32
    %dma_wait3A_206 = arith.constant 0 : i32
    %dma_wait3A_207 = tpu.memref_slice %arg9[%dma_wait3A_204, %dma_wait3A_205, %dma_wait3A_206] : memref<8x128x16xf32, #tpu.memory_space<vmem>> -> memref<1x128x16xf32, #tpu.memory_space<vmem>>
    %dma_wait3A_208 = tpu.memref_squeeze %dma_wait3A_207 : memref<1x128x16xf32, #tpu.memory_space<vmem>> -> memref<128x16xf32, #tpu.memory_space<vmem>>
    %dma_wait3A_209 = arith.constant 0 : i32
    %dma_wait3A_210 = tpu.memref_slice %arg7[%dma_wait3A_203, %dma_wait3A_209] : memref<80x128xi32, #tpu.memory_space<vmem>> -> memref<1x128xi32, #tpu.memory_space<vmem>>
    %dma_wait3A_211 = tpu.memref_squeeze %dma_wait3A_210 : memref<1x128xi32, #tpu.memory_space<vmem>> -> memref<128xi32, #tpu.memory_space<vmem>>
    %dma_wait3A_212 = arith.constant 0 : i32
    %dma_wait3A_213 = arith.constant 0 : i32
    %dma_wait3A_214 = tpu.memref_slice %arg11[%dma_wait3A_212, %dma_wait3A_213] : memref<10240x16xf32, #tpu.memory_space<vmem_shared>> -> memref<10240x16xf32, #tpu.memory_space<vmem_shared>>
    tpu.wait_indirect_dma semaphore(%arg14 : memref<!tpu.dma_semaphore, #tpu.memory_space<semaphore_mem>>) src(%dma_wait3A_214 : memref<10240x16xf32, #tpu.memory_space<vmem_shared>>) dst(%dma_wait3A_208 : memref<128x16xf32, #tpu.memory_space<vmem>>)
    %dma_start3A_215 = arith.constant 2 : i32
    %dma_start3A_216 = arith.constant 74 : i32
    %dma_start3A_217 = arith.constant 0 : i32
    %dma_start3A_218 = arith.constant 0 : i32
    %dma_start3A_219 = tpu.memref_slice %arg9[%dma_start3A_215, %dma_start3A_217, %dma_start3A_218] : memref<8x128x16xf32, #tpu.memory_space<vmem>> -> memref<1x128x16xf32, #tpu.memory_space<vmem>>
    %dma_start3A_220 = tpu.memref_squeeze %dma_start3A_219 : memref<1x128x16xf32, #tpu.memory_space<vmem>> -> memref<128x16xf32, #tpu.memory_space<vmem>>
    %dma_start3A_221 = arith.constant 0 : i32
    %dma_start3A_222 = tpu.memref_slice %arg8[%dma_start3A_216, %dma_start3A_221] : memref<80x128xi32, #tpu.memory_space<vmem>> -> memref<1x128xi32, #tpu.memory_space<vmem>>
    %dma_start3A_223 = tpu.memref_squeeze %dma_start3A_222 : memref<1x128xi32, #tpu.memory_space<vmem>> -> memref<128xi32, #tpu.memory_space<vmem>>
    %dma_start3A_224 = arith.constant 0 : i32
    %dma_start3A_225 = arith.constant 0 : i32
    %dma_start3A_226 = tpu.memref_slice %arg10[%dma_start3A_224, %dma_start3A_225] : memref<10240x16xf32, #tpu.memory_space<vmem_shared>> -> memref<10240x16xf32, #tpu.memory_space<vmem_shared>>
    tpu.enqueue_indirect_dma source(%dma_start3A_220 : memref<128x16xf32, #tpu.memory_space<vmem>>) target(%dma_start3A_226 : memref<10240x16xf32, #tpu.memory_space<vmem_shared>>) offsets(%dma_start3A_223 : memref<128xi32, #tpu.memory_space<vmem>>) semaphore(%arg22 : memref<!tpu.dma_semaphore, #tpu.memory_space<semaphore_mem>>) {add = true}
    %dma_wait3A_227 = arith.constant 75 : i32
    %dma_wait3A_228 = arith.constant 3 : i32
    %dma_wait3A_229 = arith.constant 0 : i32
    %dma_wait3A_230 = arith.constant 0 : i32
    %dma_wait3A_231 = tpu.memref_slice %arg9[%dma_wait3A_228, %dma_wait3A_229, %dma_wait3A_230] : memref<8x128x16xf32, #tpu.memory_space<vmem>> -> memref<1x128x16xf32, #tpu.memory_space<vmem>>
    %dma_wait3A_232 = tpu.memref_squeeze %dma_wait3A_231 : memref<1x128x16xf32, #tpu.memory_space<vmem>> -> memref<128x16xf32, #tpu.memory_space<vmem>>
    %dma_wait3A_233 = arith.constant 0 : i32
    %dma_wait3A_234 = tpu.memref_slice %arg7[%dma_wait3A_227, %dma_wait3A_233] : memref<80x128xi32, #tpu.memory_space<vmem>> -> memref<1x128xi32, #tpu.memory_space<vmem>>
    %dma_wait3A_235 = tpu.memref_squeeze %dma_wait3A_234 : memref<1x128xi32, #tpu.memory_space<vmem>> -> memref<128xi32, #tpu.memory_space<vmem>>
    %dma_wait3A_236 = arith.constant 0 : i32
    %dma_wait3A_237 = arith.constant 0 : i32
    %dma_wait3A_238 = tpu.memref_slice %arg11[%dma_wait3A_236, %dma_wait3A_237] : memref<10240x16xf32, #tpu.memory_space<vmem_shared>> -> memref<10240x16xf32, #tpu.memory_space<vmem_shared>>
    tpu.wait_indirect_dma semaphore(%arg15 : memref<!tpu.dma_semaphore, #tpu.memory_space<semaphore_mem>>) src(%dma_wait3A_238 : memref<10240x16xf32, #tpu.memory_space<vmem_shared>>) dst(%dma_wait3A_232 : memref<128x16xf32, #tpu.memory_space<vmem>>)
    %dma_start3A_239 = arith.constant 3 : i32
    %dma_start3A_240 = arith.constant 75 : i32
    %dma_start3A_241 = arith.constant 0 : i32
    %dma_start3A_242 = arith.constant 0 : i32
    %dma_start3A_243 = tpu.memref_slice %arg9[%dma_start3A_239, %dma_start3A_241, %dma_start3A_242] : memref<8x128x16xf32, #tpu.memory_space<vmem>> -> memref<1x128x16xf32, #tpu.memory_space<vmem>>
    %dma_start3A_244 = tpu.memref_squeeze %dma_start3A_243 : memref<1x128x16xf32, #tpu.memory_space<vmem>> -> memref<128x16xf32, #tpu.memory_space<vmem>>
    %dma_start3A_245 = arith.constant 0 : i32
    %dma_start3A_246 = tpu.memref_slice %arg8[%dma_start3A_240, %dma_start3A_245] : memref<80x128xi32, #tpu.memory_space<vmem>> -> memref<1x128xi32, #tpu.memory_space<vmem>>
    %dma_start3A_247 = tpu.memref_squeeze %dma_start3A_246 : memref<1x128xi32, #tpu.memory_space<vmem>> -> memref<128xi32, #tpu.memory_space<vmem>>
    %dma_start3A_248 = arith.constant 0 : i32
    %dma_start3A_249 = arith.constant 0 : i32
    %dma_start3A_250 = tpu.memref_slice %arg10[%dma_start3A_248, %dma_start3A_249] : memref<10240x16xf32, #tpu.memory_space<vmem_shared>> -> memref<10240x16xf32, #tpu.memory_space<vmem_shared>>
    tpu.enqueue_indirect_dma source(%dma_start3A_244 : memref<128x16xf32, #tpu.memory_space<vmem>>) target(%dma_start3A_250 : memref<10240x16xf32, #tpu.memory_space<vmem_shared>>) offsets(%dma_start3A_247 : memref<128xi32, #tpu.memory_space<vmem>>) semaphore(%arg23 : memref<!tpu.dma_semaphore, #tpu.memory_space<semaphore_mem>>) {add = true}
    %dma_wait3A_251 = arith.constant 76 : i32
    %dma_wait3A_252 = arith.constant 4 : i32
    %dma_wait3A_253 = arith.constant 0 : i32
    %dma_wait3A_254 = arith.constant 0 : i32
    %dma_wait3A_255 = tpu.memref_slice %arg9[%dma_wait3A_252, %dma_wait3A_253, %dma_wait3A_254] : memref<8x128x16xf32, #tpu.memory_space<vmem>> -> memref<1x128x16xf32, #tpu.memory_space<vmem>>
    %dma_wait3A_256 = tpu.memref_squeeze %dma_wait3A_255 : memref<1x128x16xf32, #tpu.memory_space<vmem>> -> memref<128x16xf32, #tpu.memory_space<vmem>>
    %dma_wait3A_257 = arith.constant 0 : i32
    %dma_wait3A_258 = tpu.memref_slice %arg7[%dma_wait3A_251, %dma_wait3A_257] : memref<80x128xi32, #tpu.memory_space<vmem>> -> memref<1x128xi32, #tpu.memory_space<vmem>>
    %dma_wait3A_259 = tpu.memref_squeeze %dma_wait3A_258 : memref<1x128xi32, #tpu.memory_space<vmem>> -> memref<128xi32, #tpu.memory_space<vmem>>
    %dma_wait3A_260 = arith.constant 0 : i32
    %dma_wait3A_261 = arith.constant 0 : i32
    %dma_wait3A_262 = tpu.memref_slice %arg11[%dma_wait3A_260, %dma_wait3A_261] : memref<10240x16xf32, #tpu.memory_space<vmem_shared>> -> memref<10240x16xf32, #tpu.memory_space<vmem_shared>>
    tpu.wait_indirect_dma semaphore(%arg16 : memref<!tpu.dma_semaphore, #tpu.memory_space<semaphore_mem>>) src(%dma_wait3A_262 : memref<10240x16xf32, #tpu.memory_space<vmem_shared>>) dst(%dma_wait3A_256 : memref<128x16xf32, #tpu.memory_space<vmem>>)
    %dma_start3A_263 = arith.constant 4 : i32
    %dma_start3A_264 = arith.constant 76 : i32
    %dma_start3A_265 = arith.constant 0 : i32
    %dma_start3A_266 = arith.constant 0 : i32
    %dma_start3A_267 = tpu.memref_slice %arg9[%dma_start3A_263, %dma_start3A_265, %dma_start3A_266] : memref<8x128x16xf32, #tpu.memory_space<vmem>> -> memref<1x128x16xf32, #tpu.memory_space<vmem>>
    %dma_start3A_268 = tpu.memref_squeeze %dma_start3A_267 : memref<1x128x16xf32, #tpu.memory_space<vmem>> -> memref<128x16xf32, #tpu.memory_space<vmem>>
    %dma_start3A_269 = arith.constant 0 : i32
    %dma_start3A_270 = tpu.memref_slice %arg8[%dma_start3A_264, %dma_start3A_269] : memref<80x128xi32, #tpu.memory_space<vmem>> -> memref<1x128xi32, #tpu.memory_space<vmem>>
    %dma_start3A_271 = tpu.memref_squeeze %dma_start3A_270 : memref<1x128xi32, #tpu.memory_space<vmem>> -> memref<128xi32, #tpu.memory_space<vmem>>
    %dma_start3A_272 = arith.constant 0 : i32
    %dma_start3A_273 = arith.constant 0 : i32
    %dma_start3A_274 = tpu.memref_slice %arg10[%dma_start3A_272, %dma_start3A_273] : memref<10240x16xf32, #tpu.memory_space<vmem_shared>> -> memref<10240x16xf32, #tpu.memory_space<vmem_shared>>
    tpu.enqueue_indirect_dma source(%dma_start3A_268 : memref<128x16xf32, #tpu.memory_space<vmem>>) target(%dma_start3A_274 : memref<10240x16xf32, #tpu.memory_space<vmem_shared>>) offsets(%dma_start3A_271 : memref<128xi32, #tpu.memory_space<vmem>>) semaphore(%arg24 : memref<!tpu.dma_semaphore, #tpu.memory_space<semaphore_mem>>) {add = true}
    %dma_wait3A_275 = arith.constant 77 : i32
    %dma_wait3A_276 = arith.constant 5 : i32
    %dma_wait3A_277 = arith.constant 0 : i32
    %dma_wait3A_278 = arith.constant 0 : i32
    %dma_wait3A_279 = tpu.memref_slice %arg9[%dma_wait3A_276, %dma_wait3A_277, %dma_wait3A_278] : memref<8x128x16xf32, #tpu.memory_space<vmem>> -> memref<1x128x16xf32, #tpu.memory_space<vmem>>
    %dma_wait3A_280 = tpu.memref_squeeze %dma_wait3A_279 : memref<1x128x16xf32, #tpu.memory_space<vmem>> -> memref<128x16xf32, #tpu.memory_space<vmem>>
    %dma_wait3A_281 = arith.constant 0 : i32
    %dma_wait3A_282 = tpu.memref_slice %arg7[%dma_wait3A_275, %dma_wait3A_281] : memref<80x128xi32, #tpu.memory_space<vmem>> -> memref<1x128xi32, #tpu.memory_space<vmem>>
    %dma_wait3A_283 = tpu.memref_squeeze %dma_wait3A_282 : memref<1x128xi32, #tpu.memory_space<vmem>> -> memref<128xi32, #tpu.memory_space<vmem>>
    %dma_wait3A_284 = arith.constant 0 : i32
    %dma_wait3A_285 = arith.constant 0 : i32
    %dma_wait3A_286 = tpu.memref_slice %arg11[%dma_wait3A_284, %dma_wait3A_285] : memref<10240x16xf32, #tpu.memory_space<vmem_shared>> -> memref<10240x16xf32, #tpu.memory_space<vmem_shared>>
    tpu.wait_indirect_dma semaphore(%arg17 : memref<!tpu.dma_semaphore, #tpu.memory_space<semaphore_mem>>) src(%dma_wait3A_286 : memref<10240x16xf32, #tpu.memory_space<vmem_shared>>) dst(%dma_wait3A_280 : memref<128x16xf32, #tpu.memory_space<vmem>>)
    %dma_start3A_287 = arith.constant 5 : i32
    %dma_start3A_288 = arith.constant 77 : i32
    %dma_start3A_289 = arith.constant 0 : i32
    %dma_start3A_290 = arith.constant 0 : i32
    %dma_start3A_291 = tpu.memref_slice %arg9[%dma_start3A_287, %dma_start3A_289, %dma_start3A_290] : memref<8x128x16xf32, #tpu.memory_space<vmem>> -> memref<1x128x16xf32, #tpu.memory_space<vmem>>
    %dma_start3A_292 = tpu.memref_squeeze %dma_start3A_291 : memref<1x128x16xf32, #tpu.memory_space<vmem>> -> memref<128x16xf32, #tpu.memory_space<vmem>>
    %dma_start3A_293 = arith.constant 0 : i32
    %dma_start3A_294 = tpu.memref_slice %arg8[%dma_start3A_288, %dma_start3A_293] : memref<80x128xi32, #tpu.memory_space<vmem>> -> memref<1x128xi32, #tpu.memory_space<vmem>>
    %dma_start3A_295 = tpu.memref_squeeze %dma_start3A_294 : memref<1x128xi32, #tpu.memory_space<vmem>> -> memref<128xi32, #tpu.memory_space<vmem>>
    %dma_start3A_296 = arith.constant 0 : i32
    %dma_start3A_297 = arith.constant 0 : i32
    %dma_start3A_298 = tpu.memref_slice %arg10[%dma_start3A_296, %dma_start3A_297] : memref<10240x16xf32, #tpu.memory_space<vmem_shared>> -> memref<10240x16xf32, #tpu.memory_space<vmem_shared>>
    tpu.enqueue_indirect_dma source(%dma_start3A_292 : memref<128x16xf32, #tpu.memory_space<vmem>>) target(%dma_start3A_298 : memref<10240x16xf32, #tpu.memory_space<vmem_shared>>) offsets(%dma_start3A_295 : memref<128xi32, #tpu.memory_space<vmem>>) semaphore(%arg25 : memref<!tpu.dma_semaphore, #tpu.memory_space<semaphore_mem>>) {add = true}
    %dma_wait3A_299 = arith.constant 78 : i32
    %dma_wait3A_300 = arith.constant 6 : i32
    %dma_wait3A_301 = arith.constant 0 : i32
    %dma_wait3A_302 = arith.constant 0 : i32
    %dma_wait3A_303 = tpu.memref_slice %arg9[%dma_wait3A_300, %dma_wait3A_301, %dma_wait3A_302] : memref<8x128x16xf32, #tpu.memory_space<vmem>> -> memref<1x128x16xf32, #tpu.memory_space<vmem>>
    %dma_wait3A_304 = tpu.memref_squeeze %dma_wait3A_303 : memref<1x128x16xf32, #tpu.memory_space<vmem>> -> memref<128x16xf32, #tpu.memory_space<vmem>>
    %dma_wait3A_305 = arith.constant 0 : i32
    %dma_wait3A_306 = tpu.memref_slice %arg7[%dma_wait3A_299, %dma_wait3A_305] : memref<80x128xi32, #tpu.memory_space<vmem>> -> memref<1x128xi32, #tpu.memory_space<vmem>>
    %dma_wait3A_307 = tpu.memref_squeeze %dma_wait3A_306 : memref<1x128xi32, #tpu.memory_space<vmem>> -> memref<128xi32, #tpu.memory_space<vmem>>
    %dma_wait3A_308 = arith.constant 0 : i32
    %dma_wait3A_309 = arith.constant 0 : i32
    %dma_wait3A_310 = tpu.memref_slice %arg11[%dma_wait3A_308, %dma_wait3A_309] : memref<10240x16xf32, #tpu.memory_space<vmem_shared>> -> memref<10240x16xf32, #tpu.memory_space<vmem_shared>>
    tpu.wait_indirect_dma semaphore(%arg18 : memref<!tpu.dma_semaphore, #tpu.memory_space<semaphore_mem>>) src(%dma_wait3A_310 : memref<10240x16xf32, #tpu.memory_space<vmem_shared>>) dst(%dma_wait3A_304 : memref<128x16xf32, #tpu.memory_space<vmem>>)
    %dma_start3A_311 = arith.constant 6 : i32
    %dma_start3A_312 = arith.constant 78 : i32
    %dma_start3A_313 = arith.constant 0 : i32
    %dma_start3A_314 = arith.constant 0 : i32
    %dma_start3A_315 = tpu.memref_slice %arg9[%dma_start3A_311, %dma_start3A_313, %dma_start3A_314] : memref<8x128x16xf32, #tpu.memory_space<vmem>> -> memref<1x128x16xf32, #tpu.memory_space<vmem>>
    %dma_start3A_316 = tpu.memref_squeeze %dma_start3A_315 : memref<1x128x16xf32, #tpu.memory_space<vmem>> -> memref<128x16xf32, #tpu.memory_space<vmem>>
    %dma_start3A_317 = arith.constant 0 : i32
    %dma_start3A_318 = tpu.memref_slice %arg8[%dma_start3A_312, %dma_start3A_317] : memref<80x128xi32, #tpu.memory_space<vmem>> -> memref<1x128xi32, #tpu.memory_space<vmem>>
    %dma_start3A_319 = tpu.memref_squeeze %dma_start3A_318 : memref<1x128xi32, #tpu.memory_space<vmem>> -> memref<128xi32, #tpu.memory_space<vmem>>
    %dma_start3A_320 = arith.constant 0 : i32
    %dma_start3A_321 = arith.constant 0 : i32
    %dma_start3A_322 = tpu.memref_slice %arg10[%dma_start3A_320, %dma_start3A_321] : memref<10240x16xf32, #tpu.memory_space<vmem_shared>> -> memref<10240x16xf32, #tpu.memory_space<vmem_shared>>
    tpu.enqueue_indirect_dma source(%dma_start3A_316 : memref<128x16xf32, #tpu.memory_space<vmem>>) target(%dma_start3A_322 : memref<10240x16xf32, #tpu.memory_space<vmem_shared>>) offsets(%dma_start3A_319 : memref<128xi32, #tpu.memory_space<vmem>>) semaphore(%arg26 : memref<!tpu.dma_semaphore, #tpu.memory_space<semaphore_mem>>) {add = true}
    %dma_wait3A_323 = arith.constant 79 : i32
    %dma_wait3A_324 = arith.constant 7 : i32
    %dma_wait3A_325 = arith.constant 0 : i32
    %dma_wait3A_326 = arith.constant 0 : i32
    %dma_wait3A_327 = tpu.memref_slice %arg9[%dma_wait3A_324, %dma_wait3A_325, %dma_wait3A_326] : memref<8x128x16xf32, #tpu.memory_space<vmem>> -> memref<1x128x16xf32, #tpu.memory_space<vmem>>
    %dma_wait3A_328 = tpu.memref_squeeze %dma_wait3A_327 : memref<1x128x16xf32, #tpu.memory_space<vmem>> -> memref<128x16xf32, #tpu.memory_space<vmem>>
    %dma_wait3A_329 = arith.constant 0 : i32
    %dma_wait3A_330 = tpu.memref_slice %arg7[%dma_wait3A_323, %dma_wait3A_329] : memref<80x128xi32, #tpu.memory_space<vmem>> -> memref<1x128xi32, #tpu.memory_space<vmem>>
    %dma_wait3A_331 = tpu.memref_squeeze %dma_wait3A_330 : memref<1x128xi32, #tpu.memory_space<vmem>> -> memref<128xi32, #tpu.memory_space<vmem>>
    %dma_wait3A_332 = arith.constant 0 : i32
    %dma_wait3A_333 = arith.constant 0 : i32
    %dma_wait3A_334 = tpu.memref_slice %arg11[%dma_wait3A_332, %dma_wait3A_333] : memref<10240x16xf32, #tpu.memory_space<vmem_shared>> -> memref<10240x16xf32, #tpu.memory_space<vmem_shared>>
    tpu.wait_indirect_dma semaphore(%arg19 : memref<!tpu.dma_semaphore, #tpu.memory_space<semaphore_mem>>) src(%dma_wait3A_334 : memref<10240x16xf32, #tpu.memory_space<vmem_shared>>) dst(%dma_wait3A_328 : memref<128x16xf32, #tpu.memory_space<vmem>>)
    %dma_start3A_335 = arith.constant 7 : i32
    %dma_start3A_336 = arith.constant 79 : i32
    %dma_start3A_337 = arith.constant 0 : i32
    %dma_start3A_338 = arith.constant 0 : i32
    %dma_start3A_339 = tpu.memref_slice %arg9[%dma_start3A_335, %dma_start3A_337, %dma_start3A_338] : memref<8x128x16xf32, #tpu.memory_space<vmem>> -> memref<1x128x16xf32, #tpu.memory_space<vmem>>
    %dma_start3A_340 = tpu.memref_squeeze %dma_start3A_339 : memref<1x128x16xf32, #tpu.memory_space<vmem>> -> memref<128x16xf32, #tpu.memory_space<vmem>>
    %dma_start3A_341 = arith.constant 0 : i32
    %dma_start3A_342 = tpu.memref_slice %arg8[%dma_start3A_336, %dma_start3A_341] : memref<80x128xi32, #tpu.memory_space<vmem>> -> memref<1x128xi32, #tpu.memory_space<vmem>>
    %dma_start3A_343 = tpu.memref_squeeze %dma_start3A_342 : memref<1x128xi32, #tpu.memory_space<vmem>> -> memref<128xi32, #tpu.memory_space<vmem>>
    %dma_start3A_344 = arith.constant 0 : i32
    %dma_start3A_345 = arith.constant 0 : i32
    %dma_start3A_346 = tpu.memref_slice %arg10[%dma_start3A_344, %dma_start3A_345] : memref<10240x16xf32, #tpu.memory_space<vmem_shared>> -> memref<10240x16xf32, #tpu.memory_space<vmem_shared>>
    tpu.enqueue_indirect_dma source(%dma_start3A_340 : memref<128x16xf32, #tpu.memory_space<vmem>>) target(%dma_start3A_346 : memref<10240x16xf32, #tpu.memory_space<vmem_shared>>) offsets(%dma_start3A_343 : memref<128xi32, #tpu.memory_space<vmem>>) semaphore(%arg27 : memref<!tpu.dma_semaphore, #tpu.memory_space<semaphore_mem>>) {add = true}
    %dma_wait3A_347 = arith.constant 0 : i32
    %dma_wait3A_348 = arith.constant 72 : i32
    %dma_wait3A_349 = arith.constant 0 : i32
    %dma_wait3A_350 = arith.constant 0 : i32
    %dma_wait3A_351 = tpu.memref_slice %arg9[%dma_wait3A_347, %dma_wait3A_349, %dma_wait3A_350] : memref<8x128x16xf32, #tpu.memory_space<vmem>> -> memref<1x128x16xf32, #tpu.memory_space<vmem>>
    %dma_wait3A_352 = tpu.memref_squeeze %dma_wait3A_351 : memref<1x128x16xf32, #tpu.memory_space<vmem>> -> memref<128x16xf32, #tpu.memory_space<vmem>>
    %dma_wait3A_353 = arith.constant 0 : i32
    %dma_wait3A_354 = tpu.memref_slice %arg8[%dma_wait3A_348, %dma_wait3A_353] : memref<80x128xi32, #tpu.memory_space<vmem>> -> memref<1x128xi32, #tpu.memory_space<vmem>>
    %dma_wait3A_355 = tpu.memref_squeeze %dma_wait3A_354 : memref<1x128xi32, #tpu.memory_space<vmem>> -> memref<128xi32, #tpu.memory_space<vmem>>
    %dma_wait3A_356 = arith.constant 0 : i32
    %dma_wait3A_357 = arith.constant 0 : i32
    %dma_wait3A_358 = tpu.memref_slice %arg10[%dma_wait3A_356, %dma_wait3A_357] : memref<10240x16xf32, #tpu.memory_space<vmem_shared>> -> memref<10240x16xf32, #tpu.memory_space<vmem_shared>>
    tpu.wait_indirect_dma semaphore(%arg20 : memref<!tpu.dma_semaphore, #tpu.memory_space<semaphore_mem>>) src(%dma_wait3A_352 : memref<128x16xf32, #tpu.memory_space<vmem>>) dst(%dma_wait3A_358 : memref<10240x16xf32, #tpu.memory_space<vmem_shared>>)
    %dma_wait3A_359 = arith.constant 1 : i32
    %dma_wait3A_360 = arith.constant 73 : i32
    %dma_wait3A_361 = arith.constant 0 : i32
    %dma_wait3A_362 = arith.constant 0 : i32
    %dma_wait3A_363 = tpu.memref_slice %arg9[%dma_wait3A_359, %dma_wait3A_361, %dma_wait3A_362] : memref<8x128x16xf32, #tpu.memory_space<vmem>> -> memref<1x128x16xf32, #tpu.memory_space<vmem>>
    %dma_wait3A_364 = tpu.memref_squeeze %dma_wait3A_363 : memref<1x128x16xf32, #tpu.memory_space<vmem>> -> memref<128x16xf32, #tpu.memory_space<vmem>>
    %dma_wait3A_365 = arith.constant 0 : i32
    %dma_wait3A_366 = tpu.memref_slice %arg8[%dma_wait3A_360, %dma_wait3A_365] : memref<80x128xi32, #tpu.memory_space<vmem>> -> memref<1x128xi32, #tpu.memory_space<vmem>>
    %dma_wait3A_367 = tpu.memref_squeeze %dma_wait3A_366 : memref<1x128xi32, #tpu.memory_space<vmem>> -> memref<128xi32, #tpu.memory_space<vmem>>
    %dma_wait3A_368 = arith.constant 0 : i32
    %dma_wait3A_369 = arith.constant 0 : i32
    %dma_wait3A_370 = tpu.memref_slice %arg10[%dma_wait3A_368, %dma_wait3A_369] : memref<10240x16xf32, #tpu.memory_space<vmem_shared>> -> memref<10240x16xf32, #tpu.memory_space<vmem_shared>>
    tpu.wait_indirect_dma semaphore(%arg21 : memref<!tpu.dma_semaphore, #tpu.memory_space<semaphore_mem>>) src(%dma_wait3A_364 : memref<128x16xf32, #tpu.memory_space<vmem>>) dst(%dma_wait3A_370 : memref<10240x16xf32, #tpu.memory_space<vmem_shared>>)
    %dma_wait3A_371 = arith.constant 2 : i32
    %dma_wait3A_372 = arith.constant 74 : i32
    %dma_wait3A_373 = arith.constant 0 : i32
    %dma_wait3A_374 = arith.constant 0 : i32
    %dma_wait3A_375 = tpu.memref_slice %arg9[%dma_wait3A_371, %dma_wait3A_373, %dma_wait3A_374] : memref<8x128x16xf32, #tpu.memory_space<vmem>> -> memref<1x128x16xf32, #tpu.memory_space<vmem>>
    %dma_wait3A_376 = tpu.memref_squeeze %dma_wait3A_375 : memref<1x128x16xf32, #tpu.memory_space<vmem>> -> memref<128x16xf32, #tpu.memory_space<vmem>>
    %dma_wait3A_377 = arith.constant 0 : i32
    %dma_wait3A_378 = tpu.memref_slice %arg8[%dma_wait3A_372, %dma_wait3A_377] : memref<80x128xi32, #tpu.memory_space<vmem>> -> memref<1x128xi32, #tpu.memory_space<vmem>>
    %dma_wait3A_379 = tpu.memref_squeeze %dma_wait3A_378 : memref<1x128xi32, #tpu.memory_space<vmem>> -> memref<128xi32, #tpu.memory_space<vmem>>
    %dma_wait3A_380 = arith.constant 0 : i32
    %dma_wait3A_381 = arith.constant 0 : i32
    %dma_wait3A_382 = tpu.memref_slice %arg10[%dma_wait3A_380, %dma_wait3A_381] : memref<10240x16xf32, #tpu.memory_space<vmem_shared>> -> memref<10240x16xf32, #tpu.memory_space<vmem_shared>>
    tpu.wait_indirect_dma semaphore(%arg22 : memref<!tpu.dma_semaphore, #tpu.memory_space<semaphore_mem>>) src(%dma_wait3A_376 : memref<128x16xf32, #tpu.memory_space<vmem>>) dst(%dma_wait3A_382 : memref<10240x16xf32, #tpu.memory_space<vmem_shared>>)
    %dma_wait3A_383 = arith.constant 3 : i32
    %dma_wait3A_384 = arith.constant 75 : i32
    %dma_wait3A_385 = arith.constant 0 : i32
    %dma_wait3A_386 = arith.constant 0 : i32
    %dma_wait3A_387 = tpu.memref_slice %arg9[%dma_wait3A_383, %dma_wait3A_385, %dma_wait3A_386] : memref<8x128x16xf32, #tpu.memory_space<vmem>> -> memref<1x128x16xf32, #tpu.memory_space<vmem>>
    %dma_wait3A_388 = tpu.memref_squeeze %dma_wait3A_387 : memref<1x128x16xf32, #tpu.memory_space<vmem>> -> memref<128x16xf32, #tpu.memory_space<vmem>>
    %dma_wait3A_389 = arith.constant 0 : i32
    %dma_wait3A_390 = tpu.memref_slice %arg8[%dma_wait3A_384, %dma_wait3A_389] : memref<80x128xi32, #tpu.memory_space<vmem>> -> memref<1x128xi32, #tpu.memory_space<vmem>>
    %dma_wait3A_391 = tpu.memref_squeeze %dma_wait3A_390 : memref<1x128xi32, #tpu.memory_space<vmem>> -> memref<128xi32, #tpu.memory_space<vmem>>
    %dma_wait3A_392 = arith.constant 0 : i32
    %dma_wait3A_393 = arith.constant 0 : i32
    %dma_wait3A_394 = tpu.memref_slice %arg10[%dma_wait3A_392, %dma_wait3A_393] : memref<10240x16xf32, #tpu.memory_space<vmem_shared>> -> memref<10240x16xf32, #tpu.memory_space<vmem_shared>>
    tpu.wait_indirect_dma semaphore(%arg23 : memref<!tpu.dma_semaphore, #tpu.memory_space<semaphore_mem>>) src(%dma_wait3A_388 : memref<128x16xf32, #tpu.memory_space<vmem>>) dst(%dma_wait3A_394 : memref<10240x16xf32, #tpu.memory_space<vmem_shared>>)
    %dma_wait3A_395 = arith.constant 4 : i32
    %dma_wait3A_396 = arith.constant 76 : i32
    %dma_wait3A_397 = arith.constant 0 : i32
    %dma_wait3A_398 = arith.constant 0 : i32
    %dma_wait3A_399 = tpu.memref_slice %arg9[%dma_wait3A_395, %dma_wait3A_397, %dma_wait3A_398] : memref<8x128x16xf32, #tpu.memory_space<vmem>> -> memref<1x128x16xf32, #tpu.memory_space<vmem>>
    %dma_wait3A_400 = tpu.memref_squeeze %dma_wait3A_399 : memref<1x128x16xf32, #tpu.memory_space<vmem>> -> memref<128x16xf32, #tpu.memory_space<vmem>>
    %dma_wait3A_401 = arith.constant 0 : i32
    %dma_wait3A_402 = tpu.memref_slice %arg8[%dma_wait3A_396, %dma_wait3A_401] : memref<80x128xi32, #tpu.memory_space<vmem>> -> memref<1x128xi32, #tpu.memory_space<vmem>>
    %dma_wait3A_403 = tpu.memref_squeeze %dma_wait3A_402 : memref<1x128xi32, #tpu.memory_space<vmem>> -> memref<128xi32, #tpu.memory_space<vmem>>
    %dma_wait3A_404 = arith.constant 0 : i32
    %dma_wait3A_405 = arith.constant 0 : i32
    %dma_wait3A_406 = tpu.memref_slice %arg10[%dma_wait3A_404, %dma_wait3A_405] : memref<10240x16xf32, #tpu.memory_space<vmem_shared>> -> memref<10240x16xf32, #tpu.memory_space<vmem_shared>>
    tpu.wait_indirect_dma semaphore(%arg24 : memref<!tpu.dma_semaphore, #tpu.memory_space<semaphore_mem>>) src(%dma_wait3A_400 : memref<128x16xf32, #tpu.memory_space<vmem>>) dst(%dma_wait3A_406 : memref<10240x16xf32, #tpu.memory_space<vmem_shared>>)
    %dma_wait3A_407 = arith.constant 5 : i32
    %dma_wait3A_408 = arith.constant 77 : i32
    %dma_wait3A_409 = arith.constant 0 : i32
    %dma_wait3A_410 = arith.constant 0 : i32
    %dma_wait3A_411 = tpu.memref_slice %arg9[%dma_wait3A_407, %dma_wait3A_409, %dma_wait3A_410] : memref<8x128x16xf32, #tpu.memory_space<vmem>> -> memref<1x128x16xf32, #tpu.memory_space<vmem>>
    %dma_wait3A_412 = tpu.memref_squeeze %dma_wait3A_411 : memref<1x128x16xf32, #tpu.memory_space<vmem>> -> memref<128x16xf32, #tpu.memory_space<vmem>>
    %dma_wait3A_413 = arith.constant 0 : i32
    %dma_wait3A_414 = tpu.memref_slice %arg8[%dma_wait3A_408, %dma_wait3A_413] : memref<80x128xi32, #tpu.memory_space<vmem>> -> memref<1x128xi32, #tpu.memory_space<vmem>>
    %dma_wait3A_415 = tpu.memref_squeeze %dma_wait3A_414 : memref<1x128xi32, #tpu.memory_space<vmem>> -> memref<128xi32, #tpu.memory_space<vmem>>
    %dma_wait3A_416 = arith.constant 0 : i32
    %dma_wait3A_417 = arith.constant 0 : i32
    %dma_wait3A_418 = tpu.memref_slice %arg10[%dma_wait3A_416, %dma_wait3A_417] : memref<10240x16xf32, #tpu.memory_space<vmem_shared>> -> memref<10240x16xf32, #tpu.memory_space<vmem_shared>>
    tpu.wait_indirect_dma semaphore(%arg25 : memref<!tpu.dma_semaphore, #tpu.memory_space<semaphore_mem>>) src(%dma_wait3A_412 : memref<128x16xf32, #tpu.memory_space<vmem>>) dst(%dma_wait3A_418 : memref<10240x16xf32, #tpu.memory_space<vmem_shared>>)
    %dma_wait3A_419 = arith.constant 6 : i32
    %dma_wait3A_420 = arith.constant 78 : i32
    %dma_wait3A_421 = arith.constant 0 : i32
    %dma_wait3A_422 = arith.constant 0 : i32
    %dma_wait3A_423 = tpu.memref_slice %arg9[%dma_wait3A_419, %dma_wait3A_421, %dma_wait3A_422] : memref<8x128x16xf32, #tpu.memory_space<vmem>> -> memref<1x128x16xf32, #tpu.memory_space<vmem>>
    %dma_wait3A_424 = tpu.memref_squeeze %dma_wait3A_423 : memref<1x128x16xf32, #tpu.memory_space<vmem>> -> memref<128x16xf32, #tpu.memory_space<vmem>>
    %dma_wait3A_425 = arith.constant 0 : i32
    %dma_wait3A_426 = tpu.memref_slice %arg8[%dma_wait3A_420, %dma_wait3A_425] : memref<80x128xi32, #tpu.memory_space<vmem>> -> memref<1x128xi32, #tpu.memory_space<vmem>>
    %dma_wait3A_427 = tpu.memref_squeeze %dma_wait3A_426 : memref<1x128xi32, #tpu.memory_space<vmem>> -> memref<128xi32, #tpu.memory_space<vmem>>
    %dma_wait3A_428 = arith.constant 0 : i32
    %dma_wait3A_429 = arith.constant 0 : i32
    %dma_wait3A_430 = tpu.memref_slice %arg10[%dma_wait3A_428, %dma_wait3A_429] : memref<10240x16xf32, #tpu.memory_space<vmem_shared>> -> memref<10240x16xf32, #tpu.memory_space<vmem_shared>>
    tpu.wait_indirect_dma semaphore(%arg26 : memref<!tpu.dma_semaphore, #tpu.memory_space<semaphore_mem>>) src(%dma_wait3A_424 : memref<128x16xf32, #tpu.memory_space<vmem>>) dst(%dma_wait3A_430 : memref<10240x16xf32, #tpu.memory_space<vmem_shared>>)
    %dma_wait3A_431 = arith.constant 7 : i32
    %dma_wait3A_432 = arith.constant 79 : i32
    %dma_wait3A_433 = arith.constant 0 : i32
    %dma_wait3A_434 = arith.constant 0 : i32
    %dma_wait3A_435 = tpu.memref_slice %arg9[%dma_wait3A_431, %dma_wait3A_433, %dma_wait3A_434] : memref<8x128x16xf32, #tpu.memory_space<vmem>> -> memref<1x128x16xf32, #tpu.memory_space<vmem>>
    %dma_wait3A_436 = tpu.memref_squeeze %dma_wait3A_435 : memref<1x128x16xf32, #tpu.memory_space<vmem>> -> memref<128x16xf32, #tpu.memory_space<vmem>>
    %dma_wait3A_437 = arith.constant 0 : i32
    %dma_wait3A_438 = tpu.memref_slice %arg8[%dma_wait3A_432, %dma_wait3A_437] : memref<80x128xi32, #tpu.memory_space<vmem>> -> memref<1x128xi32, #tpu.memory_space<vmem>>
    %dma_wait3A_439 = tpu.memref_squeeze %dma_wait3A_438 : memref<1x128xi32, #tpu.memory_space<vmem>> -> memref<128xi32, #tpu.memory_space<vmem>>
    %dma_wait3A_440 = arith.constant 0 : i32
    %dma_wait3A_441 = arith.constant 0 : i32
    %dma_wait3A_442 = tpu.memref_slice %arg10[%dma_wait3A_440, %dma_wait3A_441] : memref<10240x16xf32, #tpu.memory_space<vmem_shared>> -> memref<10240x16xf32, #tpu.memory_space<vmem_shared>>
    tpu.wait_indirect_dma semaphore(%arg27 : memref<!tpu.dma_semaphore, #tpu.memory_space<semaphore_mem>>) src(%dma_wait3A_436 : memref<128x16xf32, #tpu.memory_space<vmem>>) dst(%dma_wait3A_442 : memref<10240x16xf32, #tpu.memory_space<vmem_shared>>)
    %barrier3A_443 = arith.constant 0 : index
    tpu.barrier barrier_id(%barrier3A_443)
    %mul3A_444 = arith.constant 640 : i32
    %mul3A_445 = arith.muli %arg1, %mul3A_444 : i32
    %mul3A_446 = arith.constant 640 : i32
    %mul3A_447 = arith.muli %arg1, %mul3A_446 : i32
    "tpu.region"() ({
      %run_scoped3A = tpu.sem_alloc : memref<!tpu.dma_semaphore, #tpu.memory_space<semaphore_mem>>
      %dma_start3A_448 = arith.constant 0 : i32
      %dma_start3A_449 = tpu.memref_slice %arg6[%arg0, %mul3A_447, %dma_start3A_448] : memref<2x10240x16xf32, #tpu.memory_space<hbm>> -> memref<1x640x16xf32, #tpu.memory_space<hbm>>
      %dma_start3A_450 = tpu.memref_squeeze %dma_start3A_449 : memref<1x640x16xf32, #tpu.memory_space<hbm>> -> memref<640x16xf32, #tpu.memory_space<hbm>>
      %dma_start3A_451 = arith.constant 0 : i32
      %dma_start3A_452 = tpu.memref_slice %arg10[%mul3A_445, %dma_start3A_451] : memref<10240x16xf32, #tpu.memory_space<vmem_shared>> -> memref<640x16xf32, #tpu.memory_space<vmem_shared>>
      tpu.enqueue_dma source(%dma_start3A_452 : memref<640x16xf32, #tpu.memory_space<vmem_shared>>) target(%dma_start3A_450 : memref<640x16xf32, #tpu.memory_space<hbm>>) target_semaphore(%run_scoped3A : memref<!tpu.dma_semaphore, #tpu.memory_space<semaphore_mem>>)
      %dma_wait3A_453 = arith.constant 0 : i32
      %dma_wait3A_454 = tpu.memref_slice %arg6[%arg0, %mul3A_447, %dma_wait3A_453] : memref<2x10240x16xf32, #tpu.memory_space<hbm>> -> memref<1x640x16xf32, #tpu.memory_space<hbm>>
      %dma_wait3A_455 = tpu.memref_squeeze %dma_wait3A_454 : memref<1x640x16xf32, #tpu.memory_space<hbm>> -> memref<640x16xf32, #tpu.memory_space<hbm>>
      %dma_wait3A_456 = arith.constant 0 : i32
      %dma_wait3A_457 = tpu.memref_slice %arg10[%mul3A_445, %dma_wait3A_456] : memref<10240x16xf32, #tpu.memory_space<vmem_shared>> -> memref<640x16xf32, #tpu.memory_space<vmem_shared>>
      tpu.wait_dma2 semaphore(%run_scoped3A : memref<!tpu.dma_semaphore, #tpu.memory_space<semaphore_mem>>) src(%dma_wait3A_457 : memref<640x16xf32, #tpu.memory_space<vmem_shared>>) dst(%dma_wait3A_455 : memref<640x16xf32, #tpu.memory_space<hbm>>)
      tpu.yield
    }) : () -> ()
    return
  }
}

#map = affine_map<(d0, d1) -> (0, 0)>
#map1 = affine_map<(d0, d1) -> (0, 0, 0)>
module attributes {stable_mosaic.version = 14 : i64} {
  func.func @k(%arg0: i32, %arg1: i32, %arg2: memref<10240x16xf32, #tpu.memory_space<hbm>>, %arg3: memref<10240x16xf32, #tpu.memory_space<hbm>>, %arg4: memref<32x80x128xi32, #tpu.memory_space<hbm>>, %arg5: memref<32x80x128xi32, #tpu.memory_space<hbm>>, %arg6: memref<2x10240x16xf32, #tpu.memory_space<hbm>>, %arg7: memref<80x128xi32, #tpu.memory_space<vmem>>, %arg8: memref<80x128xi32, #tpu.memory_space<vmem>>, %arg9: memref<8x128x16xf32, #tpu.memory_space<vmem>>, %arg10: memref<10240x16xf32, #tpu.memory_space<vmem_shared>>, %arg11: memref<10240x16xf32, #tpu.memory_space<vmem_shared>>, %arg12: memref<!tpu.dma_semaphore, #tpu.memory_space<semaphore_mem>>, %arg13: memref<!tpu.dma_semaphore, #tpu.memory_space<semaphore_mem>>, %arg14: memref<!tpu.dma_semaphore, #tpu.memory_space<semaphore_mem>>, %arg15: memref<!tpu.dma_semaphore, #tpu.memory_space<semaphore_mem>>, %arg16: memref<!tpu.dma_semaphore, #tpu.memory_space<semaphore_mem>>, %arg17: memref<!tpu.dma_semaphore, #tpu.memory_space<semaphore_mem>>, %arg18: memref<!tpu.dma_semaphore, #tpu.memory_space<semaphore_mem>>, %arg19: memref<!tpu.dma_semaphore, #tpu.memory_space<semaphore_mem>>, %arg20: memref<!tpu.dma_semaphore, #tpu.memory_space<semaphore_mem>>, %arg21: memref<!tpu.dma_semaphore, #tpu.memory_space<semaphore_mem>>, %arg22: memref<!tpu.dma_semaphore, #tpu.memory_space<semaphore_mem>>, %arg23: memref<!tpu.dma_semaphore, #tpu.memory_space<semaphore_mem>>, %arg24: memref<!tpu.dma_semaphore, #tpu.memory_space<semaphore_mem>>, %arg25: memref<!tpu.dma_semaphore, #tpu.memory_space<semaphore_mem>>, %arg26: memref<!tpu.dma_semaphore, #tpu.memory_space<semaphore_mem>>, %arg27: memref<!tpu.dma_semaphore, #tpu.memory_space<semaphore_mem>>, %arg28: memref<!tpu.dma_semaphore, #tpu.memory_space<semaphore_mem>>) attributes {dimension_semantics = [#tpu.dimension_semantics<core_parallel>, #tpu.dimension_semantics<subcore_parallel>], iteration_bounds = array<i64: 2, 16>, scalar_prefetch = 0 : i64, scratch_operands = 22 : i64, tpu.core_type = #tpu.core_type<sc_vector_subcore>, window_params = [{transform_indices = #map}, {transform_indices = #map}, {transform_indices = #map1}, {transform_indices = #map1}, {transform_indices = #map1}]} {
    %mul3A = arith.constant 16 : i32
    %mul3A_0 = arith.muli %arg0, %mul3A : i32
    %add3A = arith.addi %mul3A_0, %arg1 : i32
    %mul3A_1 = arith.constant 640 : i32
    %mul3A_2 = arith.muli %arg1, %mul3A_1 : i32
    %mul3A_3 = arith.constant 640 : i32
    %mul3A_4 = arith.muli %arg1, %mul3A_3 : i32
    %dma_start3A = arith.constant 0 : i32
    %dma_start3A_5 = tpu.memref_slice %arg10[%mul3A_4, %dma_start3A] : memref<10240x16xf32, #tpu.memory_space<vmem_shared>> -> memref<640x16xf32, #tpu.memory_space<vmem_shared>>
    %dma_start3A_6 = arith.constant 0 : i32
    %dma_start3A_7 = tpu.memref_slice %arg3[%mul3A_2, %dma_start3A_6] : memref<10240x16xf32, #tpu.memory_space<hbm>> -> memref<640x16xf32, #tpu.memory_space<hbm>>
    tpu.enqueue_dma source(%dma_start3A_7 : memref<640x16xf32, #tpu.memory_space<hbm>>) target(%dma_start3A_5 : memref<640x16xf32, #tpu.memory_space<vmem_shared>>) target_semaphore(%arg28 : memref<!tpu.dma_semaphore, #tpu.memory_space<semaphore_mem>>)
    %mul3A_8 = arith.constant 640 : i32
    %mul3A_9 = arith.muli %arg1, %mul3A_8 : i32
    %mul3A_10 = arith.constant 640 : i32
    %mul3A_11 = arith.muli %arg1, %mul3A_10 : i32
    %dma_start3A_12 = arith.constant 0 : i32
    %dma_start3A_13 = tpu.memref_slice %arg11[%mul3A_11, %dma_start3A_12] : memref<10240x16xf32, #tpu.memory_space<vmem_shared>> -> memref<640x16xf32, #tpu.memory_space<vmem_shared>>
    %dma_start3A_14 = arith.constant 0 : i32
    %dma_start3A_15 = tpu.memref_slice %arg2[%mul3A_9, %dma_start3A_14] : memref<10240x16xf32, #tpu.memory_space<hbm>> -> memref<640x16xf32, #tpu.memory_space<hbm>>
    tpu.enqueue_dma source(%dma_start3A_15 : memref<640x16xf32, #tpu.memory_space<hbm>>) target(%dma_start3A_13 : memref<640x16xf32, #tpu.memory_space<vmem_shared>>) target_semaphore(%arg28 : memref<!tpu.dma_semaphore, #tpu.memory_space<semaphore_mem>>)
    %dma_start3A_16 = arith.constant 0 : i32
    %dma_start3A_17 = arith.constant 0 : i32
    %dma_start3A_18 = tpu.memref_slice %arg4[%add3A, %dma_start3A_16, %dma_start3A_17] : memref<32x80x128xi32, #tpu.memory_space<hbm>> -> memref<1x80x128xi32, #tpu.memory_space<hbm>>
    %dma_start3A_19 = tpu.memref_squeeze %dma_start3A_18 : memref<1x80x128xi32, #tpu.memory_space<hbm>> -> memref<80x128xi32, #tpu.memory_space<hbm>>
    %dma_start3A_20 = arith.constant 0 : i32
    %dma_start3A_21 = arith.constant 0 : i32
    %dma_start3A_22 = tpu.memref_slice %arg4[%add3A, %dma_start3A_20, %dma_start3A_21] : memref<32x80x128xi32, #tpu.memory_space<hbm>> -> memref<1x80x128xi32, #tpu.memory_space<hbm>>
    %dma_start3A_23 = tpu.memref_squeeze %dma_start3A_22 : memref<1x80x128xi32, #tpu.memory_space<hbm>> -> memref<80x128xi32, #tpu.memory_space<hbm>>
    tpu.enqueue_dma source(%dma_start3A_23 : memref<80x128xi32, #tpu.memory_space<hbm>>) target(%arg7 : memref<80x128xi32, #tpu.memory_space<vmem>>) target_semaphore(%arg28 : memref<!tpu.dma_semaphore, #tpu.memory_space<semaphore_mem>>)
    %dma_start3A_24 = arith.constant 0 : i32
    %dma_start3A_25 = arith.constant 0 : i32
    %dma_start3A_26 = tpu.memref_slice %arg5[%add3A, %dma_start3A_24, %dma_start3A_25] : memref<32x80x128xi32, #tpu.memory_space<hbm>> -> memref<1x80x128xi32, #tpu.memory_space<hbm>>
    %dma_start3A_27 = tpu.memref_squeeze %dma_start3A_26 : memref<1x80x128xi32, #tpu.memory_space<hbm>> -> memref<80x128xi32, #tpu.memory_space<hbm>>
    %dma_start3A_28 = arith.constant 0 : i32
    %dma_start3A_29 = arith.constant 0 : i32
    %dma_start3A_30 = tpu.memref_slice %arg5[%add3A, %dma_start3A_28, %dma_start3A_29] : memref<32x80x128xi32, #tpu.memory_space<hbm>> -> memref<1x80x128xi32, #tpu.memory_space<hbm>>
    %dma_start3A_31 = tpu.memref_squeeze %dma_start3A_30 : memref<1x80x128xi32, #tpu.memory_space<hbm>> -> memref<80x128xi32, #tpu.memory_space<hbm>>
    tpu.enqueue_dma source(%dma_start3A_31 : memref<80x128xi32, #tpu.memory_space<hbm>>) target(%arg8 : memref<80x128xi32, #tpu.memory_space<vmem>>) target_semaphore(%arg28 : memref<!tpu.dma_semaphore, #tpu.memory_space<semaphore_mem>>)
    %dma_wait3A = arith.constant 0 : i32
    %dma_wait3A_32 = tpu.memref_slice %arg10[%mul3A_4, %dma_wait3A] : memref<10240x16xf32, #tpu.memory_space<vmem_shared>> -> memref<640x16xf32, #tpu.memory_space<vmem_shared>>
    %dma_wait3A_33 = arith.constant 0 : i32
    %dma_wait3A_34 = tpu.memref_slice %arg3[%mul3A_2, %dma_wait3A_33] : memref<10240x16xf32, #tpu.memory_space<hbm>> -> memref<640x16xf32, #tpu.memory_space<hbm>>
    tpu.wait_dma2 semaphore(%arg28 : memref<!tpu.dma_semaphore, #tpu.memory_space<semaphore_mem>>) src(%dma_wait3A_34 : memref<640x16xf32, #tpu.memory_space<hbm>>) dst(%dma_wait3A_32 : memref<640x16xf32, #tpu.memory_space<vmem_shared>>)
    %dma_wait3A_35 = arith.constant 0 : i32
    %dma_wait3A_36 = tpu.memref_slice %arg11[%mul3A_11, %dma_wait3A_35] : memref<10240x16xf32, #tpu.memory_space<vmem_shared>> -> memref<640x16xf32, #tpu.memory_space<vmem_shared>>
    %dma_wait3A_37 = arith.constant 0 : i32
    %dma_wait3A_38 = tpu.memref_slice %arg2[%mul3A_9, %dma_wait3A_37] : memref<10240x16xf32, #tpu.memory_space<hbm>> -> memref<640x16xf32, #tpu.memory_space<hbm>>
    tpu.wait_dma2 semaphore(%arg28 : memref<!tpu.dma_semaphore, #tpu.memory_space<semaphore_mem>>) src(%dma_wait3A_38 : memref<640x16xf32, #tpu.memory_space<hbm>>) dst(%dma_wait3A_36 : memref<640x16xf32, #tpu.memory_space<vmem_shared>>)
    %dma_wait3A_39 = arith.constant 0 : i32
    %dma_wait3A_40 = arith.constant 0 : i32
    %dma_wait3A_41 = tpu.memref_slice %arg4[%add3A, %dma_wait3A_39, %dma_wait3A_40] : memref<32x80x128xi32, #tpu.memory_space<hbm>> -> memref<1x80x128xi32, #tpu.memory_space<hbm>>
    %dma_wait3A_42 = tpu.memref_squeeze %dma_wait3A_41 : memref<1x80x128xi32, #tpu.memory_space<hbm>> -> memref<80x128xi32, #tpu.memory_space<hbm>>
    %dma_wait3A_43 = arith.constant 0 : i32
    %dma_wait3A_44 = arith.constant 0 : i32
    %dma_wait3A_45 = tpu.memref_slice %arg4[%add3A, %dma_wait3A_43, %dma_wait3A_44] : memref<32x80x128xi32, #tpu.memory_space<hbm>> -> memref<1x80x128xi32, #tpu.memory_space<hbm>>
    %dma_wait3A_46 = tpu.memref_squeeze %dma_wait3A_45 : memref<1x80x128xi32, #tpu.memory_space<hbm>> -> memref<80x128xi32, #tpu.memory_space<hbm>>
    tpu.wait_dma2 semaphore(%arg28 : memref<!tpu.dma_semaphore, #tpu.memory_space<semaphore_mem>>) src(%dma_wait3A_46 : memref<80x128xi32, #tpu.memory_space<hbm>>) dst(%arg7 : memref<80x128xi32, #tpu.memory_space<vmem>>)
    %dma_wait3A_47 = arith.constant 0 : i32
    %dma_wait3A_48 = arith.constant 0 : i32
    %dma_wait3A_49 = tpu.memref_slice %arg5[%add3A, %dma_wait3A_47, %dma_wait3A_48] : memref<32x80x128xi32, #tpu.memory_space<hbm>> -> memref<1x80x128xi32, #tpu.memory_space<hbm>>
    %dma_wait3A_50 = tpu.memref_squeeze %dma_wait3A_49 : memref<1x80x128xi32, #tpu.memory_space<hbm>> -> memref<80x128xi32, #tpu.memory_space<hbm>>
    %dma_wait3A_51 = arith.constant 0 : i32
    %dma_wait3A_52 = arith.constant 0 : i32
    %dma_wait3A_53 = tpu.memref_slice %arg5[%add3A, %dma_wait3A_51, %dma_wait3A_52] : memref<32x80x128xi32, #tpu.memory_space<hbm>> -> memref<1x80x128xi32, #tpu.memory_space<hbm>>
    %dma_wait3A_54 = tpu.memref_squeeze %dma_wait3A_53 : memref<1x80x128xi32, #tpu.memory_space<hbm>> -> memref<80x128xi32, #tpu.memory_space<hbm>>
    tpu.wait_dma2 semaphore(%arg28 : memref<!tpu.dma_semaphore, #tpu.memory_space<semaphore_mem>>) src(%dma_wait3A_54 : memref<80x128xi32, #tpu.memory_space<hbm>>) dst(%arg8 : memref<80x128xi32, #tpu.memory_space<vmem>>)
    %barrier3A = arith.constant 0 : index
    tpu.barrier barrier_id(%barrier3A)
    %dma_start3A_55 = arith.constant 0 : i32
    %dma_start3A_56 = arith.constant 0 : i32
    %dma_start3A_57 = arith.constant 0 : i32
    %dma_start3A_58 = arith.constant 0 : i32
    %dma_start3A_59 = tpu.memref_slice %arg9[%dma_start3A_56, %dma_start3A_57, %dma_start3A_58] : memref<8x128x16xf32, #tpu.memory_space<vmem>> -> memref<1x128x16xf32, #tpu.memory_space<vmem>>
    %dma_start3A_60 = tpu.memref_squeeze %dma_start3A_59 : memref<1x128x16xf32, #tpu.memory_space<vmem>> -> memref<128x16xf32, #tpu.memory_space<vmem>>
    %dma_start3A_61 = arith.constant 0 : i32
    %dma_start3A_62 = tpu.memref_slice %arg7[%dma_start3A_55, %dma_start3A_61] : memref<80x128xi32, #tpu.memory_space<vmem>> -> memref<1x128xi32, #tpu.memory_space<vmem>>
    %dma_start3A_63 = tpu.memref_squeeze %dma_start3A_62 : memref<1x128xi32, #tpu.memory_space<vmem>> -> memref<128xi32, #tpu.memory_space<vmem>>
    %dma_start3A_64 = arith.constant 0 : i32
    %dma_start3A_65 = arith.constant 0 : i32
    %dma_start3A_66 = tpu.memref_slice %arg11[%dma_start3A_64, %dma_start3A_65] : memref<10240x16xf32, #tpu.memory_space<vmem_shared>> -> memref<10240x16xf32, #tpu.memory_space<vmem_shared>>
    tpu.enqueue_indirect_dma source(%dma_start3A_66 : memref<10240x16xf32, #tpu.memory_space<vmem_shared>>) target(%dma_start3A_60 : memref<128x16xf32, #tpu.memory_space<vmem>>) offsets(%dma_start3A_63 : memref<128xi32, #tpu.memory_space<vmem>>) semaphore(%arg12 : memref<!tpu.dma_semaphore, #tpu.memory_space<semaphore_mem>>)
    %dma_start3A_67 = arith.constant 1 : i32
    %dma_start3A_68 = arith.constant 1 : i32
    %dma_start3A_69 = arith.constant 0 : i32
    %dma_start3A_70 = arith.constant 0 : i32
    %dma_start3A_71 = tpu.memref_slice %arg9[%dma_start3A_68, %dma_start3A_69, %dma_start3A_70] : memref<8x128x16xf32, #tpu.memory_space<vmem>> -> memref<1x128x16xf32, #tpu.memory_space<vmem>>
    %dma_start3A_72 = tpu.memref_squeeze %dma_start3A_71 : memref<1x128x16xf32, #tpu.memory_space<vmem>> -> memref<128x16xf32, #tpu.memory_space<vmem>>
    %dma_start3A_73 = arith.constant 0 : i32
    %dma_start3A_74 = tpu.memref_slice %arg7[%dma_start3A_67, %dma_start3A_73] : memref<80x128xi32, #tpu.memory_space<vmem>> -> memref<1x128xi32, #tpu.memory_space<vmem>>
    %dma_start3A_75 = tpu.memref_squeeze %dma_start3A_74 : memref<1x128xi32, #tpu.memory_space<vmem>> -> memref<128xi32, #tpu.memory_space<vmem>>
    %dma_start3A_76 = arith.constant 0 : i32
    %dma_start3A_77 = arith.constant 0 : i32
    %dma_start3A_78 = tpu.memref_slice %arg11[%dma_start3A_76, %dma_start3A_77] : memref<10240x16xf32, #tpu.memory_space<vmem_shared>> -> memref<10240x16xf32, #tpu.memory_space<vmem_shared>>
    tpu.enqueue_indirect_dma source(%dma_start3A_78 : memref<10240x16xf32, #tpu.memory_space<vmem_shared>>) target(%dma_start3A_72 : memref<128x16xf32, #tpu.memory_space<vmem>>) offsets(%dma_start3A_75 : memref<128xi32, #tpu.memory_space<vmem>>) semaphore(%arg13 : memref<!tpu.dma_semaphore, #tpu.memory_space<semaphore_mem>>)
    %dma_start3A_79 = arith.constant 2 : i32
    %dma_start3A_80 = arith.constant 2 : i32
    %dma_start3A_81 = arith.constant 0 : i32
    %dma_start3A_82 = arith.constant 0 : i32
    %dma_start3A_83 = tpu.memref_slice %arg9[%dma_start3A_80, %dma_start3A_81, %dma_start3A_82] : memref<8x128x16xf32, #tpu.memory_space<vmem>> -> memref<1x128x16xf32, #tpu.memory_space<vmem>>
    %dma_start3A_84 = tpu.memref_squeeze %dma_start3A_83 : memref<1x128x16xf32, #tpu.memory_space<vmem>> -> memref<128x16xf32, #tpu.memory_space<vmem>>
    %dma_start3A_85 = arith.constant 0 : i32
    %dma_start3A_86 = tpu.memref_slice %arg7[%dma_start3A_79, %dma_start3A_85] : memref<80x128xi32, #tpu.memory_space<vmem>> -> memref<1x128xi32, #tpu.memory_space<vmem>>
    %dma_start3A_87 = tpu.memref_squeeze %dma_start3A_86 : memref<1x128xi32, #tpu.memory_space<vmem>> -> memref<128xi32, #tpu.memory_space<vmem>>
    %dma_start3A_88 = arith.constant 0 : i32
    %dma_start3A_89 = arith.constant 0 : i32
    %dma_start3A_90 = tpu.memref_slice %arg11[%dma_start3A_88, %dma_start3A_89] : memref<10240x16xf32, #tpu.memory_space<vmem_shared>> -> memref<10240x16xf32, #tpu.memory_space<vmem_shared>>
    tpu.enqueue_indirect_dma source(%dma_start3A_90 : memref<10240x16xf32, #tpu.memory_space<vmem_shared>>) target(%dma_start3A_84 : memref<128x16xf32, #tpu.memory_space<vmem>>) offsets(%dma_start3A_87 : memref<128xi32, #tpu.memory_space<vmem>>) semaphore(%arg14 : memref<!tpu.dma_semaphore, #tpu.memory_space<semaphore_mem>>)
    %dma_start3A_91 = arith.constant 3 : i32
    %dma_start3A_92 = arith.constant 3 : i32
    %dma_start3A_93 = arith.constant 0 : i32
    %dma_start3A_94 = arith.constant 0 : i32
    %dma_start3A_95 = tpu.memref_slice %arg9[%dma_start3A_92, %dma_start3A_93, %dma_start3A_94] : memref<8x128x16xf32, #tpu.memory_space<vmem>> -> memref<1x128x16xf32, #tpu.memory_space<vmem>>
    %dma_start3A_96 = tpu.memref_squeeze %dma_start3A_95 : memref<1x128x16xf32, #tpu.memory_space<vmem>> -> memref<128x16xf32, #tpu.memory_space<vmem>>
    %dma_start3A_97 = arith.constant 0 : i32
    %dma_start3A_98 = tpu.memref_slice %arg7[%dma_start3A_91, %dma_start3A_97] : memref<80x128xi32, #tpu.memory_space<vmem>> -> memref<1x128xi32, #tpu.memory_space<vmem>>
    %dma_start3A_99 = tpu.memref_squeeze %dma_start3A_98 : memref<1x128xi32, #tpu.memory_space<vmem>> -> memref<128xi32, #tpu.memory_space<vmem>>
    %dma_start3A_100 = arith.constant 0 : i32
    %dma_start3A_101 = arith.constant 0 : i32
    %dma_start3A_102 = tpu.memref_slice %arg11[%dma_start3A_100, %dma_start3A_101] : memref<10240x16xf32, #tpu.memory_space<vmem_shared>> -> memref<10240x16xf32, #tpu.memory_space<vmem_shared>>
    tpu.enqueue_indirect_dma source(%dma_start3A_102 : memref<10240x16xf32, #tpu.memory_space<vmem_shared>>) target(%dma_start3A_96 : memref<128x16xf32, #tpu.memory_space<vmem>>) offsets(%dma_start3A_99 : memref<128xi32, #tpu.memory_space<vmem>>) semaphore(%arg15 : memref<!tpu.dma_semaphore, #tpu.memory_space<semaphore_mem>>)
    %dma_start3A_103 = arith.constant 4 : i32
    %dma_start3A_104 = arith.constant 4 : i32
    %dma_start3A_105 = arith.constant 0 : i32
    %dma_start3A_106 = arith.constant 0 : i32
    %dma_start3A_107 = tpu.memref_slice %arg9[%dma_start3A_104, %dma_start3A_105, %dma_start3A_106] : memref<8x128x16xf32, #tpu.memory_space<vmem>> -> memref<1x128x16xf32, #tpu.memory_space<vmem>>
    %dma_start3A_108 = tpu.memref_squeeze %dma_start3A_107 : memref<1x128x16xf32, #tpu.memory_space<vmem>> -> memref<128x16xf32, #tpu.memory_space<vmem>>
    %dma_start3A_109 = arith.constant 0 : i32
    %dma_start3A_110 = tpu.memref_slice %arg7[%dma_start3A_103, %dma_start3A_109] : memref<80x128xi32, #tpu.memory_space<vmem>> -> memref<1x128xi32, #tpu.memory_space<vmem>>
    %dma_start3A_111 = tpu.memref_squeeze %dma_start3A_110 : memref<1x128xi32, #tpu.memory_space<vmem>> -> memref<128xi32, #tpu.memory_space<vmem>>
    %dma_start3A_112 = arith.constant 0 : i32
    %dma_start3A_113 = arith.constant 0 : i32
    %dma_start3A_114 = tpu.memref_slice %arg11[%dma_start3A_112, %dma_start3A_113] : memref<10240x16xf32, #tpu.memory_space<vmem_shared>> -> memref<10240x16xf32, #tpu.memory_space<vmem_shared>>
    tpu.enqueue_indirect_dma source(%dma_start3A_114 : memref<10240x16xf32, #tpu.memory_space<vmem_shared>>) target(%dma_start3A_108 : memref<128x16xf32, #tpu.memory_space<vmem>>) offsets(%dma_start3A_111 : memref<128xi32, #tpu.memory_space<vmem>>) semaphore(%arg16 : memref<!tpu.dma_semaphore, #tpu.memory_space<semaphore_mem>>)
    %dma_start3A_115 = arith.constant 5 : i32
    %dma_start3A_116 = arith.constant 5 : i32
    %dma_start3A_117 = arith.constant 0 : i32
    %dma_start3A_118 = arith.constant 0 : i32
    %dma_start3A_119 = tpu.memref_slice %arg9[%dma_start3A_116, %dma_start3A_117, %dma_start3A_118] : memref<8x128x16xf32, #tpu.memory_space<vmem>> -> memref<1x128x16xf32, #tpu.memory_space<vmem>>
    %dma_start3A_120 = tpu.memref_squeeze %dma_start3A_119 : memref<1x128x16xf32, #tpu.memory_space<vmem>> -> memref<128x16xf32, #tpu.memory_space<vmem>>
    %dma_start3A_121 = arith.constant 0 : i32
    %dma_start3A_122 = tpu.memref_slice %arg7[%dma_start3A_115, %dma_start3A_121] : memref<80x128xi32, #tpu.memory_space<vmem>> -> memref<1x128xi32, #tpu.memory_space<vmem>>
    %dma_start3A_123 = tpu.memref_squeeze %dma_start3A_122 : memref<1x128xi32, #tpu.memory_space<vmem>> -> memref<128xi32, #tpu.memory_space<vmem>>
    %dma_start3A_124 = arith.constant 0 : i32
    %dma_start3A_125 = arith.constant 0 : i32
    %dma_start3A_126 = tpu.memref_slice %arg11[%dma_start3A_124, %dma_start3A_125] : memref<10240x16xf32, #tpu.memory_space<vmem_shared>> -> memref<10240x16xf32, #tpu.memory_space<vmem_shared>>
    tpu.enqueue_indirect_dma source(%dma_start3A_126 : memref<10240x16xf32, #tpu.memory_space<vmem_shared>>) target(%dma_start3A_120 : memref<128x16xf32, #tpu.memory_space<vmem>>) offsets(%dma_start3A_123 : memref<128xi32, #tpu.memory_space<vmem>>) semaphore(%arg17 : memref<!tpu.dma_semaphore, #tpu.memory_space<semaphore_mem>>)
    %dma_start3A_127 = arith.constant 6 : i32
    %dma_start3A_128 = arith.constant 6 : i32
    %dma_start3A_129 = arith.constant 0 : i32
    %dma_start3A_130 = arith.constant 0 : i32
    %dma_start3A_131 = tpu.memref_slice %arg9[%dma_start3A_128, %dma_start3A_129, %dma_start3A_130] : memref<8x128x16xf32, #tpu.memory_space<vmem>> -> memref<1x128x16xf32, #tpu.memory_space<vmem>>
    %dma_start3A_132 = tpu.memref_squeeze %dma_start3A_131 : memref<1x128x16xf32, #tpu.memory_space<vmem>> -> memref<128x16xf32, #tpu.memory_space<vmem>>
    %dma_start3A_133 = arith.constant 0 : i32
    %dma_start3A_134 = tpu.memref_slice %arg7[%dma_start3A_127, %dma_start3A_133] : memref<80x128xi32, #tpu.memory_space<vmem>> -> memref<1x128xi32, #tpu.memory_space<vmem>>
    %dma_start3A_135 = tpu.memref_squeeze %dma_start3A_134 : memref<1x128xi32, #tpu.memory_space<vmem>> -> memref<128xi32, #tpu.memory_space<vmem>>
    %dma_start3A_136 = arith.constant 0 : i32
    %dma_start3A_137 = arith.constant 0 : i32
    %dma_start3A_138 = tpu.memref_slice %arg11[%dma_start3A_136, %dma_start3A_137] : memref<10240x16xf32, #tpu.memory_space<vmem_shared>> -> memref<10240x16xf32, #tpu.memory_space<vmem_shared>>
    tpu.enqueue_indirect_dma source(%dma_start3A_138 : memref<10240x16xf32, #tpu.memory_space<vmem_shared>>) target(%dma_start3A_132 : memref<128x16xf32, #tpu.memory_space<vmem>>) offsets(%dma_start3A_135 : memref<128xi32, #tpu.memory_space<vmem>>) semaphore(%arg18 : memref<!tpu.dma_semaphore, #tpu.memory_space<semaphore_mem>>)
    %dma_start3A_139 = arith.constant 7 : i32
    %dma_start3A_140 = arith.constant 7 : i32
    %dma_start3A_141 = arith.constant 0 : i32
    %dma_start3A_142 = arith.constant 0 : i32
    %dma_start3A_143 = tpu.memref_slice %arg9[%dma_start3A_140, %dma_start3A_141, %dma_start3A_142] : memref<8x128x16xf32, #tpu.memory_space<vmem>> -> memref<1x128x16xf32, #tpu.memory_space<vmem>>
    %dma_start3A_144 = tpu.memref_squeeze %dma_start3A_143 : memref<1x128x16xf32, #tpu.memory_space<vmem>> -> memref<128x16xf32, #tpu.memory_space<vmem>>
    %dma_start3A_145 = arith.constant 0 : i32
    %dma_start3A_146 = tpu.memref_slice %arg7[%dma_start3A_139, %dma_start3A_145] : memref<80x128xi32, #tpu.memory_space<vmem>> -> memref<1x128xi32, #tpu.memory_space<vmem>>
    %dma_start3A_147 = tpu.memref_squeeze %dma_start3A_146 : memref<1x128xi32, #tpu.memory_space<vmem>> -> memref<128xi32, #tpu.memory_space<vmem>>
    %dma_start3A_148 = arith.constant 0 : i32
    %dma_start3A_149 = arith.constant 0 : i32
    %dma_start3A_150 = tpu.memref_slice %arg11[%dma_start3A_148, %dma_start3A_149] : memref<10240x16xf32, #tpu.memory_space<vmem_shared>> -> memref<10240x16xf32, #tpu.memory_space<vmem_shared>>
    tpu.enqueue_indirect_dma source(%dma_start3A_150 : memref<10240x16xf32, #tpu.memory_space<vmem_shared>>) target(%dma_start3A_144 : memref<128x16xf32, #tpu.memory_space<vmem>>) offsets(%dma_start3A_147 : memref<128xi32, #tpu.memory_space<vmem>>) semaphore(%arg19 : memref<!tpu.dma_semaphore, #tpu.memory_space<semaphore_mem>>)
    %scan3A = arith.constant 0 : i32
    %scan3A_151 = arith.constant 9 : i32
    %scan3A_152 = arith.addi %scan3A, %scan3A_151 : i32
    %scan3A_153 = arith.constant 1 : i32
    scf.for %scan3A_448 = %scan3A to %scan3A_152 step %scan3A_153  : i32 {
      %mul3A_449 = arith.constant 1 : i32
      %mul3A_450 = arith.muli %scan3A_448, %mul3A_449 : i32
      %add3A_451 = arith.constant 1 : i32
      %add3A_452 = arith.addi %add3A_451, %mul3A_450 : i32
      %sub3A = arith.constant 1 : i32
      %sub3A_453 = arith.subi %add3A_452, %sub3A : i32
      %mul3A_454 = arith.constant 8 : i32
      %mul3A_455 = arith.muli %sub3A_453, %mul3A_454 : i32
      %add3A_456 = arith.constant 0 : i32
      %add3A_457 = arith.addi %mul3A_455, %add3A_456 : i32
      %dma_wait3A_458 = arith.constant 0 : i32
      %dma_wait3A_459 = arith.constant 0 : i32
      %dma_wait3A_460 = arith.constant 0 : i32
      %dma_wait3A_461 = tpu.memref_slice %arg9[%dma_wait3A_458, %dma_wait3A_459, %dma_wait3A_460] : memref<8x128x16xf32, #tpu.memory_space<vmem>> -> memref<1x128x16xf32, #tpu.memory_space<vmem>>
      %dma_wait3A_462 = tpu.memref_squeeze %dma_wait3A_461 : memref<1x128x16xf32, #tpu.memory_space<vmem>> -> memref<128x16xf32, #tpu.memory_space<vmem>>
      %dma_wait3A_463 = arith.constant 0 : i32
      %dma_wait3A_464 = tpu.memref_slice %arg7[%add3A_457, %dma_wait3A_463] : memref<80x128xi32, #tpu.memory_space<vmem>> -> memref<1x128xi32, #tpu.memory_space<vmem>>
      %dma_wait3A_465 = tpu.memref_squeeze %dma_wait3A_464 : memref<1x128xi32, #tpu.memory_space<vmem>> -> memref<128xi32, #tpu.memory_space<vmem>>
      %dma_wait3A_466 = arith.constant 0 : i32
      %dma_wait3A_467 = arith.constant 0 : i32
      %dma_wait3A_468 = tpu.memref_slice %arg11[%dma_wait3A_466, %dma_wait3A_467] : memref<10240x16xf32, #tpu.memory_space<vmem_shared>> -> memref<10240x16xf32, #tpu.memory_space<vmem_shared>>
      tpu.wait_indirect_dma semaphore(%arg12 : memref<!tpu.dma_semaphore, #tpu.memory_space<semaphore_mem>>) src(%dma_wait3A_468 : memref<10240x16xf32, #tpu.memory_space<vmem_shared>>) dst(%dma_wait3A_462 : memref<128x16xf32, #tpu.memory_space<vmem>>)
      %add3A_469 = arith.constant 0 : i32
      %add3A_470 = arith.addi %mul3A_455, %add3A_469 : i32
      %dma_start3A_471 = arith.constant 0 : i32
      %dma_start3A_472 = arith.constant 0 : i32
      %dma_start3A_473 = arith.constant 0 : i32
      %dma_start3A_474 = tpu.memref_slice %arg9[%dma_start3A_471, %dma_start3A_472, %dma_start3A_473] : memref<8x128x16xf32, #tpu.memory_space<vmem>> -> memref<1x128x16xf32, #tpu.memory_space<vmem>>
      %dma_start3A_475 = tpu.memref_squeeze %dma_start3A_474 : memref<1x128x16xf32, #tpu.memory_space<vmem>> -> memref<128x16xf32, #tpu.memory_space<vmem>>
      %dma_start3A_476 = arith.constant 0 : i32
      %dma_start3A_477 = tpu.memref_slice %arg8[%add3A_470, %dma_start3A_476] : memref<80x128xi32, #tpu.memory_space<vmem>> -> memref<1x128xi32, #tpu.memory_space<vmem>>
      %dma_start3A_478 = tpu.memref_squeeze %dma_start3A_477 : memref<1x128xi32, #tpu.memory_space<vmem>> -> memref<128xi32, #tpu.memory_space<vmem>>
      %dma_start3A_479 = arith.constant 0 : i32
      %dma_start3A_480 = arith.constant 0 : i32
      %dma_start3A_481 = tpu.memref_slice %arg10[%dma_start3A_479, %dma_start3A_480] : memref<10240x16xf32, #tpu.memory_space<vmem_shared>> -> memref<10240x16xf32, #tpu.memory_space<vmem_shared>>
      tpu.enqueue_indirect_dma source(%dma_start3A_475 : memref<128x16xf32, #tpu.memory_space<vmem>>) target(%dma_start3A_481 : memref<10240x16xf32, #tpu.memory_space<vmem_shared>>) offsets(%dma_start3A_478 : memref<128xi32, #tpu.memory_space<vmem>>) semaphore(%arg20 : memref<!tpu.dma_semaphore, #tpu.memory_space<semaphore_mem>>) {add = true}
      %add3A_482 = arith.constant 1 : i32
      %add3A_483 = arith.addi %mul3A_455, %add3A_482 : i32
      %dma_wait3A_484 = arith.constant 1 : i32
      %dma_wait3A_485 = arith.constant 0 : i32
      %dma_wait3A_486 = arith.constant 0 : i32
      %dma_wait3A_487 = tpu.memref_slice %arg9[%dma_wait3A_484, %dma_wait3A_485, %dma_wait3A_486] : memref<8x128x16xf32, #tpu.memory_space<vmem>> -> memref<1x128x16xf32, #tpu.memory_space<vmem>>
      %dma_wait3A_488 = tpu.memref_squeeze %dma_wait3A_487 : memref<1x128x16xf32, #tpu.memory_space<vmem>> -> memref<128x16xf32, #tpu.memory_space<vmem>>
      %dma_wait3A_489 = arith.constant 0 : i32
      %dma_wait3A_490 = tpu.memref_slice %arg7[%add3A_483, %dma_wait3A_489] : memref<80x128xi32, #tpu.memory_space<vmem>> -> memref<1x128xi32, #tpu.memory_space<vmem>>
      %dma_wait3A_491 = tpu.memref_squeeze %dma_wait3A_490 : memref<1x128xi32, #tpu.memory_space<vmem>> -> memref<128xi32, #tpu.memory_space<vmem>>
      %dma_wait3A_492 = arith.constant 0 : i32
      %dma_wait3A_493 = arith.constant 0 : i32
      %dma_wait3A_494 = tpu.memref_slice %arg11[%dma_wait3A_492, %dma_wait3A_493] : memref<10240x16xf32, #tpu.memory_space<vmem_shared>> -> memref<10240x16xf32, #tpu.memory_space<vmem_shared>>
      tpu.wait_indirect_dma semaphore(%arg13 : memref<!tpu.dma_semaphore, #tpu.memory_space<semaphore_mem>>) src(%dma_wait3A_494 : memref<10240x16xf32, #tpu.memory_space<vmem_shared>>) dst(%dma_wait3A_488 : memref<128x16xf32, #tpu.memory_space<vmem>>)
      %add3A_495 = arith.constant 1 : i32
      %add3A_496 = arith.addi %mul3A_455, %add3A_495 : i32
      %dma_start3A_497 = arith.constant 1 : i32
      %dma_start3A_498 = arith.constant 0 : i32
      %dma_start3A_499 = arith.constant 0 : i32
      %dma_start3A_500 = tpu.memref_slice %arg9[%dma_start3A_497, %dma_start3A_498, %dma_start3A_499] : memref<8x128x16xf32, #tpu.memory_space<vmem>> -> memref<1x128x16xf32, #tpu.memory_space<vmem>>
      %dma_start3A_501 = tpu.memref_squeeze %dma_start3A_500 : memref<1x128x16xf32, #tpu.memory_space<vmem>> -> memref<128x16xf32, #tpu.memory_space<vmem>>
      %dma_start3A_502 = arith.constant 0 : i32
      %dma_start3A_503 = tpu.memref_slice %arg8[%add3A_496, %dma_start3A_502] : memref<80x128xi32, #tpu.memory_space<vmem>> -> memref<1x128xi32, #tpu.memory_space<vmem>>
      %dma_start3A_504 = tpu.memref_squeeze %dma_start3A_503 : memref<1x128xi32, #tpu.memory_space<vmem>> -> memref<128xi32, #tpu.memory_space<vmem>>
      %dma_start3A_505 = arith.constant 0 : i32
      %dma_start3A_506 = arith.constant 0 : i32
      %dma_start3A_507 = tpu.memref_slice %arg10[%dma_start3A_505, %dma_start3A_506] : memref<10240x16xf32, #tpu.memory_space<vmem_shared>> -> memref<10240x16xf32, #tpu.memory_space<vmem_shared>>
      tpu.enqueue_indirect_dma source(%dma_start3A_501 : memref<128x16xf32, #tpu.memory_space<vmem>>) target(%dma_start3A_507 : memref<10240x16xf32, #tpu.memory_space<vmem_shared>>) offsets(%dma_start3A_504 : memref<128xi32, #tpu.memory_space<vmem>>) semaphore(%arg21 : memref<!tpu.dma_semaphore, #tpu.memory_space<semaphore_mem>>) {add = true}
      %add3A_508 = arith.constant 2 : i32
      %add3A_509 = arith.addi %mul3A_455, %add3A_508 : i32
      %dma_wait3A_510 = arith.constant 2 : i32
      %dma_wait3A_511 = arith.constant 0 : i32
      %dma_wait3A_512 = arith.constant 0 : i32
      %dma_wait3A_513 = tpu.memref_slice %arg9[%dma_wait3A_510, %dma_wait3A_511, %dma_wait3A_512] : memref<8x128x16xf32, #tpu.memory_space<vmem>> -> memref<1x128x16xf32, #tpu.memory_space<vmem>>
      %dma_wait3A_514 = tpu.memref_squeeze %dma_wait3A_513 : memref<1x128x16xf32, #tpu.memory_space<vmem>> -> memref<128x16xf32, #tpu.memory_space<vmem>>
      %dma_wait3A_515 = arith.constant 0 : i32
      %dma_wait3A_516 = tpu.memref_slice %arg7[%add3A_509, %dma_wait3A_515] : memref<80x128xi32, #tpu.memory_space<vmem>> -> memref<1x128xi32, #tpu.memory_space<vmem>>
      %dma_wait3A_517 = tpu.memref_squeeze %dma_wait3A_516 : memref<1x128xi32, #tpu.memory_space<vmem>> -> memref<128xi32, #tpu.memory_space<vmem>>
      %dma_wait3A_518 = arith.constant 0 : i32
      %dma_wait3A_519 = arith.constant 0 : i32
      %dma_wait3A_520 = tpu.memref_slice %arg11[%dma_wait3A_518, %dma_wait3A_519] : memref<10240x16xf32, #tpu.memory_space<vmem_shared>> -> memref<10240x16xf32, #tpu.memory_space<vmem_shared>>
      tpu.wait_indirect_dma semaphore(%arg14 : memref<!tpu.dma_semaphore, #tpu.memory_space<semaphore_mem>>) src(%dma_wait3A_520 : memref<10240x16xf32, #tpu.memory_space<vmem_shared>>) dst(%dma_wait3A_514 : memref<128x16xf32, #tpu.memory_space<vmem>>)
      %add3A_521 = arith.constant 2 : i32
      %add3A_522 = arith.addi %mul3A_455, %add3A_521 : i32
      %dma_start3A_523 = arith.constant 2 : i32
      %dma_start3A_524 = arith.constant 0 : i32
      %dma_start3A_525 = arith.constant 0 : i32
      %dma_start3A_526 = tpu.memref_slice %arg9[%dma_start3A_523, %dma_start3A_524, %dma_start3A_525] : memref<8x128x16xf32, #tpu.memory_space<vmem>> -> memref<1x128x16xf32, #tpu.memory_space<vmem>>
      %dma_start3A_527 = tpu.memref_squeeze %dma_start3A_526 : memref<1x128x16xf32, #tpu.memory_space<vmem>> -> memref<128x16xf32, #tpu.memory_space<vmem>>
      %dma_start3A_528 = arith.constant 0 : i32
      %dma_start3A_529 = tpu.memref_slice %arg8[%add3A_522, %dma_start3A_528] : memref<80x128xi32, #tpu.memory_space<vmem>> -> memref<1x128xi32, #tpu.memory_space<vmem>>
      %dma_start3A_530 = tpu.memref_squeeze %dma_start3A_529 : memref<1x128xi32, #tpu.memory_space<vmem>> -> memref<128xi32, #tpu.memory_space<vmem>>
      %dma_start3A_531 = arith.constant 0 : i32
      %dma_start3A_532 = arith.constant 0 : i32
      %dma_start3A_533 = tpu.memref_slice %arg10[%dma_start3A_531, %dma_start3A_532] : memref<10240x16xf32, #tpu.memory_space<vmem_shared>> -> memref<10240x16xf32, #tpu.memory_space<vmem_shared>>
      tpu.enqueue_indirect_dma source(%dma_start3A_527 : memref<128x16xf32, #tpu.memory_space<vmem>>) target(%dma_start3A_533 : memref<10240x16xf32, #tpu.memory_space<vmem_shared>>) offsets(%dma_start3A_530 : memref<128xi32, #tpu.memory_space<vmem>>) semaphore(%arg22 : memref<!tpu.dma_semaphore, #tpu.memory_space<semaphore_mem>>) {add = true}
      %add3A_534 = arith.constant 3 : i32
      %add3A_535 = arith.addi %mul3A_455, %add3A_534 : i32
      %dma_wait3A_536 = arith.constant 3 : i32
      %dma_wait3A_537 = arith.constant 0 : i32
      %dma_wait3A_538 = arith.constant 0 : i32
      %dma_wait3A_539 = tpu.memref_slice %arg9[%dma_wait3A_536, %dma_wait3A_537, %dma_wait3A_538] : memref<8x128x16xf32, #tpu.memory_space<vmem>> -> memref<1x128x16xf32, #tpu.memory_space<vmem>>
      %dma_wait3A_540 = tpu.memref_squeeze %dma_wait3A_539 : memref<1x128x16xf32, #tpu.memory_space<vmem>> -> memref<128x16xf32, #tpu.memory_space<vmem>>
      %dma_wait3A_541 = arith.constant 0 : i32
      %dma_wait3A_542 = tpu.memref_slice %arg7[%add3A_535, %dma_wait3A_541] : memref<80x128xi32, #tpu.memory_space<vmem>> -> memref<1x128xi32, #tpu.memory_space<vmem>>
      %dma_wait3A_543 = tpu.memref_squeeze %dma_wait3A_542 : memref<1x128xi32, #tpu.memory_space<vmem>> -> memref<128xi32, #tpu.memory_space<vmem>>
      %dma_wait3A_544 = arith.constant 0 : i32
      %dma_wait3A_545 = arith.constant 0 : i32
      %dma_wait3A_546 = tpu.memref_slice %arg11[%dma_wait3A_544, %dma_wait3A_545] : memref<10240x16xf32, #tpu.memory_space<vmem_shared>> -> memref<10240x16xf32, #tpu.memory_space<vmem_shared>>
      tpu.wait_indirect_dma semaphore(%arg15 : memref<!tpu.dma_semaphore, #tpu.memory_space<semaphore_mem>>) src(%dma_wait3A_546 : memref<10240x16xf32, #tpu.memory_space<vmem_shared>>) dst(%dma_wait3A_540 : memref<128x16xf32, #tpu.memory_space<vmem>>)
      %add3A_547 = arith.constant 3 : i32
      %add3A_548 = arith.addi %mul3A_455, %add3A_547 : i32
      %dma_start3A_549 = arith.constant 3 : i32
      %dma_start3A_550 = arith.constant 0 : i32
      %dma_start3A_551 = arith.constant 0 : i32
      %dma_start3A_552 = tpu.memref_slice %arg9[%dma_start3A_549, %dma_start3A_550, %dma_start3A_551] : memref<8x128x16xf32, #tpu.memory_space<vmem>> -> memref<1x128x16xf32, #tpu.memory_space<vmem>>
      %dma_start3A_553 = tpu.memref_squeeze %dma_start3A_552 : memref<1x128x16xf32, #tpu.memory_space<vmem>> -> memref<128x16xf32, #tpu.memory_space<vmem>>
      %dma_start3A_554 = arith.constant 0 : i32
      %dma_start3A_555 = tpu.memref_slice %arg8[%add3A_548, %dma_start3A_554] : memref<80x128xi32, #tpu.memory_space<vmem>> -> memref<1x128xi32, #tpu.memory_space<vmem>>
      %dma_start3A_556 = tpu.memref_squeeze %dma_start3A_555 : memref<1x128xi32, #tpu.memory_space<vmem>> -> memref<128xi32, #tpu.memory_space<vmem>>
      %dma_start3A_557 = arith.constant 0 : i32
      %dma_start3A_558 = arith.constant 0 : i32
      %dma_start3A_559 = tpu.memref_slice %arg10[%dma_start3A_557, %dma_start3A_558] : memref<10240x16xf32, #tpu.memory_space<vmem_shared>> -> memref<10240x16xf32, #tpu.memory_space<vmem_shared>>
      tpu.enqueue_indirect_dma source(%dma_start3A_553 : memref<128x16xf32, #tpu.memory_space<vmem>>) target(%dma_start3A_559 : memref<10240x16xf32, #tpu.memory_space<vmem_shared>>) offsets(%dma_start3A_556 : memref<128xi32, #tpu.memory_space<vmem>>) semaphore(%arg23 : memref<!tpu.dma_semaphore, #tpu.memory_space<semaphore_mem>>) {add = true}
      %add3A_560 = arith.constant 4 : i32
      %add3A_561 = arith.addi %mul3A_455, %add3A_560 : i32
      %dma_wait3A_562 = arith.constant 4 : i32
      %dma_wait3A_563 = arith.constant 0 : i32
      %dma_wait3A_564 = arith.constant 0 : i32
      %dma_wait3A_565 = tpu.memref_slice %arg9[%dma_wait3A_562, %dma_wait3A_563, %dma_wait3A_564] : memref<8x128x16xf32, #tpu.memory_space<vmem>> -> memref<1x128x16xf32, #tpu.memory_space<vmem>>
      %dma_wait3A_566 = tpu.memref_squeeze %dma_wait3A_565 : memref<1x128x16xf32, #tpu.memory_space<vmem>> -> memref<128x16xf32, #tpu.memory_space<vmem>>
      %dma_wait3A_567 = arith.constant 0 : i32
      %dma_wait3A_568 = tpu.memref_slice %arg7[%add3A_561, %dma_wait3A_567] : memref<80x128xi32, #tpu.memory_space<vmem>> -> memref<1x128xi32, #tpu.memory_space<vmem>>
      %dma_wait3A_569 = tpu.memref_squeeze %dma_wait3A_568 : memref<1x128xi32, #tpu.memory_space<vmem>> -> memref<128xi32, #tpu.memory_space<vmem>>
      %dma_wait3A_570 = arith.constant 0 : i32
      %dma_wait3A_571 = arith.constant 0 : i32
      %dma_wait3A_572 = tpu.memref_slice %arg11[%dma_wait3A_570, %dma_wait3A_571] : memref<10240x16xf32, #tpu.memory_space<vmem_shared>> -> memref<10240x16xf32, #tpu.memory_space<vmem_shared>>
      tpu.wait_indirect_dma semaphore(%arg16 : memref<!tpu.dma_semaphore, #tpu.memory_space<semaphore_mem>>) src(%dma_wait3A_572 : memref<10240x16xf32, #tpu.memory_space<vmem_shared>>) dst(%dma_wait3A_566 : memref<128x16xf32, #tpu.memory_space<vmem>>)
      %add3A_573 = arith.constant 4 : i32
      %add3A_574 = arith.addi %mul3A_455, %add3A_573 : i32
      %dma_start3A_575 = arith.constant 4 : i32
      %dma_start3A_576 = arith.constant 0 : i32
      %dma_start3A_577 = arith.constant 0 : i32
      %dma_start3A_578 = tpu.memref_slice %arg9[%dma_start3A_575, %dma_start3A_576, %dma_start3A_577] : memref<8x128x16xf32, #tpu.memory_space<vmem>> -> memref<1x128x16xf32, #tpu.memory_space<vmem>>
      %dma_start3A_579 = tpu.memref_squeeze %dma_start3A_578 : memref<1x128x16xf32, #tpu.memory_space<vmem>> -> memref<128x16xf32, #tpu.memory_space<vmem>>
      %dma_start3A_580 = arith.constant 0 : i32
      %dma_start3A_581 = tpu.memref_slice %arg8[%add3A_574, %dma_start3A_580] : memref<80x128xi32, #tpu.memory_space<vmem>> -> memref<1x128xi32, #tpu.memory_space<vmem>>
      %dma_start3A_582 = tpu.memref_squeeze %dma_start3A_581 : memref<1x128xi32, #tpu.memory_space<vmem>> -> memref<128xi32, #tpu.memory_space<vmem>>
      %dma_start3A_583 = arith.constant 0 : i32
      %dma_start3A_584 = arith.constant 0 : i32
      %dma_start3A_585 = tpu.memref_slice %arg10[%dma_start3A_583, %dma_start3A_584] : memref<10240x16xf32, #tpu.memory_space<vmem_shared>> -> memref<10240x16xf32, #tpu.memory_space<vmem_shared>>
      tpu.enqueue_indirect_dma source(%dma_start3A_579 : memref<128x16xf32, #tpu.memory_space<vmem>>) target(%dma_start3A_585 : memref<10240x16xf32, #tpu.memory_space<vmem_shared>>) offsets(%dma_start3A_582 : memref<128xi32, #tpu.memory_space<vmem>>) semaphore(%arg24 : memref<!tpu.dma_semaphore, #tpu.memory_space<semaphore_mem>>) {add = true}
      %add3A_586 = arith.constant 5 : i32
      %add3A_587 = arith.addi %mul3A_455, %add3A_586 : i32
      %dma_wait3A_588 = arith.constant 5 : i32
      %dma_wait3A_589 = arith.constant 0 : i32
      %dma_wait3A_590 = arith.constant 0 : i32
      %dma_wait3A_591 = tpu.memref_slice %arg9[%dma_wait3A_588, %dma_wait3A_589, %dma_wait3A_590] : memref<8x128x16xf32, #tpu.memory_space<vmem>> -> memref<1x128x16xf32, #tpu.memory_space<vmem>>
      %dma_wait3A_592 = tpu.memref_squeeze %dma_wait3A_591 : memref<1x128x16xf32, #tpu.memory_space<vmem>> -> memref<128x16xf32, #tpu.memory_space<vmem>>
      %dma_wait3A_593 = arith.constant 0 : i32
      %dma_wait3A_594 = tpu.memref_slice %arg7[%add3A_587, %dma_wait3A_593] : memref<80x128xi32, #tpu.memory_space<vmem>> -> memref<1x128xi32, #tpu.memory_space<vmem>>
      %dma_wait3A_595 = tpu.memref_squeeze %dma_wait3A_594 : memref<1x128xi32, #tpu.memory_space<vmem>> -> memref<128xi32, #tpu.memory_space<vmem>>
      %dma_wait3A_596 = arith.constant 0 : i32
      %dma_wait3A_597 = arith.constant 0 : i32
      %dma_wait3A_598 = tpu.memref_slice %arg11[%dma_wait3A_596, %dma_wait3A_597] : memref<10240x16xf32, #tpu.memory_space<vmem_shared>> -> memref<10240x16xf32, #tpu.memory_space<vmem_shared>>
      tpu.wait_indirect_dma semaphore(%arg17 : memref<!tpu.dma_semaphore, #tpu.memory_space<semaphore_mem>>) src(%dma_wait3A_598 : memref<10240x16xf32, #tpu.memory_space<vmem_shared>>) dst(%dma_wait3A_592 : memref<128x16xf32, #tpu.memory_space<vmem>>)
      %add3A_599 = arith.constant 5 : i32
      %add3A_600 = arith.addi %mul3A_455, %add3A_599 : i32
      %dma_start3A_601 = arith.constant 5 : i32
      %dma_start3A_602 = arith.constant 0 : i32
      %dma_start3A_603 = arith.constant 0 : i32
      %dma_start3A_604 = tpu.memref_slice %arg9[%dma_start3A_601, %dma_start3A_602, %dma_start3A_603] : memref<8x128x16xf32, #tpu.memory_space<vmem>> -> memref<1x128x16xf32, #tpu.memory_space<vmem>>
      %dma_start3A_605 = tpu.memref_squeeze %dma_start3A_604 : memref<1x128x16xf32, #tpu.memory_space<vmem>> -> memref<128x16xf32, #tpu.memory_space<vmem>>
      %dma_start3A_606 = arith.constant 0 : i32
      %dma_start3A_607 = tpu.memref_slice %arg8[%add3A_600, %dma_start3A_606] : memref<80x128xi32, #tpu.memory_space<vmem>> -> memref<1x128xi32, #tpu.memory_space<vmem>>
      %dma_start3A_608 = tpu.memref_squeeze %dma_start3A_607 : memref<1x128xi32, #tpu.memory_space<vmem>> -> memref<128xi32, #tpu.memory_space<vmem>>
      %dma_start3A_609 = arith.constant 0 : i32
      %dma_start3A_610 = arith.constant 0 : i32
      %dma_start3A_611 = tpu.memref_slice %arg10[%dma_start3A_609, %dma_start3A_610] : memref<10240x16xf32, #tpu.memory_space<vmem_shared>> -> memref<10240x16xf32, #tpu.memory_space<vmem_shared>>
      tpu.enqueue_indirect_dma source(%dma_start3A_605 : memref<128x16xf32, #tpu.memory_space<vmem>>) target(%dma_start3A_611 : memref<10240x16xf32, #tpu.memory_space<vmem_shared>>) offsets(%dma_start3A_608 : memref<128xi32, #tpu.memory_space<vmem>>) semaphore(%arg25 : memref<!tpu.dma_semaphore, #tpu.memory_space<semaphore_mem>>) {add = true}
      %add3A_612 = arith.constant 6 : i32
      %add3A_613 = arith.addi %mul3A_455, %add3A_612 : i32
      %dma_wait3A_614 = arith.constant 6 : i32
      %dma_wait3A_615 = arith.constant 0 : i32
      %dma_wait3A_616 = arith.constant 0 : i32
      %dma_wait3A_617 = tpu.memref_slice %arg9[%dma_wait3A_614, %dma_wait3A_615, %dma_wait3A_616] : memref<8x128x16xf32, #tpu.memory_space<vmem>> -> memref<1x128x16xf32, #tpu.memory_space<vmem>>
      %dma_wait3A_618 = tpu.memref_squeeze %dma_wait3A_617 : memref<1x128x16xf32, #tpu.memory_space<vmem>> -> memref<128x16xf32, #tpu.memory_space<vmem>>
      %dma_wait3A_619 = arith.constant 0 : i32
      %dma_wait3A_620 = tpu.memref_slice %arg7[%add3A_613, %dma_wait3A_619] : memref<80x128xi32, #tpu.memory_space<vmem>> -> memref<1x128xi32, #tpu.memory_space<vmem>>
      %dma_wait3A_621 = tpu.memref_squeeze %dma_wait3A_620 : memref<1x128xi32, #tpu.memory_space<vmem>> -> memref<128xi32, #tpu.memory_space<vmem>>
      %dma_wait3A_622 = arith.constant 0 : i32
      %dma_wait3A_623 = arith.constant 0 : i32
      %dma_wait3A_624 = tpu.memref_slice %arg11[%dma_wait3A_622, %dma_wait3A_623] : memref<10240x16xf32, #tpu.memory_space<vmem_shared>> -> memref<10240x16xf32, #tpu.memory_space<vmem_shared>>
      tpu.wait_indirect_dma semaphore(%arg18 : memref<!tpu.dma_semaphore, #tpu.memory_space<semaphore_mem>>) src(%dma_wait3A_624 : memref<10240x16xf32, #tpu.memory_space<vmem_shared>>) dst(%dma_wait3A_618 : memref<128x16xf32, #tpu.memory_space<vmem>>)
      %add3A_625 = arith.constant 6 : i32
      %add3A_626 = arith.addi %mul3A_455, %add3A_625 : i32
      %dma_start3A_627 = arith.constant 6 : i32
      %dma_start3A_628 = arith.constant 0 : i32
      %dma_start3A_629 = arith.constant 0 : i32
      %dma_start3A_630 = tpu.memref_slice %arg9[%dma_start3A_627, %dma_start3A_628, %dma_start3A_629] : memref<8x128x16xf32, #tpu.memory_space<vmem>> -> memref<1x128x16xf32, #tpu.memory_space<vmem>>
      %dma_start3A_631 = tpu.memref_squeeze %dma_start3A_630 : memref<1x128x16xf32, #tpu.memory_space<vmem>> -> memref<128x16xf32, #tpu.memory_space<vmem>>
      %dma_start3A_632 = arith.constant 0 : i32
      %dma_start3A_633 = tpu.memref_slice %arg8[%add3A_626, %dma_start3A_632] : memref<80x128xi32, #tpu.memory_space<vmem>> -> memref<1x128xi32, #tpu.memory_space<vmem>>
      %dma_start3A_634 = tpu.memref_squeeze %dma_start3A_633 : memref<1x128xi32, #tpu.memory_space<vmem>> -> memref<128xi32, #tpu.memory_space<vmem>>
      %dma_start3A_635 = arith.constant 0 : i32
      %dma_start3A_636 = arith.constant 0 : i32
      %dma_start3A_637 = tpu.memref_slice %arg10[%dma_start3A_635, %dma_start3A_636] : memref<10240x16xf32, #tpu.memory_space<vmem_shared>> -> memref<10240x16xf32, #tpu.memory_space<vmem_shared>>
      tpu.enqueue_indirect_dma source(%dma_start3A_631 : memref<128x16xf32, #tpu.memory_space<vmem>>) target(%dma_start3A_637 : memref<10240x16xf32, #tpu.memory_space<vmem_shared>>) offsets(%dma_start3A_634 : memref<128xi32, #tpu.memory_space<vmem>>) semaphore(%arg26 : memref<!tpu.dma_semaphore, #tpu.memory_space<semaphore_mem>>) {add = true}
      %add3A_638 = arith.constant 7 : i32
      %add3A_639 = arith.addi %mul3A_455, %add3A_638 : i32
      %dma_wait3A_640 = arith.constant 7 : i32
      %dma_wait3A_641 = arith.constant 0 : i32
      %dma_wait3A_642 = arith.constant 0 : i32
      %dma_wait3A_643 = tpu.memref_slice %arg9[%dma_wait3A_640, %dma_wait3A_641, %dma_wait3A_642] : memref<8x128x16xf32, #tpu.memory_space<vmem>> -> memref<1x128x16xf32, #tpu.memory_space<vmem>>
      %dma_wait3A_644 = tpu.memref_squeeze %dma_wait3A_643 : memref<1x128x16xf32, #tpu.memory_space<vmem>> -> memref<128x16xf32, #tpu.memory_space<vmem>>
      %dma_wait3A_645 = arith.constant 0 : i32
      %dma_wait3A_646 = tpu.memref_slice %arg7[%add3A_639, %dma_wait3A_645] : memref<80x128xi32, #tpu.memory_space<vmem>> -> memref<1x128xi32, #tpu.memory_space<vmem>>
      %dma_wait3A_647 = tpu.memref_squeeze %dma_wait3A_646 : memref<1x128xi32, #tpu.memory_space<vmem>> -> memref<128xi32, #tpu.memory_space<vmem>>
      %dma_wait3A_648 = arith.constant 0 : i32
      %dma_wait3A_649 = arith.constant 0 : i32
      %dma_wait3A_650 = tpu.memref_slice %arg11[%dma_wait3A_648, %dma_wait3A_649] : memref<10240x16xf32, #tpu.memory_space<vmem_shared>> -> memref<10240x16xf32, #tpu.memory_space<vmem_shared>>
      tpu.wait_indirect_dma semaphore(%arg19 : memref<!tpu.dma_semaphore, #tpu.memory_space<semaphore_mem>>) src(%dma_wait3A_650 : memref<10240x16xf32, #tpu.memory_space<vmem_shared>>) dst(%dma_wait3A_644 : memref<128x16xf32, #tpu.memory_space<vmem>>)
      %add3A_651 = arith.constant 7 : i32
      %add3A_652 = arith.addi %mul3A_455, %add3A_651 : i32
      %dma_start3A_653 = arith.constant 7 : i32
      %dma_start3A_654 = arith.constant 0 : i32
      %dma_start3A_655 = arith.constant 0 : i32
      %dma_start3A_656 = tpu.memref_slice %arg9[%dma_start3A_653, %dma_start3A_654, %dma_start3A_655] : memref<8x128x16xf32, #tpu.memory_space<vmem>> -> memref<1x128x16xf32, #tpu.memory_space<vmem>>
      %dma_start3A_657 = tpu.memref_squeeze %dma_start3A_656 : memref<1x128x16xf32, #tpu.memory_space<vmem>> -> memref<128x16xf32, #tpu.memory_space<vmem>>
      %dma_start3A_658 = arith.constant 0 : i32
      %dma_start3A_659 = tpu.memref_slice %arg8[%add3A_652, %dma_start3A_658] : memref<80x128xi32, #tpu.memory_space<vmem>> -> memref<1x128xi32, #tpu.memory_space<vmem>>
      %dma_start3A_660 = tpu.memref_squeeze %dma_start3A_659 : memref<1x128xi32, #tpu.memory_space<vmem>> -> memref<128xi32, #tpu.memory_space<vmem>>
      %dma_start3A_661 = arith.constant 0 : i32
      %dma_start3A_662 = arith.constant 0 : i32
      %dma_start3A_663 = tpu.memref_slice %arg10[%dma_start3A_661, %dma_start3A_662] : memref<10240x16xf32, #tpu.memory_space<vmem_shared>> -> memref<10240x16xf32, #tpu.memory_space<vmem_shared>>
      tpu.enqueue_indirect_dma source(%dma_start3A_657 : memref<128x16xf32, #tpu.memory_space<vmem>>) target(%dma_start3A_663 : memref<10240x16xf32, #tpu.memory_space<vmem_shared>>) offsets(%dma_start3A_660 : memref<128xi32, #tpu.memory_space<vmem>>) semaphore(%arg27 : memref<!tpu.dma_semaphore, #tpu.memory_space<semaphore_mem>>) {add = true}
      %add3A_664 = arith.constant 0 : i32
      %add3A_665 = arith.addi %mul3A_455, %add3A_664 : i32
      %dma_wait3A_666 = arith.constant 0 : i32
      %dma_wait3A_667 = arith.constant 0 : i32
      %dma_wait3A_668 = arith.constant 0 : i32
      %dma_wait3A_669 = tpu.memref_slice %arg9[%dma_wait3A_666, %dma_wait3A_667, %dma_wait3A_668] : memref<8x128x16xf32, #tpu.memory_space<vmem>> -> memref<1x128x16xf32, #tpu.memory_space<vmem>>
      %dma_wait3A_670 = tpu.memref_squeeze %dma_wait3A_669 : memref<1x128x16xf32, #tpu.memory_space<vmem>> -> memref<128x16xf32, #tpu.memory_space<vmem>>
      %dma_wait3A_671 = arith.constant 0 : i32
      %dma_wait3A_672 = tpu.memref_slice %arg8[%add3A_665, %dma_wait3A_671] : memref<80x128xi32, #tpu.memory_space<vmem>> -> memref<1x128xi32, #tpu.memory_space<vmem>>
      %dma_wait3A_673 = tpu.memref_squeeze %dma_wait3A_672 : memref<1x128xi32, #tpu.memory_space<vmem>> -> memref<128xi32, #tpu.memory_space<vmem>>
      %dma_wait3A_674 = arith.constant 0 : i32
      %dma_wait3A_675 = arith.constant 0 : i32
      %dma_wait3A_676 = tpu.memref_slice %arg10[%dma_wait3A_674, %dma_wait3A_675] : memref<10240x16xf32, #tpu.memory_space<vmem_shared>> -> memref<10240x16xf32, #tpu.memory_space<vmem_shared>>
      tpu.wait_indirect_dma semaphore(%arg20 : memref<!tpu.dma_semaphore, #tpu.memory_space<semaphore_mem>>) src(%dma_wait3A_670 : memref<128x16xf32, #tpu.memory_space<vmem>>) dst(%dma_wait3A_676 : memref<10240x16xf32, #tpu.memory_space<vmem_shared>>)
      %mul3A_677 = arith.constant 8 : i32
      %mul3A_678 = arith.muli %add3A_452, %mul3A_677 : i32
      %add3A_679 = arith.constant 0 : i32
      %add3A_680 = arith.addi %mul3A_678, %add3A_679 : i32
      %dma_start3A_681 = arith.constant 0 : i32
      %dma_start3A_682 = arith.constant 0 : i32
      %dma_start3A_683 = arith.constant 0 : i32
      %dma_start3A_684 = tpu.memref_slice %arg9[%dma_start3A_681, %dma_start3A_682, %dma_start3A_683] : memref<8x128x16xf32, #tpu.memory_space<vmem>> -> memref<1x128x16xf32, #tpu.memory_space<vmem>>
      %dma_start3A_685 = tpu.memref_squeeze %dma_start3A_684 : memref<1x128x16xf32, #tpu.memory_space<vmem>> -> memref<128x16xf32, #tpu.memory_space<vmem>>
      %dma_start3A_686 = arith.constant 0 : i32
      %dma_start3A_687 = tpu.memref_slice %arg7[%add3A_680, %dma_start3A_686] : memref<80x128xi32, #tpu.memory_space<vmem>> -> memref<1x128xi32, #tpu.memory_space<vmem>>
      %dma_start3A_688 = tpu.memref_squeeze %dma_start3A_687 : memref<1x128xi32, #tpu.memory_space<vmem>> -> memref<128xi32, #tpu.memory_space<vmem>>
      %dma_start3A_689 = arith.constant 0 : i32
      %dma_start3A_690 = arith.constant 0 : i32
      %dma_start3A_691 = tpu.memref_slice %arg11[%dma_start3A_689, %dma_start3A_690] : memref<10240x16xf32, #tpu.memory_space<vmem_shared>> -> memref<10240x16xf32, #tpu.memory_space<vmem_shared>>
      tpu.enqueue_indirect_dma source(%dma_start3A_691 : memref<10240x16xf32, #tpu.memory_space<vmem_shared>>) target(%dma_start3A_685 : memref<128x16xf32, #tpu.memory_space<vmem>>) offsets(%dma_start3A_688 : memref<128xi32, #tpu.memory_space<vmem>>) semaphore(%arg12 : memref<!tpu.dma_semaphore, #tpu.memory_space<semaphore_mem>>)
      %add3A_692 = arith.constant 1 : i32
      %add3A_693 = arith.addi %mul3A_455, %add3A_692 : i32
      %dma_wait3A_694 = arith.constant 1 : i32
      %dma_wait3A_695 = arith.constant 0 : i32
      %dma_wait3A_696 = arith.constant 0 : i32
      %dma_wait3A_697 = tpu.memref_slice %arg9[%dma_wait3A_694, %dma_wait3A_695, %dma_wait3A_696] : memref<8x128x16xf32, #tpu.memory_space<vmem>> -> memref<1x128x16xf32, #tpu.memory_space<vmem>>
      %dma_wait3A_698 = tpu.memref_squeeze %dma_wait3A_697 : memref<1x128x16xf32, #tpu.memory_space<vmem>> -> memref<128x16xf32, #tpu.memory_space<vmem>>
      %dma_wait3A_699 = arith.constant 0 : i32
      %dma_wait3A_700 = tpu.memref_slice %arg8[%add3A_693, %dma_wait3A_699] : memref<80x128xi32, #tpu.memory_space<vmem>> -> memref<1x128xi32, #tpu.memory_space<vmem>>
      %dma_wait3A_701 = tpu.memref_squeeze %dma_wait3A_700 : memref<1x128xi32, #tpu.memory_space<vmem>> -> memref<128xi32, #tpu.memory_space<vmem>>
      %dma_wait3A_702 = arith.constant 0 : i32
      %dma_wait3A_703 = arith.constant 0 : i32
      %dma_wait3A_704 = tpu.memref_slice %arg10[%dma_wait3A_702, %dma_wait3A_703] : memref<10240x16xf32, #tpu.memory_space<vmem_shared>> -> memref<10240x16xf32, #tpu.memory_space<vmem_shared>>
      tpu.wait_indirect_dma semaphore(%arg21 : memref<!tpu.dma_semaphore, #tpu.memory_space<semaphore_mem>>) src(%dma_wait3A_698 : memref<128x16xf32, #tpu.memory_space<vmem>>) dst(%dma_wait3A_704 : memref<10240x16xf32, #tpu.memory_space<vmem_shared>>)
      %mul3A_705 = arith.constant 8 : i32
      %mul3A_706 = arith.muli %add3A_452, %mul3A_705 : i32
      %add3A_707 = arith.constant 1 : i32
      %add3A_708 = arith.addi %mul3A_706, %add3A_707 : i32
      %dma_start3A_709 = arith.constant 1 : i32
      %dma_start3A_710 = arith.constant 0 : i32
      %dma_start3A_711 = arith.constant 0 : i32
      %dma_start3A_712 = tpu.memref_slice %arg9[%dma_start3A_709, %dma_start3A_710, %dma_start3A_711] : memref<8x128x16xf32, #tpu.memory_space<vmem>> -> memref<1x128x16xf32, #tpu.memory_space<vmem>>
      %dma_start3A_713 = tpu.memref_squeeze %dma_start3A_712 : memref<1x128x16xf32, #tpu.memory_space<vmem>> -> memref<128x16xf32, #tpu.memory_space<vmem>>
      %dma_start3A_714 = arith.constant 0 : i32
      %dma_start3A_715 = tpu.memref_slice %arg7[%add3A_708, %dma_start3A_714] : memref<80x128xi32, #tpu.memory_space<vmem>> -> memref<1x128xi32, #tpu.memory_space<vmem>>
      %dma_start3A_716 = tpu.memref_squeeze %dma_start3A_715 : memref<1x128xi32, #tpu.memory_space<vmem>> -> memref<128xi32, #tpu.memory_space<vmem>>
      %dma_start3A_717 = arith.constant 0 : i32
      %dma_start3A_718 = arith.constant 0 : i32
      %dma_start3A_719 = tpu.memref_slice %arg11[%dma_start3A_717, %dma_start3A_718] : memref<10240x16xf32, #tpu.memory_space<vmem_shared>> -> memref<10240x16xf32, #tpu.memory_space<vmem_shared>>
      tpu.enqueue_indirect_dma source(%dma_start3A_719 : memref<10240x16xf32, #tpu.memory_space<vmem_shared>>) target(%dma_start3A_713 : memref<128x16xf32, #tpu.memory_space<vmem>>) offsets(%dma_start3A_716 : memref<128xi32, #tpu.memory_space<vmem>>) semaphore(%arg13 : memref<!tpu.dma_semaphore, #tpu.memory_space<semaphore_mem>>)
      %add3A_720 = arith.constant 2 : i32
      %add3A_721 = arith.addi %mul3A_455, %add3A_720 : i32
      %dma_wait3A_722 = arith.constant 2 : i32
      %dma_wait3A_723 = arith.constant 0 : i32
      %dma_wait3A_724 = arith.constant 0 : i32
      %dma_wait3A_725 = tpu.memref_slice %arg9[%dma_wait3A_722, %dma_wait3A_723, %dma_wait3A_724] : memref<8x128x16xf32, #tpu.memory_space<vmem>> -> memref<1x128x16xf32, #tpu.memory_space<vmem>>
      %dma_wait3A_726 = tpu.memref_squeeze %dma_wait3A_725 : memref<1x128x16xf32, #tpu.memory_space<vmem>> -> memref<128x16xf32, #tpu.memory_space<vmem>>
      %dma_wait3A_727 = arith.constant 0 : i32
      %dma_wait3A_728 = tpu.memref_slice %arg8[%add3A_721, %dma_wait3A_727] : memref<80x128xi32, #tpu.memory_space<vmem>> -> memref<1x128xi32, #tpu.memory_space<vmem>>
      %dma_wait3A_729 = tpu.memref_squeeze %dma_wait3A_728 : memref<1x128xi32, #tpu.memory_space<vmem>> -> memref<128xi32, #tpu.memory_space<vmem>>
      %dma_wait3A_730 = arith.constant 0 : i32
      %dma_wait3A_731 = arith.constant 0 : i32
      %dma_wait3A_732 = tpu.memref_slice %arg10[%dma_wait3A_730, %dma_wait3A_731] : memref<10240x16xf32, #tpu.memory_space<vmem_shared>> -> memref<10240x16xf32, #tpu.memory_space<vmem_shared>>
      tpu.wait_indirect_dma semaphore(%arg22 : memref<!tpu.dma_semaphore, #tpu.memory_space<semaphore_mem>>) src(%dma_wait3A_726 : memref<128x16xf32, #tpu.memory_space<vmem>>) dst(%dma_wait3A_732 : memref<10240x16xf32, #tpu.memory_space<vmem_shared>>)
      %mul3A_733 = arith.constant 8 : i32
      %mul3A_734 = arith.muli %add3A_452, %mul3A_733 : i32
      %add3A_735 = arith.constant 2 : i32
      %add3A_736 = arith.addi %mul3A_734, %add3A_735 : i32
      %dma_start3A_737 = arith.constant 2 : i32
      %dma_start3A_738 = arith.constant 0 : i32
      %dma_start3A_739 = arith.constant 0 : i32
      %dma_start3A_740 = tpu.memref_slice %arg9[%dma_start3A_737, %dma_start3A_738, %dma_start3A_739] : memref<8x128x16xf32, #tpu.memory_space<vmem>> -> memref<1x128x16xf32, #tpu.memory_space<vmem>>
      %dma_start3A_741 = tpu.memref_squeeze %dma_start3A_740 : memref<1x128x16xf32, #tpu.memory_space<vmem>> -> memref<128x16xf32, #tpu.memory_space<vmem>>
      %dma_start3A_742 = arith.constant 0 : i32
      %dma_start3A_743 = tpu.memref_slice %arg7[%add3A_736, %dma_start3A_742] : memref<80x128xi32, #tpu.memory_space<vmem>> -> memref<1x128xi32, #tpu.memory_space<vmem>>
      %dma_start3A_744 = tpu.memref_squeeze %dma_start3A_743 : memref<1x128xi32, #tpu.memory_space<vmem>> -> memref<128xi32, #tpu.memory_space<vmem>>
      %dma_start3A_745 = arith.constant 0 : i32
      %dma_start3A_746 = arith.constant 0 : i32
      %dma_start3A_747 = tpu.memref_slice %arg11[%dma_start3A_745, %dma_start3A_746] : memref<10240x16xf32, #tpu.memory_space<vmem_shared>> -> memref<10240x16xf32, #tpu.memory_space<vmem_shared>>
      tpu.enqueue_indirect_dma source(%dma_start3A_747 : memref<10240x16xf32, #tpu.memory_space<vmem_shared>>) target(%dma_start3A_741 : memref<128x16xf32, #tpu.memory_space<vmem>>) offsets(%dma_start3A_744 : memref<128xi32, #tpu.memory_space<vmem>>) semaphore(%arg14 : memref<!tpu.dma_semaphore, #tpu.memory_space<semaphore_mem>>)
      %add3A_748 = arith.constant 3 : i32
      %add3A_749 = arith.addi %mul3A_455, %add3A_748 : i32
      %dma_wait3A_750 = arith.constant 3 : i32
      %dma_wait3A_751 = arith.constant 0 : i32
      %dma_wait3A_752 = arith.constant 0 : i32
      %dma_wait3A_753 = tpu.memref_slice %arg9[%dma_wait3A_750, %dma_wait3A_751, %dma_wait3A_752] : memref<8x128x16xf32, #tpu.memory_space<vmem>> -> memref<1x128x16xf32, #tpu.memory_space<vmem>>
      %dma_wait3A_754 = tpu.memref_squeeze %dma_wait3A_753 : memref<1x128x16xf32, #tpu.memory_space<vmem>> -> memref<128x16xf32, #tpu.memory_space<vmem>>
      %dma_wait3A_755 = arith.constant 0 : i32
      %dma_wait3A_756 = tpu.memref_slice %arg8[%add3A_749, %dma_wait3A_755] : memref<80x128xi32, #tpu.memory_space<vmem>> -> memref<1x128xi32, #tpu.memory_space<vmem>>
      %dma_wait3A_757 = tpu.memref_squeeze %dma_wait3A_756 : memref<1x128xi32, #tpu.memory_space<vmem>> -> memref<128xi32, #tpu.memory_space<vmem>>
      %dma_wait3A_758 = arith.constant 0 : i32
      %dma_wait3A_759 = arith.constant 0 : i32
      %dma_wait3A_760 = tpu.memref_slice %arg10[%dma_wait3A_758, %dma_wait3A_759] : memref<10240x16xf32, #tpu.memory_space<vmem_shared>> -> memref<10240x16xf32, #tpu.memory_space<vmem_shared>>
      tpu.wait_indirect_dma semaphore(%arg23 : memref<!tpu.dma_semaphore, #tpu.memory_space<semaphore_mem>>) src(%dma_wait3A_754 : memref<128x16xf32, #tpu.memory_space<vmem>>) dst(%dma_wait3A_760 : memref<10240x16xf32, #tpu.memory_space<vmem_shared>>)
      %mul3A_761 = arith.constant 8 : i32
      %mul3A_762 = arith.muli %add3A_452, %mul3A_761 : i32
      %add3A_763 = arith.constant 3 : i32
      %add3A_764 = arith.addi %mul3A_762, %add3A_763 : i32
      %dma_start3A_765 = arith.constant 3 : i32
      %dma_start3A_766 = arith.constant 0 : i32
      %dma_start3A_767 = arith.constant 0 : i32
      %dma_start3A_768 = tpu.memref_slice %arg9[%dma_start3A_765, %dma_start3A_766, %dma_start3A_767] : memref<8x128x16xf32, #tpu.memory_space<vmem>> -> memref<1x128x16xf32, #tpu.memory_space<vmem>>
      %dma_start3A_769 = tpu.memref_squeeze %dma_start3A_768 : memref<1x128x16xf32, #tpu.memory_space<vmem>> -> memref<128x16xf32, #tpu.memory_space<vmem>>
      %dma_start3A_770 = arith.constant 0 : i32
      %dma_start3A_771 = tpu.memref_slice %arg7[%add3A_764, %dma_start3A_770] : memref<80x128xi32, #tpu.memory_space<vmem>> -> memref<1x128xi32, #tpu.memory_space<vmem>>
      %dma_start3A_772 = tpu.memref_squeeze %dma_start3A_771 : memref<1x128xi32, #tpu.memory_space<vmem>> -> memref<128xi32, #tpu.memory_space<vmem>>
      %dma_start3A_773 = arith.constant 0 : i32
      %dma_start3A_774 = arith.constant 0 : i32
      %dma_start3A_775 = tpu.memref_slice %arg11[%dma_start3A_773, %dma_start3A_774] : memref<10240x16xf32, #tpu.memory_space<vmem_shared>> -> memref<10240x16xf32, #tpu.memory_space<vmem_shared>>
      tpu.enqueue_indirect_dma source(%dma_start3A_775 : memref<10240x16xf32, #tpu.memory_space<vmem_shared>>) target(%dma_start3A_769 : memref<128x16xf32, #tpu.memory_space<vmem>>) offsets(%dma_start3A_772 : memref<128xi32, #tpu.memory_space<vmem>>) semaphore(%arg15 : memref<!tpu.dma_semaphore, #tpu.memory_space<semaphore_mem>>)
      %add3A_776 = arith.constant 4 : i32
      %add3A_777 = arith.addi %mul3A_455, %add3A_776 : i32
      %dma_wait3A_778 = arith.constant 4 : i32
      %dma_wait3A_779 = arith.constant 0 : i32
      %dma_wait3A_780 = arith.constant 0 : i32
      %dma_wait3A_781 = tpu.memref_slice %arg9[%dma_wait3A_778, %dma_wait3A_779, %dma_wait3A_780] : memref<8x128x16xf32, #tpu.memory_space<vmem>> -> memref<1x128x16xf32, #tpu.memory_space<vmem>>
      %dma_wait3A_782 = tpu.memref_squeeze %dma_wait3A_781 : memref<1x128x16xf32, #tpu.memory_space<vmem>> -> memref<128x16xf32, #tpu.memory_space<vmem>>
      %dma_wait3A_783 = arith.constant 0 : i32
      %dma_wait3A_784 = tpu.memref_slice %arg8[%add3A_777, %dma_wait3A_783] : memref<80x128xi32, #tpu.memory_space<vmem>> -> memref<1x128xi32, #tpu.memory_space<vmem>>
      %dma_wait3A_785 = tpu.memref_squeeze %dma_wait3A_784 : memref<1x128xi32, #tpu.memory_space<vmem>> -> memref<128xi32, #tpu.memory_space<vmem>>
      %dma_wait3A_786 = arith.constant 0 : i32
      %dma_wait3A_787 = arith.constant 0 : i32
      %dma_wait3A_788 = tpu.memref_slice %arg10[%dma_wait3A_786, %dma_wait3A_787] : memref<10240x16xf32, #tpu.memory_space<vmem_shared>> -> memref<10240x16xf32, #tpu.memory_space<vmem_shared>>
      tpu.wait_indirect_dma semaphore(%arg24 : memref<!tpu.dma_semaphore, #tpu.memory_space<semaphore_mem>>) src(%dma_wait3A_782 : memref<128x16xf32, #tpu.memory_space<vmem>>) dst(%dma_wait3A_788 : memref<10240x16xf32, #tpu.memory_space<vmem_shared>>)
      %mul3A_789 = arith.constant 8 : i32
      %mul3A_790 = arith.muli %add3A_452, %mul3A_789 : i32
      %add3A_791 = arith.constant 4 : i32
      %add3A_792 = arith.addi %mul3A_790, %add3A_791 : i32
      %dma_start3A_793 = arith.constant 4 : i32
      %dma_start3A_794 = arith.constant 0 : i32
      %dma_start3A_795 = arith.constant 0 : i32
      %dma_start3A_796 = tpu.memref_slice %arg9[%dma_start3A_793, %dma_start3A_794, %dma_start3A_795] : memref<8x128x16xf32, #tpu.memory_space<vmem>> -> memref<1x128x16xf32, #tpu.memory_space<vmem>>
      %dma_start3A_797 = tpu.memref_squeeze %dma_start3A_796 : memref<1x128x16xf32, #tpu.memory_space<vmem>> -> memref<128x16xf32, #tpu.memory_space<vmem>>
      %dma_start3A_798 = arith.constant 0 : i32
      %dma_start3A_799 = tpu.memref_slice %arg7[%add3A_792, %dma_start3A_798] : memref<80x128xi32, #tpu.memory_space<vmem>> -> memref<1x128xi32, #tpu.memory_space<vmem>>
      %dma_start3A_800 = tpu.memref_squeeze %dma_start3A_799 : memref<1x128xi32, #tpu.memory_space<vmem>> -> memref<128xi32, #tpu.memory_space<vmem>>
      %dma_start3A_801 = arith.constant 0 : i32
      %dma_start3A_802 = arith.constant 0 : i32
      %dma_start3A_803 = tpu.memref_slice %arg11[%dma_start3A_801, %dma_start3A_802] : memref<10240x16xf32, #tpu.memory_space<vmem_shared>> -> memref<10240x16xf32, #tpu.memory_space<vmem_shared>>
      tpu.enqueue_indirect_dma source(%dma_start3A_803 : memref<10240x16xf32, #tpu.memory_space<vmem_shared>>) target(%dma_start3A_797 : memref<128x16xf32, #tpu.memory_space<vmem>>) offsets(%dma_start3A_800 : memref<128xi32, #tpu.memory_space<vmem>>) semaphore(%arg16 : memref<!tpu.dma_semaphore, #tpu.memory_space<semaphore_mem>>)
      %add3A_804 = arith.constant 5 : i32
      %add3A_805 = arith.addi %mul3A_455, %add3A_804 : i32
      %dma_wait3A_806 = arith.constant 5 : i32
      %dma_wait3A_807 = arith.constant 0 : i32
      %dma_wait3A_808 = arith.constant 0 : i32
      %dma_wait3A_809 = tpu.memref_slice %arg9[%dma_wait3A_806, %dma_wait3A_807, %dma_wait3A_808] : memref<8x128x16xf32, #tpu.memory_space<vmem>> -> memref<1x128x16xf32, #tpu.memory_space<vmem>>
      %dma_wait3A_810 = tpu.memref_squeeze %dma_wait3A_809 : memref<1x128x16xf32, #tpu.memory_space<vmem>> -> memref<128x16xf32, #tpu.memory_space<vmem>>
      %dma_wait3A_811 = arith.constant 0 : i32
      %dma_wait3A_812 = tpu.memref_slice %arg8[%add3A_805, %dma_wait3A_811] : memref<80x128xi32, #tpu.memory_space<vmem>> -> memref<1x128xi32, #tpu.memory_space<vmem>>
      %dma_wait3A_813 = tpu.memref_squeeze %dma_wait3A_812 : memref<1x128xi32, #tpu.memory_space<vmem>> -> memref<128xi32, #tpu.memory_space<vmem>>
      %dma_wait3A_814 = arith.constant 0 : i32
      %dma_wait3A_815 = arith.constant 0 : i32
      %dma_wait3A_816 = tpu.memref_slice %arg10[%dma_wait3A_814, %dma_wait3A_815] : memref<10240x16xf32, #tpu.memory_space<vmem_shared>> -> memref<10240x16xf32, #tpu.memory_space<vmem_shared>>
      tpu.wait_indirect_dma semaphore(%arg25 : memref<!tpu.dma_semaphore, #tpu.memory_space<semaphore_mem>>) src(%dma_wait3A_810 : memref<128x16xf32, #tpu.memory_space<vmem>>) dst(%dma_wait3A_816 : memref<10240x16xf32, #tpu.memory_space<vmem_shared>>)
      %mul3A_817 = arith.constant 8 : i32
      %mul3A_818 = arith.muli %add3A_452, %mul3A_817 : i32
      %add3A_819 = arith.constant 5 : i32
      %add3A_820 = arith.addi %mul3A_818, %add3A_819 : i32
      %dma_start3A_821 = arith.constant 5 : i32
      %dma_start3A_822 = arith.constant 0 : i32
      %dma_start3A_823 = arith.constant 0 : i32
      %dma_start3A_824 = tpu.memref_slice %arg9[%dma_start3A_821, %dma_start3A_822, %dma_start3A_823] : memref<8x128x16xf32, #tpu.memory_space<vmem>> -> memref<1x128x16xf32, #tpu.memory_space<vmem>>
      %dma_start3A_825 = tpu.memref_squeeze %dma_start3A_824 : memref<1x128x16xf32, #tpu.memory_space<vmem>> -> memref<128x16xf32, #tpu.memory_space<vmem>>
      %dma_start3A_826 = arith.constant 0 : i32
      %dma_start3A_827 = tpu.memref_slice %arg7[%add3A_820, %dma_start3A_826] : memref<80x128xi32, #tpu.memory_space<vmem>> -> memref<1x128xi32, #tpu.memory_space<vmem>>
      %dma_start3A_828 = tpu.memref_squeeze %dma_start3A_827 : memref<1x128xi32, #tpu.memory_space<vmem>> -> memref<128xi32, #tpu.memory_space<vmem>>
      %dma_start3A_829 = arith.constant 0 : i32
      %dma_start3A_830 = arith.constant 0 : i32
      %dma_start3A_831 = tpu.memref_slice %arg11[%dma_start3A_829, %dma_start3A_830] : memref<10240x16xf32, #tpu.memory_space<vmem_shared>> -> memref<10240x16xf32, #tpu.memory_space<vmem_shared>>
      tpu.enqueue_indirect_dma source(%dma_start3A_831 : memref<10240x16xf32, #tpu.memory_space<vmem_shared>>) target(%dma_start3A_825 : memref<128x16xf32, #tpu.memory_space<vmem>>) offsets(%dma_start3A_828 : memref<128xi32, #tpu.memory_space<vmem>>) semaphore(%arg17 : memref<!tpu.dma_semaphore, #tpu.memory_space<semaphore_mem>>)
      %add3A_832 = arith.constant 6 : i32
      %add3A_833 = arith.addi %mul3A_455, %add3A_832 : i32
      %dma_wait3A_834 = arith.constant 6 : i32
      %dma_wait3A_835 = arith.constant 0 : i32
      %dma_wait3A_836 = arith.constant 0 : i32
      %dma_wait3A_837 = tpu.memref_slice %arg9[%dma_wait3A_834, %dma_wait3A_835, %dma_wait3A_836] : memref<8x128x16xf32, #tpu.memory_space<vmem>> -> memref<1x128x16xf32, #tpu.memory_space<vmem>>
      %dma_wait3A_838 = tpu.memref_squeeze %dma_wait3A_837 : memref<1x128x16xf32, #tpu.memory_space<vmem>> -> memref<128x16xf32, #tpu.memory_space<vmem>>
      %dma_wait3A_839 = arith.constant 0 : i32
      %dma_wait3A_840 = tpu.memref_slice %arg8[%add3A_833, %dma_wait3A_839] : memref<80x128xi32, #tpu.memory_space<vmem>> -> memref<1x128xi32, #tpu.memory_space<vmem>>
      %dma_wait3A_841 = tpu.memref_squeeze %dma_wait3A_840 : memref<1x128xi32, #tpu.memory_space<vmem>> -> memref<128xi32, #tpu.memory_space<vmem>>
      %dma_wait3A_842 = arith.constant 0 : i32
      %dma_wait3A_843 = arith.constant 0 : i32
      %dma_wait3A_844 = tpu.memref_slice %arg10[%dma_wait3A_842, %dma_wait3A_843] : memref<10240x16xf32, #tpu.memory_space<vmem_shared>> -> memref<10240x16xf32, #tpu.memory_space<vmem_shared>>
      tpu.wait_indirect_dma semaphore(%arg26 : memref<!tpu.dma_semaphore, #tpu.memory_space<semaphore_mem>>) src(%dma_wait3A_838 : memref<128x16xf32, #tpu.memory_space<vmem>>) dst(%dma_wait3A_844 : memref<10240x16xf32, #tpu.memory_space<vmem_shared>>)
      %mul3A_845 = arith.constant 8 : i32
      %mul3A_846 = arith.muli %add3A_452, %mul3A_845 : i32
      %add3A_847 = arith.constant 6 : i32
      %add3A_848 = arith.addi %mul3A_846, %add3A_847 : i32
      %dma_start3A_849 = arith.constant 6 : i32
      %dma_start3A_850 = arith.constant 0 : i32
      %dma_start3A_851 = arith.constant 0 : i32
      %dma_start3A_852 = tpu.memref_slice %arg9[%dma_start3A_849, %dma_start3A_850, %dma_start3A_851] : memref<8x128x16xf32, #tpu.memory_space<vmem>> -> memref<1x128x16xf32, #tpu.memory_space<vmem>>
      %dma_start3A_853 = tpu.memref_squeeze %dma_start3A_852 : memref<1x128x16xf32, #tpu.memory_space<vmem>> -> memref<128x16xf32, #tpu.memory_space<vmem>>
      %dma_start3A_854 = arith.constant 0 : i32
      %dma_start3A_855 = tpu.memref_slice %arg7[%add3A_848, %dma_start3A_854] : memref<80x128xi32, #tpu.memory_space<vmem>> -> memref<1x128xi32, #tpu.memory_space<vmem>>
      %dma_start3A_856 = tpu.memref_squeeze %dma_start3A_855 : memref<1x128xi32, #tpu.memory_space<vmem>> -> memref<128xi32, #tpu.memory_space<vmem>>
      %dma_start3A_857 = arith.constant 0 : i32
      %dma_start3A_858 = arith.constant 0 : i32
      %dma_start3A_859 = tpu.memref_slice %arg11[%dma_start3A_857, %dma_start3A_858] : memref<10240x16xf32, #tpu.memory_space<vmem_shared>> -> memref<10240x16xf32, #tpu.memory_space<vmem_shared>>
      tpu.enqueue_indirect_dma source(%dma_start3A_859 : memref<10240x16xf32, #tpu.memory_space<vmem_shared>>) target(%dma_start3A_853 : memref<128x16xf32, #tpu.memory_space<vmem>>) offsets(%dma_start3A_856 : memref<128xi32, #tpu.memory_space<vmem>>) semaphore(%arg18 : memref<!tpu.dma_semaphore, #tpu.memory_space<semaphore_mem>>)
      %add3A_860 = arith.constant 7 : i32
      %add3A_861 = arith.addi %mul3A_455, %add3A_860 : i32
      %dma_wait3A_862 = arith.constant 7 : i32
      %dma_wait3A_863 = arith.constant 0 : i32
      %dma_wait3A_864 = arith.constant 0 : i32
      %dma_wait3A_865 = tpu.memref_slice %arg9[%dma_wait3A_862, %dma_wait3A_863, %dma_wait3A_864] : memref<8x128x16xf32, #tpu.memory_space<vmem>> -> memref<1x128x16xf32, #tpu.memory_space<vmem>>
      %dma_wait3A_866 = tpu.memref_squeeze %dma_wait3A_865 : memref<1x128x16xf32, #tpu.memory_space<vmem>> -> memref<128x16xf32, #tpu.memory_space<vmem>>
      %dma_wait3A_867 = arith.constant 0 : i32
      %dma_wait3A_868 = tpu.memref_slice %arg8[%add3A_861, %dma_wait3A_867] : memref<80x128xi32, #tpu.memory_space<vmem>> -> memref<1x128xi32, #tpu.memory_space<vmem>>
      %dma_wait3A_869 = tpu.memref_squeeze %dma_wait3A_868 : memref<1x128xi32, #tpu.memory_space<vmem>> -> memref<128xi32, #tpu.memory_space<vmem>>
      %dma_wait3A_870 = arith.constant 0 : i32
      %dma_wait3A_871 = arith.constant 0 : i32
      %dma_wait3A_872 = tpu.memref_slice %arg10[%dma_wait3A_870, %dma_wait3A_871] : memref<10240x16xf32, #tpu.memory_space<vmem_shared>> -> memref<10240x16xf32, #tpu.memory_space<vmem_shared>>
      tpu.wait_indirect_dma semaphore(%arg27 : memref<!tpu.dma_semaphore, #tpu.memory_space<semaphore_mem>>) src(%dma_wait3A_866 : memref<128x16xf32, #tpu.memory_space<vmem>>) dst(%dma_wait3A_872 : memref<10240x16xf32, #tpu.memory_space<vmem_shared>>)
      %mul3A_873 = arith.constant 8 : i32
      %mul3A_874 = arith.muli %add3A_452, %mul3A_873 : i32
      %add3A_875 = arith.constant 7 : i32
      %add3A_876 = arith.addi %mul3A_874, %add3A_875 : i32
      %dma_start3A_877 = arith.constant 7 : i32
      %dma_start3A_878 = arith.constant 0 : i32
      %dma_start3A_879 = arith.constant 0 : i32
      %dma_start3A_880 = tpu.memref_slice %arg9[%dma_start3A_877, %dma_start3A_878, %dma_start3A_879] : memref<8x128x16xf32, #tpu.memory_space<vmem>> -> memref<1x128x16xf32, #tpu.memory_space<vmem>>
      %dma_start3A_881 = tpu.memref_squeeze %dma_start3A_880 : memref<1x128x16xf32, #tpu.memory_space<vmem>> -> memref<128x16xf32, #tpu.memory_space<vmem>>
      %dma_start3A_882 = arith.constant 0 : i32
      %dma_start3A_883 = tpu.memref_slice %arg7[%add3A_876, %dma_start3A_882] : memref<80x128xi32, #tpu.memory_space<vmem>> -> memref<1x128xi32, #tpu.memory_space<vmem>>
      %dma_start3A_884 = tpu.memref_squeeze %dma_start3A_883 : memref<1x128xi32, #tpu.memory_space<vmem>> -> memref<128xi32, #tpu.memory_space<vmem>>
      %dma_start3A_885 = arith.constant 0 : i32
      %dma_start3A_886 = arith.constant 0 : i32
      %dma_start3A_887 = tpu.memref_slice %arg11[%dma_start3A_885, %dma_start3A_886] : memref<10240x16xf32, #tpu.memory_space<vmem_shared>> -> memref<10240x16xf32, #tpu.memory_space<vmem_shared>>
      tpu.enqueue_indirect_dma source(%dma_start3A_887 : memref<10240x16xf32, #tpu.memory_space<vmem_shared>>) target(%dma_start3A_881 : memref<128x16xf32, #tpu.memory_space<vmem>>) offsets(%dma_start3A_884 : memref<128xi32, #tpu.memory_space<vmem>>) semaphore(%arg19 : memref<!tpu.dma_semaphore, #tpu.memory_space<semaphore_mem>>)
    }
    %scan3A_154 = arith.constant 9 : i32
    %dma_wait3A_155 = arith.constant 72 : i32
    %dma_wait3A_156 = arith.constant 0 : i32
    %dma_wait3A_157 = arith.constant 0 : i32
    %dma_wait3A_158 = arith.constant 0 : i32
    %dma_wait3A_159 = tpu.memref_slice %arg9[%dma_wait3A_156, %dma_wait3A_157, %dma_wait3A_158] : memref<8x128x16xf32, #tpu.memory_space<vmem>> -> memref<1x128x16xf32, #tpu.memory_space<vmem>>
    %dma_wait3A_160 = tpu.memref_squeeze %dma_wait3A_159 : memref<1x128x16xf32, #tpu.memory_space<vmem>> -> memref<128x16xf32, #tpu.memory_space<vmem>>
    %dma_wait3A_161 = arith.constant 0 : i32
    %dma_wait3A_162 = tpu.memref_slice %arg7[%dma_wait3A_155, %dma_wait3A_161] : memref<80x128xi32, #tpu.memory_space<vmem>> -> memref<1x128xi32, #tpu.memory_space<vmem>>
    %dma_wait3A_163 = tpu.memref_squeeze %dma_wait3A_162 : memref<1x128xi32, #tpu.memory_space<vmem>> -> memref<128xi32, #tpu.memory_space<vmem>>
    %dma_wait3A_164 = arith.constant 0 : i32
    %dma_wait3A_165 = arith.constant 0 : i32
    %dma_wait3A_166 = tpu.memref_slice %arg11[%dma_wait3A_164, %dma_wait3A_165] : memref<10240x16xf32, #tpu.memory_space<vmem_shared>> -> memref<10240x16xf32, #tpu.memory_space<vmem_shared>>
    tpu.wait_indirect_dma semaphore(%arg12 : memref<!tpu.dma_semaphore, #tpu.memory_space<semaphore_mem>>) src(%dma_wait3A_166 : memref<10240x16xf32, #tpu.memory_space<vmem_shared>>) dst(%dma_wait3A_160 : memref<128x16xf32, #tpu.memory_space<vmem>>)
    %dma_start3A_167 = arith.constant 0 : i32
    %dma_start3A_168 = arith.constant 72 : i32
    %dma_start3A_169 = arith.constant 0 : i32
    %dma_start3A_170 = arith.constant 0 : i32
    %dma_start3A_171 = tpu.memref_slice %arg9[%dma_start3A_167, %dma_start3A_169, %dma_start3A_170] : memref<8x128x16xf32, #tpu.memory_space<vmem>> -> memref<1x128x16xf32, #tpu.memory_space<vmem>>
    %dma_start3A_172 = tpu.memref_squeeze %dma_start3A_171 : memref<1x128x16xf32, #tpu.memory_space<vmem>> -> memref<128x16xf32, #tpu.memory_space<vmem>>
    %dma_start3A_173 = arith.constant 0 : i32
    %dma_start3A_174 = tpu.memref_slice %arg8[%dma_start3A_168, %dma_start3A_173] : memref<80x128xi32, #tpu.memory_space<vmem>> -> memref<1x128xi32, #tpu.memory_space<vmem>>
    %dma_start3A_175 = tpu.memref_squeeze %dma_start3A_174 : memref<1x128xi32, #tpu.memory_space<vmem>> -> memref<128xi32, #tpu.memory_space<vmem>>
    %dma_start3A_176 = arith.constant 0 : i32
    %dma_start3A_177 = arith.constant 0 : i32
    %dma_start3A_178 = tpu.memref_slice %arg10[%dma_start3A_176, %dma_start3A_177] : memref<10240x16xf32, #tpu.memory_space<vmem_shared>> -> memref<10240x16xf32, #tpu.memory_space<vmem_shared>>
    tpu.enqueue_indirect_dma source(%dma_start3A_172 : memref<128x16xf32, #tpu.memory_space<vmem>>) target(%dma_start3A_178 : memref<10240x16xf32, #tpu.memory_space<vmem_shared>>) offsets(%dma_start3A_175 : memref<128xi32, #tpu.memory_space<vmem>>) semaphore(%arg20 : memref<!tpu.dma_semaphore, #tpu.memory_space<semaphore_mem>>) {add = true}
    %dma_wait3A_179 = arith.constant 73 : i32
    %dma_wait3A_180 = arith.constant 1 : i32
    %dma_wait3A_181 = arith.constant 0 : i32
    %dma_wait3A_182 = arith.constant 0 : i32
    %dma_wait3A_183 = tpu.memref_slice %arg9[%dma_wait3A_180, %dma_wait3A_181, %dma_wait3A_182] : memref<8x128x16xf32, #tpu.memory_space<vmem>> -> memref<1x128x16xf32, #tpu.memory_space<vmem>>
    %dma_wait3A_184 = tpu.memref_squeeze %dma_wait3A_183 : memref<1x128x16xf32, #tpu.memory_space<vmem>> -> memref<128x16xf32, #tpu.memory_space<vmem>>
    %dma_wait3A_185 = arith.constant 0 : i32
    %dma_wait3A_186 = tpu.memref_slice %arg7[%dma_wait3A_179, %dma_wait3A_185] : memref<80x128xi32, #tpu.memory_space<vmem>> -> memref<1x128xi32, #tpu.memory_space<vmem>>
    %dma_wait3A_187 = tpu.memref_squeeze %dma_wait3A_186 : memref<1x128xi32, #tpu.memory_space<vmem>> -> memref<128xi32, #tpu.memory_space<vmem>>
    %dma_wait3A_188 = arith.constant 0 : i32
    %dma_wait3A_189 = arith.constant 0 : i32
    %dma_wait3A_190 = tpu.memref_slice %arg11[%dma_wait3A_188, %dma_wait3A_189] : memref<10240x16xf32, #tpu.memory_space<vmem_shared>> -> memref<10240x16xf32, #tpu.memory_space<vmem_shared>>
    tpu.wait_indirect_dma semaphore(%arg13 : memref<!tpu.dma_semaphore, #tpu.memory_space<semaphore_mem>>) src(%dma_wait3A_190 : memref<10240x16xf32, #tpu.memory_space<vmem_shared>>) dst(%dma_wait3A_184 : memref<128x16xf32, #tpu.memory_space<vmem>>)
    %dma_start3A_191 = arith.constant 1 : i32
    %dma_start3A_192 = arith.constant 73 : i32
    %dma_start3A_193 = arith.constant 0 : i32
    %dma_start3A_194 = arith.constant 0 : i32
    %dma_start3A_195 = tpu.memref_slice %arg9[%dma_start3A_191, %dma_start3A_193, %dma_start3A_194] : memref<8x128x16xf32, #tpu.memory_space<vmem>> -> memref<1x128x16xf32, #tpu.memory_space<vmem>>
    %dma_start3A_196 = tpu.memref_squeeze %dma_start3A_195 : memref<1x128x16xf32, #tpu.memory_space<vmem>> -> memref<128x16xf32, #tpu.memory_space<vmem>>
    %dma_start3A_197 = arith.constant 0 : i32
    %dma_start3A_198 = tpu.memref_slice %arg8[%dma_start3A_192, %dma_start3A_197] : memref<80x128xi32, #tpu.memory_space<vmem>> -> memref<1x128xi32, #tpu.memory_space<vmem>>
    %dma_start3A_199 = tpu.memref_squeeze %dma_start3A_198 : memref<1x128xi32, #tpu.memory_space<vmem>> -> memref<128xi32, #tpu.memory_space<vmem>>
    %dma_start3A_200 = arith.constant 0 : i32
    %dma_start3A_201 = arith.constant 0 : i32
    %dma_start3A_202 = tpu.memref_slice %arg10[%dma_start3A_200, %dma_start3A_201] : memref<10240x16xf32, #tpu.memory_space<vmem_shared>> -> memref<10240x16xf32, #tpu.memory_space<vmem_shared>>
    tpu.enqueue_indirect_dma source(%dma_start3A_196 : memref<128x16xf32, #tpu.memory_space<vmem>>) target(%dma_start3A_202 : memref<10240x16xf32, #tpu.memory_space<vmem_shared>>) offsets(%dma_start3A_199 : memref<128xi32, #tpu.memory_space<vmem>>) semaphore(%arg21 : memref<!tpu.dma_semaphore, #tpu.memory_space<semaphore_mem>>) {add = true}
    %dma_wait3A_203 = arith.constant 74 : i32
    %dma_wait3A_204 = arith.constant 2 : i32
    %dma_wait3A_205 = arith.constant 0 : i32
    %dma_wait3A_206 = arith.constant 0 : i32
    %dma_wait3A_207 = tpu.memref_slice %arg9[%dma_wait3A_204, %dma_wait3A_205, %dma_wait3A_206] : memref<8x128x16xf32, #tpu.memory_space<vmem>> -> memref<1x128x16xf32, #tpu.memory_space<vmem>>
    %dma_wait3A_208 = tpu.memref_squeeze %dma_wait3A_207 : memref<1x128x16xf32, #tpu.memory_space<vmem>> -> memref<128x16xf32, #tpu.memory_space<vmem>>
    %dma_wait3A_209 = arith.constant 0 : i32
    %dma_wait3A_210 = tpu.memref_slice %arg7[%dma_wait3A_203, %dma_wait3A_209] : memref<80x128xi32, #tpu.memory_space<vmem>> -> memref<1x128xi32, #tpu.memory_space<vmem>>
    %dma_wait3A_211 = tpu.memref_squeeze %dma_wait3A_210 : memref<1x128xi32, #tpu.memory_space<vmem>> -> memref<128xi32, #tpu.memory_space<vmem>>
    %dma_wait3A_212 = arith.constant 0 : i32
    %dma_wait3A_213 = arith.constant 0 : i32
    %dma_wait3A_214 = tpu.memref_slice %arg11[%dma_wait3A_212, %dma_wait3A_213] : memref<10240x16xf32, #tpu.memory_space<vmem_shared>> -> memref<10240x16xf32, #tpu.memory_space<vmem_shared>>
    tpu.wait_indirect_dma semaphore(%arg14 : memref<!tpu.dma_semaphore, #tpu.memory_space<semaphore_mem>>) src(%dma_wait3A_214 : memref<10240x16xf32, #tpu.memory_space<vmem_shared>>) dst(%dma_wait3A_208 : memref<128x16xf32, #tpu.memory_space<vmem>>)
    %dma_start3A_215 = arith.constant 2 : i32
    %dma_start3A_216 = arith.constant 74 : i32
    %dma_start3A_217 = arith.constant 0 : i32
    %dma_start3A_218 = arith.constant 0 : i32
    %dma_start3A_219 = tpu.memref_slice %arg9[%dma_start3A_215, %dma_start3A_217, %dma_start3A_218] : memref<8x128x16xf32, #tpu.memory_space<vmem>> -> memref<1x128x16xf32, #tpu.memory_space<vmem>>
    %dma_start3A_220 = tpu.memref_squeeze %dma_start3A_219 : memref<1x128x16xf32, #tpu.memory_space<vmem>> -> memref<128x16xf32, #tpu.memory_space<vmem>>
    %dma_start3A_221 = arith.constant 0 : i32
    %dma_start3A_222 = tpu.memref_slice %arg8[%dma_start3A_216, %dma_start3A_221] : memref<80x128xi32, #tpu.memory_space<vmem>> -> memref<1x128xi32, #tpu.memory_space<vmem>>
    %dma_start3A_223 = tpu.memref_squeeze %dma_start3A_222 : memref<1x128xi32, #tpu.memory_space<vmem>> -> memref<128xi32, #tpu.memory_space<vmem>>
    %dma_start3A_224 = arith.constant 0 : i32
    %dma_start3A_225 = arith.constant 0 : i32
    %dma_start3A_226 = tpu.memref_slice %arg10[%dma_start3A_224, %dma_start3A_225] : memref<10240x16xf32, #tpu.memory_space<vmem_shared>> -> memref<10240x16xf32, #tpu.memory_space<vmem_shared>>
    tpu.enqueue_indirect_dma source(%dma_start3A_220 : memref<128x16xf32, #tpu.memory_space<vmem>>) target(%dma_start3A_226 : memref<10240x16xf32, #tpu.memory_space<vmem_shared>>) offsets(%dma_start3A_223 : memref<128xi32, #tpu.memory_space<vmem>>) semaphore(%arg22 : memref<!tpu.dma_semaphore, #tpu.memory_space<semaphore_mem>>) {add = true}
    %dma_wait3A_227 = arith.constant 75 : i32
    %dma_wait3A_228 = arith.constant 3 : i32
    %dma_wait3A_229 = arith.constant 0 : i32
    %dma_wait3A_230 = arith.constant 0 : i32
    %dma_wait3A_231 = tpu.memref_slice %arg9[%dma_wait3A_228, %dma_wait3A_229, %dma_wait3A_230] : memref<8x128x16xf32, #tpu.memory_space<vmem>> -> memref<1x128x16xf32, #tpu.memory_space<vmem>>
    %dma_wait3A_232 = tpu.memref_squeeze %dma_wait3A_231 : memref<1x128x16xf32, #tpu.memory_space<vmem>> -> memref<128x16xf32, #tpu.memory_space<vmem>>
    %dma_wait3A_233 = arith.constant 0 : i32
    %dma_wait3A_234 = tpu.memref_slice %arg7[%dma_wait3A_227, %dma_wait3A_233] : memref<80x128xi32, #tpu.memory_space<vmem>> -> memref<1x128xi32, #tpu.memory_space<vmem>>
    %dma_wait3A_235 = tpu.memref_squeeze %dma_wait3A_234 : memref<1x128xi32, #tpu.memory_space<vmem>> -> memref<128xi32, #tpu.memory_space<vmem>>
    %dma_wait3A_236 = arith.constant 0 : i32
    %dma_wait3A_237 = arith.constant 0 : i32
    %dma_wait3A_238 = tpu.memref_slice %arg11[%dma_wait3A_236, %dma_wait3A_237] : memref<10240x16xf32, #tpu.memory_space<vmem_shared>> -> memref<10240x16xf32, #tpu.memory_space<vmem_shared>>
    tpu.wait_indirect_dma semaphore(%arg15 : memref<!tpu.dma_semaphore, #tpu.memory_space<semaphore_mem>>) src(%dma_wait3A_238 : memref<10240x16xf32, #tpu.memory_space<vmem_shared>>) dst(%dma_wait3A_232 : memref<128x16xf32, #tpu.memory_space<vmem>>)
    %dma_start3A_239 = arith.constant 3 : i32
    %dma_start3A_240 = arith.constant 75 : i32
    %dma_start3A_241 = arith.constant 0 : i32
    %dma_start3A_242 = arith.constant 0 : i32
    %dma_start3A_243 = tpu.memref_slice %arg9[%dma_start3A_239, %dma_start3A_241, %dma_start3A_242] : memref<8x128x16xf32, #tpu.memory_space<vmem>> -> memref<1x128x16xf32, #tpu.memory_space<vmem>>
    %dma_start3A_244 = tpu.memref_squeeze %dma_start3A_243 : memref<1x128x16xf32, #tpu.memory_space<vmem>> -> memref<128x16xf32, #tpu.memory_space<vmem>>
    %dma_start3A_245 = arith.constant 0 : i32
    %dma_start3A_246 = tpu.memref_slice %arg8[%dma_start3A_240, %dma_start3A_245] : memref<80x128xi32, #tpu.memory_space<vmem>> -> memref<1x128xi32, #tpu.memory_space<vmem>>
    %dma_start3A_247 = tpu.memref_squeeze %dma_start3A_246 : memref<1x128xi32, #tpu.memory_space<vmem>> -> memref<128xi32, #tpu.memory_space<vmem>>
    %dma_start3A_248 = arith.constant 0 : i32
    %dma_start3A_249 = arith.constant 0 : i32
    %dma_start3A_250 = tpu.memref_slice %arg10[%dma_start3A_248, %dma_start3A_249] : memref<10240x16xf32, #tpu.memory_space<vmem_shared>> -> memref<10240x16xf32, #tpu.memory_space<vmem_shared>>
    tpu.enqueue_indirect_dma source(%dma_start3A_244 : memref<128x16xf32, #tpu.memory_space<vmem>>) target(%dma_start3A_250 : memref<10240x16xf32, #tpu.memory_space<vmem_shared>>) offsets(%dma_start3A_247 : memref<128xi32, #tpu.memory_space<vmem>>) semaphore(%arg23 : memref<!tpu.dma_semaphore, #tpu.memory_space<semaphore_mem>>) {add = true}
    %dma_wait3A_251 = arith.constant 76 : i32
    %dma_wait3A_252 = arith.constant 4 : i32
    %dma_wait3A_253 = arith.constant 0 : i32
    %dma_wait3A_254 = arith.constant 0 : i32
    %dma_wait3A_255 = tpu.memref_slice %arg9[%dma_wait3A_252, %dma_wait3A_253, %dma_wait3A_254] : memref<8x128x16xf32, #tpu.memory_space<vmem>> -> memref<1x128x16xf32, #tpu.memory_space<vmem>>
    %dma_wait3A_256 = tpu.memref_squeeze %dma_wait3A_255 : memref<1x128x16xf32, #tpu.memory_space<vmem>> -> memref<128x16xf32, #tpu.memory_space<vmem>>
    %dma_wait3A_257 = arith.constant 0 : i32
    %dma_wait3A_258 = tpu.memref_slice %arg7[%dma_wait3A_251, %dma_wait3A_257] : memref<80x128xi32, #tpu.memory_space<vmem>> -> memref<1x128xi32, #tpu.memory_space<vmem>>
    %dma_wait3A_259 = tpu.memref_squeeze %dma_wait3A_258 : memref<1x128xi32, #tpu.memory_space<vmem>> -> memref<128xi32, #tpu.memory_space<vmem>>
    %dma_wait3A_260 = arith.constant 0 : i32
    %dma_wait3A_261 = arith.constant 0 : i32
    %dma_wait3A_262 = tpu.memref_slice %arg11[%dma_wait3A_260, %dma_wait3A_261] : memref<10240x16xf32, #tpu.memory_space<vmem_shared>> -> memref<10240x16xf32, #tpu.memory_space<vmem_shared>>
    tpu.wait_indirect_dma semaphore(%arg16 : memref<!tpu.dma_semaphore, #tpu.memory_space<semaphore_mem>>) src(%dma_wait3A_262 : memref<10240x16xf32, #tpu.memory_space<vmem_shared>>) dst(%dma_wait3A_256 : memref<128x16xf32, #tpu.memory_space<vmem>>)
    %dma_start3A_263 = arith.constant 4 : i32
    %dma_start3A_264 = arith.constant 76 : i32
    %dma_start3A_265 = arith.constant 0 : i32
    %dma_start3A_266 = arith.constant 0 : i32
    %dma_start3A_267 = tpu.memref_slice %arg9[%dma_start3A_263, %dma_start3A_265, %dma_start3A_266] : memref<8x128x16xf32, #tpu.memory_space<vmem>> -> memref<1x128x16xf32, #tpu.memory_space<vmem>>
    %dma_start3A_268 = tpu.memref_squeeze %dma_start3A_267 : memref<1x128x16xf32, #tpu.memory_space<vmem>> -> memref<128x16xf32, #tpu.memory_space<vmem>>
    %dma_start3A_269 = arith.constant 0 : i32
    %dma_start3A_270 = tpu.memref_slice %arg8[%dma_start3A_264, %dma_start3A_269] : memref<80x128xi32, #tpu.memory_space<vmem>> -> memref<1x128xi32, #tpu.memory_space<vmem>>
    %dma_start3A_271 = tpu.memref_squeeze %dma_start3A_270 : memref<1x128xi32, #tpu.memory_space<vmem>> -> memref<128xi32, #tpu.memory_space<vmem>>
    %dma_start3A_272 = arith.constant 0 : i32
    %dma_start3A_273 = arith.constant 0 : i32
    %dma_start3A_274 = tpu.memref_slice %arg10[%dma_start3A_272, %dma_start3A_273] : memref<10240x16xf32, #tpu.memory_space<vmem_shared>> -> memref<10240x16xf32, #tpu.memory_space<vmem_shared>>
    tpu.enqueue_indirect_dma source(%dma_start3A_268 : memref<128x16xf32, #tpu.memory_space<vmem>>) target(%dma_start3A_274 : memref<10240x16xf32, #tpu.memory_space<vmem_shared>>) offsets(%dma_start3A_271 : memref<128xi32, #tpu.memory_space<vmem>>) semaphore(%arg24 : memref<!tpu.dma_semaphore, #tpu.memory_space<semaphore_mem>>) {add = true}
    %dma_wait3A_275 = arith.constant 77 : i32
    %dma_wait3A_276 = arith.constant 5 : i32
    %dma_wait3A_277 = arith.constant 0 : i32
    %dma_wait3A_278 = arith.constant 0 : i32
    %dma_wait3A_279 = tpu.memref_slice %arg9[%dma_wait3A_276, %dma_wait3A_277, %dma_wait3A_278] : memref<8x128x16xf32, #tpu.memory_space<vmem>> -> memref<1x128x16xf32, #tpu.memory_space<vmem>>
    %dma_wait3A_280 = tpu.memref_squeeze %dma_wait3A_279 : memref<1x128x16xf32, #tpu.memory_space<vmem>> -> memref<128x16xf32, #tpu.memory_space<vmem>>
    %dma_wait3A_281 = arith.constant 0 : i32
    %dma_wait3A_282 = tpu.memref_slice %arg7[%dma_wait3A_275, %dma_wait3A_281] : memref<80x128xi32, #tpu.memory_space<vmem>> -> memref<1x128xi32, #tpu.memory_space<vmem>>
    %dma_wait3A_283 = tpu.memref_squeeze %dma_wait3A_282 : memref<1x128xi32, #tpu.memory_space<vmem>> -> memref<128xi32, #tpu.memory_space<vmem>>
    %dma_wait3A_284 = arith.constant 0 : i32
    %dma_wait3A_285 = arith.constant 0 : i32
    %dma_wait3A_286 = tpu.memref_slice %arg11[%dma_wait3A_284, %dma_wait3A_285] : memref<10240x16xf32, #tpu.memory_space<vmem_shared>> -> memref<10240x16xf32, #tpu.memory_space<vmem_shared>>
    tpu.wait_indirect_dma semaphore(%arg17 : memref<!tpu.dma_semaphore, #tpu.memory_space<semaphore_mem>>) src(%dma_wait3A_286 : memref<10240x16xf32, #tpu.memory_space<vmem_shared>>) dst(%dma_wait3A_280 : memref<128x16xf32, #tpu.memory_space<vmem>>)
    %dma_start3A_287 = arith.constant 5 : i32
    %dma_start3A_288 = arith.constant 77 : i32
    %dma_start3A_289 = arith.constant 0 : i32
    %dma_start3A_290 = arith.constant 0 : i32
    %dma_start3A_291 = tpu.memref_slice %arg9[%dma_start3A_287, %dma_start3A_289, %dma_start3A_290] : memref<8x128x16xf32, #tpu.memory_space<vmem>> -> memref<1x128x16xf32, #tpu.memory_space<vmem>>
    %dma_start3A_292 = tpu.memref_squeeze %dma_start3A_291 : memref<1x128x16xf32, #tpu.memory_space<vmem>> -> memref<128x16xf32, #tpu.memory_space<vmem>>
    %dma_start3A_293 = arith.constant 0 : i32
    %dma_start3A_294 = tpu.memref_slice %arg8[%dma_start3A_288, %dma_start3A_293] : memref<80x128xi32, #tpu.memory_space<vmem>> -> memref<1x128xi32, #tpu.memory_space<vmem>>
    %dma_start3A_295 = tpu.memref_squeeze %dma_start3A_294 : memref<1x128xi32, #tpu.memory_space<vmem>> -> memref<128xi32, #tpu.memory_space<vmem>>
    %dma_start3A_296 = arith.constant 0 : i32
    %dma_start3A_297 = arith.constant 0 : i32
    %dma_start3A_298 = tpu.memref_slice %arg10[%dma_start3A_296, %dma_start3A_297] : memref<10240x16xf32, #tpu.memory_space<vmem_shared>> -> memref<10240x16xf32, #tpu.memory_space<vmem_shared>>
    tpu.enqueue_indirect_dma source(%dma_start3A_292 : memref<128x16xf32, #tpu.memory_space<vmem>>) target(%dma_start3A_298 : memref<10240x16xf32, #tpu.memory_space<vmem_shared>>) offsets(%dma_start3A_295 : memref<128xi32, #tpu.memory_space<vmem>>) semaphore(%arg25 : memref<!tpu.dma_semaphore, #tpu.memory_space<semaphore_mem>>) {add = true}
    %dma_wait3A_299 = arith.constant 78 : i32
    %dma_wait3A_300 = arith.constant 6 : i32
    %dma_wait3A_301 = arith.constant 0 : i32
    %dma_wait3A_302 = arith.constant 0 : i32
    %dma_wait3A_303 = tpu.memref_slice %arg9[%dma_wait3A_300, %dma_wait3A_301, %dma_wait3A_302] : memref<8x128x16xf32, #tpu.memory_space<vmem>> -> memref<1x128x16xf32, #tpu.memory_space<vmem>>
    %dma_wait3A_304 = tpu.memref_squeeze %dma_wait3A_303 : memref<1x128x16xf32, #tpu.memory_space<vmem>> -> memref<128x16xf32, #tpu.memory_space<vmem>>
    %dma_wait3A_305 = arith.constant 0 : i32
    %dma_wait3A_306 = tpu.memref_slice %arg7[%dma_wait3A_299, %dma_wait3A_305] : memref<80x128xi32, #tpu.memory_space<vmem>> -> memref<1x128xi32, #tpu.memory_space<vmem>>
    %dma_wait3A_307 = tpu.memref_squeeze %dma_wait3A_306 : memref<1x128xi32, #tpu.memory_space<vmem>> -> memref<128xi32, #tpu.memory_space<vmem>>
    %dma_wait3A_308 = arith.constant 0 : i32
    %dma_wait3A_309 = arith.constant 0 : i32
    %dma_wait3A_310 = tpu.memref_slice %arg11[%dma_wait3A_308, %dma_wait3A_309] : memref<10240x16xf32, #tpu.memory_space<vmem_shared>> -> memref<10240x16xf32, #tpu.memory_space<vmem_shared>>
    tpu.wait_indirect_dma semaphore(%arg18 : memref<!tpu.dma_semaphore, #tpu.memory_space<semaphore_mem>>) src(%dma_wait3A_310 : memref<10240x16xf32, #tpu.memory_space<vmem_shared>>) dst(%dma_wait3A_304 : memref<128x16xf32, #tpu.memory_space<vmem>>)
    %dma_start3A_311 = arith.constant 6 : i32
    %dma_start3A_312 = arith.constant 78 : i32
    %dma_start3A_313 = arith.constant 0 : i32
    %dma_start3A_314 = arith.constant 0 : i32
    %dma_start3A_315 = tpu.memref_slice %arg9[%dma_start3A_311, %dma_start3A_313, %dma_start3A_314] : memref<8x128x16xf32, #tpu.memory_space<vmem>> -> memref<1x128x16xf32, #tpu.memory_space<vmem>>
    %dma_start3A_316 = tpu.memref_squeeze %dma_start3A_315 : memref<1x128x16xf32, #tpu.memory_space<vmem>> -> memref<128x16xf32, #tpu.memory_space<vmem>>
    %dma_start3A_317 = arith.constant 0 : i32
    %dma_start3A_318 = tpu.memref_slice %arg8[%dma_start3A_312, %dma_start3A_317] : memref<80x128xi32, #tpu.memory_space<vmem>> -> memref<1x128xi32, #tpu.memory_space<vmem>>
    %dma_start3A_319 = tpu.memref_squeeze %dma_start3A_318 : memref<1x128xi32, #tpu.memory_space<vmem>> -> memref<128xi32, #tpu.memory_space<vmem>>
    %dma_start3A_320 = arith.constant 0 : i32
    %dma_start3A_321 = arith.constant 0 : i32
    %dma_start3A_322 = tpu.memref_slice %arg10[%dma_start3A_320, %dma_start3A_321] : memref<10240x16xf32, #tpu.memory_space<vmem_shared>> -> memref<10240x16xf32, #tpu.memory_space<vmem_shared>>
    tpu.enqueue_indirect_dma source(%dma_start3A_316 : memref<128x16xf32, #tpu.memory_space<vmem>>) target(%dma_start3A_322 : memref<10240x16xf32, #tpu.memory_space<vmem_shared>>) offsets(%dma_start3A_319 : memref<128xi32, #tpu.memory_space<vmem>>) semaphore(%arg26 : memref<!tpu.dma_semaphore, #tpu.memory_space<semaphore_mem>>) {add = true}
    %dma_wait3A_323 = arith.constant 79 : i32
    %dma_wait3A_324 = arith.constant 7 : i32
    %dma_wait3A_325 = arith.constant 0 : i32
    %dma_wait3A_326 = arith.constant 0 : i32
    %dma_wait3A_327 = tpu.memref_slice %arg9[%dma_wait3A_324, %dma_wait3A_325, %dma_wait3A_326] : memref<8x128x16xf32, #tpu.memory_space<vmem>> -> memref<1x128x16xf32, #tpu.memory_space<vmem>>
    %dma_wait3A_328 = tpu.memref_squeeze %dma_wait3A_327 : memref<1x128x16xf32, #tpu.memory_space<vmem>> -> memref<128x16xf32, #tpu.memory_space<vmem>>
    %dma_wait3A_329 = arith.constant 0 : i32
    %dma_wait3A_330 = tpu.memref_slice %arg7[%dma_wait3A_323, %dma_wait3A_329] : memref<80x128xi32, #tpu.memory_space<vmem>> -> memref<1x128xi32, #tpu.memory_space<vmem>>
    %dma_wait3A_331 = tpu.memref_squeeze %dma_wait3A_330 : memref<1x128xi32, #tpu.memory_space<vmem>> -> memref<128xi32, #tpu.memory_space<vmem>>
    %dma_wait3A_332 = arith.constant 0 : i32
    %dma_wait3A_333 = arith.constant 0 : i32
    %dma_wait3A_334 = tpu.memref_slice %arg11[%dma_wait3A_332, %dma_wait3A_333] : memref<10240x16xf32, #tpu.memory_space<vmem_shared>> -> memref<10240x16xf32, #tpu.memory_space<vmem_shared>>
    tpu.wait_indirect_dma semaphore(%arg19 : memref<!tpu.dma_semaphore, #tpu.memory_space<semaphore_mem>>) src(%dma_wait3A_334 : memref<10240x16xf32, #tpu.memory_space<vmem_shared>>) dst(%dma_wait3A_328 : memref<128x16xf32, #tpu.memory_space<vmem>>)
    %dma_start3A_335 = arith.constant 7 : i32
    %dma_start3A_336 = arith.constant 79 : i32
    %dma_start3A_337 = arith.constant 0 : i32
    %dma_start3A_338 = arith.constant 0 : i32
    %dma_start3A_339 = tpu.memref_slice %arg9[%dma_start3A_335, %dma_start3A_337, %dma_start3A_338] : memref<8x128x16xf32, #tpu.memory_space<vmem>> -> memref<1x128x16xf32, #tpu.memory_space<vmem>>
    %dma_start3A_340 = tpu.memref_squeeze %dma_start3A_339 : memref<1x128x16xf32, #tpu.memory_space<vmem>> -> memref<128x16xf32, #tpu.memory_space<vmem>>
    %dma_start3A_341 = arith.constant 0 : i32
    %dma_start3A_342 = tpu.memref_slice %arg8[%dma_start3A_336, %dma_start3A_341] : memref<80x128xi32, #tpu.memory_space<vmem>> -> memref<1x128xi32, #tpu.memory_space<vmem>>
    %dma_start3A_343 = tpu.memref_squeeze %dma_start3A_342 : memref<1x128xi32, #tpu.memory_space<vmem>> -> memref<128xi32, #tpu.memory_space<vmem>>
    %dma_start3A_344 = arith.constant 0 : i32
    %dma_start3A_345 = arith.constant 0 : i32
    %dma_start3A_346 = tpu.memref_slice %arg10[%dma_start3A_344, %dma_start3A_345] : memref<10240x16xf32, #tpu.memory_space<vmem_shared>> -> memref<10240x16xf32, #tpu.memory_space<vmem_shared>>
    tpu.enqueue_indirect_dma source(%dma_start3A_340 : memref<128x16xf32, #tpu.memory_space<vmem>>) target(%dma_start3A_346 : memref<10240x16xf32, #tpu.memory_space<vmem_shared>>) offsets(%dma_start3A_343 : memref<128xi32, #tpu.memory_space<vmem>>) semaphore(%arg27 : memref<!tpu.dma_semaphore, #tpu.memory_space<semaphore_mem>>) {add = true}
    %dma_wait3A_347 = arith.constant 0 : i32
    %dma_wait3A_348 = arith.constant 72 : i32
    %dma_wait3A_349 = arith.constant 0 : i32
    %dma_wait3A_350 = arith.constant 0 : i32
    %dma_wait3A_351 = tpu.memref_slice %arg9[%dma_wait3A_347, %dma_wait3A_349, %dma_wait3A_350] : memref<8x128x16xf32, #tpu.memory_space<vmem>> -> memref<1x128x16xf32, #tpu.memory_space<vmem>>
    %dma_wait3A_352 = tpu.memref_squeeze %dma_wait3A_351 : memref<1x128x16xf32, #tpu.memory_space<vmem>> -> memref<128x16xf32, #tpu.memory_space<vmem>>
    %dma_wait3A_353 = arith.constant 0 : i32
    %dma_wait3A_354 = tpu.memref_slice %arg8[%dma_wait3A_348, %dma_wait3A_353] : memref<80x128xi32, #tpu.memory_space<vmem>> -> memref<1x128xi32, #tpu.memory_space<vmem>>
    %dma_wait3A_355 = tpu.memref_squeeze %dma_wait3A_354 : memref<1x128xi32, #tpu.memory_space<vmem>> -> memref<128xi32, #tpu.memory_space<vmem>>
    %dma_wait3A_356 = arith.constant 0 : i32
    %dma_wait3A_357 = arith.constant 0 : i32
    %dma_wait3A_358 = tpu.memref_slice %arg10[%dma_wait3A_356, %dma_wait3A_357] : memref<10240x16xf32, #tpu.memory_space<vmem_shared>> -> memref<10240x16xf32, #tpu.memory_space<vmem_shared>>
    tpu.wait_indirect_dma semaphore(%arg20 : memref<!tpu.dma_semaphore, #tpu.memory_space<semaphore_mem>>) src(%dma_wait3A_352 : memref<128x16xf32, #tpu.memory_space<vmem>>) dst(%dma_wait3A_358 : memref<10240x16xf32, #tpu.memory_space<vmem_shared>>)
    %dma_wait3A_359 = arith.constant 1 : i32
    %dma_wait3A_360 = arith.constant 73 : i32
    %dma_wait3A_361 = arith.constant 0 : i32
    %dma_wait3A_362 = arith.constant 0 : i32
    %dma_wait3A_363 = tpu.memref_slice %arg9[%dma_wait3A_359, %dma_wait3A_361, %dma_wait3A_362] : memref<8x128x16xf32, #tpu.memory_space<vmem>> -> memref<1x128x16xf32, #tpu.memory_space<vmem>>
    %dma_wait3A_364 = tpu.memref_squeeze %dma_wait3A_363 : memref<1x128x16xf32, #tpu.memory_space<vmem>> -> memref<128x16xf32, #tpu.memory_space<vmem>>
    %dma_wait3A_365 = arith.constant 0 : i32
    %dma_wait3A_366 = tpu.memref_slice %arg8[%dma_wait3A_360, %dma_wait3A_365] : memref<80x128xi32, #tpu.memory_space<vmem>> -> memref<1x128xi32, #tpu.memory_space<vmem>>
    %dma_wait3A_367 = tpu.memref_squeeze %dma_wait3A_366 : memref<1x128xi32, #tpu.memory_space<vmem>> -> memref<128xi32, #tpu.memory_space<vmem>>
    %dma_wait3A_368 = arith.constant 0 : i32
    %dma_wait3A_369 = arith.constant 0 : i32
    %dma_wait3A_370 = tpu.memref_slice %arg10[%dma_wait3A_368, %dma_wait3A_369] : memref<10240x16xf32, #tpu.memory_space<vmem_shared>> -> memref<10240x16xf32, #tpu.memory_space<vmem_shared>>
    tpu.wait_indirect_dma semaphore(%arg21 : memref<!tpu.dma_semaphore, #tpu.memory_space<semaphore_mem>>) src(%dma_wait3A_364 : memref<128x16xf32, #tpu.memory_space<vmem>>) dst(%dma_wait3A_370 : memref<10240x16xf32, #tpu.memory_space<vmem_shared>>)
    %dma_wait3A_371 = arith.constant 2 : i32
    %dma_wait3A_372 = arith.constant 74 : i32
    %dma_wait3A_373 = arith.constant 0 : i32
    %dma_wait3A_374 = arith.constant 0 : i32
    %dma_wait3A_375 = tpu.memref_slice %arg9[%dma_wait3A_371, %dma_wait3A_373, %dma_wait3A_374] : memref<8x128x16xf32, #tpu.memory_space<vmem>> -> memref<1x128x16xf32, #tpu.memory_space<vmem>>
    %dma_wait3A_376 = tpu.memref_squeeze %dma_wait3A_375 : memref<1x128x16xf32, #tpu.memory_space<vmem>> -> memref<128x16xf32, #tpu.memory_space<vmem>>
    %dma_wait3A_377 = arith.constant 0 : i32
    %dma_wait3A_378 = tpu.memref_slice %arg8[%dma_wait3A_372, %dma_wait3A_377] : memref<80x128xi32, #tpu.memory_space<vmem>> -> memref<1x128xi32, #tpu.memory_space<vmem>>
    %dma_wait3A_379 = tpu.memref_squeeze %dma_wait3A_378 : memref<1x128xi32, #tpu.memory_space<vmem>> -> memref<128xi32, #tpu.memory_space<vmem>>
    %dma_wait3A_380 = arith.constant 0 : i32
    %dma_wait3A_381 = arith.constant 0 : i32
    %dma_wait3A_382 = tpu.memref_slice %arg10[%dma_wait3A_380, %dma_wait3A_381] : memref<10240x16xf32, #tpu.memory_space<vmem_shared>> -> memref<10240x16xf32, #tpu.memory_space<vmem_shared>>
    tpu.wait_indirect_dma semaphore(%arg22 : memref<!tpu.dma_semaphore, #tpu.memory_space<semaphore_mem>>) src(%dma_wait3A_376 : memref<128x16xf32, #tpu.memory_space<vmem>>) dst(%dma_wait3A_382 : memref<10240x16xf32, #tpu.memory_space<vmem_shared>>)
    %dma_wait3A_383 = arith.constant 3 : i32
    %dma_wait3A_384 = arith.constant 75 : i32
    %dma_wait3A_385 = arith.constant 0 : i32
    %dma_wait3A_386 = arith.constant 0 : i32
    %dma_wait3A_387 = tpu.memref_slice %arg9[%dma_wait3A_383, %dma_wait3A_385, %dma_wait3A_386] : memref<8x128x16xf32, #tpu.memory_space<vmem>> -> memref<1x128x16xf32, #tpu.memory_space<vmem>>
    %dma_wait3A_388 = tpu.memref_squeeze %dma_wait3A_387 : memref<1x128x16xf32, #tpu.memory_space<vmem>> -> memref<128x16xf32, #tpu.memory_space<vmem>>
    %dma_wait3A_389 = arith.constant 0 : i32
    %dma_wait3A_390 = tpu.memref_slice %arg8[%dma_wait3A_384, %dma_wait3A_389] : memref<80x128xi32, #tpu.memory_space<vmem>> -> memref<1x128xi32, #tpu.memory_space<vmem>>
    %dma_wait3A_391 = tpu.memref_squeeze %dma_wait3A_390 : memref<1x128xi32, #tpu.memory_space<vmem>> -> memref<128xi32, #tpu.memory_space<vmem>>
    %dma_wait3A_392 = arith.constant 0 : i32
    %dma_wait3A_393 = arith.constant 0 : i32
    %dma_wait3A_394 = tpu.memref_slice %arg10[%dma_wait3A_392, %dma_wait3A_393] : memref<10240x16xf32, #tpu.memory_space<vmem_shared>> -> memref<10240x16xf32, #tpu.memory_space<vmem_shared>>
    tpu.wait_indirect_dma semaphore(%arg23 : memref<!tpu.dma_semaphore, #tpu.memory_space<semaphore_mem>>) src(%dma_wait3A_388 : memref<128x16xf32, #tpu.memory_space<vmem>>) dst(%dma_wait3A_394 : memref<10240x16xf32, #tpu.memory_space<vmem_shared>>)
    %dma_wait3A_395 = arith.constant 4 : i32
    %dma_wait3A_396 = arith.constant 76 : i32
    %dma_wait3A_397 = arith.constant 0 : i32
    %dma_wait3A_398 = arith.constant 0 : i32
    %dma_wait3A_399 = tpu.memref_slice %arg9[%dma_wait3A_395, %dma_wait3A_397, %dma_wait3A_398] : memref<8x128x16xf32, #tpu.memory_space<vmem>> -> memref<1x128x16xf32, #tpu.memory_space<vmem>>
    %dma_wait3A_400 = tpu.memref_squeeze %dma_wait3A_399 : memref<1x128x16xf32, #tpu.memory_space<vmem>> -> memref<128x16xf32, #tpu.memory_space<vmem>>
    %dma_wait3A_401 = arith.constant 0 : i32
    %dma_wait3A_402 = tpu.memref_slice %arg8[%dma_wait3A_396, %dma_wait3A_401] : memref<80x128xi32, #tpu.memory_space<vmem>> -> memref<1x128xi32, #tpu.memory_space<vmem>>
    %dma_wait3A_403 = tpu.memref_squeeze %dma_wait3A_402 : memref<1x128xi32, #tpu.memory_space<vmem>> -> memref<128xi32, #tpu.memory_space<vmem>>
    %dma_wait3A_404 = arith.constant 0 : i32
    %dma_wait3A_405 = arith.constant 0 : i32
    %dma_wait3A_406 = tpu.memref_slice %arg10[%dma_wait3A_404, %dma_wait3A_405] : memref<10240x16xf32, #tpu.memory_space<vmem_shared>> -> memref<10240x16xf32, #tpu.memory_space<vmem_shared>>
    tpu.wait_indirect_dma semaphore(%arg24 : memref<!tpu.dma_semaphore, #tpu.memory_space<semaphore_mem>>) src(%dma_wait3A_400 : memref<128x16xf32, #tpu.memory_space<vmem>>) dst(%dma_wait3A_406 : memref<10240x16xf32, #tpu.memory_space<vmem_shared>>)
    %dma_wait3A_407 = arith.constant 5 : i32
    %dma_wait3A_408 = arith.constant 77 : i32
    %dma_wait3A_409 = arith.constant 0 : i32
    %dma_wait3A_410 = arith.constant 0 : i32
    %dma_wait3A_411 = tpu.memref_slice %arg9[%dma_wait3A_407, %dma_wait3A_409, %dma_wait3A_410] : memref<8x128x16xf32, #tpu.memory_space<vmem>> -> memref<1x128x16xf32, #tpu.memory_space<vmem>>
    %dma_wait3A_412 = tpu.memref_squeeze %dma_wait3A_411 : memref<1x128x16xf32, #tpu.memory_space<vmem>> -> memref<128x16xf32, #tpu.memory_space<vmem>>
    %dma_wait3A_413 = arith.constant 0 : i32
    %dma_wait3A_414 = tpu.memref_slice %arg8[%dma_wait3A_408, %dma_wait3A_413] : memref<80x128xi32, #tpu.memory_space<vmem>> -> memref<1x128xi32, #tpu.memory_space<vmem>>
    %dma_wait3A_415 = tpu.memref_squeeze %dma_wait3A_414 : memref<1x128xi32, #tpu.memory_space<vmem>> -> memref<128xi32, #tpu.memory_space<vmem>>
    %dma_wait3A_416 = arith.constant 0 : i32
    %dma_wait3A_417 = arith.constant 0 : i32
    %dma_wait3A_418 = tpu.memref_slice %arg10[%dma_wait3A_416, %dma_wait3A_417] : memref<10240x16xf32, #tpu.memory_space<vmem_shared>> -> memref<10240x16xf32, #tpu.memory_space<vmem_shared>>
    tpu.wait_indirect_dma semaphore(%arg25 : memref<!tpu.dma_semaphore, #tpu.memory_space<semaphore_mem>>) src(%dma_wait3A_412 : memref<128x16xf32, #tpu.memory_space<vmem>>) dst(%dma_wait3A_418 : memref<10240x16xf32, #tpu.memory_space<vmem_shared>>)
    %dma_wait3A_419 = arith.constant 6 : i32
    %dma_wait3A_420 = arith.constant 78 : i32
    %dma_wait3A_421 = arith.constant 0 : i32
    %dma_wait3A_422 = arith.constant 0 : i32
    %dma_wait3A_423 = tpu.memref_slice %arg9[%dma_wait3A_419, %dma_wait3A_421, %dma_wait3A_422] : memref<8x128x16xf32, #tpu.memory_space<vmem>> -> memref<1x128x16xf32, #tpu.memory_space<vmem>>
    %dma_wait3A_424 = tpu.memref_squeeze %dma_wait3A_423 : memref<1x128x16xf32, #tpu.memory_space<vmem>> -> memref<128x16xf32, #tpu.memory_space<vmem>>
    %dma_wait3A_425 = arith.constant 0 : i32
    %dma_wait3A_426 = tpu.memref_slice %arg8[%dma_wait3A_420, %dma_wait3A_425] : memref<80x128xi32, #tpu.memory_space<vmem>> -> memref<1x128xi32, #tpu.memory_space<vmem>>
    %dma_wait3A_427 = tpu.memref_squeeze %dma_wait3A_426 : memref<1x128xi32, #tpu.memory_space<vmem>> -> memref<128xi32, #tpu.memory_space<vmem>>
    %dma_wait3A_428 = arith.constant 0 : i32
    %dma_wait3A_429 = arith.constant 0 : i32
    %dma_wait3A_430 = tpu.memref_slice %arg10[%dma_wait3A_428, %dma_wait3A_429] : memref<10240x16xf32, #tpu.memory_space<vmem_shared>> -> memref<10240x16xf32, #tpu.memory_space<vmem_shared>>
    tpu.wait_indirect_dma semaphore(%arg26 : memref<!tpu.dma_semaphore, #tpu.memory_space<semaphore_mem>>) src(%dma_wait3A_424 : memref<128x16xf32, #tpu.memory_space<vmem>>) dst(%dma_wait3A_430 : memref<10240x16xf32, #tpu.memory_space<vmem_shared>>)
    %dma_wait3A_431 = arith.constant 7 : i32
    %dma_wait3A_432 = arith.constant 79 : i32
    %dma_wait3A_433 = arith.constant 0 : i32
    %dma_wait3A_434 = arith.constant 0 : i32
    %dma_wait3A_435 = tpu.memref_slice %arg9[%dma_wait3A_431, %dma_wait3A_433, %dma_wait3A_434] : memref<8x128x16xf32, #tpu.memory_space<vmem>> -> memref<1x128x16xf32, #tpu.memory_space<vmem>>
    %dma_wait3A_436 = tpu.memref_squeeze %dma_wait3A_435 : memref<1x128x16xf32, #tpu.memory_space<vmem>> -> memref<128x16xf32, #tpu.memory_space<vmem>>
    %dma_wait3A_437 = arith.constant 0 : i32
    %dma_wait3A_438 = tpu.memref_slice %arg8[%dma_wait3A_432, %dma_wait3A_437] : memref<80x128xi32, #tpu.memory_space<vmem>> -> memref<1x128xi32, #tpu.memory_space<vmem>>
    %dma_wait3A_439 = tpu.memref_squeeze %dma_wait3A_438 : memref<1x128xi32, #tpu.memory_space<vmem>> -> memref<128xi32, #tpu.memory_space<vmem>>
    %dma_wait3A_440 = arith.constant 0 : i32
    %dma_wait3A_441 = arith.constant 0 : i32
    %dma_wait3A_442 = tpu.memref_slice %arg10[%dma_wait3A_440, %dma_wait3A_441] : memref<10240x16xf32, #tpu.memory_space<vmem_shared>> -> memref<10240x16xf32, #tpu.memory_space<vmem_shared>>
    tpu.wait_indirect_dma semaphore(%arg27 : memref<!tpu.dma_semaphore, #tpu.memory_space<semaphore_mem>>) src(%dma_wait3A_436 : memref<128x16xf32, #tpu.memory_space<vmem>>) dst(%dma_wait3A_442 : memref<10240x16xf32, #tpu.memory_space<vmem_shared>>)
    %barrier3A_443 = arith.constant 0 : index
    tpu.barrier barrier_id(%barrier3A_443)
    %mul3A_444 = arith.constant 640 : i32
    %mul3A_445 = arith.muli %arg1, %mul3A_444 : i32
    %mul3A_446 = arith.constant 640 : i32
    %mul3A_447 = arith.muli %arg1, %mul3A_446 : i32
    "tpu.region"() ({
      %run_scoped3A = tpu.sem_alloc : memref<!tpu.dma_semaphore, #tpu.memory_space<semaphore_mem>>
      %dma_start3A_448 = arith.constant 0 : i32
      %dma_start3A_449 = tpu.memref_slice %arg6[%arg0, %mul3A_447, %dma_start3A_448] : memref<2x10240x16xf32, #tpu.memory_space<hbm>> -> memref<1x640x16xf32, #tpu.memory_space<hbm>>
      %dma_start3A_450 = tpu.memref_squeeze %dma_start3A_449 : memref<1x640x16xf32, #tpu.memory_space<hbm>> -> memref<640x16xf32, #tpu.memory_space<hbm>>
      %dma_start3A_451 = arith.constant 0 : i32
      %dma_start3A_452 = tpu.memref_slice %arg10[%mul3A_445, %dma_start3A_451] : memref<10240x16xf32, #tpu.memory_space<vmem_shared>> -> memref<640x16xf32, #tpu.memory_space<vmem_shared>>
      tpu.enqueue_dma source(%dma_start3A_452 : memref<640x16xf32, #tpu.memory_space<vmem_shared>>) target(%dma_start3A_450 : memref<640x16xf32, #tpu.memory_space<hbm>>) target_semaphore(%run_scoped3A : memref<!tpu.dma_semaphore, #tpu.memory_space<semaphore_mem>>)
      %dma_wait3A_453 = arith.constant 0 : i32
      %dma_wait3A_454 = tpu.memref_slice %arg6[%arg0, %mul3A_447, %dma_wait3A_453] : memref<2x10240x16xf32, #tpu.memory_space<hbm>> -> memref<1x640x16xf32, #tpu.memory_space<hbm>>
      %dma_wait3A_455 = tpu.memref_squeeze %dma_wait3A_454 : memref<1x640x16xf32, #tpu.memory_space<hbm>> -> memref<640x16xf32, #tpu.memory_space<hbm>>
      %dma_wait3A_456 = arith.constant 0 : i32
      %dma_wait3A_457 = tpu.memref_slice %arg10[%mul3A_445, %dma_wait3A_456] : memref<10240x16xf32, #tpu.memory_space<vmem_shared>> -> memref<640x16xf32, #tpu.memory_space<vmem_shared>>
      tpu.wait_dma2 semaphore(%run_scoped3A : memref<!tpu.dma_semaphore, #tpu.memory_space<semaphore_mem>>) src(%dma_wait3A_457 : memref<640x16xf32, #tpu.memory_space<vmem_shared>>) dst(%dma_wait3A_455 : memref<640x16xf32, #tpu.memory_space<hbm>>)
      tpu.yield
    }) : () -> ()
    return
  }
}

module attributes {stable_mosaic.version = 14 : i64} {
  func.func @body(%arg0: memref<1250x1024xf32, #tpu.memory_space<vmem>>, %arg1: memref<1024x128xf32, #tpu.memory_space<vmem>>, %arg2: memref<1280x128xf32, #tpu.memory_space<vmem>>) attributes {dimension_semantics = [], scalar_prefetch = 0 : i64, scratch_operands = 0 : i64, tpu.core_type = #tpu.core_type<tc>} {
    %get3A = arith.constant 0 : index
    %get3A_0 = arith.constant 0 : index
    %get3A_1 = vector.load %arg0[%get3A, %get3A_0] : memref<1250x1024xf32, #tpu.memory_space<vmem>>, vector<1250x1024xf32>
    %get3A_2 = arith.constant 0 : index
    %get3A_3 = arith.constant 0 : index
    %get3A_4 = vector.load %arg1[%get3A_2, %get3A_3] : memref<1024x128xf32, #tpu.memory_space<vmem>>, vector<1024x128xf32>
    %dot_general3A = arith.constant dense<0.000000e+00> : vector<1250x128xf32>
    %dot_general3A_5 = tpu.matmul %get3A_1, %get3A_4, %dot_general3A {dimension_numbers = #tpu.dot_dimension_numbers<[1], [0], [0], [1], [0, 0, 1, 1], [], []>, transpose_lhs_hint = false} : vector<1250x1024xf32>, vector<1024x128xf32>, vector<1250x128xf32> -> vector<1250x128xf32>
    %broadcast_in_dim3A = arith.constant 0.000000e+00 : f32
    %broadcast_in_dim3A_6 = vector.broadcast %broadcast_in_dim3A : f32 to vector<30x128xf32>
    %concatenate3A = tpu.concatenate %dot_general3A_5, %broadcast_in_dim3A_6 in 0 : vector<1250x128xf32>, vector<30x128xf32> -> vector<1280x128xf32>
    %swap3A = arith.constant 0 : index
    %swap3A_7 = arith.constant 0 : index
    %swap3A_8 = vector.load %arg2[%swap3A, %swap3A_7] : memref<1280x128xf32, #tpu.memory_space<vmem>>, vector<1280x128xf32>
    tpu.vector_store %arg2[%swap3A, %swap3A_7], %concatenate3A {strides = array<i32>} : memref<1280x128xf32, #tpu.memory_space<vmem>>, vector<1280x128xf32>,
    return
  }
}

module attributes {stable_mosaic.version = 14 : i64} {
  func.func @body(%arg0: memref<1280x128xf32, #tpu.memory_space<vmem>>, %arg1: memref<2x1280x128xf32, #tpu.memory_space<vmem>>, %arg2: memref<1280x128xf32, #tpu.memory_space<vmem>>, %arg3: memref<1280x128xf32, #tpu.memory_space<vmem>>) attributes {dimension_semantics = [], scalar_prefetch = 0 : i64, scratch_operands = 0 : i64, tpu.core_type = #tpu.core_type<tc>} {
    %get3A = arith.constant 0 : index
    %get3A_0 = arith.constant 0 : index
    %get3A_1 = arith.constant 0 : index
    %get3A_2 = vector.load %arg1[%get3A, %get3A_0, %get3A_1] : memref<2x1280x128xf32, #tpu.memory_space<vmem>>, vector<1x1280x128xf32>
    %get3A_3 = vector.shape_cast %get3A_2 : vector<1x1280x128xf32> to vector<1280x128xf32>
    %get3A_4 = arith.constant 1 : index
    %get3A_5 = arith.constant 0 : index
    %get3A_6 = arith.constant 0 : index
    %get3A_7 = vector.load %arg1[%get3A_4, %get3A_5, %get3A_6] : memref<2x1280x128xf32, #tpu.memory_space<vmem>>, vector<1x1280x128xf32>
    %get3A_8 = vector.shape_cast %get3A_7 : vector<1x1280x128xf32> to vector<1280x128xf32>
    %add3A = arith.addf %get3A_3, %get3A_8 : vector<1280x128xf32>
    %add3A_9 = arith.constant 1.000000e+00 : f32
    %add3A_10 = vector.broadcast %add3A_9 : f32 to vector<1280x128xf32>
    %add3A_11 = arith.addf %add3A, %add3A_10 : vector<1280x128xf32>
    %rsqrt3A = math.rsqrt %add3A_11 : vector<1280x128xf32>
    %swap3A = arith.constant 0 : index
    %swap3A_12 = arith.constant 0 : index
    %swap3A_13 = vector.load %arg3[%swap3A, %swap3A_12] : memref<1280x128xf32, #tpu.memory_space<vmem>>, vector<1280x128xf32>
    tpu.vector_store %arg3[%swap3A, %swap3A_12], %rsqrt3A {strides = array<i32>} : memref<1280x128xf32, #tpu.memory_space<vmem>>, vector<1280x128xf32>,
    %get3A_14 = arith.constant 0 : index
    %get3A_15 = arith.constant 0 : index
    %get3A_16 = vector.load %arg0[%get3A_14, %get3A_15] : memref<1280x128xf32, #tpu.memory_space<vmem>>, vector<1280x128xf32>
    %mul3A = arith.mulf %get3A_16, %rsqrt3A : vector<1280x128xf32>
    %swap3A_17 = arith.constant 0 : index
    %swap3A_18 = arith.constant 0 : index
    %swap3A_19 = vector.load %arg2[%swap3A_17, %swap3A_18] : memref<1280x128xf32, #tpu.memory_space<vmem>>, vector<1280x128xf32>
    tpu.vector_store %arg2[%swap3A_17, %swap3A_18], %mul3A {strides = array<i32>} : memref<1280x128xf32, #tpu.memory_space<vmem>>, vector<1280x128xf32>,
    return
  }
}

module attributes {stable_mosaic.version = 14 : i64} {
  func.func @body(%arg0: memref<2x1280x128xf32, #tpu.memory_space<vmem>>, %arg1: memref<1280x128xf32, #tpu.memory_space<vmem>>, %arg2: memref<1280x128xf32, #tpu.memory_space<vmem>>, %arg3: memref<1x128xf32, #tpu.memory_space<vmem>>, %arg4: memref<128x128xf32, #tpu.memory_space<vmem>>, %arg5: memref<1280x128xf32, #tpu.memory_space<vmem>>) attributes {dimension_semantics = [], scalar_prefetch = 0 : i64, scratch_operands = 0 : i64, tpu.core_type = #tpu.core_type<tc>} {
    %get3A = arith.constant 0 : index
    %get3A_0 = arith.constant 0 : index
    %get3A_1 = arith.constant 0 : index
    %get3A_2 = vector.load %arg0[%get3A, %get3A_0, %get3A_1] : memref<2x1280x128xf32, #tpu.memory_space<vmem>>, vector<1x1280x128xf32>
    %get3A_3 = vector.shape_cast %get3A_2 : vector<1x1280x128xf32> to vector<1280x128xf32>
    %get3A_4 = arith.constant 1 : index
    %get3A_5 = arith.constant 0 : index
    %get3A_6 = arith.constant 0 : index
    %get3A_7 = vector.load %arg0[%get3A_4, %get3A_5, %get3A_6] : memref<2x1280x128xf32, #tpu.memory_space<vmem>>, vector<1x1280x128xf32>
    %get3A_8 = vector.shape_cast %get3A_7 : vector<1x1280x128xf32> to vector<1280x128xf32>
    %add3A = arith.addf %get3A_3, %get3A_8 : vector<1280x128xf32>
    %get3A_9 = arith.constant 0 : index
    %get3A_10 = arith.constant 0 : index
    %get3A_11 = vector.load %arg2[%get3A_9, %get3A_10] : memref<1280x128xf32, #tpu.memory_space<vmem>>, vector<1280x128xf32>
    %get3A_12 = arith.constant 0 : index
    %get3A_13 = arith.constant 0 : index
    %get3A_14 = vector.load %arg1[%get3A_12, %get3A_13] : memref<1280x128xf32, #tpu.memory_space<vmem>>, vector<1280x128xf32>
    %add3A_15 = arith.addf %add3A, %get3A_14 : vector<1280x128xf32>
    %mul3A = arith.mulf %get3A_11, %add3A_15 : vector<1280x128xf32>
    %get3A_16 = arith.constant 0 : index
    %get3A_17 = arith.constant 0 : index
    %get3A_18 = vector.load %arg3[%get3A_16, %get3A_17] : memref<1x128xf32, #tpu.memory_space<vmem>>, vector<1x128xf32>
    %add3A_19 = vector.broadcast %get3A_18 : vector<1x128xf32> to vector<1280x128xf32>
    %add3A_20 = arith.addf %mul3A, %add3A_19 : vector<1280x128xf32>
    %max3A = arith.constant 0.000000e+00 : f32
    %max3A_21 = vector.broadcast %max3A : f32 to vector<1280x128xf32>
    %max3A_22 = arith.maximumf %add3A_20, %max3A_21 : vector<1280x128xf32>
    %get3A_23 = arith.constant 0 : index
    %get3A_24 = arith.constant 0 : index
    %get3A_25 = vector.load %arg4[%get3A_23, %get3A_24] : memref<128x128xf32, #tpu.memory_space<vmem>>, vector<128x128xf32>
    %dot_general3A = arith.constant dense<0.000000e+00> : vector<1280x128xf32>
    %dot_general3A_26 = tpu.matmul %max3A_22, %get3A_25, %dot_general3A {dimension_numbers = #tpu.dot_dimension_numbers<[1], [0], [0], [1], [0, 0, 1, 1], [], []>, transpose_lhs_hint = false} : vector<1280x128xf32>, vector<128x128xf32>, vector<1280x128xf32> -> vector<1280x128xf32>
    %get3A_27 = arith.constant 0 : index
    %get3A_28 = arith.constant 0 : index
    %get3A_29 = vector.load %arg2[%get3A_27, %get3A_28] : memref<1280x128xf32, #tpu.memory_space<vmem>>, vector<1280x128xf32>
    %mul3A_30 = arith.mulf %dot_general3A_26, %get3A_29 : vector<1280x128xf32>
    %swap3A = arith.constant 0 : index
    %swap3A_31 = arith.constant 0 : index
    %swap3A_32 = vector.load %arg5[%swap3A, %swap3A_31] : memref<1280x128xf32, #tpu.memory_space<vmem>>, vector<1280x128xf32>
    tpu.vector_store %arg5[%swap3A, %swap3A_31], %mul3A_30 {strides = array<i32>} : memref<1280x128xf32, #tpu.memory_space<vmem>>, vector<1280x128xf32>,
    return
  }
}

module attributes {stable_mosaic.version = 14 : i64} {
  func.func @body(%arg0: memref<2x1280x128xf32, #tpu.memory_space<vmem>>, %arg1: memref<1280x128xf32, #tpu.memory_space<vmem>>, %arg2: memref<1280x128xf32, #tpu.memory_space<vmem>>, %arg3: memref<1x16xf32, #tpu.memory_space<vmem>>, %arg4: memref<128x16xf32, #tpu.memory_space<vmem>>, %arg5: memref<16x16xf32, #tpu.memory_space<vmem>>, %arg6: memref<16x16xf32, #tpu.memory_space<vmem>>, %arg7: memref<1250x16xf32, #tpu.memory_space<vmem>>) attributes {dimension_semantics = [], scalar_prefetch = 0 : i64, scratch_operands = 0 : i64, tpu.core_type = #tpu.core_type<tc>} {
    %get3A = arith.constant 0 : index
    %get3A_0 = arith.constant 0 : index
    %get3A_1 = vector.load %arg2[%get3A, %get3A_0] : memref<1280x128xf32, #tpu.memory_space<vmem>>, vector<1250x128xf32>
    %get3A_2 = arith.constant 0 : index
    %get3A_3 = arith.constant 0 : index
    %get3A_4 = arith.constant 0 : index
    %get3A_5 = vector.load %arg0[%get3A_2, %get3A_3, %get3A_4] : memref<2x1280x128xf32, #tpu.memory_space<vmem>>, vector<1x1250x128xf32>
    %get3A_6 = vector.shape_cast %get3A_5 : vector<1x1250x128xf32> to vector<1250x128xf32>
    %get3A_7 = arith.constant 1 : index
    %get3A_8 = arith.constant 0 : index
    %get3A_9 = arith.constant 0 : index
    %get3A_10 = vector.load %arg0[%get3A_7, %get3A_8, %get3A_9] : memref<2x1280x128xf32, #tpu.memory_space<vmem>>, vector<1x1250x128xf32>
    %get3A_11 = vector.shape_cast %get3A_10 : vector<1x1250x128xf32> to vector<1250x128xf32>
    %add3A = arith.addf %get3A_6, %get3A_11 : vector<1250x128xf32>
    %get3A_12 = arith.constant 0 : index
    %get3A_13 = arith.constant 0 : index
    %get3A_14 = vector.load %arg1[%get3A_12, %get3A_13] : memref<1280x128xf32, #tpu.memory_space<vmem>>, vector<1250x128xf32>
    %add3A_15 = arith.addf %add3A, %get3A_14 : vector<1250x128xf32>
    %mul3A = arith.mulf %get3A_1, %add3A_15 : vector<1250x128xf32>
    %get3A_16 = arith.constant 0 : index
    %get3A_17 = arith.constant 0 : index
    %get3A_18 = vector.load %arg4[%get3A_16, %get3A_17] : memref<128x16xf32, #tpu.memory_space<vmem>>, vector<128x16xf32>
    %dot_general3A = arith.constant dense<0.000000e+00> : vector<1250x16xf32>
    %dot_general3A_19 = tpu.matmul %mul3A, %get3A_18, %dot_general3A {dimension_numbers = #tpu.dot_dimension_numbers<[1], [0], [0], [1], [0, 0, 1, 1], [], []>, transpose_lhs_hint = false} : vector<1250x128xf32>, vector<128x16xf32>, vector<1250x16xf32> -> vector<1250x16xf32>
    %get3A_20 = arith.constant 0 : index
    %get3A_21 = arith.constant 0 : index
    %get3A_22 = vector.load %arg3[%get3A_20, %get3A_21] : memref<1x16xf32, #tpu.memory_space<vmem>>, vector<1x16xf32>
    %add3A_23 = vector.broadcast %get3A_22 : vector<1x16xf32> to vector<1250x16xf32>
    %add3A_24 = arith.addf %dot_general3A_19, %add3A_23 : vector<1250x16xf32>
    %get3A_25 = arith.constant 0 : index
    %get3A_26 = arith.constant 0 : index
    %get3A_27 = vector.load %arg5[%get3A_25, %get3A_26] : memref<16x16xf32, #tpu.memory_space<vmem>>, vector<16x16xf32>
    %dot_general3A_28 = arith.constant dense<0.000000e+00> : vector<1250x16xf32>
    %dot_general3A_29 = tpu.matmul %add3A_24, %get3A_27, %dot_general3A_28 {dimension_numbers = #tpu.dot_dimension_numbers<[1], [0], [0], [1], [0, 0, 1, 1], [], []>, transpose_lhs_hint = false} : vector<1250x16xf32>, vector<16x16xf32>, vector<1250x16xf32> -> vector<1250x16xf32>
    %max3A = arith.maximumf %add3A_24, %dot_general3A_29 : vector<1250x16xf32>
    %sub3A = arith.subf %add3A_24, %max3A : vector<1250x16xf32>
    %exp3A = math.exp %sub3A : vector<1250x16xf32>
    %get3A_30 = arith.constant 0 : index
    %get3A_31 = arith.constant 0 : index
    %get3A_32 = vector.load %arg6[%get3A_30, %get3A_31] : memref<16x16xf32, #tpu.memory_space<vmem>>, vector<16x16xf32>
    %dot_general3A_33 = arith.constant dense<0.000000e+00> : vector<1250x16xf32>
    %dot_general3A_34 = tpu.matmul %exp3A, %get3A_32, %dot_general3A_33 {dimension_numbers = #tpu.dot_dimension_numbers<[1], [0], [0], [1], [0, 0, 1, 1], [], []>, transpose_lhs_hint = false} : vector<1250x16xf32>, vector<16x16xf32>, vector<1250x16xf32> -> vector<1250x16xf32>
    %log3A = math.log %dot_general3A_34 : vector<1250x16xf32>
    %sub3A_35 = arith.subf %sub3A, %log3A : vector<1250x16xf32>
    %swap3A = arith.constant 0 : index
    %swap3A_36 = arith.constant 0 : index
    %swap3A_37 = vector.load %arg7[%swap3A, %swap3A_36] : memref<1250x16xf32, #tpu.memory_space<vmem>>, vector<1250x16xf32>
    tpu.vector_store %arg7[%swap3A, %swap3A_36], %sub3A_35 {strides = array<i32>} : memref<1250x16xf32, #tpu.memory_space<vmem>>, vector<1250x16xf32>,
    return
  }
}

</mosaic_0001>

<sc_bundles>
// kernel: kernel.11.cloned.1.call-start
scs
__scs_entry_jumppad:
0x0: {  	(pc) =	sbr.rel $0x88, $3  }
0x1: {  	(tag) =	ssettag $0x0;
	lr =	simm.s32 $0x1  }
0x2: {  	[smem:$0x3F99] =	sst lr;
	_ =	strace $0xD0000000  }
0x3: {  	_ = 	snop  }
0x4: {  	_ = 	snop  }
0x5: {  	_ = 	snop  }
0x6: {  	_ = 	snop  }
0x7: {  	_ = 	snop  }
__scs_overlays_trampoline_lowered:
0x8: {  	[smem:$0x3FA8] =	sst s0  }
0x9: {  	[smem:$0x3FA9] =	sst s1  }
0xa: {  	[smem:$0x3FAA] =	sst s2  }
0xb: {  	[smem:$0x3FAB] =	sst s3  }
0xc: {  	[smem:$0x3FAC] =	sst s4  }
0xd: {  	[smem:$0x3FAD] =	sst s5  }
0xe: {  	[smem:$0x3FAE] =	sst s6  }
0xf: {  	[smem:$0x3FAF] =	sst s7  }
0x10: {  	[smem:$0x3FB0] =	sst s8  }
0x11: {  	[smem:$0x3FB1] =	sst s9;
	s0 =	simm.s32 @!p0 $0x0  }
0x12: {  	s1 =	sld [smem:$0x3F97];
	s0 =	simm.s32 @p0 $0x1  }
0x13: {  	[smem:$0x3FB2] =	sst s0;
	s0 =	simm.s32 @!p1 $0x0  }
0x14: {  	s2 =	sld [smem:$0x3F96];
	s0 =	simm.s32 @p1 $0x1  }
0x15: {  	[smem:$0x3FB3] =	sst s0;
	s0 =	simm.s32 @!p2 $0x0  }
0x16: {  	s3 =	sld [smem:$0x3FDB];
	s0 =	simm.s32 @p2 $0x1  }
0x17: {  	s4 =	simm.s32 $0x1BF5;
	[smem:$0x3FB5] =	sst s0  }
0x18: {  	s0 =	sld [smem:$0x3F98];
	_ =	swait.ge [sflag:s4], $0x0  }
0x19: {  	s7 =	sld [smem:$0x3F99]  }
0x1a: {  	s8 =	sadd.s32 $0xFFFFE003, lr  }
0x1b: {  	s9 =	sadd.s32 $0xFFFFFEF7, lr;
	s5 =	simm.s32 $0xFFFFFFFF;
	p2 =	slt.u32 s8, $0xFFFFF086  }
0x1c: {  	p1 =	slt.u32 s9, $0xF7A;
	s5 =	simm.s32 @!p2 $0x0  }
0x1d: {  	s5 =	simm.s32 @p1 $0x1;
	p0 =	seq.s32 s7, s2  }
0x1e: {  	s7 =	smul.u32 @!p0 $0xF7A, s2;
	p2 =	seq.s32 @!p0 s5, $0x0  }
0x1f: {  	s9 =	smul.u32 $0xF7A, s1;
	s8 =	simm.s32 @!p0 $0x1BF5;
	p2 =	por !p2, p0  }
0x20: {  	[sflag:s8] =	ssyncset.s32 @!p0 $0xFFFFF086;
	s6 =	sadd.s32 @!p0 s3, s7;
	s7 =	simm.s32 @!p0 $0x108  }
0x21: {  	s3 =	sadd.s32 s3, s9;
	s6 =	sadd.s32 @!p0 $0x88, s6;
	s7 =	simm.s32 @p2 $0x1082  }
0x22: {  	[simem:s7], [sflag:s8] =	dma.local @!p0 [hbm:s6], $0xF7A  }
0x23: {  	s9 =	sor.u32 $0xD0000000, s2;
	s6 =	simm.s32 $0x108;
	_ =	swait.ge @!p0 [sflag:s8], $0x0  }
0x24: {  	s3 =	sadd.s32 $0x88, s3;
	s6 =	simm.s32 @!p1 $0x1082;
	[sflag:s4] =	ssyncset.s32 $0xFFFFF086  }
0x25: {  	[simem:s6], [sflag:s4] =	dma.local [hbm:s3], $0xF7A  }
0x26: {  	[smem:$0x3F99] =	sst s1;
	(tag) =	ssettag s2;
	_ =	strace s9  }
0x27: {  	s1 =	sld [smem:$0x3FA9]  }
0x28: {  	s2 =	sld [smem:$0x3FAA]  }
0x29: {  	s4 =	sld [smem:$0x3FAC]  }
0x2a: {  	p0 =	seq.s32 s5, $0x0;
	s5 =	sld [smem:$0x3FAD]  }
0x2b: {  	s6 =	sld [smem:$0x3FAE]  }
0x2c: {  	s7 =	sld [smem:$0x3FAF]  }
0x2d: {  	s3 =	simm.s32 $0x108;
	s8 =	sld [smem:$0x3FB0]  }
0x2e: {  	s3 =	simm.s32 @!p0 $0x1082;
	s9 =	sld [smem:$0x3FB1]  }
0x2f: {  	lr =	sadd.s32 s0, s3;
	s0 =	sld [smem:$0x3FA8]  }
0x30: {  	s3 =	sld [smem:$0x3FAB]  }
0x31: {  	[smem:$0x3FB4] =	sst s10  }
0x32: {  	s10 =	sld [smem:$0x3FB2];
	_ =	sdelay $0x3  }
0x33: {  	p0 =	seq.s32 s10, $0x1;
	s10 =	sld [smem:$0x3FB4];
	_ =	sdelay $0x3  }
0x34: {  	[smem:$0x3FB4] =	sst s10  }
0x35: {  	s10 =	sld [smem:$0x3FB3];
	_ =	sdelay $0x3  }
0x36: {  	p1 =	seq.s32 s10, $0x1;
	s10 =	sld [smem:$0x3FB4];
	_ =	sdelay $0x3  }
0x37: {  	[smem:$0x3FB4] =	sst s10  }
0x38: {  	s10 =	sld [smem:$0x3FB5]  }
0x39: {  	_ = 	snop;
	(pc) =	sbr.ind lr, $3  }
0x3a: {  	_ = 	snop  }
0x3b: {  	_ = 	snop  }
0x3c: {  	p2 =	seq.s32 s10, $0x1;
	s10 =	sld [smem:$0x3FB4]  }
0x3d: {  	_ =	shalt  }
0x3e: {  	_ =	shalt  }
0x3f: {  	_ =	shalt  }
0x40: {  	_ =	shalt  }
0x41: {  	_ =	shalt  }
0x42: {  	_ =	shalt  }
0x43: {  	_ =	shalt  }
0x44: {  	_ =	shalt  }
0x45: {  	_ =	shalt  }
0x46: {  	_ =	shalt  }
0x47: {  	_ =	shalt  }
0x48: {  	_ =	shalt  }
0x49: {  	_ =	shalt  }
0x4a: {  	_ =	shalt  }
0x4b: {  	_ =	shalt  }
0x4c: {  	_ =	shalt  }
0x4d: {  	_ =	shalt  }
0x4e: {  	_ =	shalt  }
0x4f: {  	_ =	shalt  }
0x50: {  	_ =	shalt  }
0x51: {  	_ =	shalt  }
0x52: {  	_ =	shalt  }
0x53: {  	_ =	shalt  }
0x54: {  	_ =	shalt  }
0x55: {  	_ =	shalt  }
0x56: {  	_ =	shalt  }
0x57: {  	_ =	shalt  }
0x58: {  	_ =	shalt  }
0x59: {  	_ =	shalt  }
0x5a: {  	_ =	shalt  }
0x5b: {  	_ =	shalt  }
0x5c: {  	_ =	shalt  }
0x5d: {  	_ =	shalt  }
0x5e: {  	_ =	shalt  }
0x5f: {  	_ =	shalt  }
0x60: {  	_ =	shalt  }
0x61: {  	_ =	shalt  }
0x62: {  	_ =	shalt  }
0x63: {  	_ =	shalt  }
0x64: {  	_ =	shalt  }
0x65: {  	_ =	shalt  }
0x66: {  	_ =	shalt  }
0x67: {  	_ =	shalt  }
0x68: {  	_ =	shalt  }
0x69: {  	_ =	shalt  }
0x6a: {  	_ =	shalt  }
0x6b: {  	_ =	shalt  }
0x6c: {  	_ =	shalt  }
0x6d: {  	_ =	shalt  }
0x6e: {  	_ =	shalt  }
0x6f: {  	_ =	shalt  }
0x70: {  	_ =	shalt  }
0x71: {  	_ =	shalt  }
0x72: {  	_ =	shalt  }
0x73: {  	_ =	shalt  }
0x74: {  	_ =	shalt  }
0x75: {  	_ =	shalt  }
0x76: {  	_ =	shalt  }
0x77: {  	_ =	shalt  }
0x78: {  	_ =	shalt  }
0x79: {  	_ =	shalt  }
0x7a: {  	_ =	shalt  }
0x7b: {  	_ =	shalt  }
0x7c: {  	_ =	shalt  }
0x7d: {  	_ =	shalt  }
0x7e: {  	_ =	shalt  }
0x7f: {  	_ =	shalt  }
0x80: {  	_ =	shalt  }
0x81: {  	_ =	shalt  }
0x82: {  	_ =	shalt  }
0x83: {  	_ =	shalt  }
0x84: {  	_ =	shalt  }
0x85: {  	_ =	shalt  }
0x86: {  	_ =	shalt  }
0x87: {  	_ =	shalt  }
.Lfunc_end0:
.L_simem_size_0:
called_computation_lowered:
.L_overlay_start_0:
0x88: {  	s2 =	sld [smem:$0x3FD9]  }
0x89: {  	s3 =	sld [smem:$0x3FFE];
	_ =	sdelay $0x1  }
0x8a: {  	s1 =	srdreg.scid  }
0x8b: {  	s0 =	sand.u32 $0x1, s1  }
0x8c: {  	s16 =	sshll.u32 s0, $0xA;
	s2 =	sadd.s32 s3, s2  }
0x8d: {  	s2 =	sadd.s32 s2, s16  }
0x8e: {  	[smem:$0x3FC0] =	sst s2  }
0x8f: {  	_ = 	snop  }
0x90: {  	(tm) =	ssettm $0x1  }
0x91: {  	s17 =	sld [smem:$0x3FFB];
	_ =	sdelay $0x3  }
0x92: {  	_ =	strace s17  }
0x93: {  	s2 =	sld [smem:$0x3FFC];
	_ =	sdelay $0x3  }
0x94: {  	_ =	strace s2  }
0x95: {  	s2 =	sld [smem:$0x3FFD];
	_ =	sdelay $0x3  }
0x96: {  	_ =	strace s2  }
0x97: {  	_ =	strace $0x8FFFFFFF  }
0x98: {  	s18 =	sld [smem:$0x3FDB];
	_ =	sdelay $0x1  }
0x99: {  	s19 =	simm.s32 $_scs_section_size  }
0x9a: {  	s4 =	simm.s32 $_size__tile_overlayer_lowered;
	s5 =	simm.s32 $_tile_overlayer_lowered  }
0x9b: {  	s22 =	simm.s32 $0x1BFF;
	s21 =	sshll.u32 s5, $0x1;
	s2 =	sadd.s32 s19, s18  }
0x9c: {  	s6 =	simm.s32 $0x0;
	s20 =	sshll.u32 s4, $0x1;
	s4 =	sadd.s32 s21, s2  }
0x9d: {  	[timem:s6], [sflag:s22] =	dma.local [hbm:s4], s20  }
0x9e: {  	_ =	swait.ge [sflag:s22], s20  }
0x9f: {  	s3 =	ssub.s32 $0x0, s20;
	[sflag:s22] =	ssyncset.done $0x0  }
0xa0: {  	[sflag:s22] =	ssyncadd.s32 s3;
	_ =	sdelay $0x1  }
0xa1: {  	s23 =	simm.s32 $0x1B8B  }
0xa2: {  	_ =	swait.ge [sflag:s23], $0x1  }
0xa3: {  	[sflag:s23] =	ssyncset.done $0x0  }
0xa4: {  	s25 =	simm.s32 $0x1B8E;
	s24 =	sld [smem:$0x3FFE];
	[sflag:s23] =	ssyncadd.s32 $0xFFFFFFFF  }
0xa5: {  	s26 =	simm.s32 $execute0_lowered;
	[smem:$0x3FD2] =	sst s25  }
0xa6: {  	s4 =	sshll.u32 s26, $0x1;
	_ =	strace $0x80000046;
	[dreg:$0x1] =	wrdreg $0xFFFFFFFF  }
0xa7: {  	s28 =	simm.s32 $_size_execute0_lowered;
	s2 =	sadd.s32 s2, s4;
	[dreg:$0x0] =	wrdreg $0x0  }
0xa8: {  	s4 =	sshll.u32 s28, $0x1;
	[dreg:$0x2] =	wrdreg s2  }
0xa9: {  	[dreg:$0x3] =	wrdreg s4  }
0xaa: {  	[dreg:$0x4] =	wrdreg $0xC0  }
0xab: {  	_ =	task [dreg:s6], $0x5FFFF  }
0xac: {  	[dreg:$0x1] =	wrdreg $0xFFFFFFFF  }
0xad: {  	[dreg:$0x0] =	wrdreg $0x60  }
0xae: {  	[dreg:$0x2] =	wrdreg s24  }
0xaf: {  	[dreg:$0x3] =	wrdreg $0x30000  }
0xb0: {  	[dreg:$0x4] =	wrdreg $0x9  }
0xb1: {  	_ =	task.clear_ibuf [dreg:s6], $0x5FFFF;
	_ =	strace $0x90000046  }
0xb2: {  	s29 =	simm.s32 $0x9;
	_ =	strace $0x80000048  }
0xb3: {  	_ =	swait.ge [sflag:s29], $0x1  }
0xb4: {  	[sflag:s29] =	ssyncadd.s32 $0xFFFFFFFF  }
0xb5: {  	_ =	strace $0x90000048  }
0xb6: {  	_ =	sfence  }
0xb7: {  	s30 =	sld [smem:$0x0];
	_ =	sdelay $0x2  }
0xb8: {  	s31 =	sshll.u32 s1, $0xD;
	s1 =	sshrl.u32 s1, $0x2  }
0xb9: {  	s3 =	sand.u32 $0x4000, s31;
	s1 =	sadd.s32 s1, s30  }
0xba: {  	s0 =	sor.u32 s3, s0;
	s1 =	sshll.u32 s1, $0x11  }
0xbb: {  	s0 =	sor.u32 s1, s0  }
0xbc: {  	s0 =	sadd.s32 $0x8F2B, s0  }
0xbd: {  	[sflag:s0] =	ssyncadd.remote.s32 $0x1  }
0xbe: {  	_ =	sfence.sel $0xFFFF  }
0xbf: {  	[dreg:$0x0] =	wrdreg $0xFFFFFFFF;
	(pc) =	sbr.abs _section_cstart, $3  }
0xc0: {  	[dreg:$0x1] =	wrdreg $0xFFFFFFFF  }
0xc1: {  	_ =	task.clear_ibuf [dreg:s6], $0x2FFFF;
	_ =	strace $0x9FFFFFFF  }
0xc2: {  	(tm) =	ssettm $0x7FFFFFFF  }
0xc3: {  	_ =	shalt  }
tec
execute0_lowered:
.L_overlay_start_1:
0x0: {  	(tag) =	ssettag $0x1  }
0x1: {  	s5 =	rddreg [dreg:$0x0]  }
0x2: {  	s0 =	srdreg.scid;
	s2 =	rddreg [dreg:$0x1]  }
0x3: {  	s3 =	simm.s32 $0x0;
	s13 =	simm.s32 $0x2800;
	s14 =	simm.s32 $0x100  }
0x4: {  	s15 =	simm.s32 $0x180;
	s16 =	simm.s32 $0x200;
	s17 =	simm.s32 $0x280  }
0x5: {  	s18 =	simm.s32 $0x300;
	s19 =	simm.s32 $0x380;
	s20 =	simm.s32 $0x1  }
0x6: {  	s21 =	simm.s32 $0x2;
	s22 =	simm.s32 $0x3;
	s23 =	simm.s32 $0x4  }
0x7: {  	s24 =	simm.s32 $0x5;
	s25 =	simm.s32 $0x6;
	s28 =	simm.s32 $0x8  }
0x8: {  	s29 =	simm.s32 $0xA;
	s4 =	sand.u32 $0x1, s0;
	s0 =	stileid.u32  }
0x9: {  	[smem:$0x7FF] =	sst s3;
	s1 =	sshll.u32 s4, $0x4;
	s7 =	smul.u32 $0x2800, s0  }
0xa: {  	s8 =	smul.u32 $0x28000, s4;
	s4 =	ssub.s32 $0x2, s4;
	s1 =	sor.u32 s0, s1  }
0xb: {  	_ =	strace $0x80000047;
	s31 =	sshrl.u32 s4, $0x1;
	s6 =	smul.u32 $0x500, s1  }
0xc: {  	s26 =	sadd.s32 s7, s8;
	s30 =	sshrl.u32 s7, $0x3;
	s11 =	ssub.s32 s4, s31  }
0xd: {  	s12 =	sadd.s32 s7, s2;
	s4 =	sshll.u32 s0, $0x6;
	s8 =	sadd.s32 s30, s5  }
0xe: {  	s9 =	sadd.s32 s6, s5;
	s6 =	sshrl.u32 s26, $0x3;
	s26 =	simm.s32 $0x7  }
0xf: {  	s10 =	sadd.s32 s6, s5;
	s5 =	sadd.s32 $0xE200, s8;
	s6 =	sor.u32 $0x1C09, s4  }
0x10: {  	s7 =	sadd.s32 $0x4200, s9;
	s9 =	smax.u32 s11, $0x1;
	s11 =	simm.s32 $0x9  }
0x11: {  	v0 =	vimm.f32 $1.000000000e+00;
	s8 =	sadd.s32 $0x13200, s10;
	s10 =	sshrl.u32 s12, $0x3;
	s12 =	simm.s32 $0x80  }
.LBB2_1:
0x12: {  	s30 =	simm.s32 $0x40;
	s31 =	simm.s32 $0x0  }
.LBB2_2:
0x13: {  	p0 =	sne.s32 s30, $0x1FC0;
	[tilespmem:s31+$0x2800] =	vst v0;
	s31 =	smov.u32 s30;
	s30 =	sadd.s32 $0x40, s30  }
.Ltmp0:
0x14: {  	(pc) =	sbr.rel @p0 .LBB2_2-.Ltmp0, $2  }
0x15: {  	_ =	sdelay $0x2  }
0x16: {  	s31 =	sshra.s32 s31, $0x2  }
0x17: {  	[tilespmem:s31+$0x2800] =	vst v0;
	s30 =	simm.s32 $0x0  }
0x18: {  	[spmem:s10], [sflag:s6] =	dma.local [hbm:s5], $0x500  }
0x19: {  	[tilespmem:s30], [sflag:$0x9] =	stream.linear.gather [hbm4b:s7+s30], $0x2800, $0x38;
	[tilespmem:$0x5800] =	vst v63  }
0x1a: {  	_ =	swait.ge [sflag:s11], $0x500  }
0x1b: {  	[sflag:s11] =	ssyncset.done $0x0  }
0x1c: {  	[sflag:s11] =	ssyncadd.s32 $0xFFFFFB00  }
0x1d: {  	_ =	swait.ge [sflag:s11], $0x2800  }
0x1e: {  	[sflag:s11] =	ssyncset.done $0x0  }
0x1f: {  	[sflag:s11] =	ssyncadd.s32 $0xFFFFD800  }
0x20: {  	[bflag:$0x0] =	sbarrier.arrive $0xFFFF  }
0x21: {  	[spmem:s2] =	stream.indirect.scatter.add.f32 [tilespmem:s13], [sflag:$0x1], $0x10, s30, s12, $0xb8;
	[tilespmem:$0x5800] =	vst v63  }
0x22: {  	_ = 	snop  }
0x23: {  	[spmem:s2] =	stream.indirect.scatter.add.f32 [tilespmem:s13], [sflag:$0x2], $0x10, s12, s12, $0xb8;
	[tilespmem:$0x5800] =	vst v63  }
0x24: {  	_ = 	snop  }
0x25: {  	[spmem:s2] =	stream.indirect.scatter.add.f32 [tilespmem:s13], [sflag:$0x3], $0x10, s14, s12, $0xb8;
	[tilespmem:$0x5800] =	vst v63  }
0x26: {  	_ = 	snop  }
0x27: {  	[spmem:s2] =	stream.indirect.scatter.add.f32 [tilespmem:s13], [sflag:$0x4], $0x10, s15, s12, $0xb8;
	[tilespmem:$0x5800] =	vst v63  }
0x28: {  	_ = 	snop  }
0x29: {  	[spmem:s2] =	stream.indirect.scatter.add.f32 [tilespmem:s13], [sflag:$0x5], $0x10, s16, s12, $0xb8;
	[tilespmem:$0x5800] =	vst v63  }
0x2a: {  	_ = 	snop  }
0x2b: {  	[spmem:s2] =	stream.indirect.scatter.add.f32 [tilespmem:s13], [sflag:$0x6], $0x10, s17, s12, $0xb8;
	[tilespmem:$0x5800] =	vst v63  }
0x2c: {  	_ = 	snop  }
0x2d: {  	[spmem:s2] =	stream.indirect.scatter.add.f32 [tilespmem:s13], [sflag:$0x7], $0x10, s18, s12, $0xb8;
	[tilespmem:$0x5800] =	vst v63  }
0x2e: {  	_ = 	snop  }
0x2f: {  	[spmem:s2] =	stream.indirect.scatter.add.f32 [tilespmem:s13], [sflag:$0x8], $0x10, s19, s12, $0xb8;
	[tilespmem:$0x5800] =	vst v63  }
0x30: {  	_ =	swait.ge [sflag:s20], $0x800  }
0x31: {  	[sflag:s20] =	ssyncset.done $0x0  }
0x32: {  	s30 =	simm.s32 $0x400;
	[sflag:s20] =	ssyncadd.s32 $0xFFFFF800  }
0x33: {  	[spmem:s2] =	stream.indirect.scatter.add.f32 [tilespmem:s13], [sflag:$0x1], $0x10, s30, s12, $0xb8;
	[tilespmem:$0x5800] =	vst v63  }
0x34: {  	_ =	swait.ge [sflag:s21], $0x800  }
0x35: {  	[sflag:s21] =	ssyncset.done $0x0  }
0x36: {  	s30 =	simm.s32 $0x480;
	[sflag:s21] =	ssyncadd.s32 $0xFFFFF800  }
0x37: {  	[spmem:s2] =	stream.indirect.scatter.add.f32 [tilespmem:s13], [sflag:$0x2], $0x10, s30, s12, $0xb8;
	[tilespmem:$0x5800] =	vst v63  }
0x38: {  	_ =	swait.ge [sflag:s22], $0x800  }
0x39: {  	[sflag:s22] =	ssyncset.done $0x0  }
0x3a: {  	s30 =	simm.s32 $0x500;
	[sflag:s22] =	ssyncadd.s32 $0xFFFFF800  }
0x3b: {  	[spmem:s2] =	stream.indirect.scatter.add.f32 [tilespmem:s13], [sflag:$0x3], $0x10, s30, s12, $0xb8;
	[tilespmem:$0x5800] =	vst v63  }
0x3c: {  	_ =	swait.ge [sflag:s23], $0x800  }
0x3d: {  	[sflag:s23] =	ssyncset.done $0x0  }
0x3e: {  	s30 =	simm.s32 $0x580;
	[sflag:s23] =	ssyncadd.s32 $0xFFFFF800  }
0x3f: {  	[spmem:s2] =	stream.indirect.scatter.add.f32 [tilespmem:s13], [sflag:$0x4], $0x10, s30, s12, $0xb8;
	[tilespmem:$0x5800] =	vst v63  }
0x40: {  	_ =	swait.ge [sflag:s24], $0x800  }
0x41: {  	[sflag:s24] =	ssyncset.done $0x0  }
0x42: {  	s30 =	simm.s32 $0x600;
	[sflag:s24] =	ssyncadd.s32 $0xFFFFF800  }
0x43: {  	[spmem:s2] =	stream.indirect.scatter.add.f32 [tilespmem:s13], [sflag:$0x5], $0x10, s30, s12, $0xb8;
	[tilespmem:$0x5800] =	vst v63  }
0x44: {  	_ =	swait.ge [sflag:s25], $0x800  }
0x45: {  	[sflag:s25] =	ssyncset.done $0x0  }
0x46: {  	s30 =	simm.s32 $0x680;
	[sflag:s25] =	ssyncadd.s32 $0xFFFFF800  }
0x47: {  	[spmem:s2] =	stream.indirect.scatter.add.f32 [tilespmem:s13], [sflag:$0x6], $0x10, s30, s12, $0xb8;
	[tilespmem:$0x5800] =	vst v63  }
0x48: {  	_ =	swait.ge [sflag:s26], $0x800  }
0x49: {  	[sflag:s26] =	ssyncset.done $0x0  }
0x4a: {  	s30 =	simm.s32 $0x700;
	[sflag:s26] =	ssyncadd.s32 $0xFFFFF800  }
0x4b: {  	[spmem:s2] =	stream.indirect.scatter.add.f32 [tilespmem:s13], [sflag:$0x7], $0x10, s30, s12, $0xb8;
	[tilespmem:$0x5800] =	vst v63  }
0x4c: {  	_ =	swait.ge [sflag:s28], $0x800  }
0x4d: {  	[sflag:s28] =	ssyncset.done $0x0  }
0x4e: {  	s31 =	simm.s32 $0x780;
	s30 =	simm.s32 $0x1000;
	[sflag:s28] =	ssyncadd.s32 $0xFFFFF800  }
.LBB2_4:
0x4f: {  	[spmem:s2] =	stream.indirect.scatter.add.f32 [tilespmem:s13], [sflag:$0x8], $0x10, s31, s12, $0xb8;
	[tilespmem:$0x5800] =	vst v63  }
0x50: {  	s31 =	smov.u32 s30  }
0x51: {  	p0 =	sne.s32 s30, $0x8000;
	s30 =	sadd.s32 $0x1000, s30;
	_ =	swait.ge [sflag:s20], $0x800  }
0x52: {  	s31 =	sshra.s32 s31, $0x2;
	[sflag:s20] =	ssyncset.done $0x0  }
0x53: {  	s1 =	sadd.s32 $0x400, s31;
	[sflag:s20] =	ssyncadd.s32 $0xFFFFF800  }
0x54: {  	[spmem:s2] =	stream.indirect.scatter.add.f32 [tilespmem:s13], [sflag:$0x1], $0x10, s1, s12, $0xb8;
	[tilespmem:$0x5800] =	vst v63  }
0x55: {  	_ =	swait.ge [sflag:s21], $0x800  }
0x56: {  	[sflag:s21] =	ssyncset.done $0x0  }
0x57: {  	s1 =	sadd.s32 $0x480, s31;
	[sflag:s21] =	ssyncadd.s32 $0xFFFFF800  }
0x58: {  	[spmem:s2] =	stream.indirect.scatter.add.f32 [tilespmem:s13], [sflag:$0x2], $0x10, s1, s12, $0xb8;
	[tilespmem:$0x5800] =	vst v63  }
0x59: {  	_ =	swait.ge [sflag:s22], $0x800  }
0x5a: {  	[sflag:s22] =	ssyncset.done $0x0  }
0x5b: {  	s1 =	sadd.s32 $0x500, s31;
	[sflag:s22] =	ssyncadd.s32 $0xFFFFF800  }
0x5c: {  	[spmem:s2] =	stream.indirect.scatter.add.f32 [tilespmem:s13], [sflag:$0x3], $0x10, s1, s12, $0xb8;
	[tilespmem:$0x5800] =	vst v63  }
0x5d: {  	_ =	swait.ge [sflag:s23], $0x800  }
0x5e: {  	[sflag:s23] =	ssyncset.done $0x0  }
0x5f: {  	s1 =	sadd.s32 $0x580, s31;
	[sflag:s23] =	ssyncadd.s32 $0xFFFFF800  }
0x60: {  	[spmem:s2] =	stream.indirect.scatter.add.f32 [tilespmem:s13], [sflag:$0x4], $0x10, s1, s12, $0xb8;
	[tilespmem:$0x5800] =	vst v63  }
0x61: {  	_ =	swait.ge [sflag:s24], $0x800  }
0x62: {  	[sflag:s24] =	ssyncset.done $0x0  }
0x63: {  	s1 =	sadd.s32 $0x600, s31;
	[sflag:s24] =	ssyncadd.s32 $0xFFFFF800  }
0x64: {  	[spmem:s2] =	stream.indirect.scatter.add.f32 [tilespmem:s13], [sflag:$0x5], $0x10, s1, s12, $0xb8;
	[tilespmem:$0x5800] =	vst v63  }
0x65: {  	_ =	swait.ge [sflag:s25], $0x800  }
0x66: {  	[sflag:s25] =	ssyncset.done $0x0  }
0x67: {  	s1 =	sadd.s32 $0x680, s31;
	[sflag:s25] =	ssyncadd.s32 $0xFFFFF800  }
0x68: {  	[spmem:s2] =	stream.indirect.scatter.add.f32 [tilespmem:s13], [sflag:$0x6], $0x10, s1, s12, $0xb8;
	[tilespmem:$0x5800] =	vst v63  }
0x69: {  	_ =	swait.ge [sflag:s26], $0x800  }
0x6a: {  	[sflag:s26] =	ssyncset.done $0x0  }
.Ltmp1:
0x6b: {  	s1 =	sadd.s32 $0x700, s31;
	[sflag:s26] =	ssyncadd.s32 $0xFFFFF800;
	(pc) =	sbr.rel @p0 .LBB2_4-.Ltmp1, $4  }
0x6c: {  	[spmem:s2] =	stream.indirect.scatter.add.f32 [tilespmem:s13], [sflag:$0x7], $0x10, s1, s12, $0xb8;
	[tilespmem:$0x5800] =	vst v63  }
0x6d: {  	_ =	swait.ge [sflag:s28], $0x800  }
0x6e: {  	[sflag:s28] =	ssyncset.done $0x0  }
0x6f: {  	s31 =	sadd.s32 $0x780, s31;
	[sflag:s28] =	ssyncadd.s32 $0xFFFFF800  }
0x70: {  	[spmem:s2] =	stream.indirect.scatter.add.f32 [tilespmem:s13], [sflag:$0x8], $0x10, s31, s12, $0xb8;
	[tilespmem:$0x5800] =	vst v63  }
0x71: {  	_ =	swait.ge [sflag:s20], $0x800  }
0x72: {  	[sflag:s20] =	ssyncset.done $0x0  }
0x73: {  	[sflag:s20] =	ssyncadd.s32 $0xFFFFF800  }
0x74: {  	_ =	swait.ge [sflag:s21], $0x800  }
0x75: {  	[sflag:s21] =	ssyncset.done $0x0  }
0x76: {  	[sflag:s21] =	ssyncadd.s32 $0xFFFFF800  }
0x77: {  	_ =	swait.ge [sflag:s22], $0x800  }
0x78: {  	[sflag:s22] =	ssyncset.done $0x0  }
0x79: {  	[sflag:s22] =	ssyncadd.s32 $0xFFFFF800  }
0x7a: {  	_ =	swait.ge [sflag:s23], $0x800  }
0x7b: {  	[sflag:s23] =	ssyncset.done $0x0  }
0x7c: {  	[sflag:s23] =	ssyncadd.s32 $0xFFFFF800  }
0x7d: {  	_ =	swait.ge [sflag:s24], $0x800  }
0x7e: {  	[sflag:s24] =	ssyncset.done $0x0  }
0x7f: {  	[sflag:s24] =	ssyncadd.s32 $0xFFFFF800  }
0x80: {  	_ =	swait.ge [sflag:s25], $0x800  }
0x81: {  	[sflag:s25] =	ssyncset.done $0x0  }
0x82: {  	[sflag:s25] =	ssyncadd.s32 $0xFFFFF800  }
0x83: {  	_ =	swait.ge [sflag:s26], $0x800  }
0x84: {  	[sflag:s26] =	ssyncset.done $0x0  }
0x85: {  	[sflag:s26] =	ssyncadd.s32 $0xFFFFF800  }
0x86: {  	_ =	swait.ge [sflag:s28], $0x800  }
0x87: {  	s3 =	sadd.s32 $0x1, s3;
	[sflag:s28] =	ssyncset.done $0x0  }
0x88: {  	p0 =	sne.s32 s3, s9;
	[sflag:s28] =	ssyncadd.s32 $0xFFFFF800  }
.Ltmp2:
0x89: {  	s1 =	sor.u32 $0x1C0A, s4;
	[bflag:$0x0] =	sbarrier.arrive $0xFFFF;
	(pc) =	sbr.rel @p0 .LBB2_1-.Ltmp2, $4  }
0x8a: {  	[hbm:s8], [sflag:s1] =	dma.local [spmem:s10], $0x500  }
0x8b: {  	_ =	swait.ge [sflag:s29], $0x500  }
0x8c: {  	[sflag:s29] =	ssyncset.done $0x0  }
0x8d: {  	[sflag:s29] =	ssyncadd.s32 $0xFFFFFB00  }
0x8e: {  	_ =	sfence.sel $0x180000  }
0x8f: {  	[bflag:$0x0] =	sbarrier.arrive $0xFFFF  }
0x90: {  	_ =	strace $0x90000047  }
0x91: {  	[bflag:$0x2] =	sbarrier.arrive $0xFFFF  }
0x92: {  	p0 =	sne.s32 s0, $0x0;
	s0 =	rddreg [dreg:$0x2]  }
0x93: {  	s0 =	sadd.s32 @!p0 $0x100000, s0  }
0x94: {  	[sflag:s0] =	ssyncadd.tile.s32 @!p0 $0x1;
	_ =	shalt  }
.Lfunc_end2:
_tile_overlayer_lowered:
.L_overlay_start_2:
0x95: {  	(tag) =	ssettag $0x2  }
0x96: {  	s0 =	rddreg [dreg:$0x0];
	s2 =	stileid.u32  }
0x97: {  	s1 =	rddreg [dreg:$0x1];
	p0 =	sne.s32 s2, $0x0  }
0x98: {  	s3 =	rddreg [dreg:$0x2];
	[bflag:$0x3] =	sbarrier.arrive $0xFFFF;
	s2 =	simm.s32 @!p0 $0x1C0A  }
0x99: {  	[timem:s3], [sflag:s2] =	dma.local @!p0 [hbm:s0], s1  }
0x9a: {  	s0 =	simm.s32 @!p0 $0xA  }
0x9b: {  	_ =	swait.ge @!p0 [sflag:s0], s1  }
0x9c: {  	s1 =	ssub.s32 @!p0 $0x0, s1;
	[sflag:s0] =	ssyncset.done @!p0 $0x0  }
0x9d: {  	[sflag:s0] =	ssyncadd.s32 @!p0 s1  }
0x9e: {  	[bflag:$0x3] =	sbarrier.arrive $0xFFFF  }
0x9f: {  	_ =	shalt  }

// kernel: kernel.14.cloned.1.call-start
scs
__scs_entry_jumppad:
0x0: {  	(pc) =	sbr.rel $0x88, $3  }
0x1: {  	(tag) =	ssettag $0x0;
	lr =	simm.s32 $0x1  }
0x2: {  	[smem:$0x3F99] =	sst lr;
	_ =	strace $0xD0000000  }
0x3: {  	_ = 	snop  }
0x4: {  	_ = 	snop  }
0x5: {  	_ = 	snop  }
0x6: {  	_ = 	snop  }
0x7: {  	_ = 	snop  }
__scs_overlays_trampoline_lowered:
0x8: {  	[smem:$0x3FA8] =	sst s0  }
0x9: {  	[smem:$0x3FA9] =	sst s1  }
0xa: {  	[smem:$0x3FAA] =	sst s2  }
0xb: {  	[smem:$0x3FAB] =	sst s3  }
0xc: {  	[smem:$0x3FAC] =	sst s4  }
0xd: {  	[smem:$0x3FAD] =	sst s5  }
0xe: {  	[smem:$0x3FAE] =	sst s6  }
0xf: {  	[smem:$0x3FAF] =	sst s7  }
0x10: {  	[smem:$0x3FB0] =	sst s8  }
0x11: {  	[smem:$0x3FB1] =	sst s9;
	s0 =	simm.s32 @!p0 $0x0  }
0x12: {  	s1 =	sld [smem:$0x3F97];
	s0 =	simm.s32 @p0 $0x1  }
0x13: {  	[smem:$0x3FB2] =	sst s0;
	s0 =	simm.s32 @!p1 $0x0  }
0x14: {  	s2 =	sld [smem:$0x3F96];
	s0 =	simm.s32 @p1 $0x1  }
0x15: {  	[smem:$0x3FB3] =	sst s0;
	s0 =	simm.s32 @!p2 $0x0  }
0x16: {  	s3 =	sld [smem:$0x3FDB];
	s0 =	simm.s32 @p2 $0x1  }
0x17: {  	s4 =	simm.s32 $0x1BF5;
	[smem:$0x3FB5] =	sst s0  }
0x18: {  	s0 =	sld [smem:$0x3F98];
	_ =	swait.ge [sflag:s4], $0x0  }
0x19: {  	s7 =	sld [smem:$0x3F99]  }
0x1a: {  	s8 =	sadd.s32 $0xFFFFE003, lr  }
0x1b: {  	s9 =	sadd.s32 $0xFFFFFEF7, lr;
	s5 =	simm.s32 $0xFFFFFFFF;
	p2 =	slt.u32 s8, $0xFFFFF086  }
0x1c: {  	p1 =	slt.u32 s9, $0xF7A;
	s5 =	simm.s32 @!p2 $0x0  }
0x1d: {  	s5 =	simm.s32 @p1 $0x1;
	p0 =	seq.s32 s7, s2  }
0x1e: {  	s7 =	smul.u32 @!p0 $0xF7A, s2;
	p2 =	seq.s32 @!p0 s5, $0x0  }
0x1f: {  	s9 =	smul.u32 $0xF7A, s1;
	s8 =	simm.s32 @!p0 $0x1BF5;
	p2 =	por !p2, p0  }
0x20: {  	[sflag:s8] =	ssyncset.s32 @!p0 $0xFFFFF086;
	s6 =	sadd.s32 @!p0 s3, s7;
	s7 =	simm.s32 @!p0 $0x108  }
0x21: {  	s3 =	sadd.s32 s3, s9;
	s6 =	sadd.s32 @!p0 $0x88, s6;
	s7 =	simm.s32 @p2 $0x1082  }
0x22: {  	[simem:s7], [sflag:s8] =	dma.local @!p0 [hbm:s6], $0xF7A  }
0x23: {  	s9 =	sor.u32 $0xD0000000, s2;
	s6 =	simm.s32 $0x108;
	_ =	swait.ge @!p0 [sflag:s8], $0x0  }
0x24: {  	s3 =	sadd.s32 $0x88, s3;
	s6 =	simm.s32 @!p1 $0x1082;
	[sflag:s4] =	ssyncset.s32 $0xFFFFF086  }
0x25: {  	[simem:s6], [sflag:s4] =	dma.local [hbm:s3], $0xF7A  }
0x26: {  	[smem:$0x3F99] =	sst s1;
	(tag) =	ssettag s2;
	_ =	strace s9  }
0x27: {  	s1 =	sld [smem:$0x3FA9]  }
0x28: {  	s2 =	sld [smem:$0x3FAA]  }
0x29: {  	s4 =	sld [smem:$0x3FAC]  }
0x2a: {  	p0 =	seq.s32 s5, $0x0;
	s5 =	sld [smem:$0x3FAD]  }
0x2b: {  	s6 =	sld [smem:$0x3FAE]  }
0x2c: {  	s7 =	sld [smem:$0x3FAF]  }
0x2d: {  	s3 =	simm.s32 $0x108;
	s8 =	sld [smem:$0x3FB0]  }
0x2e: {  	s3 =	simm.s32 @!p0 $0x1082;
	s9 =	sld [smem:$0x3FB1]  }
0x2f: {  	lr =	sadd.s32 s0, s3;
	s0 =	sld [smem:$0x3FA8]  }
0x30: {  	s3 =	sld [smem:$0x3FAB]  }
0x31: {  	[smem:$0x3FB4] =	sst s10  }
0x32: {  	s10 =	sld [smem:$0x3FB2];
	_ =	sdelay $0x3  }
0x33: {  	p0 =	seq.s32 s10, $0x1;
	s10 =	sld [smem:$0x3FB4];
	_ =	sdelay $0x3  }
0x34: {  	[smem:$0x3FB4] =	sst s10  }
0x35: {  	s10 =	sld [smem:$0x3FB3];
	_ =	sdelay $0x3  }
0x36: {  	p1 =	seq.s32 s10, $0x1;
	s10 =	sld [smem:$0x3FB4];
	_ =	sdelay $0x3  }
0x37: {  	[smem:$0x3FB4] =	sst s10  }
0x38: {  	s10 =	sld [smem:$0x3FB5]  }
0x39: {  	_ = 	snop;
	(pc) =	sbr.ind lr, $3  }
0x3a: {  	_ = 	snop  }
0x3b: {  	_ = 	snop  }
0x3c: {  	p2 =	seq.s32 s10, $0x1;
	s10 =	sld [smem:$0x3FB4]  }
0x3d: {  	_ =	shalt  }
0x3e: {  	_ =	shalt  }
0x3f: {  	_ =	shalt  }
0x40: {  	_ =	shalt  }
0x41: {  	_ =	shalt  }
0x42: {  	_ =	shalt  }
0x43: {  	_ =	shalt  }
0x44: {  	_ =	shalt  }
0x45: {  	_ =	shalt  }
0x46: {  	_ =	shalt  }
0x47: {  	_ =	shalt  }
0x48: {  	_ =	shalt  }
0x49: {  	_ =	shalt  }
0x4a: {  	_ =	shalt  }
0x4b: {  	_ =	shalt  }
0x4c: {  	_ =	shalt  }
0x4d: {  	_ =	shalt  }
0x4e: {  	_ =	shalt  }
0x4f: {  	_ =	shalt  }
0x50: {  	_ =	shalt  }
0x51: {  	_ =	shalt  }
0x52: {  	_ =	shalt  }
0x53: {  	_ =	shalt  }
0x54: {  	_ =	shalt  }
0x55: {  	_ =	shalt  }
0x56: {  	_ =	shalt  }
0x57: {  	_ =	shalt  }
0x58: {  	_ =	shalt  }
0x59: {  	_ =	shalt  }
0x5a: {  	_ =	shalt  }
0x5b: {  	_ =	shalt  }
0x5c: {  	_ =	shalt  }
0x5d: {  	_ =	shalt  }
0x5e: {  	_ =	shalt  }
0x5f: {  	_ =	shalt  }
0x60: {  	_ =	shalt  }
0x61: {  	_ =	shalt  }
0x62: {  	_ =	shalt  }
0x63: {  	_ =	shalt  }
0x64: {  	_ =	shalt  }
0x65: {  	_ =	shalt  }
0x66: {  	_ =	shalt  }
0x67: {  	_ =	shalt  }
0x68: {  	_ =	shalt  }
0x69: {  	_ =	shalt  }
0x6a: {  	_ =	shalt  }
0x6b: {  	_ =	shalt  }
0x6c: {  	_ =	shalt  }
0x6d: {  	_ =	shalt  }
0x6e: {  	_ =	shalt  }
0x6f: {  	_ =	shalt  }
0x70: {  	_ =	shalt  }
0x71: {  	_ =	shalt  }
0x72: {  	_ =	shalt  }
0x73: {  	_ =	shalt  }
0x74: {  	_ =	shalt  }
0x75: {  	_ =	shalt  }
0x76: {  	_ =	shalt  }
0x77: {  	_ =	shalt  }
0x78: {  	_ =	shalt  }
0x79: {  	_ =	shalt  }
0x7a: {  	_ =	shalt  }
0x7b: {  	_ =	shalt  }
0x7c: {  	_ =	shalt  }
0x7d: {  	_ =	shalt  }
0x7e: {  	_ =	shalt  }
0x7f: {  	_ =	shalt  }
0x80: {  	_ =	shalt  }
0x81: {  	_ =	shalt  }
0x82: {  	_ =	shalt  }
0x83: {  	_ =	shalt  }
0x84: {  	_ =	shalt  }
0x85: {  	_ =	shalt  }
0x86: {  	_ =	shalt  }
0x87: {  	_ =	shalt  }
.Lfunc_end0:
.L_simem_size_0:
called_computation.1_lowered:
.L_overlay_start_0:
0x88: {  	s2 =	sld [smem:$0x3FD9]  }
0x89: {  	s3 =	sld [smem:$0x3FFE];
	_ =	sdelay $0x1  }
0x8a: {  	s1 =	srdreg.scid  }
0x8b: {  	s0 =	sand.u32 $0x1, s1  }
0x8c: {  	s16 =	sshll.u32 s0, $0xA;
	s2 =	sadd.s32 s3, s2  }
0x8d: {  	s2 =	sadd.s32 s2, s16  }
0x8e: {  	[smem:$0x3FC0] =	sst s2  }
0x8f: {  	_ = 	snop  }
0x90: {  	(tm) =	ssettm $0x1  }
0x91: {  	s17 =	sld [smem:$0x3FFB];
	_ =	sdelay $0x3  }
0x92: {  	_ =	strace s17  }
0x93: {  	s2 =	sld [smem:$0x3FFC];
	_ =	sdelay $0x3  }
0x94: {  	_ =	strace s2  }
0x95: {  	s2 =	sld [smem:$0x3FFD];
	_ =	sdelay $0x3  }
0x96: {  	_ =	strace s2  }
0x97: {  	_ =	strace $0x8FFFFFFF  }
0x98: {  	s18 =	sld [smem:$0x3FDB];
	_ =	sdelay $0x1  }
0x99: {  	s19 =	simm.s32 $_scs_section_size  }
0x9a: {  	s4 =	simm.s32 $_size__tile_overlayer_lowered;
	s5 =	simm.s32 $_tile_overlayer_lowered  }
0x9b: {  	s22 =	simm.s32 $0x1BFF;
	s21 =	sshll.u32 s5, $0x1;
	s2 =	sadd.s32 s19, s18  }
0x9c: {  	s6 =	simm.s32 $0x0;
	s20 =	sshll.u32 s4, $0x1;
	s4 =	sadd.s32 s21, s2  }
0x9d: {  	[timem:s6], [sflag:s22] =	dma.local [hbm:s4], s20  }
0x9e: {  	_ =	swait.ge [sflag:s22], s20  }
0x9f: {  	s3 =	ssub.s32 $0x0, s20;
	[sflag:s22] =	ssyncset.done $0x0  }
0xa0: {  	[sflag:s22] =	ssyncadd.s32 s3;
	_ =	sdelay $0x1  }
0xa1: {  	s23 =	simm.s32 $0x1B8B  }
0xa2: {  	_ =	swait.ge [sflag:s23], $0x1  }
0xa3: {  	[sflag:s23] =	ssyncset.done $0x0  }
0xa4: {  	s25 =	simm.s32 $0x1B8E;
	s24 =	sld [smem:$0x3FFE];
	[sflag:s23] =	ssyncadd.s32 $0xFFFFFFFF  }
0xa5: {  	s26 =	simm.s32 $execute0_lowered;
	[smem:$0x3FD2] =	sst s25  }
0xa6: {  	s4 =	sshll.u32 s26, $0x1;
	_ =	strace $0x80000049;
	[dreg:$0x1] =	wrdreg $0xFFFFFFFF  }
0xa7: {  	s28 =	simm.s32 $_size_execute0_lowered;
	s2 =	sadd.s32 s2, s4;
	[dreg:$0x0] =	wrdreg $0x0  }
0xa8: {  	s4 =	sshll.u32 s28, $0x1;
	[dreg:$0x2] =	wrdreg s2  }
0xa9: {  	[dreg:$0x3] =	wrdreg s4  }
0xaa: {  	[dreg:$0x4] =	wrdreg $0xC0  }
0xab: {  	_ =	task [dreg:s6], $0x5FFFF  }
0xac: {  	[dreg:$0x1] =	wrdreg $0xFFFFFFFF  }
0xad: {  	[dreg:$0x0] =	wrdreg $0x60  }
0xae: {  	[dreg:$0x2] =	wrdreg s24  }
0xaf: {  	[dreg:$0x3] =	wrdreg $0x90000  }
0xb0: {  	[dreg:$0x4] =	wrdreg $0xB8000  }
0xb1: {  	[dreg:$0x5] =	wrdreg $0x9  }
0xb2: {  	_ =	task.clear_ibuf [dreg:s6], $0x6FFFF;
	_ =	strace $0x90000049  }
0xb3: {  	s29 =	simm.s32 $0x9;
	_ =	strace $0x8000004B  }
0xb4: {  	_ =	swait.ge [sflag:s29], $0x1  }
0xb5: {  	[sflag:s29] =	ssyncadd.s32 $0xFFFFFFFF  }
0xb6: {  	_ =	strace $0x9000004B  }
0xb7: {  	_ =	sfence  }
0xb8: {  	s30 =	sld [smem:$0x0];
	_ =	sdelay $0x2  }
0xb9: {  	s31 =	sshll.u32 s1, $0xD;
	s1 =	sshrl.u32 s1, $0x2  }
0xba: {  	s3 =	sand.u32 $0x4000, s31;
	s1 =	sadd.s32 s1, s30  }
0xbb: {  	s0 =	sor.u32 s3, s0;
	s1 =	sshll.u32 s1, $0x11  }
0xbc: {  	s0 =	sor.u32 s1, s0  }
0xbd: {  	s0 =	sadd.s32 $0x8F2B, s0  }
0xbe: {  	[sflag:s0] =	ssyncadd.remote.s32 $0x1  }
0xbf: {  	_ =	sfence.sel $0xFFFF  }
0xc0: {  	[dreg:$0x0] =	wrdreg $0xFFFFFFFF;
	(pc) =	sbr.abs _section_cstart, $3  }
0xc1: {  	[dreg:$0x1] =	wrdreg $0xFFFFFFFF  }
0xc2: {  	_ =	task.clear_ibuf [dreg:s6], $0x2FFFF;
	_ =	strace $0x9FFFFFFF  }
0xc3: {  	(tm) =	ssettm $0x7FFFFFFF  }
tec
execute0_lowered:
.L_overlay_start_1:
0x0: {  	(tag) =	ssettag $0x1  }
0x1: {  	s0 =	rddreg [dreg:$0x0]  }
0x2: {  	s2 =	rddreg [dreg:$0x1]  }
0x3: {  	s3 =	rddreg [dreg:$0x2]  }
0x4: {  	s1 =	srdreg.scid;
	s9 =	stileid.u32  }
0x5: {  	s6 =	simm.s32 $0x0;
	s17 =	simm.s32 $0x80;
	s18 =	simm.s32 $0x5000  }
0x6: {  	s19 =	simm.s32 $0x5800;
	s28 =	simm.s32 $0x7800;
	s30 =	simm.s32 $0x8000  }
0x7: {  	s15 =	simm.s32 $0x2;
	s29 =	simm.s32 $0x7;
	s31 =	simm.s32 $0x8  }
0x8: {  	s10 =	simm.s32 $0xC;
	s11 =	simm.s32 $0xD;
	s12 =	simm.s32 $0xE  }
0x9: {  	s14 =	simm.s32 $0xF;
	s1 =	sand.u32 $0x1, s1;
	s4 =	smul.u32 $0x2800, s9  }
0xa: {  	[smem:$0x7FF] =	sst s6;
	s21 =	sshll.u32 s9, $0x6;
	s5 =	sshll.u32 s1, $0x4  }
0xb: {  	s20 =	smul.u32 $0x28000, s1;
	_ =	strace $0x8000004A;
	s1 =	ssub.s32 $0x2, s1  }
0xc: {  	[dreg:$0x4] =	wrdreg s21;
	s5 =	sor.u32 s9, s5;
	s7 =	sshrl.u32 s4, $0x3  }
0xd: {  	s8 =	sshrl.u32 s1, $0x1;
	s22 =	sadd.s32 s4, s2;
	s9 =	simm.s32 $0xB  }
0xe: {  	s5 =	smul.u32 $0x500, s5;
	s7 =	sadd.s32 s7, s0;
	s6 =	sadd.s32 s4, s20  }
0xf: {  	s1 =	ssub.s32 s1, s8;
	s8 =	sor.u32 $0x1C11, s21;
	s4 =	sadd.s32 s4, s3  }
0x10: {  	s16 =	sshrl.u32 s22, $0x3;
	s21 =	simm.s32 $0x6000;
	s20 =	simm.s32 $0x3  }
0x11: {  	s22 =	simm.s32 $0x4;
	s6 =	sshrl.u32 s6, $0x3;
	[dreg:$0x6] =	wrdreg s8  }
0x12: {  	s23 =	sadd.s32 $0xE200, s7;
	s7 =	sadd.s32 $0x13200, s7;
	[dreg:$0xc] =	wrdreg s16  }
0x13: {  	s25 =	smax.u32 s1, $0x1;
	s26 =	sshrl.u32 s4, $0x3;
	[dreg:$0x5] =	wrdreg s23  }
0x14: {  	s1 =	simm.s32 $0x1;
	s8 =	simm.s32 $0xA;
	[dreg:$0x7] =	wrdreg s7  }
0x15: {  	s4 =	simm.s32 $0x0;
	s5 =	sadd.s32 s5, s0;
	[dreg:$0xb] =	wrdreg s25  }
0x16: {  	s0 =	sadd.s32 s6, s0;
	[dreg:$0xd] =	wrdreg s26;
	s24 =	sadd.s32 $0x1D200, s5  }
0x17: {  	s23 =	simm.s32 $0x6800;
	s5 =	sadd.s32 $0x4200, s5;
	[dreg:$0x8] =	wrdreg s24  }
0x18: {  	s25 =	simm.s32 $0x7000;
	s0 =	sadd.s32 $0x27200, s0;
	[dreg:$0x9] =	wrdreg s5  }
0x19: {  	s26 =	simm.s32 $0x6;
	s6 =	simm.s32 $0x9;
	[dreg:$0xa] =	wrdreg s0  }
0x1a: {  	s0 =	simm.s32 $0x8800;
	s24 =	simm.s32 $0x5;
	s5 =	simm.s32 $0x10  }
.LBB2_1:
0x1b: {  	s7 =	rddreg [dreg:$0x5]  }
0x1c: {  	s13 =	rddreg [dreg:$0x6]  }
0x1d: {  	[spmem:s16], [sflag:s13] =	dma.local [hbm:s7], $0x500  }
0x1e: {  	s7 =	rddreg [dreg:$0x7]  }
0x1f: {  	s16 =	rddreg [dreg:$0xd]  }
0x20: {  	[spmem:s16], [sflag:s13] =	dma.local [hbm:s7], $0x500  }
0x21: {  	s7 =	simm.s32 $0x0;
	s13 =	rddreg [dreg:$0x8]  }
0x22: {  	[tilespmem:s7], [sflag:$0x11] =	stream.linear.gather [hbm4b:s13+s7], $0x2800, $0x38;
	[tilespmem:$0xE000] =	vst v63  }
0x23: {  	s16 =	simm.s32 $0x2800;
	s13 =	rddreg [dreg:$0x9]  }
0x24: {  	[tilespmem:s16], [sflag:$0x11] =	stream.linear.gather [hbm4b:s13+s7], $0x2800, $0x38;
	[tilespmem:$0xE000] =	vst v63  }
0x25: {  	s16 =	simm.s32 $0x11  }
0x26: {  	_ =	swait.ge [sflag:s16], $0x500  }
0x27: {  	[sflag:s16] =	ssyncset.done $0x0  }
0x28: {  	[sflag:s16] =	ssyncadd.s32 $0xFFFFFB00  }
0x29: {  	_ =	swait.ge [sflag:s16], $0x500  }
0x2a: {  	[sflag:s16] =	ssyncset.done $0x0  }
0x2b: {  	[sflag:s16] =	ssyncadd.s32 $0xFFFFFB00  }
0x2c: {  	_ =	swait.ge [sflag:s16], $0x2800  }
0x2d: {  	[sflag:s16] =	ssyncset.done $0x0  }
0x2e: {  	[sflag:s16] =	ssyncadd.s32 $0xFFFFD800  }
0x2f: {  	_ =	swait.ge [sflag:s16], $0x2800  }
0x30: {  	[sflag:s16] =	ssyncset.done $0x0  }
0x31: {  	[sflag:s16] =	ssyncadd.s32 $0xFFFFD800  }
0x32: {  	[bflag:$0x0] =	sbarrier.arrive $0xFFFF  }
0x33: {  	[tilespmem:s18], [sflag:$0x1] =	stream.indirect.gather [spmem:s3], $0x10, s7, s17, $0xb8;
	[tilespmem:$0xE000] =	vst v63  }
0x34: {  	_ = 	snop  }
0x35: {  	[tilespmem:s19], [sflag:$0x2] =	stream.indirect.gather [spmem:s3], $0x10, s17, s17, $0xb8;
	[tilespmem:$0xE000] =	vst v63  }
0x36: {  	s16 =	simm.s32 $0x100  }
0x37: {  	[tilespmem:s21], [sflag:$0x3] =	stream.indirect.gather [spmem:s3], $0x10, s16, s17, $0xb8;
	[tilespmem:$0xE000] =	vst v63  }
0x38: {  	s13 =	simm.s32 $0x180  }
0x39: {  	[tilespmem:s23], [sflag:$0x4] =	stream.indirect.gather [spmem:s3], $0x10, s13, s17, $0xb8;
	[tilespmem:$0xE000] =	vst v63  }
0x3a: {  	s16 =	simm.s32 $0x200  }
0x3b: {  	[tilespmem:s25], [sflag:$0x5] =	stream.indirect.gather [spmem:s3], $0x10, s16, s17, $0xb8;
	[tilespmem:$0xE000] =	vst v63  }
0x3c: {  	s13 =	simm.s32 $0x280  }
0x3d: {  	[tilespmem:s28], [sflag:$0x6] =	stream.indirect.gather [spmem:s3], $0x10, s13, s17, $0xb8;
	[tilespmem:$0xE000] =	vst v63  }
0x3e: {  	s16 =	simm.s32 $0x300  }
0x3f: {  	[tilespmem:s30], [sflag:$0x7] =	stream.indirect.gather [spmem:s3], $0x10, s16, s17, $0xb8;
	[tilespmem:$0xE000] =	vst v63  }
0x40: {  	s13 =	simm.s32 $0x380  }
0x41: {  	[tilespmem:s0], [sflag:$0x8] =	stream.indirect.gather [spmem:s3], $0x10, s13, s17, $0xb8;
	[tilespmem:$0xE000] =	vst v63  }
0x42: {  	_ =	swait.ge [sflag:s1], $0x800  }
0x43: {  	[sflag:s1] =	ssyncset.done $0x0  }
0x44: {  	s16 =	simm.s32 $0x2800;
	[sflag:s1] =	ssyncadd.s32 $0xFFFFF800  }
0x45: {  	[spmem:s2] =	stream.indirect.scatter.add.f32 [tilespmem:s18], [sflag:$0x9], $0x10, s16, s17, $0xb8;
	[tilespmem:$0xE000] =	vst v63  }
0x46: {  	_ =	swait.ge [sflag:s15], $0x800  }
0x47: {  	[sflag:s15] =	ssyncset.done $0x0  }
0x48: {  	s13 =	simm.s32 $0x2880;
	[sflag:s15] =	ssyncadd.s32 $0xFFFFF800  }
0x49: {  	[spmem:s2] =	stream.indirect.scatter.add.f32 [tilespmem:s19], [sflag:$0xA], $0x10, s13, s17, $0xb8;
	[tilespmem:$0xE000] =	vst v63  }
0x4a: {  	_ =	swait.ge [sflag:s20], $0x800  }
0x4b: {  	[sflag:s20] =	ssyncset.done $0x0  }
0x4c: {  	s16 =	simm.s32 $0x2900;
	[sflag:s20] =	ssyncadd.s32 $0xFFFFF800  }
0x4d: {  	[spmem:s2] =	stream.indirect.scatter.add.f32 [tilespmem:s21], [sflag:$0xB], $0x10, s16, s17, $0xb8;
	[tilespmem:$0xE000] =	vst v63  }
0x4e: {  	_ =	swait.ge [sflag:s22], $0x800  }
0x4f: {  	[sflag:s22] =	ssyncset.done $0x0  }
0x50: {  	s13 =	simm.s32 $0x2980;
	[sflag:s22] =	ssyncadd.s32 $0xFFFFF800  }
0x51: {  	[spmem:s2] =	stream.indirect.scatter.add.f32 [tilespmem:s23], [sflag:$0xC], $0x10, s13, s17, $0xb8;
	[tilespmem:$0xE000] =	vst v63  }
0x52: {  	_ =	swait.ge [sflag:s24], $0x800  }
0x53: {  	[sflag:s24] =	ssyncset.done $0x0  }
0x54: {  	s16 =	simm.s32 $0x2A00;
	[sflag:s24] =	ssyncadd.s32 $0xFFFFF800  }
0x55: {  	[spmem:s2] =	stream.indirect.scatter.add.f32 [tilespmem:s25], [sflag:$0xD], $0x10, s16, s17, $0xb8;
	[tilespmem:$0xE000] =	vst v63  }
0x56: {  	_ =	swait.ge [sflag:s26], $0x800  }
0x57: {  	[sflag:s26] =	ssyncset.done $0x0  }
0x58: {  	s13 =	simm.s32 $0x2A80;
	[sflag:s26] =	ssyncadd.s32 $0xFFFFF800  }
0x59: {  	[spmem:s2] =	stream.indirect.scatter.add.f32 [tilespmem:s28], [sflag:$0xE], $0x10, s13, s17, $0xb8;
	[tilespmem:$0xE000] =	vst v63  }
0x5a: {  	_ =	swait.ge [sflag:s29], $0x800  }
0x5b: {  	[sflag:s29] =	ssyncset.done $0x0  }
0x5c: {  	s16 =	simm.s32 $0x2B00;
	[sflag:s29] =	ssyncadd.s32 $0xFFFFF800  }
0x5d: {  	[spmem:s2] =	stream.indirect.scatter.add.f32 [tilespmem:s30], [sflag:$0xF], $0x10, s16, s17, $0xb8;
	[tilespmem:$0xE000] =	vst v63  }
0x5e: {  	_ =	swait.ge [sflag:s31], $0x800  }
0x5f: {  	[sflag:s31] =	ssyncset.done $0x0  }
0x60: {  	s13 =	simm.s32 $0x2B80;
	[sflag:s31] =	ssyncadd.s32 $0xFFFFF800  }
0x61: {  	[spmem:s2] =	stream.indirect.scatter.add.f32 [tilespmem:s0], [sflag:$0x10], $0x10, s13, s17, $0xb8;
	[tilespmem:$0xE000] =	vst v63  }
0x62: {  	_ =	swait.ge [sflag:s6], $0x800  }
0x63: {  	[sflag:s6] =	ssyncset.done $0x0  }
0x64: {  	s16 =	simm.s32 $0x400;
	[sflag:s6] =	ssyncadd.s32 $0xFFFFF800  }
0x65: {  	[tilespmem:s18], [sflag:$0x1] =	stream.indirect.gather [spmem:s3], $0x10, s16, s17, $0xb8;
	[tilespmem:$0xE000] =	vst v63  }
0x66: {  	_ =	swait.ge [sflag:s8], $0x800  }
0x67: {  	[sflag:s8] =	ssyncset.done $0x0  }
0x68: {  	s13 =	simm.s32 $0x480;
	[sflag:s8] =	ssyncadd.s32 $0xFFFFF800  }
0x69: {  	[tilespmem:s19], [sflag:$0x2] =	stream.indirect.gather [spmem:s3], $0x10, s13, s17, $0xb8;
	[tilespmem:$0xE000] =	vst v63  }
0x6a: {  	_ =	swait.ge [sflag:s9], $0x800  }
0x6b: {  	[sflag:s9] =	ssyncset.done $0x0  }
0x6c: {  	s16 =	simm.s32 $0x500;
	[sflag:s9] =	ssyncadd.s32 $0xFFFFF800  }
0x6d: {  	[tilespmem:s21], [sflag:$0x3] =	stream.indirect.gather [spmem:s3], $0x10, s16, s17, $0xb8;
	[tilespmem:$0xE000] =	vst v63  }
0x6e: {  	_ =	swait.ge [sflag:s10], $0x800  }
0x6f: {  	[sflag:s10] =	ssyncset.done $0x0  }
0x70: {  	s13 =	simm.s32 $0x580;
	[sflag:s10] =	ssyncadd.s32 $0xFFFFF800  }
0x71: {  	[tilespmem:s23], [sflag:$0x4] =	stream.indirect.gather [spmem:s3], $0x10, s13, s17, $0xb8;
	[tilespmem:$0xE000] =	vst v63  }
0x72: {  	_ =	swait.ge [sflag:s11], $0x800  }
0x73: {  	[sflag:s11] =	ssyncset.done $0x0  }
0x74: {  	s16 =	simm.s32 $0x600;
	[sflag:s11] =	ssyncadd.s32 $0xFFFFF800  }
0x75: {  	[tilespmem:s25], [sflag:$0x5] =	stream.indirect.gather [spmem:s3], $0x10, s16, s17, $0xb8;
	[tilespmem:$0xE000] =	vst v63  }
0x76: {  	_ =	swait.ge [sflag:s12], $0x800  }
0x77: {  	[sflag:s12] =	ssyncset.done $0x0  }
0x78: {  	s13 =	simm.s32 $0x680;
	[sflag:s12] =	ssyncadd.s32 $0xFFFFF800  }
0x79: {  	[tilespmem:s28], [sflag:$0x6] =	stream.indirect.gather [spmem:s3], $0x10, s13, s17, $0xb8;
	[tilespmem:$0xE000] =	vst v63  }
0x7a: {  	_ =	swait.ge [sflag:s14], $0x800  }
0x7b: {  	[sflag:s14] =	ssyncset.done $0x0  }
0x7c: {  	s16 =	simm.s32 $0x700;
	[sflag:s14] =	ssyncadd.s32 $0xFFFFF800  }
0x7d: {  	[tilespmem:s30], [sflag:$0x7] =	stream.indirect.gather [spmem:s3], $0x10, s16, s17, $0xb8;
	[tilespmem:$0xE000] =	vst v63  }
0x7e: {  	_ =	swait.ge [sflag:s5], $0x800  }
0x7f: {  	[sflag:s5] =	ssyncset.done $0x0  }
0x80: {  	s7 =	simm.s32 $0x1000;
	s13 =	simm.s32 $0x780;
	[sflag:s5] =	ssyncadd.s32 $0xFFFFF800  }
.LBB2_2:
0x81: {  	[tilespmem:s0], [sflag:$0x8] =	stream.indirect.gather [spmem:s3], $0x10, s13, s17, $0xb8;
	[tilespmem:$0xE000] =	vst v63  }
0x82: {  	s13 =	smov.u32 s7  }
0x83: {  	p0 =	sne.s32 s7, $0x8000;
	s7 =	sadd.s32 $0x1000, s7;
	_ =	swait.ge [sflag:s1], $0x800  }
0x84: {  	s13 =	sshra.s32 s13, $0x2;
	[sflag:s1] =	ssyncset.done $0x0  }
0x85: {  	s16 =	sadd.s32 $0x2800, s13;
	[sflag:s1] =	ssyncadd.s32 $0xFFFFF800  }
0x86: {  	[spmem:s2] =	stream.indirect.scatter.add.f32 [tilespmem:s18], [sflag:$0x9], $0x10, s16, s17, $0xb8;
	[tilespmem:$0xE000] =	vst v63  }
0x87: {  	_ =	swait.ge [sflag:s15], $0x800  }
0x88: {  	[sflag:s15] =	ssyncset.done $0x0  }
0x89: {  	s16 =	sadd.s32 $0x2880, s13;
	[sflag:s15] =	ssyncadd.s32 $0xFFFFF800  }
0x8a: {  	[spmem:s2] =	stream.indirect.scatter.add.f32 [tilespmem:s19], [sflag:$0xA], $0x10, s16, s17, $0xb8;
	[tilespmem:$0xE000] =	vst v63  }
0x8b: {  	_ =	swait.ge [sflag:s20], $0x800  }
0x8c: {  	[sflag:s20] =	ssyncset.done $0x0  }
0x8d: {  	s16 =	sadd.s32 $0x2900, s13;
	[sflag:s20] =	ssyncadd.s32 $0xFFFFF800  }
0x8e: {  	[spmem:s2] =	stream.indirect.scatter.add.f32 [tilespmem:s21], [sflag:$0xB], $0x10, s16, s17, $0xb8;
	[tilespmem:$0xE000] =	vst v63  }
0x8f: {  	_ =	swait.ge [sflag:s22], $0x800  }
0x90: {  	[sflag:s22] =	ssyncset.done $0x0  }
0x91: {  	s16 =	sadd.s32 $0x2980, s13;
	[sflag:s22] =	ssyncadd.s32 $0xFFFFF800  }
0x92: {  	[spmem:s2] =	stream.indirect.scatter.add.f32 [tilespmem:s23], [sflag:$0xC], $0x10, s16, s17, $0xb8;
	[tilespmem:$0xE000] =	vst v63  }
0x93: {  	_ =	swait.ge [sflag:s24], $0x800  }
0x94: {  	[sflag:s24] =	ssyncset.done $0x0  }
0x95: {  	s16 =	sadd.s32 $0x2A00, s13;
	[sflag:s24] =	ssyncadd.s32 $0xFFFFF800  }
0x96: {  	[spmem:s2] =	stream.indirect.scatter.add.f32 [tilespmem:s25], [sflag:$0xD], $0x10, s16, s17, $0xb8;
	[tilespmem:$0xE000] =	vst v63  }
0x97: {  	_ =	swait.ge [sflag:s26], $0x800  }
0x98: {  	[sflag:s26] =	ssyncset.done $0x0  }
0x99: {  	s16 =	sadd.s32 $0x2A80, s13;
	[sflag:s26] =	ssyncadd.s32 $0xFFFFF800  }
0x9a: {  	[spmem:s2] =	stream.indirect.scatter.add.f32 [tilespmem:s28], [sflag:$0xE], $0x10, s16, s17, $0xb8;
	[tilespmem:$0xE000] =	vst v63  }
0x9b: {  	_ =	swait.ge [sflag:s29], $0x800  }
0x9c: {  	[sflag:s29] =	ssyncset.done $0x0  }
0x9d: {  	s16 =	sadd.s32 $0x2B00, s13;
	[sflag:s29] =	ssyncadd.s32 $0xFFFFF800  }
0x9e: {  	[spmem:s2] =	stream.indirect.scatter.add.f32 [tilespmem:s30], [sflag:$0xF], $0x10, s16, s17, $0xb8;
	[tilespmem:$0xE000] =	vst v63  }
0x9f: {  	_ =	swait.ge [sflag:s31], $0x800  }
0xa0: {  	[sflag:s31] =	ssyncset.done $0x0  }
0xa1: {  	s16 =	sadd.s32 $0x2B80, s13;
	[sflag:s31] =	ssyncadd.s32 $0xFFFFF800  }
0xa2: {  	[spmem:s2] =	stream.indirect.scatter.add.f32 [tilespmem:s0], [sflag:$0x10], $0x10, s16, s17, $0xb8;
	[tilespmem:$0xE000] =	vst v63  }
0xa3: {  	_ =	swait.ge [sflag:s6], $0x800  }
0xa4: {  	[sflag:s6] =	ssyncset.done $0x0  }
0xa5: {  	s16 =	sadd.s32 $0x400, s13;
	[sflag:s6] =	ssyncadd.s32 $0xFFFFF800  }
0xa6: {  	[tilespmem:s18], [sflag:$0x1] =	stream.indirect.gather [spmem:s3], $0x10, s16, s17, $0xb8;
	[tilespmem:$0xE000] =	vst v63  }
0xa7: {  	_ =	swait.ge [sflag:s8], $0x800  }
0xa8: {  	[sflag:s8] =	ssyncset.done $0x0  }
0xa9: {  	s16 =	sadd.s32 $0x480, s13;
	[sflag:s8] =	ssyncadd.s32 $0xFFFFF800  }
0xaa: {  	[tilespmem:s19], [sflag:$0x2] =	stream.indirect.gather [spmem:s3], $0x10, s16, s17, $0xb8;
	[tilespmem:$0xE000] =	vst v63  }
0xab: {  	_ =	swait.ge [sflag:s9], $0x800  }
0xac: {  	[sflag:s9] =	ssyncset.done $0x0  }
0xad: {  	s16 =	sadd.s32 $0x500, s13;
	[sflag:s9] =	ssyncadd.s32 $0xFFFFF800  }
0xae: {  	[tilespmem:s21], [sflag:$0x3] =	stream.indirect.gather [spmem:s3], $0x10, s16, s17, $0xb8;
	[tilespmem:$0xE000] =	vst v63  }
0xaf: {  	_ =	swait.ge [sflag:s10], $0x800  }
0xb0: {  	[sflag:s10] =	ssyncset.done $0x0  }
0xb1: {  	s16 =	sadd.s32 $0x580, s13;
	[sflag:s10] =	ssyncadd.s32 $0xFFFFF800  }
0xb2: {  	[tilespmem:s23], [sflag:$0x4] =	stream.indirect.gather [spmem:s3], $0x10, s16, s17, $0xb8;
	[tilespmem:$0xE000] =	vst v63  }
0xb3: {  	_ =	swait.ge [sflag:s11], $0x800  }
0xb4: {  	[sflag:s11] =	ssyncset.done $0x0  }
0xb5: {  	s16 =	sadd.s32 $0x600, s13;
	[sflag:s11] =	ssyncadd.s32 $0xFFFFF800  }
0xb6: {  	[tilespmem:s25], [sflag:$0x5] =	stream.indirect.gather [spmem:s3], $0x10, s16, s17, $0xb8;
	[tilespmem:$0xE000] =	vst v63  }
0xb7: {  	_ =	swait.ge [sflag:s12], $0x800  }
0xb8: {  	[sflag:s12] =	ssyncset.done $0x0  }
0xb9: {  	s16 =	sadd.s32 $0x680, s13;
	[sflag:s12] =	ssyncadd.s32 $0xFFFFF800  }
0xba: {  	[tilespmem:s28], [sflag:$0x6] =	stream.indirect.gather [spmem:s3], $0x10, s16, s17, $0xb8;
	[tilespmem:$0xE000] =	vst v63  }
0xbb: {  	_ =	swait.ge [sflag:s14], $0x800  }
0xbc: {  	[sflag:s14] =	ssyncset.done $0x0  }
.Ltmp0:
0xbd: {  	s16 =	sadd.s32 $0x700, s13;
	[sflag:s14] =	ssyncadd.s32 $0xFFFFF800;
	(pc) =	sbr.rel @p0 .LBB2_2-.Ltmp0, $4  }
0xbe: {  	[tilespmem:s30], [sflag:$0x7] =	stream.indirect.gather [spmem:s3], $0x10, s16, s17, $0xb8;
	[tilespmem:$0xE000] =	vst v63  }
0xbf: {  	_ =	swait.ge [sflag:s5], $0x800  }
0xc0: {  	[sflag:s5] =	ssyncset.done $0x0  }
0xc1: {  	s13 =	sadd.s32 $0x780, s13;
	[sflag:s5] =	ssyncadd.s32 $0xFFFFF800  }
0xc2: {  	[tilespmem:s0], [sflag:$0x8] =	stream.indirect.gather [spmem:s3], $0x10, s13, s17, $0xb8;
	[tilespmem:$0xE000] =	vst v63  }
0xc3: {  	_ =	swait.ge [sflag:s1], $0x800  }
0xc4: {  	[sflag:s1] =	ssyncset.done $0x0  }
0xc5: {  	s7 =	simm.s32 $0x4C00;
	[sflag:s1] =	ssyncadd.s32 $0xFFFFF800  }
0xc6: {  	[spmem:s2] =	stream.indirect.scatter.add.f32 [tilespmem:s18], [sflag:$0x9], $0x10, s7, s17, $0xb8;
	[tilespmem:$0xE000] =	vst v63  }
0xc7: {  	_ =	swait.ge [sflag:s15], $0x800  }
0xc8: {  	[sflag:s15] =	ssyncset.done $0x0  }
0xc9: {  	s13 =	simm.s32 $0x4C80;
	[sflag:s15] =	ssyncadd.s32 $0xFFFFF800  }
0xca: {  	[spmem:s2] =	stream.indirect.scatter.add.f32 [tilespmem:s19], [sflag:$0xA], $0x10, s13, s17, $0xb8;
	[tilespmem:$0xE000] =	vst v63  }
0xcb: {  	_ =	swait.ge [sflag:s20], $0x800  }
0xcc: {  	[sflag:s20] =	ssyncset.done $0x0  }
0xcd: {  	s16 =	simm.s32 $0x4D00;
	[sflag:s20] =	ssyncadd.s32 $0xFFFFF800  }
0xce: {  	[spmem:s2] =	stream.indirect.scatter.add.f32 [tilespmem:s21], [sflag:$0xB], $0x10, s16, s17, $0xb8;
	[tilespmem:$0xE000] =	vst v63  }
0xcf: {  	_ =	swait.ge [sflag:s22], $0x800  }
0xd0: {  	[sflag:s22] =	ssyncset.done $0x0  }
0xd1: {  	s13 =	simm.s32 $0x4D80;
	[sflag:s22] =	ssyncadd.s32 $0xFFFFF800  }
0xd2: {  	[spmem:s2] =	stream.indirect.scatter.add.f32 [tilespmem:s23], [sflag:$0xC], $0x10, s13, s17, $0xb8;
	[tilespmem:$0xE000] =	vst v63  }
0xd3: {  	_ =	swait.ge [sflag:s24], $0x800  }
0xd4: {  	[sflag:s24] =	ssyncset.done $0x0  }
0xd5: {  	s16 =	simm.s32 $0x4E00;
	[sflag:s24] =	ssyncadd.s32 $0xFFFFF800  }
0xd6: {  	[spmem:s2] =	stream.indirect.scatter.add.f32 [tilespmem:s25], [sflag:$0xD], $0x10, s16, s17, $0xb8;
	[tilespmem:$0xE000] =	vst v63  }
0xd7: {  	_ =	swait.ge [sflag:s26], $0x800  }
0xd8: {  	[sflag:s26] =	ssyncset.done $0x0  }
0xd9: {  	s13 =	simm.s32 $0x4E80;
	[sflag:s26] =	ssyncadd.s32 $0xFFFFF800  }
0xda: {  	[spmem:s2] =	stream.indirect.scatter.add.f32 [tilespmem:s28], [sflag:$0xE], $0x10, s13, s17, $0xb8;
	[tilespmem:$0xE000] =	vst v63  }
0xdb: {  	_ =	swait.ge [sflag:s29], $0x800  }
0xdc: {  	[sflag:s29] =	ssyncset.done $0x0  }
0xdd: {  	s16 =	simm.s32 $0x4F00;
	[sflag:s29] =	ssyncadd.s32 $0xFFFFF800  }
0xde: {  	[spmem:s2] =	stream.indirect.scatter.add.f32 [tilespmem:s30], [sflag:$0xF], $0x10, s16, s17, $0xb8;
	[tilespmem:$0xE000] =	vst v63  }
0xdf: {  	_ =	swait.ge [sflag:s31], $0x800  }
0xe0: {  	[sflag:s31] =	ssyncset.done $0x0  }
0xe1: {  	s13 =	simm.s32 $0x4F80;
	[sflag:s31] =	ssyncadd.s32 $0xFFFFF800  }
0xe2: {  	[spmem:s2] =	stream.indirect.scatter.add.f32 [tilespmem:s0], [sflag:$0x10], $0x10, s13, s17, $0xb8;
	[tilespmem:$0xE000] =	vst v63  }
0xe3: {  	_ =	swait.ge [sflag:s6], $0x800  }
0xe4: {  	[sflag:s6] =	ssyncset.done $0x0  }
0xe5: {  	[sflag:s6] =	ssyncadd.s32 $0xFFFFF800  }
0xe6: {  	_ =	swait.ge [sflag:s8], $0x800  }
0xe7: {  	[sflag:s8] =	ssyncset.done $0x0  }
0xe8: {  	[sflag:s8] =	ssyncadd.s32 $0xFFFFF800  }
0xe9: {  	_ =	swait.ge [sflag:s9], $0x800  }
0xea: {  	[sflag:s9] =	ssyncset.done $0x0  }
0xeb: {  	[sflag:s9] =	ssyncadd.s32 $0xFFFFF800  }
0xec: {  	_ =	swait.ge [sflag:s10], $0x800  }
0xed: {  	[sflag:s10] =	ssyncset.done $0x0  }
0xee: {  	[sflag:s10] =	ssyncadd.s32 $0xFFFFF800  }
0xef: {  	_ =	swait.ge [sflag:s11], $0x800  }
0xf0: {  	[sflag:s11] =	ssyncset.done $0x0  }
0xf1: {  	[sflag:s11] =	ssyncadd.s32 $0xFFFFF800  }
0xf2: {  	_ =	swait.ge [sflag:s12], $0x800  }
0xf3: {  	[sflag:s12] =	ssyncset.done $0x0  }
0xf4: {  	[sflag:s12] =	ssyncadd.s32 $0xFFFFF800  }
0xf5: {  	_ =	swait.ge [sflag:s14], $0x800  }
0xf6: {  	[sflag:s14] =	ssyncset.done $0x0  }
0xf7: {  	[sflag:s14] =	ssyncadd.s32 $0xFFFFF800  }
0xf8: {  	_ =	swait.ge [sflag:s5], $0x800  }
0xf9: {  	[sflag:s5] =	ssyncset.done $0x0  }
0xfa: {  	[sflag:s5] =	ssyncadd.s32 $0xFFFFF800  }
0xfb: {  	[bflag:$0x0] =	sbarrier.arrive $0xFFFF  }
0xfc: {  	s16 =	rddreg [dreg:$0x4]  }
0xfd: {  	s13 =	rddreg [dreg:$0xa]  }
0xfe: {  	s7 =	sor.u32 $0x1C12, s16;
	s16 =	rddreg [dreg:$0xc]  }
0xff: {  	[hbm:s13], [sflag:s7] =	dma.local [spmem:s16], $0x500  }
0x100: {  	s13 =	simm.s32 $0x12  }
0x101: {  	_ =	swait.ge [sflag:s13], $0x500  }
0x102: {  	s4 =	sadd.s32 $0x1, s4;
	s7 =	rddreg [dreg:$0xb]  }
0x103: {  	p0 =	sne.s32 s4, s7  }
.Ltmp1:
0x104: {  	_ = 	snop;
	(pc) =	sbr.rel @p0 .LBB2_1-.Ltmp1, $3  }
0x105: {  	_ =	sdelay $0x1  }
0x106: {  	[sflag:s13] =	ssyncset.done $0x0  }
0x107: {  	[sflag:s13] =	ssyncadd.s32 $0xFFFFFB00  }
0x108: {  	_ =	sfence.sel $0x180000  }
0x109: {  	[bflag:$0x0] =	sbarrier.arrive $0xFFFF  }
0x10a: {  	_ =	strace $0x9000004A  }
0x10b: {  	s0 =	stileid.u32;
	[bflag:$0x2] =	sbarrier.arrive $0xFFFF  }
0x10c: {  	p0 =	sne.s32 s0, $0x0;
	s0 =	rddreg [dreg:$0x3]  }
0x10d: {  	s0 =	sadd.s32 @!p0 $0x100000, s0  }
0x10e: {  	[sflag:s0] =	ssyncadd.tile.s32 @!p0 $0x1;
	_ =	shalt  }
.Lfunc_end2:
_tile_overlayer_lowered:
.L_overlay_start_2:
0x10f: {  	(tag) =	ssettag $0x2  }
0x110: {  	s0 =	rddreg [dreg:$0x0];
	s2 =	stileid.u32  }
0x111: {  	s1 =	rddreg [dreg:$0x1];
	p0 =	sne.s32 s2, $0x0  }
0x112: {  	s3 =	rddreg [dreg:$0x2];
	[bflag:$0x3] =	sbarrier.arrive $0xFFFF;
	s2 =	simm.s32 @!p0 $0x1C12  }
0x113: {  	[timem:s3], [sflag:s2] =	dma.local @!p0 [hbm:s0], s1  }
0x114: {  	s0 =	simm.s32 @!p0 $0x12  }
0x115: {  	_ =	swait.ge @!p0 [sflag:s0], s1  }
0x116: {  	s1 =	ssub.s32 @!p0 $0x0, s1;
	[sflag:s0] =	ssyncset.done @!p0 $0x0  }
0x117: {  	[sflag:s0] =	ssyncadd.s32 @!p0 s1  }
0x118: {  	[bflag:$0x3] =	sbarrier.arrive $0xFFFF  }
0x119: {  	_ =	shalt  }

// kernel: kernel.17.cloned.1.call-start
scs
__scs_entry_jumppad:
0x0: {  	(pc) =	sbr.rel $0x88, $3  }
0x1: {  	(tag) =	ssettag $0x0;
	lr =	simm.s32 $0x1  }
0x2: {  	[smem:$0x3F99] =	sst lr;
	_ =	strace $0xD0000000  }
0x3: {  	_ = 	snop  }
0x4: {  	_ = 	snop  }
0x5: {  	_ = 	snop  }
0x6: {  	_ = 	snop  }
0x7: {  	_ = 	snop  }
__scs_overlays_trampoline_lowered:
0x8: {  	[smem:$0x3FA8] =	sst s0  }
0x9: {  	[smem:$0x3FA9] =	sst s1  }
0xa: {  	[smem:$0x3FAA] =	sst s2  }
0xb: {  	[smem:$0x3FAB] =	sst s3  }
0xc: {  	[smem:$0x3FAC] =	sst s4  }
0xd: {  	[smem:$0x3FAD] =	sst s5  }
0xe: {  	[smem:$0x3FAE] =	sst s6  }
0xf: {  	[smem:$0x3FAF] =	sst s7  }
0x10: {  	[smem:$0x3FB0] =	sst s8  }
0x11: {  	[smem:$0x3FB1] =	sst s9;
	s0 =	simm.s32 @!p0 $0x0  }
0x12: {  	s1 =	sld [smem:$0x3F97];
	s0 =	simm.s32 @p0 $0x1  }
0x13: {  	[smem:$0x3FB2] =	sst s0;
	s0 =	simm.s32 @!p1 $0x0  }
0x14: {  	s2 =	sld [smem:$0x3F96];
	s0 =	simm.s32 @p1 $0x1  }
0x15: {  	[smem:$0x3FB3] =	sst s0;
	s0 =	simm.s32 @!p2 $0x0  }
0x16: {  	s3 =	sld [smem:$0x3FDB];
	s0 =	simm.s32 @p2 $0x1  }
0x17: {  	s4 =	simm.s32 $0x1BF5;
	[smem:$0x3FB5] =	sst s0  }
0x18: {  	s0 =	sld [smem:$0x3F98];
	_ =	swait.ge [sflag:s4], $0x0  }
0x19: {  	s7 =	sld [smem:$0x3F99]  }
0x1a: {  	s8 =	sadd.s32 $0xFFFFE003, lr  }
0x1b: {  	s9 =	sadd.s32 $0xFFFFFEF7, lr;
	s5 =	simm.s32 $0xFFFFFFFF;
	p2 =	slt.u32 s8, $0xFFFFF086  }
0x1c: {  	p1 =	slt.u32 s9, $0xF7A;
	s5 =	simm.s32 @!p2 $0x0  }
0x1d: {  	s5 =	simm.s32 @p1 $0x1;
	p0 =	seq.s32 s7, s2  }
0x1e: {  	s7 =	smul.u32 @!p0 $0xF7A, s2;
	p2 =	seq.s32 @!p0 s5, $0x0  }
0x1f: {  	s9 =	smul.u32 $0xF7A, s1;
	s8 =	simm.s32 @!p0 $0x1BF5;
	p2 =	por !p2, p0  }
0x20: {  	[sflag:s8] =	ssyncset.s32 @!p0 $0xFFFFF086;
	s6 =	sadd.s32 @!p0 s3, s7;
	s7 =	simm.s32 @!p0 $0x108  }
0x21: {  	s3 =	sadd.s32 s3, s9;
	s6 =	sadd.s32 @!p0 $0x88, s6;
	s7 =	simm.s32 @p2 $0x1082  }
0x22: {  	[simem:s7], [sflag:s8] =	dma.local @!p0 [hbm:s6], $0xF7A  }
0x23: {  	s9 =	sor.u32 $0xD0000000, s2;
	s6 =	simm.s32 $0x108;
	_ =	swait.ge @!p0 [sflag:s8], $0x0  }
0x24: {  	s3 =	sadd.s32 $0x88, s3;
	s6 =	simm.s32 @!p1 $0x1082;
	[sflag:s4] =	ssyncset.s32 $0xFFFFF086  }
0x25: {  	[simem:s6], [sflag:s4] =	dma.local [hbm:s3], $0xF7A  }
0x26: {  	[smem:$0x3F99] =	sst s1;
	(tag) =	ssettag s2;
	_ =	strace s9  }
0x27: {  	s1 =	sld [smem:$0x3FA9]  }
0x28: {  	s2 =	sld [smem:$0x3FAA]  }
0x29: {  	s4 =	sld [smem:$0x3FAC]  }
0x2a: {  	p0 =	seq.s32 s5, $0x0;
	s5 =	sld [smem:$0x3FAD]  }
0x2b: {  	s6 =	sld [smem:$0x3FAE]  }
0x2c: {  	s7 =	sld [smem:$0x3FAF]  }
0x2d: {  	s3 =	simm.s32 $0x108;
	s8 =	sld [smem:$0x3FB0]  }
0x2e: {  	s3 =	simm.s32 @!p0 $0x1082;
	s9 =	sld [smem:$0x3FB1]  }
0x2f: {  	lr =	sadd.s32 s0, s3;
	s0 =	sld [smem:$0x3FA8]  }
0x30: {  	s3 =	sld [smem:$0x3FAB]  }
0x31: {  	[smem:$0x3FB4] =	sst s10  }
0x32: {  	s10 =	sld [smem:$0x3FB2];
	_ =	sdelay $0x3  }
0x33: {  	p0 =	seq.s32 s10, $0x1;
	s10 =	sld [smem:$0x3FB4];
	_ =	sdelay $0x3  }
0x34: {  	[smem:$0x3FB4] =	sst s10  }
0x35: {  	s10 =	sld [smem:$0x3FB3];
	_ =	sdelay $0x3  }
0x36: {  	p1 =	seq.s32 s10, $0x1;
	s10 =	sld [smem:$0x3FB4];
	_ =	sdelay $0x3  }
0x37: {  	[smem:$0x3FB4] =	sst s10  }
0x38: {  	s10 =	sld [smem:$0x3FB5]  }
0x39: {  	_ = 	snop;
	(pc) =	sbr.ind lr, $3  }
0x3a: {  	_ = 	snop  }
0x3b: {  	_ = 	snop  }
0x3c: {  	p2 =	seq.s32 s10, $0x1;
	s10 =	sld [smem:$0x3FB4]  }
0x3d: {  	_ =	shalt  }
0x3e: {  	_ =	shalt  }
0x3f: {  	_ =	shalt  }
0x40: {  	_ =	shalt  }
0x41: {  	_ =	shalt  }
0x42: {  	_ =	shalt  }
0x43: {  	_ =	shalt  }
0x44: {  	_ =	shalt  }
0x45: {  	_ =	shalt  }
0x46: {  	_ =	shalt  }
0x47: {  	_ =	shalt  }
0x48: {  	_ =	shalt  }
0x49: {  	_ =	shalt  }
0x4a: {  	_ =	shalt  }
0x4b: {  	_ =	shalt  }
0x4c: {  	_ =	shalt  }
0x4d: {  	_ =	shalt  }
0x4e: {  	_ =	shalt  }
0x4f: {  	_ =	shalt  }
0x50: {  	_ =	shalt  }
0x51: {  	_ =	shalt  }
0x52: {  	_ =	shalt  }
0x53: {  	_ =	shalt  }
0x54: {  	_ =	shalt  }
0x55: {  	_ =	shalt  }
0x56: {  	_ =	shalt  }
0x57: {  	_ =	shalt  }
0x58: {  	_ =	shalt  }
0x59: {  	_ =	shalt  }
0x5a: {  	_ =	shalt  }
0x5b: {  	_ =	shalt  }
0x5c: {  	_ =	shalt  }
0x5d: {  	_ =	shalt  }
0x5e: {  	_ =	shalt  }
0x5f: {  	_ =	shalt  }
0x60: {  	_ =	shalt  }
0x61: {  	_ =	shalt  }
0x62: {  	_ =	shalt  }
0x63: {  	_ =	shalt  }
0x64: {  	_ =	shalt  }
0x65: {  	_ =	shalt  }
0x66: {  	_ =	shalt  }
0x67: {  	_ =	shalt  }
0x68: {  	_ =	shalt  }
0x69: {  	_ =	shalt  }
0x6a: {  	_ =	shalt  }
0x6b: {  	_ =	shalt  }
0x6c: {  	_ =	shalt  }
0x6d: {  	_ =	shalt  }
0x6e: {  	_ =	shalt  }
0x6f: {  	_ =	shalt  }
0x70: {  	_ =	shalt  }
0x71: {  	_ =	shalt  }
0x72: {  	_ =	shalt  }
0x73: {  	_ =	shalt  }
0x74: {  	_ =	shalt  }
0x75: {  	_ =	shalt  }
0x76: {  	_ =	shalt  }
0x77: {  	_ =	shalt  }
0x78: {  	_ =	shalt  }
0x79: {  	_ =	shalt  }
0x7a: {  	_ =	shalt  }
0x7b: {  	_ =	shalt  }
0x7c: {  	_ =	shalt  }
0x7d: {  	_ =	shalt  }
0x7e: {  	_ =	shalt  }
0x7f: {  	_ =	shalt  }
0x80: {  	_ =	shalt  }
0x81: {  	_ =	shalt  }
0x82: {  	_ =	shalt  }
0x83: {  	_ =	shalt  }
0x84: {  	_ =	shalt  }
0x85: {  	_ =	shalt  }
0x86: {  	_ =	shalt  }
0x87: {  	_ =	shalt  }
.Lfunc_end0:
.L_simem_size_0:
called_computation.2_lowered:
.L_overlay_start_0:
0x88: {  	s2 =	sld [smem:$0x3FD9]  }
0x89: {  	s3 =	sld [smem:$0x3FFE];
	_ =	sdelay $0x1  }
0x8a: {  	s1 =	srdreg.scid  }
0x8b: {  	s0 =	sand.u32 $0x1, s1  }
0x8c: {  	s16 =	sshll.u32 s0, $0xA;
	s2 =	sadd.s32 s3, s2  }
0x8d: {  	s2 =	sadd.s32 s2, s16  }
0x8e: {  	[smem:$0x3FC0] =	sst s2  }
0x8f: {  	_ = 	snop  }
0x90: {  	(tm) =	ssettm $0x1  }
0x91: {  	s17 =	sld [smem:$0x3FFB];
	_ =	sdelay $0x3  }
0x92: {  	_ =	strace s17  }
0x93: {  	s2 =	sld [smem:$0x3FFC];
	_ =	sdelay $0x3  }
0x94: {  	_ =	strace s2  }
0x95: {  	s2 =	sld [smem:$0x3FFD];
	_ =	sdelay $0x3  }
0x96: {  	_ =	strace s2  }
0x97: {  	_ =	strace $0x8FFFFFFF  }
0x98: {  	s18 =	sld [smem:$0x3FDB];
	_ =	sdelay $0x1  }
0x99: {  	s19 =	simm.s32 $_scs_section_size  }
0x9a: {  	s4 =	simm.s32 $_size__tile_overlayer_lowered;
	s5 =	simm.s32 $_tile_overlayer_lowered  }
0x9b: {  	s22 =	simm.s32 $0x1BFF;
	s21 =	sshll.u32 s5, $0x1;
	s2 =	sadd.s32 s19, s18  }
0x9c: {  	s6 =	simm.s32 $0x0;
	s20 =	sshll.u32 s4, $0x1;
	s4 =	sadd.s32 s21, s2  }
0x9d: {  	[timem:s6], [sflag:s22] =	dma.local [hbm:s4], s20  }
0x9e: {  	_ =	swait.ge [sflag:s22], s20  }
0x9f: {  	s3 =	ssub.s32 $0x0, s20;
	[sflag:s22] =	ssyncset.done $0x0  }
0xa0: {  	[sflag:s22] =	ssyncadd.s32 s3;
	_ =	sdelay $0x1  }
0xa1: {  	s23 =	simm.s32 $0x1B8B  }
0xa2: {  	_ =	swait.ge [sflag:s23], $0x1  }
0xa3: {  	[sflag:s23] =	ssyncset.done $0x0  }
0xa4: {  	s25 =	simm.s32 $0x1B8E;
	s24 =	sld [smem:$0x3FFE];
	[sflag:s23] =	ssyncadd.s32 $0xFFFFFFFF  }
0xa5: {  	s26 =	simm.s32 $execute0_lowered;
	[smem:$0x3FD2] =	sst s25  }
0xa6: {  	s4 =	sshll.u32 s26, $0x1;
	_ =	strace $0x8000004C;
	[dreg:$0x1] =	wrdreg $0xFFFFFFFF  }
0xa7: {  	s28 =	simm.s32 $_size_execute0_lowered;
	s2 =	sadd.s32 s2, s4;
	[dreg:$0x0] =	wrdreg $0x0  }
0xa8: {  	s4 =	sshll.u32 s28, $0x1;
	[dreg:$0x2] =	wrdreg s2  }
0xa9: {  	[dreg:$0x3] =	wrdreg s4  }
0xaa: {  	[dreg:$0x4] =	wrdreg $0xC0  }
0xab: {  	_ =	task [dreg:s6], $0x5FFFF  }
0xac: {  	[dreg:$0x1] =	wrdreg $0xFFFFFFFF  }
0xad: {  	[dreg:$0x0] =	wrdreg $0x60  }
0xae: {  	[dreg:$0x2] =	wrdreg s24  }
0xaf: {  	[dreg:$0x3] =	wrdreg $0x90000  }
0xb0: {  	[dreg:$0x4] =	wrdreg $0xB8000  }
0xb1: {  	[dreg:$0x5] =	wrdreg $0x9  }
0xb2: {  	_ =	task.clear_ibuf [dreg:s6], $0x6FFFF;
	_ =	strace $0x9000004C  }
0xb3: {  	s29 =	simm.s32 $0x9;
	_ =	strace $0x8000004E  }
0xb4: {  	_ =	swait.ge [sflag:s29], $0x1  }
0xb5: {  	[sflag:s29] =	ssyncadd.s32 $0xFFFFFFFF  }
0xb6: {  	_ =	strace $0x9000004E  }
0xb7: {  	_ =	sfence  }
0xb8: {  	s30 =	sld [smem:$0x0];
	_ =	sdelay $0x2  }
0xb9: {  	s31 =	sshll.u32 s1, $0xD;
	s1 =	sshrl.u32 s1, $0x2  }
0xba: {  	s3 =	sand.u32 $0x4000, s31;
	s1 =	sadd.s32 s1, s30  }
0xbb: {  	s0 =	sor.u32 s3, s0;
	s1 =	sshll.u32 s1, $0x11  }
0xbc: {  	s0 =	sor.u32 s1, s0  }
0xbd: {  	s0 =	sadd.s32 $0x8F2B, s0  }
0xbe: {  	[sflag:s0] =	ssyncadd.remote.s32 $0x1  }
0xbf: {  	_ =	sfence.sel $0xFFFF  }
0xc0: {  	[dreg:$0x0] =	wrdreg $0xFFFFFFFF;
	(pc) =	sbr.abs _section_cstart, $3  }
0xc1: {  	[dreg:$0x1] =	wrdreg $0xFFFFFFFF  }
0xc2: {  	_ =	task.clear_ibuf [dreg:s6], $0x2FFFF;
	_ =	strace $0x9FFFFFFF  }
0xc3: {  	(tm) =	ssettm $0x7FFFFFFF  }
tec
execute0_lowered:
.L_overlay_start_1:
0x0: {  	(tag) =	ssettag $0x1  }
0x1: {  	s0 =	rddreg [dreg:$0x0]  }
0x2: {  	s2 =	rddreg [dreg:$0x1]  }
0x3: {  	s3 =	rddreg [dreg:$0x2]  }
0x4: {  	s1 =	srdreg.scid;
	s9 =	stileid.u32  }
0x5: {  	s6 =	simm.s32 $0x0;
	s17 =	simm.s32 $0x80;
	s18 =	simm.s32 $0x5000  }
0x6: {  	s19 =	simm.s32 $0x5800;
	s28 =	simm.s32 $0x7800;
	s30 =	simm.s32 $0x8000  }
0x7: {  	s15 =	simm.s32 $0x2;
	s29 =	simm.s32 $0x7;
	s31 =	simm.s32 $0x8  }
0x8: {  	s10 =	simm.s32 $0xC;
	s11 =	simm.s32 $0xD;
	s12 =	simm.s32 $0xE  }
0x9: {  	s14 =	simm.s32 $0xF;
	s1 =	sand.u32 $0x1, s1;
	s4 =	smul.u32 $0x2800, s9  }
0xa: {  	[smem:$0x7FF] =	sst s6;
	s21 =	sshll.u32 s9, $0x6;
	s5 =	sshll.u32 s1, $0x4  }
0xb: {  	s20 =	smul.u32 $0x28000, s1;
	_ =	strace $0x8000004D;
	s1 =	ssub.s32 $0x2, s1  }
0xc: {  	[dreg:$0x4] =	wrdreg s21;
	s5 =	sor.u32 s9, s5;
	s7 =	sshrl.u32 s4, $0x3  }
0xd: {  	s8 =	sshrl.u32 s1, $0x1;
	s22 =	sadd.s32 s4, s2;
	s9 =	simm.s32 $0xB  }
0xe: {  	s5 =	smul.u32 $0x500, s5;
	s7 =	sadd.s32 s7, s0;
	s6 =	sadd.s32 s4, s20  }
0xf: {  	s1 =	ssub.s32 s1, s8;
	s8 =	sor.u32 $0x1C11, s21;
	s4 =	sadd.s32 s4, s3  }
0x10: {  	s16 =	sshrl.u32 s22, $0x3;
	s21 =	simm.s32 $0x6000;
	s20 =	simm.s32 $0x3  }
0x11: {  	s22 =	simm.s32 $0x4;
	s6 =	sshrl.u32 s6, $0x3;
	[dreg:$0x6] =	wrdreg s8  }
0x12: {  	s23 =	sadd.s32 $0xE200, s7;
	s7 =	sadd.s32 $0x13200, s7;
	[dreg:$0xc] =	wrdreg s16  }
0x13: {  	s25 =	smax.u32 s1, $0x1;
	s26 =	sshrl.u32 s4, $0x3;
	[dreg:$0x5] =	wrdreg s23  }
0x14: {  	s1 =	simm.s32 $0x1;
	s8 =	simm.s32 $0xA;
	[dreg:$0x7] =	wrdreg s7  }
0x15: {  	s4 =	simm.s32 $0x0;
	s5 =	sadd.s32 s5, s0;
	[dreg:$0xb] =	wrdreg s25  }
0x16: {  	s0 =	sadd.s32 s6, s0;
	[dreg:$0xd] =	wrdreg s26;
	s24 =	sadd.s32 $0x1D200, s5  }
0x17: {  	s23 =	simm.s32 $0x6800;
	s5 =	sadd.s32 $0x4200, s5;
	[dreg:$0x8] =	wrdreg s24  }
0x18: {  	s25 =	simm.s32 $0x7000;
	s0 =	sadd.s32 $0x27200, s0;
	[dreg:$0x9] =	wrdreg s5  }
0x19: {  	s26 =	simm.s32 $0x6;
	s6 =	simm.s32 $0x9;
	[dreg:$0xa] =	wrdreg s0  }
0x1a: {  	s0 =	simm.s32 $0x8800;
	s24 =	simm.s32 $0x5;
	s5 =	simm.s32 $0x10  }
.LBB2_1:
0x1b: {  	s7 =	rddreg [dreg:$0x5]  }
0x1c: {  	s13 =	rddreg [dreg:$0x6]  }
0x1d: {  	[spmem:s16], [sflag:s13] =	dma.local [hbm:s7], $0x500  }
0x1e: {  	s7 =	rddreg [dreg:$0x7]  }
0x1f: {  	s16 =	rddreg [dreg:$0xd]  }
0x20: {  	[spmem:s16], [sflag:s13] =	dma.local [hbm:s7], $0x500  }
0x21: {  	s7 =	simm.s32 $0x0;
	s13 =	rddreg [dreg:$0x8]  }
0x22: {  	[tilespmem:s7], [sflag:$0x11] =	stream.linear.gather [hbm4b:s13+s7], $0x2800, $0x38;
	[tilespmem:$0xE000] =	vst v63  }
0x23: {  	s16 =	simm.s32 $0x2800;
	s13 =	rddreg [dreg:$0x9]  }
0x24: {  	[tilespmem:s16], [sflag:$0x11] =	stream.linear.gather [hbm4b:s13+s7], $0x2800, $0x38;
	[tilespmem:$0xE000] =	vst v63  }
0x25: {  	s16 =	simm.s32 $0x11  }
0x26: {  	_ =	swait.ge [sflag:s16], $0x500  }
0x27: {  	[sflag:s16] =	ssyncset.done $0x0  }
0x28: {  	[sflag:s16] =	ssyncadd.s32 $0xFFFFFB00  }
0x29: {  	_ =	swait.ge [sflag:s16], $0x500  }
0x2a: {  	[sflag:s16] =	ssyncset.done $0x0  }
0x2b: {  	[sflag:s16] =	ssyncadd.s32 $0xFFFFFB00  }
0x2c: {  	_ =	swait.ge [sflag:s16], $0x2800  }
0x2d: {  	[sflag:s16] =	ssyncset.done $0x0  }
0x2e: {  	[sflag:s16] =	ssyncadd.s32 $0xFFFFD800  }
0x2f: {  	_ =	swait.ge [sflag:s16], $0x2800  }
0x30: {  	[sflag:s16] =	ssyncset.done $0x0  }
0x31: {  	[sflag:s16] =	ssyncadd.s32 $0xFFFFD800  }
0x32: {  	[bflag:$0x0] =	sbarrier.arrive $0xFFFF  }
0x33: {  	[tilespmem:s18], [sflag:$0x1] =	stream.indirect.gather [spmem:s3], $0x10, s7, s17, $0xb8;
	[tilespmem:$0xE000] =	vst v63  }
0x34: {  	_ = 	snop  }
0x35: {  	[tilespmem:s19], [sflag:$0x2] =	stream.indirect.gather [spmem:s3], $0x10, s17, s17, $0xb8;
	[tilespmem:$0xE000] =	vst v63  }
0x36: {  	s16 =	simm.s32 $0x100  }
0x37: {  	[tilespmem:s21], [sflag:$0x3] =	stream.indirect.gather [spmem:s3], $0x10, s16, s17, $0xb8;
	[tilespmem:$0xE000] =	vst v63  }
0x38: {  	s13 =	simm.s32 $0x180  }
0x39: {  	[tilespmem:s23], [sflag:$0x4] =	stream.indirect.gather [spmem:s3], $0x10, s13, s17, $0xb8;
	[tilespmem:$0xE000] =	vst v63  }
0x3a: {  	s16 =	simm.s32 $0x200  }
0x3b: {  	[tilespmem:s25], [sflag:$0x5] =	stream.indirect.gather [spmem:s3], $0x10, s16, s17, $0xb8;
	[tilespmem:$0xE000] =	vst v63  }
0x3c: {  	s13 =	simm.s32 $0x280  }
0x3d: {  	[tilespmem:s28], [sflag:$0x6] =	stream.indirect.gather [spmem:s3], $0x10, s13, s17, $0xb8;
	[tilespmem:$0xE000] =	vst v63  }
0x3e: {  	s16 =	simm.s32 $0x300  }
0x3f: {  	[tilespmem:s30], [sflag:$0x7] =	stream.indirect.gather [spmem:s3], $0x10, s16, s17, $0xb8;
	[tilespmem:$0xE000] =	vst v63  }
0x40: {  	s13 =	simm.s32 $0x380  }
0x41: {  	[tilespmem:s0], [sflag:$0x8] =	stream.indirect.gather [spmem:s3], $0x10, s13, s17, $0xb8;
	[tilespmem:$0xE000] =	vst v63  }
0x42: {  	_ =	swait.ge [sflag:s1], $0x800  }
0x43: {  	[sflag:s1] =	ssyncset.done $0x0  }
0x44: {  	s16 =	simm.s32 $0x2800;
	[sflag:s1] =	ssyncadd.s32 $0xFFFFF800  }
0x45: {  	[spmem:s2] =	stream.indirect.scatter.add.f32 [tilespmem:s18], [sflag:$0x9], $0x10, s16, s17, $0xb8;
	[tilespmem:$0xE000] =	vst v63  }
0x46: {  	_ =	swait.ge [sflag:s15], $0x800  }
0x47: {  	[sflag:s15] =	ssyncset.done $0x0  }
0x48: {  	s13 =	simm.s32 $0x2880;
	[sflag:s15] =	ssyncadd.s32 $0xFFFFF800  }
0x49: {  	[spmem:s2] =	stream.indirect.scatter.add.f32 [tilespmem:s19], [sflag:$0xA], $0x10, s13, s17, $0xb8;
	[tilespmem:$0xE000] =	vst v63  }
0x4a: {  	_ =	swait.ge [sflag:s20], $0x800  }
0x4b: {  	[sflag:s20] =	ssyncset.done $0x0  }
0x4c: {  	s16 =	simm.s32 $0x2900;
	[sflag:s20] =	ssyncadd.s32 $0xFFFFF800  }
0x4d: {  	[spmem:s2] =	stream.indirect.scatter.add.f32 [tilespmem:s21], [sflag:$0xB], $0x10, s16, s17, $0xb8;
	[tilespmem:$0xE000] =	vst v63  }
0x4e: {  	_ =	swait.ge [sflag:s22], $0x800  }
0x4f: {  	[sflag:s22] =	ssyncset.done $0x0  }
0x50: {  	s13 =	simm.s32 $0x2980;
	[sflag:s22] =	ssyncadd.s32 $0xFFFFF800  }
0x51: {  	[spmem:s2] =	stream.indirect.scatter.add.f32 [tilespmem:s23], [sflag:$0xC], $0x10, s13, s17, $0xb8;
	[tilespmem:$0xE000] =	vst v63  }
0x52: {  	_ =	swait.ge [sflag:s24], $0x800  }
0x53: {  	[sflag:s24] =	ssyncset.done $0x0  }
0x54: {  	s16 =	simm.s32 $0x2A00;
	[sflag:s24] =	ssyncadd.s32 $0xFFFFF800  }
0x55: {  	[spmem:s2] =	stream.indirect.scatter.add.f32 [tilespmem:s25], [sflag:$0xD], $0x10, s16, s17, $0xb8;
	[tilespmem:$0xE000] =	vst v63  }
0x56: {  	_ =	swait.ge [sflag:s26], $0x800  }
0x57: {  	[sflag:s26] =	ssyncset.done $0x0  }
0x58: {  	s13 =	simm.s32 $0x2A80;
	[sflag:s26] =	ssyncadd.s32 $0xFFFFF800  }
0x59: {  	[spmem:s2] =	stream.indirect.scatter.add.f32 [tilespmem:s28], [sflag:$0xE], $0x10, s13, s17, $0xb8;
	[tilespmem:$0xE000] =	vst v63  }
0x5a: {  	_ =	swait.ge [sflag:s29], $0x800  }
0x5b: {  	[sflag:s29] =	ssyncset.done $0x0  }
0x5c: {  	s16 =	simm.s32 $0x2B00;
	[sflag:s29] =	ssyncadd.s32 $0xFFFFF800  }
0x5d: {  	[spmem:s2] =	stream.indirect.scatter.add.f32 [tilespmem:s30], [sflag:$0xF], $0x10, s16, s17, $0xb8;
	[tilespmem:$0xE000] =	vst v63  }
0x5e: {  	_ =	swait.ge [sflag:s31], $0x800  }
0x5f: {  	[sflag:s31] =	ssyncset.done $0x0  }
0x60: {  	s13 =	simm.s32 $0x2B80;
	[sflag:s31] =	ssyncadd.s32 $0xFFFFF800  }
0x61: {  	[spmem:s2] =	stream.indirect.scatter.add.f32 [tilespmem:s0], [sflag:$0x10], $0x10, s13, s17, $0xb8;
	[tilespmem:$0xE000] =	vst v63  }
0x62: {  	_ =	swait.ge [sflag:s6], $0x800  }
0x63: {  	[sflag:s6] =	ssyncset.done $0x0  }
0x64: {  	s16 =	simm.s32 $0x400;
	[sflag:s6] =	ssyncadd.s32 $0xFFFFF800  }
0x65: {  	[tilespmem:s18], [sflag:$0x1] =	stream.indirect.gather [spmem:s3], $0x10, s16, s17, $0xb8;
	[tilespmem:$0xE000] =	vst v63  }
0x66: {  	_ =	swait.ge [sflag:s8], $0x800  }
0x67: {  	[sflag:s8] =	ssyncset.done $0x0  }
0x68: {  	s13 =	simm.s32 $0x480;
	[sflag:s8] =	ssyncadd.s32 $0xFFFFF800  }
0x69: {  	[tilespmem:s19], [sflag:$0x2] =	stream.indirect.gather [spmem:s3], $0x10, s13, s17, $0xb8;
	[tilespmem:$0xE000] =	vst v63  }
0x6a: {  	_ =	swait.ge [sflag:s9], $0x800  }
0x6b: {  	[sflag:s9] =	ssyncset.done $0x0  }
0x6c: {  	s16 =	simm.s32 $0x500;
	[sflag:s9] =	ssyncadd.s32 $0xFFFFF800  }
0x6d: {  	[tilespmem:s21], [sflag:$0x3] =	stream.indirect.gather [spmem:s3], $0x10, s16, s17, $0xb8;
	[tilespmem:$0xE000] =	vst v63  }
0x6e: {  	_ =	swait.ge [sflag:s10], $0x800  }
0x6f: {  	[sflag:s10] =	ssyncset.done $0x0  }
0x70: {  	s13 =	simm.s32 $0x580;
	[sflag:s10] =	ssyncadd.s32 $0xFFFFF800  }
0x71: {  	[tilespmem:s23], [sflag:$0x4] =	stream.indirect.gather [spmem:s3], $0x10, s13, s17, $0xb8;
	[tilespmem:$0xE000] =	vst v63  }
0x72: {  	_ =	swait.ge [sflag:s11], $0x800  }
0x73: {  	[sflag:s11] =	ssyncset.done $0x0  }
0x74: {  	s16 =	simm.s32 $0x600;
	[sflag:s11] =	ssyncadd.s32 $0xFFFFF800  }
0x75: {  	[tilespmem:s25], [sflag:$0x5] =	stream.indirect.gather [spmem:s3], $0x10, s16, s17, $0xb8;
	[tilespmem:$0xE000] =	vst v63  }
0x76: {  	_ =	swait.ge [sflag:s12], $0x800  }
0x77: {  	[sflag:s12] =	ssyncset.done $0x0  }
0x78: {  	s13 =	simm.s32 $0x680;
	[sflag:s12] =	ssyncadd.s32 $0xFFFFF800  }
0x79: {  	[tilespmem:s28], [sflag:$0x6] =	stream.indirect.gather [spmem:s3], $0x10, s13, s17, $0xb8;
	[tilespmem:$0xE000] =	vst v63  }
0x7a: {  	_ =	swait.ge [sflag:s14], $0x800  }
0x7b: {  	[sflag:s14] =	ssyncset.done $0x0  }
0x7c: {  	s16 =	simm.s32 $0x700;
	[sflag:s14] =	ssyncadd.s32 $0xFFFFF800  }
0x7d: {  	[tilespmem:s30], [sflag:$0x7] =	stream.indirect.gather [spmem:s3], $0x10, s16, s17, $0xb8;
	[tilespmem:$0xE000] =	vst v63  }
0x7e: {  	_ =	swait.ge [sflag:s5], $0x800  }
0x7f: {  	[sflag:s5] =	ssyncset.done $0x0  }
0x80: {  	s7 =	simm.s32 $0x1000;
	s13 =	simm.s32 $0x780;
	[sflag:s5] =	ssyncadd.s32 $0xFFFFF800  }
.LBB2_2:
0x81: {  	[tilespmem:s0], [sflag:$0x8] =	stream.indirect.gather [spmem:s3], $0x10, s13, s17, $0xb8;
	[tilespmem:$0xE000] =	vst v63  }
0x82: {  	s13 =	smov.u32 s7  }
0x83: {  	p0 =	sne.s32 s7, $0x8000;
	s7 =	sadd.s32 $0x1000, s7;
	_ =	swait.ge [sflag:s1], $0x800  }
0x84: {  	s13 =	sshra.s32 s13, $0x2;
	[sflag:s1] =	ssyncset.done $0x0  }
0x85: {  	s16 =	sadd.s32 $0x2800, s13;
	[sflag:s1] =	ssyncadd.s32 $0xFFFFF800  }
0x86: {  	[spmem:s2] =	stream.indirect.scatter.add.f32 [tilespmem:s18], [sflag:$0x9], $0x10, s16, s17, $0xb8;
	[tilespmem:$0xE000] =	vst v63  }
0x87: {  	_ =	swait.ge [sflag:s15], $0x800  }
0x88: {  	[sflag:s15] =	ssyncset.done $0x0  }
0x89: {  	s16 =	sadd.s32 $0x2880, s13;
	[sflag:s15] =	ssyncadd.s32 $0xFFFFF800  }
0x8a: {  	[spmem:s2] =	stream.indirect.scatter.add.f32 [tilespmem:s19], [sflag:$0xA], $0x10, s16, s17, $0xb8;
	[tilespmem:$0xE000] =	vst v63  }
0x8b: {  	_ =	swait.ge [sflag:s20], $0x800  }
0x8c: {  	[sflag:s20] =	ssyncset.done $0x0  }
0x8d: {  	s16 =	sadd.s32 $0x2900, s13;
	[sflag:s20] =	ssyncadd.s32 $0xFFFFF800  }
0x8e: {  	[spmem:s2] =	stream.indirect.scatter.add.f32 [tilespmem:s21], [sflag:$0xB], $0x10, s16, s17, $0xb8;
	[tilespmem:$0xE000] =	vst v63  }
0x8f: {  	_ =	swait.ge [sflag:s22], $0x800  }
0x90: {  	[sflag:s22] =	ssyncset.done $0x0  }
0x91: {  	s16 =	sadd.s32 $0x2980, s13;
	[sflag:s22] =	ssyncadd.s32 $0xFFFFF800  }
0x92: {  	[spmem:s2] =	stream.indirect.scatter.add.f32 [tilespmem:s23], [sflag:$0xC], $0x10, s16, s17, $0xb8;
	[tilespmem:$0xE000] =	vst v63  }
0x93: {  	_ =	swait.ge [sflag:s24], $0x800  }
0x94: {  	[sflag:s24] =	ssyncset.done $0x0  }
0x95: {  	s16 =	sadd.s32 $0x2A00, s13;
	[sflag:s24] =	ssyncadd.s32 $0xFFFFF800  }
0x96: {  	[spmem:s2] =	stream.indirect.scatter.add.f32 [tilespmem:s25], [sflag:$0xD], $0x10, s16, s17, $0xb8;
	[tilespmem:$0xE000] =	vst v63  }
0x97: {  	_ =	swait.ge [sflag:s26], $0x800  }
0x98: {  	[sflag:s26] =	ssyncset.done $0x0  }
0x99: {  	s16 =	sadd.s32 $0x2A80, s13;
	[sflag:s26] =	ssyncadd.s32 $0xFFFFF800  }
0x9a: {  	[spmem:s2] =	stream.indirect.scatter.add.f32 [tilespmem:s28], [sflag:$0xE], $0x10, s16, s17, $0xb8;
	[tilespmem:$0xE000] =	vst v63  }
0x9b: {  	_ =	swait.ge [sflag:s29], $0x800  }
0x9c: {  	[sflag:s29] =	ssyncset.done $0x0  }
0x9d: {  	s16 =	sadd.s32 $0x2B00, s13;
	[sflag:s29] =	ssyncadd.s32 $0xFFFFF800  }
0x9e: {  	[spmem:s2] =	stream.indirect.scatter.add.f32 [tilespmem:s30], [sflag:$0xF], $0x10, s16, s17, $0xb8;
	[tilespmem:$0xE000] =	vst v63  }
0x9f: {  	_ =	swait.ge [sflag:s31], $0x800  }
0xa0: {  	[sflag:s31] =	ssyncset.done $0x0  }
0xa1: {  	s16 =	sadd.s32 $0x2B80, s13;
	[sflag:s31] =	ssyncadd.s32 $0xFFFFF800  }
0xa2: {  	[spmem:s2] =	stream.indirect.scatter.add.f32 [tilespmem:s0], [sflag:$0x10], $0x10, s16, s17, $0xb8;
	[tilespmem:$0xE000] =	vst v63  }
0xa3: {  	_ =	swait.ge [sflag:s6], $0x800  }
0xa4: {  	[sflag:s6] =	ssyncset.done $0x0  }
0xa5: {  	s16 =	sadd.s32 $0x400, s13;
	[sflag:s6] =	ssyncadd.s32 $0xFFFFF800  }
0xa6: {  	[tilespmem:s18], [sflag:$0x1] =	stream.indirect.gather [spmem:s3], $0x10, s16, s17, $0xb8;
	[tilespmem:$0xE000] =	vst v63  }
0xa7: {  	_ =	swait.ge [sflag:s8], $0x800  }
0xa8: {  	[sflag:s8] =	ssyncset.done $0x0  }
0xa9: {  	s16 =	sadd.s32 $0x480, s13;
	[sflag:s8] =	ssyncadd.s32 $0xFFFFF800  }
0xaa: {  	[tilespmem:s19], [sflag:$0x2] =	stream.indirect.gather [spmem:s3], $0x10, s16, s17, $0xb8;
	[tilespmem:$0xE000] =	vst v63  }
0xab: {  	_ =	swait.ge [sflag:s9], $0x800  }
0xac: {  	[sflag:s9] =	ssyncset.done $0x0  }
0xad: {  	s16 =	sadd.s32 $0x500, s13;
	[sflag:s9] =	ssyncadd.s32 $0xFFFFF800  }
0xae: {  	[tilespmem:s21], [sflag:$0x3] =	stream.indirect.gather [spmem:s3], $0x10, s16, s17, $0xb8;
	[tilespmem:$0xE000] =	vst v63  }
0xaf: {  	_ =	swait.ge [sflag:s10], $0x800  }
0xb0: {  	[sflag:s10] =	ssyncset.done $0x0  }
0xb1: {  	s16 =	sadd.s32 $0x580, s13;
	[sflag:s10] =	ssyncadd.s32 $0xFFFFF800  }
0xb2: {  	[tilespmem:s23], [sflag:$0x4] =	stream.indirect.gather [spmem:s3], $0x10, s16, s17, $0xb8;
	[tilespmem:$0xE000] =	vst v63  }
0xb3: {  	_ =	swait.ge [sflag:s11], $0x800  }
0xb4: {  	[sflag:s11] =	ssyncset.done $0x0  }
0xb5: {  	s16 =	sadd.s32 $0x600, s13;
	[sflag:s11] =	ssyncadd.s32 $0xFFFFF800  }
0xb6: {  	[tilespmem:s25], [sflag:$0x5] =	stream.indirect.gather [spmem:s3], $0x10, s16, s17, $0xb8;
	[tilespmem:$0xE000] =	vst v63  }
0xb7: {  	_ =	swait.ge [sflag:s12], $0x800  }
0xb8: {  	[sflag:s12] =	ssyncset.done $0x0  }
0xb9: {  	s16 =	sadd.s32 $0x680, s13;
	[sflag:s12] =	ssyncadd.s32 $0xFFFFF800  }
0xba: {  	[tilespmem:s28], [sflag:$0x6] =	stream.indirect.gather [spmem:s3], $0x10, s16, s17, $0xb8;
	[tilespmem:$0xE000] =	vst v63  }
0xbb: {  	_ =	swait.ge [sflag:s14], $0x800  }
0xbc: {  	[sflag:s14] =	ssyncset.done $0x0  }
.Ltmp0:
0xbd: {  	s16 =	sadd.s32 $0x700, s13;
	[sflag:s14] =	ssyncadd.s32 $0xFFFFF800;
	(pc) =	sbr.rel @p0 .LBB2_2-.Ltmp0, $4  }
0xbe: {  	[tilespmem:s30], [sflag:$0x7] =	stream.indirect.gather [spmem:s3], $0x10, s16, s17, $0xb8;
	[tilespmem:$0xE000] =	vst v63  }
0xbf: {  	_ =	swait.ge [sflag:s5], $0x800  }
0xc0: {  	[sflag:s5] =	ssyncset.done $0x0  }
0xc1: {  	s13 =	sadd.s32 $0x780, s13;
	[sflag:s5] =	ssyncadd.s32 $0xFFFFF800  }
0xc2: {  	[tilespmem:s0], [sflag:$0x8] =	stream.indirect.gather [spmem:s3], $0x10, s13, s17, $0xb8;
	[tilespmem:$0xE000] =	vst v63  }
0xc3: {  	_ =	swait.ge [sflag:s1], $0x800  }
0xc4: {  	[sflag:s1] =	ssyncset.done $0x0  }
0xc5: {  	s7 =	simm.s32 $0x4C00;
	[sflag:s1] =	ssyncadd.s32 $0xFFFFF800  }
0xc6: {  	[spmem:s2] =	stream.indirect.scatter.add.f32 [tilespmem:s18], [sflag:$0x9], $0x10, s7, s17, $0xb8;
	[tilespmem:$0xE000] =	vst v63  }
0xc7: {  	_ =	swait.ge [sflag:s15], $0x800  }
0xc8: {  	[sflag:s15] =	ssyncset.done $0x0  }
0xc9: {  	s13 =	simm.s32 $0x4C80;
	[sflag:s15] =	ssyncadd.s32 $0xFFFFF800  }
0xca: {  	[spmem:s2] =	stream.indirect.scatter.add.f32 [tilespmem:s19], [sflag:$0xA], $0x10, s13, s17, $0xb8;
	[tilespmem:$0xE000] =	vst v63  }
0xcb: {  	_ =	swait.ge [sflag:s20], $0x800  }
0xcc: {  	[sflag:s20] =	ssyncset.done $0x0  }
0xcd: {  	s16 =	simm.s32 $0x4D00;
	[sflag:s20] =	ssyncadd.s32 $0xFFFFF800  }
0xce: {  	[spmem:s2] =	stream.indirect.scatter.add.f32 [tilespmem:s21], [sflag:$0xB], $0x10, s16, s17, $0xb8;
	[tilespmem:$0xE000] =	vst v63  }
0xcf: {  	_ =	swait.ge [sflag:s22], $0x800  }
0xd0: {  	[sflag:s22] =	ssyncset.done $0x0  }
0xd1: {  	s13 =	simm.s32 $0x4D80;
	[sflag:s22] =	ssyncadd.s32 $0xFFFFF800  }
0xd2: {  	[spmem:s2] =	stream.indirect.scatter.add.f32 [tilespmem:s23], [sflag:$0xC], $0x10, s13, s17, $0xb8;
	[tilespmem:$0xE000] =	vst v63  }
0xd3: {  	_ =	swait.ge [sflag:s24], $0x800  }
0xd4: {  	[sflag:s24] =	ssyncset.done $0x0  }
0xd5: {  	s16 =	simm.s32 $0x4E00;
	[sflag:s24] =	ssyncadd.s32 $0xFFFFF800  }
0xd6: {  	[spmem:s2] =	stream.indirect.scatter.add.f32 [tilespmem:s25], [sflag:$0xD], $0x10, s16, s17, $0xb8;
	[tilespmem:$0xE000] =	vst v63  }
0xd7: {  	_ =	swait.ge [sflag:s26], $0x800  }
0xd8: {  	[sflag:s26] =	ssyncset.done $0x0  }
0xd9: {  	s13 =	simm.s32 $0x4E80;
	[sflag:s26] =	ssyncadd.s32 $0xFFFFF800  }
0xda: {  	[spmem:s2] =	stream.indirect.scatter.add.f32 [tilespmem:s28], [sflag:$0xE], $0x10, s13, s17, $0xb8;
	[tilespmem:$0xE000] =	vst v63  }
0xdb: {  	_ =	swait.ge [sflag:s29], $0x800  }
0xdc: {  	[sflag:s29] =	ssyncset.done $0x0  }
0xdd: {  	s16 =	simm.s32 $0x4F00;
	[sflag:s29] =	ssyncadd.s32 $0xFFFFF800  }
0xde: {  	[spmem:s2] =	stream.indirect.scatter.add.f32 [tilespmem:s30], [sflag:$0xF], $0x10, s16, s17, $0xb8;
	[tilespmem:$0xE000] =	vst v63  }
0xdf: {  	_ =	swait.ge [sflag:s31], $0x800  }
0xe0: {  	[sflag:s31] =	ssyncset.done $0x0  }
0xe1: {  	s13 =	simm.s32 $0x4F80;
	[sflag:s31] =	ssyncadd.s32 $0xFFFFF800  }
0xe2: {  	[spmem:s2] =	stream.indirect.scatter.add.f32 [tilespmem:s0], [sflag:$0x10], $0x10, s13, s17, $0xb8;
	[tilespmem:$0xE000] =	vst v63  }
0xe3: {  	_ =	swait.ge [sflag:s6], $0x800  }
0xe4: {  	[sflag:s6] =	ssyncset.done $0x0  }
0xe5: {  	[sflag:s6] =	ssyncadd.s32 $0xFFFFF800  }
0xe6: {  	_ =	swait.ge [sflag:s8], $0x800  }
0xe7: {  	[sflag:s8] =	ssyncset.done $0x0  }
0xe8: {  	[sflag:s8] =	ssyncadd.s32 $0xFFFFF800  }
0xe9: {  	_ =	swait.ge [sflag:s9], $0x800  }
0xea: {  	[sflag:s9] =	ssyncset.done $0x0  }
0xeb: {  	[sflag:s9] =	ssyncadd.s32 $0xFFFFF800  }
0xec: {  	_ =	swait.ge [sflag:s10], $0x800  }
0xed: {  	[sflag:s10] =	ssyncset.done $0x0  }
0xee: {  	[sflag:s10] =	ssyncadd.s32 $0xFFFFF800  }
0xef: {  	_ =	swait.ge [sflag:s11], $0x800  }
0xf0: {  	[sflag:s11] =	ssyncset.done $0x0  }
0xf1: {  	[sflag:s11] =	ssyncadd.s32 $0xFFFFF800  }
0xf2: {  	_ =	swait.ge [sflag:s12], $0x800  }
0xf3: {  	[sflag:s12] =	ssyncset.done $0x0  }
0xf4: {  	[sflag:s12] =	ssyncadd.s32 $0xFFFFF800  }
0xf5: {  	_ =	swait.ge [sflag:s14], $0x800  }
0xf6: {  	[sflag:s14] =	ssyncset.done $0x0  }
0xf7: {  	[sflag:s14] =	ssyncadd.s32 $0xFFFFF800  }
0xf8: {  	_ =	swait.ge [sflag:s5], $0x800  }
0xf9: {  	[sflag:s5] =	ssyncset.done $0x0  }
0xfa: {  	[sflag:s5] =	ssyncadd.s32 $0xFFFFF800  }
0xfb: {  	[bflag:$0x0] =	sbarrier.arrive $0xFFFF  }
0xfc: {  	s16 =	rddreg [dreg:$0x4]  }
0xfd: {  	s13 =	rddreg [dreg:$0xa]  }
0xfe: {  	s7 =	sor.u32 $0x1C12, s16;
	s16 =	rddreg [dreg:$0xc]  }
0xff: {  	[hbm:s13], [sflag:s7] =	dma.local [spmem:s16], $0x500  }
0x100: {  	s13 =	simm.s32 $0x12  }
0x101: {  	_ =	swait.ge [sflag:s13], $0x500  }
0x102: {  	s4 =	sadd.s32 $0x1, s4;
	s7 =	rddreg [dreg:$0xb]  }
0x103: {  	p0 =	sne.s32 s4, s7  }
.Ltmp1:
0x104: {  	_ = 	snop;
	(pc) =	sbr.rel @p0 .LBB2_1-.Ltmp1, $3  }
0x105: {  	_ =	sdelay $0x1  }
0x106: {  	[sflag:s13] =	ssyncset.done $0x0  }
0x107: {  	[sflag:s13] =	ssyncadd.s32 $0xFFFFFB00  }
0x108: {  	_ =	sfence.sel $0x180000  }
0x109: {  	[bflag:$0x0] =	sbarrier.arrive $0xFFFF  }
0x10a: {  	_ =	strace $0x9000004D  }
0x10b: {  	s0 =	stileid.u32;
	[bflag:$0x2] =	sbarrier.arrive $0xFFFF  }
0x10c: {  	p0 =	sne.s32 s0, $0x0;
	s0 =	rddreg [dreg:$0x3]  }
0x10d: {  	s0 =	sadd.s32 @!p0 $0x100000, s0  }
0x10e: {  	[sflag:s0] =	ssyncadd.tile.s32 @!p0 $0x1;
	_ =	shalt  }
.Lfunc_end2:
_tile_overlayer_lowered:
.L_overlay_start_2:
0x10f: {  	(tag) =	ssettag $0x2  }
0x110: {  	s0 =	rddreg [dreg:$0x0];
	s2 =	stileid.u32  }
0x111: {  	s1 =	rddreg [dreg:$0x1];
	p0 =	sne.s32 s2, $0x0  }
0x112: {  	s3 =	rddreg [dreg:$0x2];
	[bflag:$0x3] =	sbarrier.arrive $0xFFFF;
	s2 =	simm.s32 @!p0 $0x1C12  }
0x113: {  	[timem:s3], [sflag:s2] =	dma.local @!p0 [hbm:s0], s1  }
0x114: {  	s0 =	simm.s32 @!p0 $0x12  }
0x115: {  	_ =	swait.ge @!p0 [sflag:s0], s1  }
0x116: {  	s1 =	ssub.s32 @!p0 $0x0, s1;
	[sflag:s0] =	ssyncset.done @!p0 $0x0  }
0x117: {  	[sflag:s0] =	ssyncadd.s32 @!p0 s1  }
0x118: {  	[bflag:$0x3] =	sbarrier.arrive $0xFFFF  }
0x119: {  	_ =	shalt  }

// kernel: kernel.20.cloned.1.call-start
scs
__scs_entry_jumppad:
0x0: {  	(pc) =	sbr.rel $0x88, $3  }
0x1: {  	(tag) =	ssettag $0x0;
	lr =	simm.s32 $0x1  }
0x2: {  	[smem:$0x3F99] =	sst lr;
	_ =	strace $0xD0000000  }
0x3: {  	_ = 	snop  }
0x4: {  	_ = 	snop  }
0x5: {  	_ = 	snop  }
0x6: {  	_ = 	snop  }
0x7: {  	_ = 	snop  }
__scs_overlays_trampoline_lowered:
0x8: {  	[smem:$0x3FA8] =	sst s0  }
0x9: {  	[smem:$0x3FA9] =	sst s1  }
0xa: {  	[smem:$0x3FAA] =	sst s2  }
0xb: {  	[smem:$0x3FAB] =	sst s3  }
0xc: {  	[smem:$0x3FAC] =	sst s4  }
0xd: {  	[smem:$0x3FAD] =	sst s5  }
0xe: {  	[smem:$0x3FAE] =	sst s6  }
0xf: {  	[smem:$0x3FAF] =	sst s7  }
0x10: {  	[smem:$0x3FB0] =	sst s8  }
0x11: {  	[smem:$0x3FB1] =	sst s9;
	s0 =	simm.s32 @!p0 $0x0  }
0x12: {  	s1 =	sld [smem:$0x3F97];
	s0 =	simm.s32 @p0 $0x1  }
0x13: {  	[smem:$0x3FB2] =	sst s0;
	s0 =	simm.s32 @!p1 $0x0  }
0x14: {  	s2 =	sld [smem:$0x3F96];
	s0 =	simm.s32 @p1 $0x1  }
0x15: {  	[smem:$0x3FB3] =	sst s0;
	s0 =	simm.s32 @!p2 $0x0  }
0x16: {  	s3 =	sld [smem:$0x3FDB];
	s0 =	simm.s32 @p2 $0x1  }
0x17: {  	s4 =	simm.s32 $0x1BF5;
	[smem:$0x3FB5] =	sst s0  }
0x18: {  	s0 =	sld [smem:$0x3F98];
	_ =	swait.ge [sflag:s4], $0x0  }
0x19: {  	s7 =	sld [smem:$0x3F99]  }
0x1a: {  	s8 =	sadd.s32 $0xFFFFE003, lr  }
0x1b: {  	s9 =	sadd.s32 $0xFFFFFEF7, lr;
	s5 =	simm.s32 $0xFFFFFFFF;
	p2 =	slt.u32 s8, $0xFFFFF086  }
0x1c: {  	p1 =	slt.u32 s9, $0xF7A;
	s5 =	simm.s32 @!p2 $0x0  }
0x1d: {  	s5 =	simm.s32 @p1 $0x1;
	p0 =	seq.s32 s7, s2  }
0x1e: {  	s7 =	smul.u32 @!p0 $0xF7A, s2;
	p2 =	seq.s32 @!p0 s5, $0x0  }
0x1f: {  	s9 =	smul.u32 $0xF7A, s1;
	s8 =	simm.s32 @!p0 $0x1BF5;
	p2 =	por !p2, p0  }
0x20: {  	[sflag:s8] =	ssyncset.s32 @!p0 $0xFFFFF086;
	s6 =	sadd.s32 @!p0 s3, s7;
	s7 =	simm.s32 @!p0 $0x108  }
0x21: {  	s3 =	sadd.s32 s3, s9;
	s6 =	sadd.s32 @!p0 $0x88, s6;
	s7 =	simm.s32 @p2 $0x1082  }
0x22: {  	[simem:s7], [sflag:s8] =	dma.local @!p0 [hbm:s6], $0xF7A  }
0x23: {  	s9 =	sor.u32 $0xD0000000, s2;
	s6 =	simm.s32 $0x108;
	_ =	swait.ge @!p0 [sflag:s8], $0x0  }
0x24: {  	s3 =	sadd.s32 $0x88, s3;
	s6 =	simm.s32 @!p1 $0x1082;
	[sflag:s4] =	ssyncset.s32 $0xFFFFF086  }
0x25: {  	[simem:s6], [sflag:s4] =	dma.local [hbm:s3], $0xF7A  }
0x26: {  	[smem:$0x3F99] =	sst s1;
	(tag) =	ssettag s2;
	_ =	strace s9  }
0x27: {  	s1 =	sld [smem:$0x3FA9]  }
0x28: {  	s2 =	sld [smem:$0x3FAA]  }
0x29: {  	s4 =	sld [smem:$0x3FAC]  }
0x2a: {  	p0 =	seq.s32 s5, $0x0;
	s5 =	sld [smem:$0x3FAD]  }
0x2b: {  	s6 =	sld [smem:$0x3FAE]  }
0x2c: {  	s7 =	sld [smem:$0x3FAF]  }
0x2d: {  	s3 =	simm.s32 $0x108;
	s8 =	sld [smem:$0x3FB0]  }
0x2e: {  	s3 =	simm.s32 @!p0 $0x1082;
	s9 =	sld [smem:$0x3FB1]  }
0x2f: {  	lr =	sadd.s32 s0, s3;
	s0 =	sld [smem:$0x3FA8]  }
0x30: {  	s3 =	sld [smem:$0x3FAB]  }
0x31: {  	[smem:$0x3FB4] =	sst s10  }
0x32: {  	s10 =	sld [smem:$0x3FB2];
	_ =	sdelay $0x3  }
0x33: {  	p0 =	seq.s32 s10, $0x1;
	s10 =	sld [smem:$0x3FB4];
	_ =	sdelay $0x3  }
0x34: {  	[smem:$0x3FB4] =	sst s10  }
0x35: {  	s10 =	sld [smem:$0x3FB3];
	_ =	sdelay $0x3  }
0x36: {  	p1 =	seq.s32 s10, $0x1;
	s10 =	sld [smem:$0x3FB4];
	_ =	sdelay $0x3  }
0x37: {  	[smem:$0x3FB4] =	sst s10  }
0x38: {  	s10 =	sld [smem:$0x3FB5]  }
0x39: {  	_ = 	snop;
	(pc) =	sbr.ind lr, $3  }
0x3a: {  	_ = 	snop  }
0x3b: {  	_ = 	snop  }
0x3c: {  	p2 =	seq.s32 s10, $0x1;
	s10 =	sld [smem:$0x3FB4]  }
0x3d: {  	_ =	shalt  }
0x3e: {  	_ =	shalt  }
0x3f: {  	_ =	shalt  }
0x40: {  	_ =	shalt  }
0x41: {  	_ =	shalt  }
0x42: {  	_ =	shalt  }
0x43: {  	_ =	shalt  }
0x44: {  	_ =	shalt  }
0x45: {  	_ =	shalt  }
0x46: {  	_ =	shalt  }
0x47: {  	_ =	shalt  }
0x48: {  	_ =	shalt  }
0x49: {  	_ =	shalt  }
0x4a: {  	_ =	shalt  }
0x4b: {  	_ =	shalt  }
0x4c: {  	_ =	shalt  }
0x4d: {  	_ =	shalt  }
0x4e: {  	_ =	shalt  }
0x4f: {  	_ =	shalt  }
0x50: {  	_ =	shalt  }
0x51: {  	_ =	shalt  }
0x52: {  	_ =	shalt  }
0x53: {  	_ =	shalt  }
0x54: {  	_ =	shalt  }
0x55: {  	_ =	shalt  }
0x56: {  	_ =	shalt  }
0x57: {  	_ =	shalt  }
0x58: {  	_ =	shalt  }
0x59: {  	_ =	shalt  }
0x5a: {  	_ =	shalt  }
0x5b: {  	_ =	shalt  }
0x5c: {  	_ =	shalt  }
0x5d: {  	_ =	shalt  }
0x5e: {  	_ =	shalt  }
0x5f: {  	_ =	shalt  }
0x60: {  	_ =	shalt  }
0x61: {  	_ =	shalt  }
0x62: {  	_ =	shalt  }
0x63: {  	_ =	shalt  }
0x64: {  	_ =	shalt  }
0x65: {  	_ =	shalt  }
0x66: {  	_ =	shalt  }
0x67: {  	_ =	shalt  }
0x68: {  	_ =	shalt  }
0x69: {  	_ =	shalt  }
0x6a: {  	_ =	shalt  }
0x6b: {  	_ =	shalt  }
0x6c: {  	_ =	shalt  }
0x6d: {  	_ =	shalt  }
0x6e: {  	_ =	shalt  }
0x6f: {  	_ =	shalt  }
0x70: {  	_ =	shalt  }
0x71: {  	_ =	shalt  }
0x72: {  	_ =	shalt  }
0x73: {  	_ =	shalt  }
0x74: {  	_ =	shalt  }
0x75: {  	_ =	shalt  }
0x76: {  	_ =	shalt  }
0x77: {  	_ =	shalt  }
0x78: {  	_ =	shalt  }
0x79: {  	_ =	shalt  }
0x7a: {  	_ =	shalt  }
0x7b: {  	_ =	shalt  }
0x7c: {  	_ =	shalt  }
0x7d: {  	_ =	shalt  }
0x7e: {  	_ =	shalt  }
0x7f: {  	_ =	shalt  }
0x80: {  	_ =	shalt  }
0x81: {  	_ =	shalt  }
0x82: {  	_ =	shalt  }
0x83: {  	_ =	shalt  }
0x84: {  	_ =	shalt  }
0x85: {  	_ =	shalt  }
0x86: {  	_ =	shalt  }
0x87: {  	_ =	shalt  }
.Lfunc_end0:
.L_simem_size_0:
called_computation.3_lowered:
.L_overlay_start_0:
0x88: {  	s2 =	sld [smem:$0x3FD9]  }
0x89: {  	s3 =	sld [smem:$0x3FFE];
	_ =	sdelay $0x1  }
0x8a: {  	s1 =	srdreg.scid  }
0x8b: {  	s0 =	sand.u32 $0x1, s1  }
0x8c: {  	s16 =	sshll.u32 s0, $0xA;
	s2 =	sadd.s32 s3, s2  }
0x8d: {  	s2 =	sadd.s32 s2, s16  }
0x8e: {  	[smem:$0x3FC0] =	sst s2  }
0x8f: {  	_ = 	snop  }
0x90: {  	(tm) =	ssettm $0x1  }
0x91: {  	s17 =	sld [smem:$0x3FFB];
	_ =	sdelay $0x3  }
0x92: {  	_ =	strace s17  }
0x93: {  	s2 =	sld [smem:$0x3FFC];
	_ =	sdelay $0x3  }
0x94: {  	_ =	strace s2  }
0x95: {  	s2 =	sld [smem:$0x3FFD];
	_ =	sdelay $0x3  }
0x96: {  	_ =	strace s2  }
0x97: {  	_ =	strace $0x8FFFFFFF  }
0x98: {  	s18 =	sld [smem:$0x3FDB];
	_ =	sdelay $0x1  }
0x99: {  	s19 =	simm.s32 $_scs_section_size  }
0x9a: {  	s4 =	simm.s32 $_size__tile_overlayer_lowered;
	s5 =	simm.s32 $_tile_overlayer_lowered  }
0x9b: {  	s22 =	simm.s32 $0x1BFF;
	s21 =	sshll.u32 s5, $0x1;
	s2 =	sadd.s32 s19, s18  }
0x9c: {  	s6 =	simm.s32 $0x0;
	s20 =	sshll.u32 s4, $0x1;
	s4 =	sadd.s32 s21, s2  }
0x9d: {  	[timem:s6], [sflag:s22] =	dma.local [hbm:s4], s20  }
0x9e: {  	_ =	swait.ge [sflag:s22], s20  }
0x9f: {  	s3 =	ssub.s32 $0x0, s20;
	[sflag:s22] =	ssyncset.done $0x0  }
0xa0: {  	[sflag:s22] =	ssyncadd.s32 s3;
	_ =	sdelay $0x1  }
0xa1: {  	s23 =	simm.s32 $0x1B8B  }
0xa2: {  	_ =	swait.ge [sflag:s23], $0x1  }
0xa3: {  	[sflag:s23] =	ssyncset.done $0x0  }
0xa4: {  	s25 =	simm.s32 $0x1B8E;
	s24 =	sld [smem:$0x3FFE];
	[sflag:s23] =	ssyncadd.s32 $0xFFFFFFFF  }
0xa5: {  	s26 =	simm.s32 $execute0_lowered;
	[smem:$0x3FD2] =	sst s25  }
0xa6: {  	s4 =	sshll.u32 s26, $0x1;
	_ =	strace $0x8000004F;
	[dreg:$0x1] =	wrdreg $0xFFFFFFFF  }
0xa7: {  	s28 =	simm.s32 $_size_execute0_lowered;
	s2 =	sadd.s32 s2, s4;
	[dreg:$0x0] =	wrdreg $0x0  }
0xa8: {  	s4 =	sshll.u32 s28, $0x1;
	[dreg:$0x2] =	wrdreg s2  }
0xa9: {  	[dreg:$0x3] =	wrdreg s4  }
0xaa: {  	[dreg:$0x4] =	wrdreg $0xC0  }
0xab: {  	_ =	task [dreg:s6], $0x5FFFF  }
0xac: {  	[dreg:$0x1] =	wrdreg $0xFFFFFFFF  }
0xad: {  	[dreg:$0x0] =	wrdreg $0x60  }
0xae: {  	[dreg:$0x2] =	wrdreg s24  }
0xaf: {  	[dreg:$0x3] =	wrdreg $0x90000  }
0xb0: {  	[dreg:$0x4] =	wrdreg $0xB8000  }
0xb1: {  	[dreg:$0x5] =	wrdreg $0x9  }
0xb2: {  	_ =	task.clear_ibuf [dreg:s6], $0x6FFFF;
	_ =	strace $0x9000004F  }
0xb3: {  	s29 =	simm.s32 $0x9;
	_ =	strace $0x80000051  }
0xb4: {  	_ =	swait.ge [sflag:s29], $0x1  }
0xb5: {  	[sflag:s29] =	ssyncadd.s32 $0xFFFFFFFF  }
0xb6: {  	_ =	strace $0x90000051  }
0xb7: {  	_ =	sfence  }
0xb8: {  	s30 =	sld [smem:$0x0];
	_ =	sdelay $0x2  }
0xb9: {  	s31 =	sshll.u32 s1, $0xD;
	s1 =	sshrl.u32 s1, $0x2  }
0xba: {  	s3 =	sand.u32 $0x4000, s31;
	s1 =	sadd.s32 s1, s30  }
0xbb: {  	s0 =	sor.u32 s3, s0;
	s1 =	sshll.u32 s1, $0x11  }
0xbc: {  	s0 =	sor.u32 s1, s0  }
0xbd: {  	s0 =	sadd.s32 $0x8F2B, s0  }
0xbe: {  	[sflag:s0] =	ssyncadd.remote.s32 $0x1  }
0xbf: {  	_ =	sfence.sel $0xFFFF  }
0xc0: {  	[dreg:$0x0] =	wrdreg $0xFFFFFFFF;
	(pc) =	sbr.abs _section_cstart, $3  }
0xc1: {  	[dreg:$0x1] =	wrdreg $0xFFFFFFFF  }
0xc2: {  	_ =	task.clear_ibuf [dreg:s6], $0x2FFFF;
	_ =	strace $0x9FFFFFFF  }
0xc3: {  	(tm) =	ssettm $0x7FFFFFFF  }
tec
execute0_lowered:
.L_overlay_start_1:
0x0: {  	(tag) =	ssettag $0x1  }
0x1: {  	s0 =	rddreg [dreg:$0x0]  }
0x2: {  	s2 =	rddreg [dreg:$0x1]  }
0x3: {  	s3 =	rddreg [dreg:$0x2]  }
0x4: {  	s1 =	srdreg.scid;
	s9 =	stileid.u32  }
0x5: {  	s6 =	simm.s32 $0x0;
	s17 =	simm.s32 $0x80;
	s18 =	simm.s32 $0x5000  }
0x6: {  	s19 =	simm.s32 $0x5800;
	s28 =	simm.s32 $0x7800;
	s30 =	simm.s32 $0x8000  }
0x7: {  	s15 =	simm.s32 $0x2;
	s29 =	simm.s32 $0x7;
	s31 =	simm.s32 $0x8  }
0x8: {  	s10 =	simm.s32 $0xC;
	s11 =	simm.s32 $0xD;
	s12 =	simm.s32 $0xE  }
0x9: {  	s14 =	simm.s32 $0xF;
	s1 =	sand.u32 $0x1, s1;
	s4 =	smul.u32 $0x2800, s9  }
0xa: {  	[smem:$0x7FF] =	sst s6;
	s21 =	sshll.u32 s9, $0x6;
	s5 =	sshll.u32 s1, $0x4  }
0xb: {  	s20 =	smul.u32 $0x28000, s1;
	_ =	strace $0x80000050;
	s1 =	ssub.s32 $0x2, s1  }
0xc: {  	[dreg:$0x4] =	wrdreg s21;
	s5 =	sor.u32 s9, s5;
	s7 =	sshrl.u32 s4, $0x3  }
0xd: {  	s8 =	sshrl.u32 s1, $0x1;
	s22 =	sadd.s32 s4, s2;
	s9 =	simm.s32 $0xB  }
0xe: {  	s5 =	smul.u32 $0x500, s5;
	s7 =	sadd.s32 s7, s0;
	s6 =	sadd.s32 s4, s20  }
0xf: {  	s1 =	ssub.s32 s1, s8;
	s8 =	sor.u32 $0x1C11, s21;
	s4 =	sadd.s32 s4, s3  }
0x10: {  	s16 =	sshrl.u32 s22, $0x3;
	s21 =	simm.s32 $0x6000;
	s20 =	simm.s32 $0x3  }
0x11: {  	s22 =	simm.s32 $0x4;
	s6 =	sshrl.u32 s6, $0x3;
	[dreg:$0x6] =	wrdreg s8  }
0x12: {  	s23 =	sadd.s32 $0xE200, s7;
	s7 =	sadd.s32 $0x13200, s7;
	[dreg:$0xc] =	wrdreg s16  }
0x13: {  	s25 =	smax.u32 s1, $0x1;
	s26 =	sshrl.u32 s4, $0x3;
	[dreg:$0x5] =	wrdreg s23  }
0x14: {  	s1 =	simm.s32 $0x1;
	s8 =	simm.s32 $0xA;
	[dreg:$0x7] =	wrdreg s7  }
0x15: {  	s4 =	simm.s32 $0x0;
	s5 =	sadd.s32 s5, s0;
	[dreg:$0xb] =	wrdreg s25  }
0x16: {  	s0 =	sadd.s32 s6, s0;
	[dreg:$0xd] =	wrdreg s26;
	s24 =	sadd.s32 $0x1D200, s5  }
0x17: {  	s23 =	simm.s32 $0x6800;
	s5 =	sadd.s32 $0x4200, s5;
	[dreg:$0x8] =	wrdreg s24  }
0x18: {  	s25 =	simm.s32 $0x7000;
	s0 =	sadd.s32 $0x27200, s0;
	[dreg:$0x9] =	wrdreg s5  }
0x19: {  	s26 =	simm.s32 $0x6;
	s6 =	simm.s32 $0x9;
	[dreg:$0xa] =	wrdreg s0  }
0x1a: {  	s0 =	simm.s32 $0x8800;
	s24 =	simm.s32 $0x5;
	s5 =	simm.s32 $0x10  }
.LBB2_1:
0x1b: {  	s7 =	rddreg [dreg:$0x5]  }
0x1c: {  	s13 =	rddreg [dreg:$0x6]  }
0x1d: {  	[spmem:s16], [sflag:s13] =	dma.local [hbm:s7], $0x500  }
0x1e: {  	s7 =	rddreg [dreg:$0x7]  }
0x1f: {  	s16 =	rddreg [dreg:$0xd]  }
0x20: {  	[spmem:s16], [sflag:s13] =	dma.local [hbm:s7], $0x500  }
0x21: {  	s7 =	simm.s32 $0x0;
	s13 =	rddreg [dreg:$0x8]  }
0x22: {  	[tilespmem:s7], [sflag:$0x11] =	stream.linear.gather [hbm4b:s13+s7], $0x2800, $0x38;
	[tilespmem:$0xE000] =	vst v63  }
0x23: {  	s16 =	simm.s32 $0x2800;
	s13 =	rddreg [dreg:$0x9]  }
0x24: {  	[tilespmem:s16], [sflag:$0x11] =	stream.linear.gather [hbm4b:s13+s7], $0x2800, $0x38;
	[tilespmem:$0xE000] =	vst v63  }
0x25: {  	s16 =	simm.s32 $0x11  }
0x26: {  	_ =	swait.ge [sflag:s16], $0x500  }
0x27: {  	[sflag:s16] =	ssyncset.done $0x0  }
0x28: {  	[sflag:s16] =	ssyncadd.s32 $0xFFFFFB00  }
0x29: {  	_ =	swait.ge [sflag:s16], $0x500  }
0x2a: {  	[sflag:s16] =	ssyncset.done $0x0  }
0x2b: {  	[sflag:s16] =	ssyncadd.s32 $0xFFFFFB00  }
0x2c: {  	_ =	swait.ge [sflag:s16], $0x2800  }
0x2d: {  	[sflag:s16] =	ssyncset.done $0x0  }
0x2e: {  	[sflag:s16] =	ssyncadd.s32 $0xFFFFD800  }
0x2f: {  	_ =	swait.ge [sflag:s16], $0x2800  }
0x30: {  	[sflag:s16] =	ssyncset.done $0x0  }
0x31: {  	[sflag:s16] =	ssyncadd.s32 $0xFFFFD800  }
0x32: {  	[bflag:$0x0] =	sbarrier.arrive $0xFFFF  }
0x33: {  	[tilespmem:s18], [sflag:$0x1] =	stream.indirect.gather [spmem:s3], $0x10, s7, s17, $0xb8;
	[tilespmem:$0xE000] =	vst v63  }
0x34: {  	_ = 	snop  }
0x35: {  	[tilespmem:s19], [sflag:$0x2] =	stream.indirect.gather [spmem:s3], $0x10, s17, s17, $0xb8;
	[tilespmem:$0xE000] =	vst v63  }
0x36: {  	s16 =	simm.s32 $0x100  }
0x37: {  	[tilespmem:s21], [sflag:$0x3] =	stream.indirect.gather [spmem:s3], $0x10, s16, s17, $0xb8;
	[tilespmem:$0xE000] =	vst v63  }
0x38: {  	s13 =	simm.s32 $0x180  }
0x39: {  	[tilespmem:s23], [sflag:$0x4] =	stream.indirect.gather [spmem:s3], $0x10, s13, s17, $0xb8;
	[tilespmem:$0xE000] =	vst v63  }
0x3a: {  	s16 =	simm.s32 $0x200  }
0x3b: {  	[tilespmem:s25], [sflag:$0x5] =	stream.indirect.gather [spmem:s3], $0x10, s16, s17, $0xb8;
	[tilespmem:$0xE000] =	vst v63  }
0x3c: {  	s13 =	simm.s32 $0x280  }
0x3d: {  	[tilespmem:s28], [sflag:$0x6] =	stream.indirect.gather [spmem:s3], $0x10, s13, s17, $0xb8;
	[tilespmem:$0xE000] =	vst v63  }
0x3e: {  	s16 =	simm.s32 $0x300  }
0x3f: {  	[tilespmem:s30], [sflag:$0x7] =	stream.indirect.gather [spmem:s3], $0x10, s16, s17, $0xb8;
	[tilespmem:$0xE000] =	vst v63  }
0x40: {  	s13 =	simm.s32 $0x380  }
0x41: {  	[tilespmem:s0], [sflag:$0x8] =	stream.indirect.gather [spmem:s3], $0x10, s13, s17, $0xb8;
	[tilespmem:$0xE000] =	vst v63  }
0x42: {  	_ =	swait.ge [sflag:s1], $0x800  }
0x43: {  	[sflag:s1] =	ssyncset.done $0x0  }
0x44: {  	s16 =	simm.s32 $0x2800;
	[sflag:s1] =	ssyncadd.s32 $0xFFFFF800  }
0x45: {  	[spmem:s2] =	stream.indirect.scatter.add.f32 [tilespmem:s18], [sflag:$0x9], $0x10, s16, s17, $0xb8;
	[tilespmem:$0xE000] =	vst v63  }
0x46: {  	_ =	swait.ge [sflag:s15], $0x800  }
0x47: {  	[sflag:s15] =	ssyncset.done $0x0  }
0x48: {  	s13 =	simm.s32 $0x2880;
	[sflag:s15] =	ssyncadd.s32 $0xFFFFF800  }
0x49: {  	[spmem:s2] =	stream.indirect.scatter.add.f32 [tilespmem:s19], [sflag:$0xA], $0x10, s13, s17, $0xb8;
	[tilespmem:$0xE000] =	vst v63  }
0x4a: {  	_ =	swait.ge [sflag:s20], $0x800  }
0x4b: {  	[sflag:s20] =	ssyncset.done $0x0  }
0x4c: {  	s16 =	simm.s32 $0x2900;
	[sflag:s20] =	ssyncadd.s32 $0xFFFFF800  }
0x4d: {  	[spmem:s2] =	stream.indirect.scatter.add.f32 [tilespmem:s21], [sflag:$0xB], $0x10, s16, s17, $0xb8;
	[tilespmem:$0xE000] =	vst v63  }
0x4e: {  	_ =	swait.ge [sflag:s22], $0x800  }
0x4f: {  	[sflag:s22] =	ssyncset.done $0x0  }
0x50: {  	s13 =	simm.s32 $0x2980;
	[sflag:s22] =	ssyncadd.s32 $0xFFFFF800  }
0x51: {  	[spmem:s2] =	stream.indirect.scatter.add.f32 [tilespmem:s23], [sflag:$0xC], $0x10, s13, s17, $0xb8;
	[tilespmem:$0xE000] =	vst v63  }
0x52: {  	_ =	swait.ge [sflag:s24], $0x800  }
0x53: {  	[sflag:s24] =	ssyncset.done $0x0  }
0x54: {  	s16 =	simm.s32 $0x2A00;
	[sflag:s24] =	ssyncadd.s32 $0xFFFFF800  }
0x55: {  	[spmem:s2] =	stream.indirect.scatter.add.f32 [tilespmem:s25], [sflag:$0xD], $0x10, s16, s17, $0xb8;
	[tilespmem:$0xE000] =	vst v63  }
0x56: {  	_ =	swait.ge [sflag:s26], $0x800  }
0x57: {  	[sflag:s26] =	ssyncset.done $0x0  }
0x58: {  	s13 =	simm.s32 $0x2A80;
	[sflag:s26] =	ssyncadd.s32 $0xFFFFF800  }
0x59: {  	[spmem:s2] =	stream.indirect.scatter.add.f32 [tilespmem:s28], [sflag:$0xE], $0x10, s13, s17, $0xb8;
	[tilespmem:$0xE000] =	vst v63  }
0x5a: {  	_ =	swait.ge [sflag:s29], $0x800  }
0x5b: {  	[sflag:s29] =	ssyncset.done $0x0  }
0x5c: {  	s16 =	simm.s32 $0x2B00;
	[sflag:s29] =	ssyncadd.s32 $0xFFFFF800  }
0x5d: {  	[spmem:s2] =	stream.indirect.scatter.add.f32 [tilespmem:s30], [sflag:$0xF], $0x10, s16, s17, $0xb8;
	[tilespmem:$0xE000] =	vst v63  }
0x5e: {  	_ =	swait.ge [sflag:s31], $0x800  }
0x5f: {  	[sflag:s31] =	ssyncset.done $0x0  }
0x60: {  	s13 =	simm.s32 $0x2B80;
	[sflag:s31] =	ssyncadd.s32 $0xFFFFF800  }
0x61: {  	[spmem:s2] =	stream.indirect.scatter.add.f32 [tilespmem:s0], [sflag:$0x10], $0x10, s13, s17, $0xb8;
	[tilespmem:$0xE000] =	vst v63  }
0x62: {  	_ =	swait.ge [sflag:s6], $0x800  }
0x63: {  	[sflag:s6] =	ssyncset.done $0x0  }
0x64: {  	s16 =	simm.s32 $0x400;
	[sflag:s6] =	ssyncadd.s32 $0xFFFFF800  }
0x65: {  	[tilespmem:s18], [sflag:$0x1] =	stream.indirect.gather [spmem:s3], $0x10, s16, s17, $0xb8;
	[tilespmem:$0xE000] =	vst v63  }
0x66: {  	_ =	swait.ge [sflag:s8], $0x800  }
0x67: {  	[sflag:s8] =	ssyncset.done $0x0  }
0x68: {  	s13 =	simm.s32 $0x480;
	[sflag:s8] =	ssyncadd.s32 $0xFFFFF800  }
0x69: {  	[tilespmem:s19], [sflag:$0x2] =	stream.indirect.gather [spmem:s3], $0x10, s13, s17, $0xb8;
	[tilespmem:$0xE000] =	vst v63  }
0x6a: {  	_ =	swait.ge [sflag:s9], $0x800  }
0x6b: {  	[sflag:s9] =	ssyncset.done $0x0  }
0x6c: {  	s16 =	simm.s32 $0x500;
	[sflag:s9] =	ssyncadd.s32 $0xFFFFF800  }
0x6d: {  	[tilespmem:s21], [sflag:$0x3] =	stream.indirect.gather [spmem:s3], $0x10, s16, s17, $0xb8;
	[tilespmem:$0xE000] =	vst v63  }
0x6e: {  	_ =	swait.ge [sflag:s10], $0x800  }
0x6f: {  	[sflag:s10] =	ssyncset.done $0x0  }
0x70: {  	s13 =	simm.s32 $0x580;
	[sflag:s10] =	ssyncadd.s32 $0xFFFFF800  }
0x71: {  	[tilespmem:s23], [sflag:$0x4] =	stream.indirect.gather [spmem:s3], $0x10, s13, s17, $0xb8;
	[tilespmem:$0xE000] =	vst v63  }
0x72: {  	_ =	swait.ge [sflag:s11], $0x800  }
0x73: {  	[sflag:s11] =	ssyncset.done $0x0  }
0x74: {  	s16 =	simm.s32 $0x600;
	[sflag:s11] =	ssyncadd.s32 $0xFFFFF800  }
0x75: {  	[tilespmem:s25], [sflag:$0x5] =	stream.indirect.gather [spmem:s3], $0x10, s16, s17, $0xb8;
	[tilespmem:$0xE000] =	vst v63  }
0x76: {  	_ =	swait.ge [sflag:s12], $0x800  }
0x77: {  	[sflag:s12] =	ssyncset.done $0x0  }
0x78: {  	s13 =	simm.s32 $0x680;
	[sflag:s12] =	ssyncadd.s32 $0xFFFFF800  }
0x79: {  	[tilespmem:s28], [sflag:$0x6] =	stream.indirect.gather [spmem:s3], $0x10, s13, s17, $0xb8;
	[tilespmem:$0xE000] =	vst v63  }
0x7a: {  	_ =	swait.ge [sflag:s14], $0x800  }
0x7b: {  	[sflag:s14] =	ssyncset.done $0x0  }
0x7c: {  	s16 =	simm.s32 $0x700;
	[sflag:s14] =	ssyncadd.s32 $0xFFFFF800  }
0x7d: {  	[tilespmem:s30], [sflag:$0x7] =	stream.indirect.gather [spmem:s3], $0x10, s16, s17, $0xb8;
	[tilespmem:$0xE000] =	vst v63  }
0x7e: {  	_ =	swait.ge [sflag:s5], $0x800  }
0x7f: {  	[sflag:s5] =	ssyncset.done $0x0  }
0x80: {  	s7 =	simm.s32 $0x1000;
	s13 =	simm.s32 $0x780;
	[sflag:s5] =	ssyncadd.s32 $0xFFFFF800  }
.LBB2_2:
0x81: {  	[tilespmem:s0], [sflag:$0x8] =	stream.indirect.gather [spmem:s3], $0x10, s13, s17, $0xb8;
	[tilespmem:$0xE000] =	vst v63  }
0x82: {  	s13 =	smov.u32 s7  }
0x83: {  	p0 =	sne.s32 s7, $0x8000;
	s7 =	sadd.s32 $0x1000, s7;
	_ =	swait.ge [sflag:s1], $0x800  }
0x84: {  	s13 =	sshra.s32 s13, $0x2;
	[sflag:s1] =	ssyncset.done $0x0  }
0x85: {  	s16 =	sadd.s32 $0x2800, s13;
	[sflag:s1] =	ssyncadd.s32 $0xFFFFF800  }
0x86: {  	[spmem:s2] =	stream.indirect.scatter.add.f32 [tilespmem:s18], [sflag:$0x9], $0x10, s16, s17, $0xb8;
	[tilespmem:$0xE000] =	vst v63  }
0x87: {  	_ =	swait.ge [sflag:s15], $0x800  }
0x88: {  	[sflag:s15] =	ssyncset.done $0x0  }
0x89: {  	s16 =	sadd.s32 $0x2880, s13;
	[sflag:s15] =	ssyncadd.s32 $0xFFFFF800  }
0x8a: {  	[spmem:s2] =	stream.indirect.scatter.add.f32 [tilespmem:s19], [sflag:$0xA], $0x10, s16, s17, $0xb8;
	[tilespmem:$0xE000] =	vst v63  }
0x8b: {  	_ =	swait.ge [sflag:s20], $0x800  }
0x8c: {  	[sflag:s20] =	ssyncset.done $0x0  }
0x8d: {  	s16 =	sadd.s32 $0x2900, s13;
	[sflag:s20] =	ssyncadd.s32 $0xFFFFF800  }
0x8e: {  	[spmem:s2] =	stream.indirect.scatter.add.f32 [tilespmem:s21], [sflag:$0xB], $0x10, s16, s17, $0xb8;
	[tilespmem:$0xE000] =	vst v63  }
0x8f: {  	_ =	swait.ge [sflag:s22], $0x800  }
0x90: {  	[sflag:s22] =	ssyncset.done $0x0  }
0x91: {  	s16 =	sadd.s32 $0x2980, s13;
	[sflag:s22] =	ssyncadd.s32 $0xFFFFF800  }
0x92: {  	[spmem:s2] =	stream.indirect.scatter.add.f32 [tilespmem:s23], [sflag:$0xC], $0x10, s16, s17, $0xb8;
	[tilespmem:$0xE000] =	vst v63  }
0x93: {  	_ =	swait.ge [sflag:s24], $0x800  }
0x94: {  	[sflag:s24] =	ssyncset.done $0x0  }
0x95: {  	s16 =	sadd.s32 $0x2A00, s13;
	[sflag:s24] =	ssyncadd.s32 $0xFFFFF800  }
0x96: {  	[spmem:s2] =	stream.indirect.scatter.add.f32 [tilespmem:s25], [sflag:$0xD], $0x10, s16, s17, $0xb8;
	[tilespmem:$0xE000] =	vst v63  }
0x97: {  	_ =	swait.ge [sflag:s26], $0x800  }
0x98: {  	[sflag:s26] =	ssyncset.done $0x0  }
0x99: {  	s16 =	sadd.s32 $0x2A80, s13;
	[sflag:s26] =	ssyncadd.s32 $0xFFFFF800  }
0x9a: {  	[spmem:s2] =	stream.indirect.scatter.add.f32 [tilespmem:s28], [sflag:$0xE], $0x10, s16, s17, $0xb8;
	[tilespmem:$0xE000] =	vst v63  }
0x9b: {  	_ =	swait.ge [sflag:s29], $0x800  }
0x9c: {  	[sflag:s29] =	ssyncset.done $0x0  }
0x9d: {  	s16 =	sadd.s32 $0x2B00, s13;
	[sflag:s29] =	ssyncadd.s32 $0xFFFFF800  }
0x9e: {  	[spmem:s2] =	stream.indirect.scatter.add.f32 [tilespmem:s30], [sflag:$0xF], $0x10, s16, s17, $0xb8;
	[tilespmem:$0xE000] =	vst v63  }
0x9f: {  	_ =	swait.ge [sflag:s31], $0x800  }
0xa0: {  	[sflag:s31] =	ssyncset.done $0x0  }
0xa1: {  	s16 =	sadd.s32 $0x2B80, s13;
	[sflag:s31] =	ssyncadd.s32 $0xFFFFF800  }
0xa2: {  	[spmem:s2] =	stream.indirect.scatter.add.f32 [tilespmem:s0], [sflag:$0x10], $0x10, s16, s17, $0xb8;
	[tilespmem:$0xE000] =	vst v63  }
0xa3: {  	_ =	swait.ge [sflag:s6], $0x800  }
0xa4: {  	[sflag:s6] =	ssyncset.done $0x0  }
0xa5: {  	s16 =	sadd.s32 $0x400, s13;
	[sflag:s6] =	ssyncadd.s32 $0xFFFFF800  }
0xa6: {  	[tilespmem:s18], [sflag:$0x1] =	stream.indirect.gather [spmem:s3], $0x10, s16, s17, $0xb8;
	[tilespmem:$0xE000] =	vst v63  }
0xa7: {  	_ =	swait.ge [sflag:s8], $0x800  }
0xa8: {  	[sflag:s8] =	ssyncset.done $0x0  }
0xa9: {  	s16 =	sadd.s32 $0x480, s13;
	[sflag:s8] =	ssyncadd.s32 $0xFFFFF800  }
0xaa: {  	[tilespmem:s19], [sflag:$0x2] =	stream.indirect.gather [spmem:s3], $0x10, s16, s17, $0xb8;
	[tilespmem:$0xE000] =	vst v63  }
0xab: {  	_ =	swait.ge [sflag:s9], $0x800  }
0xac: {  	[sflag:s9] =	ssyncset.done $0x0  }
0xad: {  	s16 =	sadd.s32 $0x500, s13;
	[sflag:s9] =	ssyncadd.s32 $0xFFFFF800  }
0xae: {  	[tilespmem:s21], [sflag:$0x3] =	stream.indirect.gather [spmem:s3], $0x10, s16, s17, $0xb8;
	[tilespmem:$0xE000] =	vst v63  }
0xaf: {  	_ =	swait.ge [sflag:s10], $0x800  }
0xb0: {  	[sflag:s10] =	ssyncset.done $0x0  }
0xb1: {  	s16 =	sadd.s32 $0x580, s13;
	[sflag:s10] =	ssyncadd.s32 $0xFFFFF800  }
0xb2: {  	[tilespmem:s23], [sflag:$0x4] =	stream.indirect.gather [spmem:s3], $0x10, s16, s17, $0xb8;
	[tilespmem:$0xE000] =	vst v63  }
0xb3: {  	_ =	swait.ge [sflag:s11], $0x800  }
0xb4: {  	[sflag:s11] =	ssyncset.done $0x0  }
0xb5: {  	s16 =	sadd.s32 $0x600, s13;
	[sflag:s11] =	ssyncadd.s32 $0xFFFFF800  }
0xb6: {  	[tilespmem:s25], [sflag:$0x5] =	stream.indirect.gather [spmem:s3], $0x10, s16, s17, $0xb8;
	[tilespmem:$0xE000] =	vst v63  }
0xb7: {  	_ =	swait.ge [sflag:s12], $0x800  }
0xb8: {  	[sflag:s12] =	ssyncset.done $0x0  }
0xb9: {  	s16 =	sadd.s32 $0x680, s13;
	[sflag:s12] =	ssyncadd.s32 $0xFFFFF800  }
0xba: {  	[tilespmem:s28], [sflag:$0x6] =	stream.indirect.gather [spmem:s3], $0x10, s16, s17, $0xb8;
	[tilespmem:$0xE000] =	vst v63  }
0xbb: {  	_ =	swait.ge [sflag:s14], $0x800  }
0xbc: {  	[sflag:s14] =	ssyncset.done $0x0  }
.Ltmp0:
0xbd: {  	s16 =	sadd.s32 $0x700, s13;
	[sflag:s14] =	ssyncadd.s32 $0xFFFFF800;
	(pc) =	sbr.rel @p0 .LBB2_2-.Ltmp0, $4  }
0xbe: {  	[tilespmem:s30], [sflag:$0x7] =	stream.indirect.gather [spmem:s3], $0x10, s16, s17, $0xb8;
	[tilespmem:$0xE000] =	vst v63  }
0xbf: {  	_ =	swait.ge [sflag:s5], $0x800  }
0xc0: {  	[sflag:s5] =	ssyncset.done $0x0  }
0xc1: {  	s13 =	sadd.s32 $0x780, s13;
	[sflag:s5] =	ssyncadd.s32 $0xFFFFF800  }
0xc2: {  	[tilespmem:s0], [sflag:$0x8] =	stream.indirect.gather [spmem:s3], $0x10, s13, s17, $0xb8;
	[tilespmem:$0xE000] =	vst v63  }
0xc3: {  	_ =	swait.ge [sflag:s1], $0x800  }
0xc4: {  	[sflag:s1] =	ssyncset.done $0x0  }
0xc5: {  	s7 =	simm.s32 $0x4C00;
	[sflag:s1] =	ssyncadd.s32 $0xFFFFF800  }
0xc6: {  	[spmem:s2] =	stream.indirect.scatter.add.f32 [tilespmem:s18], [sflag:$0x9], $0x10, s7, s17, $0xb8;
	[tilespmem:$0xE000] =	vst v63  }
0xc7: {  	_ =	swait.ge [sflag:s15], $0x800  }
0xc8: {  	[sflag:s15] =	ssyncset.done $0x0  }
0xc9: {  	s13 =	simm.s32 $0x4C80;
	[sflag:s15] =	ssyncadd.s32 $0xFFFFF800  }
0xca: {  	[spmem:s2] =	stream.indirect.scatter.add.f32 [tilespmem:s19], [sflag:$0xA], $0x10, s13, s17, $0xb8;
	[tilespmem:$0xE000] =	vst v63  }
0xcb: {  	_ =	swait.ge [sflag:s20], $0x800  }
0xcc: {  	[sflag:s20] =	ssyncset.done $0x0  }
0xcd: {  	s16 =	simm.s32 $0x4D00;
	[sflag:s20] =	ssyncadd.s32 $0xFFFFF800  }
0xce: {  	[spmem:s2] =	stream.indirect.scatter.add.f32 [tilespmem:s21], [sflag:$0xB], $0x10, s16, s17, $0xb8;
	[tilespmem:$0xE000] =	vst v63  }
0xcf: {  	_ =	swait.ge [sflag:s22], $0x800  }
0xd0: {  	[sflag:s22] =	ssyncset.done $0x0  }
0xd1: {  	s13 =	simm.s32 $0x4D80;
	[sflag:s22] =	ssyncadd.s32 $0xFFFFF800  }
0xd2: {  	[spmem:s2] =	stream.indirect.scatter.add.f32 [tilespmem:s23], [sflag:$0xC], $0x10, s13, s17, $0xb8;
	[tilespmem:$0xE000] =	vst v63  }
0xd3: {  	_ =	swait.ge [sflag:s24], $0x800  }
0xd4: {  	[sflag:s24] =	ssyncset.done $0x0  }
0xd5: {  	s16 =	simm.s32 $0x4E00;
	[sflag:s24] =	ssyncadd.s32 $0xFFFFF800  }
0xd6: {  	[spmem:s2] =	stream.indirect.scatter.add.f32 [tilespmem:s25], [sflag:$0xD], $0x10, s16, s17, $0xb8;
	[tilespmem:$0xE000] =	vst v63  }
0xd7: {  	_ =	swait.ge [sflag:s26], $0x800  }
0xd8: {  	[sflag:s26] =	ssyncset.done $0x0  }
0xd9: {  	s13 =	simm.s32 $0x4E80;
	[sflag:s26] =	ssyncadd.s32 $0xFFFFF800  }
0xda: {  	[spmem:s2] =	stream.indirect.scatter.add.f32 [tilespmem:s28], [sflag:$0xE], $0x10, s13, s17, $0xb8;
	[tilespmem:$0xE000] =	vst v63  }
0xdb: {  	_ =	swait.ge [sflag:s29], $0x800  }
0xdc: {  	[sflag:s29] =	ssyncset.done $0x0  }
0xdd: {  	s16 =	simm.s32 $0x4F00;
	[sflag:s29] =	ssyncadd.s32 $0xFFFFF800  }
0xde: {  	[spmem:s2] =	stream.indirect.scatter.add.f32 [tilespmem:s30], [sflag:$0xF], $0x10, s16, s17, $0xb8;
	[tilespmem:$0xE000] =	vst v63  }
0xdf: {  	_ =	swait.ge [sflag:s31], $0x800  }
0xe0: {  	[sflag:s31] =	ssyncset.done $0x0  }
0xe1: {  	s13 =	simm.s32 $0x4F80;
	[sflag:s31] =	ssyncadd.s32 $0xFFFFF800  }
0xe2: {  	[spmem:s2] =	stream.indirect.scatter.add.f32 [tilespmem:s0], [sflag:$0x10], $0x10, s13, s17, $0xb8;
	[tilespmem:$0xE000] =	vst v63  }
0xe3: {  	_ =	swait.ge [sflag:s6], $0x800  }
0xe4: {  	[sflag:s6] =	ssyncset.done $0x0  }
0xe5: {  	[sflag:s6] =	ssyncadd.s32 $0xFFFFF800  }
0xe6: {  	_ =	swait.ge [sflag:s8], $0x800  }
0xe7: {  	[sflag:s8] =	ssyncset.done $0x0  }
0xe8: {  	[sflag:s8] =	ssyncadd.s32 $0xFFFFF800  }
0xe9: {  	_ =	swait.ge [sflag:s9], $0x800  }
0xea: {  	[sflag:s9] =	ssyncset.done $0x0  }
0xeb: {  	[sflag:s9] =	ssyncadd.s32 $0xFFFFF800  }
0xec: {  	_ =	swait.ge [sflag:s10], $0x800  }
0xed: {  	[sflag:s10] =	ssyncset.done $0x0  }
0xee: {  	[sflag:s10] =	ssyncadd.s32 $0xFFFFF800  }
0xef: {  	_ =	swait.ge [sflag:s11], $0x800  }
0xf0: {  	[sflag:s11] =	ssyncset.done $0x0  }
0xf1: {  	[sflag:s11] =	ssyncadd.s32 $0xFFFFF800  }
0xf2: {  	_ =	swait.ge [sflag:s12], $0x800  }
0xf3: {  	[sflag:s12] =	ssyncset.done $0x0  }
0xf4: {  	[sflag:s12] =	ssyncadd.s32 $0xFFFFF800  }
0xf5: {  	_ =	swait.ge [sflag:s14], $0x800  }
0xf6: {  	[sflag:s14] =	ssyncset.done $0x0  }
0xf7: {  	[sflag:s14] =	ssyncadd.s32 $0xFFFFF800  }
0xf8: {  	_ =	swait.ge [sflag:s5], $0x800  }
0xf9: {  	[sflag:s5] =	ssyncset.done $0x0  }
0xfa: {  	[sflag:s5] =	ssyncadd.s32 $0xFFFFF800  }
0xfb: {  	[bflag:$0x0] =	sbarrier.arrive $0xFFFF  }
0xfc: {  	s16 =	rddreg [dreg:$0x4]  }
0xfd: {  	s13 =	rddreg [dreg:$0xa]  }
0xfe: {  	s7 =	sor.u32 $0x1C12, s16;
	s16 =	rddreg [dreg:$0xc]  }
0xff: {  	[hbm:s13], [sflag:s7] =	dma.local [spmem:s16], $0x500  }
0x100: {  	s13 =	simm.s32 $0x12  }
0x101: {  	_ =	swait.ge [sflag:s13], $0x500  }
0x102: {  	s4 =	sadd.s32 $0x1, s4;
	s7 =	rddreg [dreg:$0xb]  }
0x103: {  	p0 =	sne.s32 s4, s7  }
.Ltmp1:
0x104: {  	_ = 	snop;
	(pc) =	sbr.rel @p0 .LBB2_1-.Ltmp1, $3  }
0x105: {  	_ =	sdelay $0x1  }
0x106: {  	[sflag:s13] =	ssyncset.done $0x0  }
0x107: {  	[sflag:s13] =	ssyncadd.s32 $0xFFFFFB00  }
0x108: {  	_ =	sfence.sel $0x180000  }
0x109: {  	[bflag:$0x0] =	sbarrier.arrive $0xFFFF  }
0x10a: {  	_ =	strace $0x90000050  }
0x10b: {  	s0 =	stileid.u32;
	[bflag:$0x2] =	sbarrier.arrive $0xFFFF  }
0x10c: {  	p0 =	sne.s32 s0, $0x0;
	s0 =	rddreg [dreg:$0x3]  }
0x10d: {  	s0 =	sadd.s32 @!p0 $0x100000, s0  }
0x10e: {  	[sflag:s0] =	ssyncadd.tile.s32 @!p0 $0x1;
	_ =	shalt  }
.Lfunc_end2:
_tile_overlayer_lowered:
.L_overlay_start_2:
0x10f: {  	(tag) =	ssettag $0x2  }
0x110: {  	s0 =	rddreg [dreg:$0x0];
	s2 =	stileid.u32  }
0x111: {  	s1 =	rddreg [dreg:$0x1];
	p0 =	sne.s32 s2, $0x0  }
0x112: {  	s3 =	rddreg [dreg:$0x2];
	[bflag:$0x3] =	sbarrier.arrive $0xFFFF;
	s2 =	simm.s32 @!p0 $0x1C12  }
0x113: {  	[timem:s3], [sflag:s2] =	dma.local @!p0 [hbm:s0], s1  }
0x114: {  	s0 =	simm.s32 @!p0 $0x12  }
0x115: {  	_ =	swait.ge @!p0 [sflag:s0], s1  }
0x116: {  	s1 =	ssub.s32 @!p0 $0x0, s1;
	[sflag:s0] =	ssyncset.done @!p0 $0x0  }
0x117: {  	[sflag:s0] =	ssyncadd.s32 @!p0 s1  }
0x118: {  	[bflag:$0x3] =	sbarrier.arrive $0xFFFF  }
0x119: {  	_ =	shalt  }

</sc_bundles>
